<compile_context>
chip_gen: v7x
topology: tpu7x:2x2x1
jax: 0.10.2.dev20260603
libtpu: 0.0.44.dev20260713+nightly
codegen_flags: <defaults>
</compile_context>

<pallas_src>
import functools

import jax
import jax.numpy as jnp
from jax import lax
from jax.experimental import pallas as pl
from jax.experimental.pallas import tpu as pltpu
from jax.experimental.pallas import tpu_sc as plsc

_NH = 8
_D = 16
_K = 8
_LB = 64


def _topk8(vals, cid, bound):
    w = vals
    hit = jnp.zeros(vals.shape, jnp.bool_)
    scores, ids = [], []
    red_axes = tuple(range(1, vals.ndim))
    for _ in range(_K):
        m = jnp.max(w, axis=red_axes, keepdims=True)
        sel = w == m
        idxj = jnp.min(jnp.where(sel, cid, bound), axis=red_axes, keepdims=True)
        hitj = cid == idxj
        w = jnp.where(hitj, -1.0, w)
        hit = jnp.logical_or(hit, hitj)
        scores.append(m.reshape(vals.shape[0]))
        ids.append(idxj.reshape(vals.shape[0]))
    return scores, ids, hit


def _coarse_body(q_ref, k_ref, v_ref, msg_ref, sc_ref, tix_ref):
    h = pl.program_id(0)
    q = q_ref[0]
    k = k_ref[0]
    v = v_ref[0]
    qk = lax.dot_general(q.astype(jnp.bfloat16), k.astype(jnp.bfloat16),
                         (((1,), (1,)), ((), ())),
                         preferred_element_type=jnp.float32) * 0.25
    m0 = jnp.max(qk, axis=1, keepdims=True)
    e = jnp.exp(qk - m0)
    p = e / jnp.sum(e, axis=1, keepdims=True)
    s_n = p.shape[1]
    iota = lax.broadcasted_iota(jnp.int32, p.shape, 1)
    scores, ids, hit = _topk8(p, iota, s_n)
    pm = jnp.where(hit, 0.0, p)
    msg_ref[0] = lax.dot_general(pm.astype(jnp.bfloat16),
                                 v.astype(jnp.bfloat16),
                                 (((1,), (0,)), ((), ())),
                                 preferred_element_type=jnp.float32)
    sc_ref[0] = jnp.concatenate([s[:, None] for s in scores], axis=1)
    tix_ref[0] = (jnp.concatenate([i[:, None] for i in ids], axis=1)
                  + h * 1024)


def _fine_body(last, w_grid, q_ref, kv_ref, sc_ref, tix_ref, mp_ref,
               *out_refs):
    h = pl.program_id(0)
    q4 = q_ref[0]
    kv = kv_ref[0]
    kg = kv[:, :, 0:4, :]
    vg = kv[:, :, 4:8, :]
    sc_prev = sc_ref[0]
    tix_prev = tix_ref[0] - h * ((w_grid // 2) ** 2)
    mp = mp_ref[0]
    lb = q4.shape[0]
    cid4 = (lax.broadcasted_iota(jnp.int32, (lb, _K, 4), 1) * 4
            + lax.broadcasted_iota(jnp.int32, (lb, _K, 4), 2))
    if not last:
        lane = lax.broadcasted_iota(jnp.int32, (lb, 32), 1)
        kk = lane // 4
        ff = lane % 4
        pos = jnp.zeros((lb, 32), jnp.int32)
        for k in range(_K):
            pos = jnp.where(kk == k, tix_prev[:, k][:, None], pos)
        r, c = pos // (w_grid // 2), pos % (w_grid // 2)
        x, y = ff // 2, ff % 2
        cand_pos = (2 * r + x) * w_grid + (2 * c + y)
    msgs, sc_outs, tix_outs = [], [], []
    for w in range(4):
        qw = q4[:, w, :].astype(jnp.bfloat16).astype(jnp.float32)
        kgb = kg.astype(jnp.bfloat16).astype(jnp.float32)
        z = jnp.sum(qw[:, None, None, :] * kgb, axis=-1) * 0.25
        m0 = jnp.max(z, axis=-1, keepdims=True)
        e = jnp.exp(z - m0)
        p = e / jnp.sum(e, axis=-1, keepdims=True)
        a = p * sc_prev[:, :, None]
        if last:
            am = a
        else:
            scores, ids, hit = _topk8(a, cid4, 32)
            am = jnp.where(hit, 0.0, a)
        amb = am.astype(jnp.bfloat16).astype(jnp.float32)
        vgb = vg.astype(jnp.bfloat16).astype(jnp.float32)
        mw = jnp.sum(jnp.sum(amb[:, :, :, None] * vgb, axis=2), axis=1)
        msgs.append((mp + mw)[:, None, :])
        if not last:
            sc_outs.append(
                jnp.concatenate([s[:, None] for s in scores], axis=1)[:, None, :])
            pjs = []
            for j in range(_K):
                cidj = ids[j][:, None]
                pjs.append(jnp.sum(jnp.where(lane == cidj, cand_pos, 0),
                                   axis=1, keepdims=True))
            tix_outs.append((jnp.concatenate(pjs, axis=1)
                             + h * (w_grid * w_grid))[:, None, :])
    out_refs[0][0] = jnp.concatenate(msgs, axis=1)
    if not last:
        out_refs[1][0] = jnp.concatenate(sc_outs, axis=1)
        out_refs[2][0] = jnp.concatenate(tix_outs, axis=1)


def _coarse_call(q, k, v):
    s_n = q.shape[1]
    nlb = s_n // _LB
    return pl.pallas_call(
        _coarse_body,
        grid=(_NH, nlb),
        in_specs=[
            pl.BlockSpec((1, _LB, _D), lambda h, l: (h, l, 0)),
            pl.BlockSpec((1, s_n, _D), lambda h, l: (h, 0, 0)),
            pl.BlockSpec((1, s_n, _D), lambda h, l: (h, 0, 0)),
        ],
        out_specs=[
            pl.BlockSpec((1, _LB, _D), lambda h, l: (h, l, 0)),
            pl.BlockSpec((1, _LB, _K), lambda h, l: (h, l, 0)),
            pl.BlockSpec((1, _LB, _K), lambda h, l: (h, l, 0)),
        ],
        out_shape=[
            jax.ShapeDtypeStruct((_NH, s_n, _D), jnp.float32),
            jax.ShapeDtypeStruct((_NH, s_n, _K), jnp.float32),
            jax.ShapeDtypeStruct((_NH, s_n, _K), jnp.int32),
        ],
    )(q, k, v)


def _fine_call(last, w_grid, q4, kv, sc_prev, tix, mp):
    lp = q4.shape[1]
    nlb = lp // _LB
    out_specs = [pl.BlockSpec((1, _LB, 4, _D), lambda h, l: (h, l, 0, 0))]
    out_shape = [jax.ShapeDtypeStruct((_NH, lp, 4, _D), jnp.float32)]
    if not last:
        out_specs += [
            pl.BlockSpec((1, _LB, 4, _K), lambda h, l: (h, l, 0, 0)),
            pl.BlockSpec((1, _LB, 4, _K), lambda h, l: (h, l, 0, 0)),
        ]
        out_shape += [
            jax.ShapeDtypeStruct((_NH, lp, 4, _K), jnp.float32),
            jax.ShapeDtypeStruct((_NH, lp, 4, _K), jnp.int32),
        ]
    return pl.pallas_call(
        functools.partial(_fine_body, last, w_grid),
        grid=(_NH, nlb),
        in_specs=[
            pl.BlockSpec((1, _LB, 4, _D), lambda h, l: (h, l, 0, 0)),
            pl.BlockSpec((1, _LB, _K, 8, _D), lambda h, l: (h, l, 0, 0, 0)),
            pl.BlockSpec((1, _LB, _K), lambda h, l: (h, l, 0)),
            pl.BlockSpec((1, _LB, _K), lambda h, l: (h, l, 0)),
            pl.BlockSpec((1, _LB, _D), lambda h, l: (h, l, 0)),
        ],
        out_specs=out_specs,
        out_shape=out_shape,
    )(q4, kv, sc_prev, tix, mp)


def _sc_gather(kvtab, idx):
    b_n = idx.shape[0]
    info = plsc.get_sparse_core_info()
    nc, ns = info.num_cores, info.num_subcores
    nw = nc * ns
    b_per_w = b_n // nw
    ch = 512
    nch = b_per_w // ch
    mesh = plsc.VectorSubcoreMesh(core_axis_name="c", subcore_axis_name="s")

    @functools.partial(
        pl.kernel, mesh=mesh,
        out_type=jax.ShapeDtypeStruct((b_n, 8 * _D), jnp.float32),
        scratch_types=[
            pltpu.VMEM((ch,), jnp.int32),
            pltpu.VMEM((ch, 8 * _D), jnp.float32),
            pltpu.SemaphoreType.DMA,
        ],
    )
    def gk(tab_hbm, idx_hbm, out_hbm, idx_v, rows_v, sem):
        wid = lax.axis_index("s") * nc + lax.axis_index("c")
        base = wid * b_per_w
        for j in range(nch):
            off = base + j * ch
            pltpu.sync_copy(idx_hbm.at[pl.ds(off, ch)], idx_v)
            pltpu.async_copy(tab_hbm.at[idx_v], rows_v, sem).wait()
            pltpu.sync_copy(rows_v, out_hbm.at[pl.ds(off, ch)])

    return gk(kvtab, idx)


def _to_heads(x):
    hh, ww = x.shape[2], x.shape[3]
    t = jnp.transpose(x[0], (1, 2, 0)).reshape(hh * ww, _NH, _D)
    return jnp.transpose(t, (1, 0, 2))


def _to_kv_table(kx, vx):
    hh, ww = kx.shape[2], kx.shape[3]

    def blk(x):
        t = x[0].reshape(_NH, _D, hh // 2, 2, ww // 2, 2)
        t = jnp.transpose(t, (0, 2, 4, 3, 5, 1))
        return t.reshape(_NH, (hh // 2) * (ww // 2), 4, _D)

    t = jnp.concatenate([blk(kx), blk(vx)], axis=2)
    return t.reshape(_NH * (hh // 2) * (ww // 2), 8 * _D)


def _to_quad_q(x):
    c, hh, ww = x.shape[1], x.shape[2], x.shape[3]
    t = x[0].reshape(c, hh // 2, 2, ww // 2, 2)
    t = jnp.transpose(t, (1, 3, 2, 4, 0)).reshape(
        (hh // 2) * (ww // 2), 4, _NH, _D)
    return jnp.transpose(t, (2, 0, 1, 3))


def _quad_deinterleave(x, hw_half):
    tail = x.shape[3:]
    t = x.reshape((_NH, hw_half, hw_half, 2, 2) + tail)
    t = jnp.transpose(t, (0, 1, 3, 2, 4) + tuple(range(5, 5 + len(tail))))
    return t.reshape((_NH, 4 * hw_half * hw_half) + tail)


def kernel(queries_0, queries_1, queries_2, keys_0, keys_1, keys_2,
           values_0, values_1, values_2):
    q2 = _to_heads(queries_2)
    k2 = _to_heads(keys_2)
    v2 = _to_heads(values_2)
    msg0, sc0, tix0 = _coarse_call(q2, k2, v2)

    kv1f = _sc_gather(_to_kv_table(keys_1, values_1), tix0.reshape(-1))
    kv1 = kv1f.reshape(_NH, 1024, _K, 8, _D)
    q1 = _to_quad_q(queries_1)
    msg1, sc1, tix1 = _fine_call(False, 64, q1, kv1, sc0, tix0, msg0)
    msg1 = _quad_deinterleave(msg1, 32)
    sc1 = _quad_deinterleave(sc1, 32)
    tix1 = _quad_deinterleave(tix1, 32)

    kv2f = _sc_gather(_to_kv_table(keys_0, values_0), tix1.reshape(-1))
    kv2 = kv2f.reshape(_NH, 4096, _K, 8, _D)
    q0 = _to_quad_q(queries_0)
    (msg2,) = _fine_call(True, 128, q0, kv2, sc1, tix1, msg1)
    msg2 = _quad_deinterleave(msg2, 64)
    return jnp.transpose(msg2, (1, 0, 2))[None]

# --- scband reference (transcript-rebuilt; emitter-appended) ---
"""Pipeline reference for scband-qtatt-apytorch-39633958207874 (READ-ONLY COPY).

The authoritative reference and input builder live on the scoring server;
editing this copy changes nothing except your own understanding.
"""

import jax, jax.numpy as jnp
import numpy as np

NHEAD = 8
DIM = 16
TOPK = 8


def _topk_axis_m2(A, k):
    At = jnp.swapaxes(A, -1, -2)
    vals, idxs = jax.lax.top_k(At, k)
    return jnp.swapaxes(vals, -1, -2), jnp.swapaxes(idxs, -1, -2)


def _scatter_zero_mask(A, topk_idx):
    # emulate mask.scatter(dim=-2, index=topk_idx, src=zeros): 1 everywhere, 0 at topk slots
    S = A.shape[-2]
    hit = (topk_idx[..., None, :] == jnp.arange(S)[:, None]).any(axis=-3)
    return 1.0 - hit.astype(A.dtype)


def quadtree_forward(queries, keys, values):
    nhead, dim, topk = NHEAD, DIM, TOPK
    n_levels = len(keys)
    message = None
    topk_pos = None
    topk_score = None
    for i in range(n_levels):
        query = queries[n_levels - 1 - i]
        key = keys[n_levels - 1 - i]
        value = values[n_levels - 1 - i]
        bs, c, h, w = key.shape
        key = jnp.transpose(key, (0, 2, 3, 1)).reshape(bs, h * w, nhead, dim)
        value = jnp.transpose(value, (0, 2, 3, 1)).reshape(bs, h * w, nhead, dim)
        if i == 0:
            q = jnp.transpose(query, (0, 2, 3, 1)).reshape(bs, h * w, nhead, dim)
            QK = jnp.einsum('nlhd,nshd->nlsh', q, key)
        else:
            Lp = (h // 2) * (w // 2)
            q = query.reshape(bs, c, h // 2, 2, w // 2, 2)
            q = jnp.transpose(q, (0, 2, 4, 3, 5, 1)).reshape(bs, Lp, 4, nhead, dim)
            topk_pos = topk_pos * 2
            key_gather, value_gather, idx_gather = [], [], []
            for x in (0, 1):
                for y in (0, 1):
                    idx = (topk_pos[0] + x) * w + topk_pos[1] + y  # [b, Lp, topk, nh]
                    idx_gather.append(idx)
                    idxf = idx.reshape(bs, Lp * topk, nhead)
                    idxb = jnp.broadcast_to(idxf[..., None], (bs, Lp * topk, nhead, dim))
                    key_gather.append(jnp.take_along_axis(key, idxb, axis=1).reshape(bs, Lp, topk, nhead, dim))
                    value_gather.append(jnp.take_along_axis(value, idxb, axis=1).reshape(bs, Lp, topk, nhead, dim))
            idx = jnp.stack(idx_gather, axis=3)          # [b, Lp, topk, 4, nh]
            key_g = jnp.stack(key_gather, axis=3)        # [b, Lp, topk, 4, nh, d]
            value = jnp.stack(value_gather, axis=3)      # [b, Lp, topk, 4, nh, d]
            QK = jnp.einsum('nlwhd,nlkfhd->nlwkfh', q, key_g)
        A = jax.nn.softmax(QK / (dim ** 0.5), axis=-2)
        if i != 0:
            Lp = (h // 2) * (w // 2)
            A = (A * topk_score[:, :, None, :, None, :]).reshape(bs, Lp, 4, topk * 4, nhead)
            value = value.reshape(bs, Lp, topk * 4, nhead, dim)
        topk_score, topk_idx = _topk_axis_m2(A, topk)
        if i != n_levels - 1:
            mask = _scatter_zero_mask(A, topk_idx)
        else:
            mask = jnp.ones_like(A)
        if i == 0:
            message = jnp.einsum('nlsh,nshd->nlhd', A * mask, value)
        else:
            new_message = jnp.einsum('nlwkh,nlkhd->nlwhd', A * mask, value)
            idxr = jnp.broadcast_to(idx.reshape(bs, Lp, 1, topk * 4, nhead), (bs, Lp, 4, topk * 4, nhead))
            message = message[:, :, None, :, :] + new_message
            message = message.reshape(bs, h // 2, w // 2, 2, 2, nhead, dim)
            message = jnp.transpose(message, (0, 1, 3, 2, 4, 5, 6)).reshape(bs, h * w, nhead, dim)
            topk_idx = jnp.take_along_axis(idxr, topk_idx, axis=-2)
            topk_idx = topk_idx.reshape(bs, h // 2, w // 2, 2, 2, topk, nhead)
            topk_idx = jnp.transpose(topk_idx, (0, 1, 3, 2, 4, 5, 6)).reshape(bs, h * w, topk, nhead)
            topk_score = topk_score.reshape(bs, h // 2, w // 2, 2, 2, topk, nhead)
            topk_score = jnp.transpose(topk_score, (0, 1, 3, 2, 4, 5, 6)).reshape(bs, h * w, topk, nhead)
        topk_pos = jnp.stack([topk_idx // w, topk_idx % w])
    return message


def setup_inputs(seed: int = 0):
    key = jax.random.key(seed)
    ks = jax.random.split(key, 9)
    shapes = [(1, 128, 128, 128), (1, 128, 64, 64), (1, 128, 32, 32)]
    out = {}
    for gi, nm in enumerate(['queries', 'keys', 'values']):
        for li in range(3):
            out['%s_%d' % (nm, li)] = jax.random.normal(ks[gi * 3 + li], shapes[li], dtype=jnp.float32)
    return out


def reference(queries_0, queries_1, queries_2, keys_0, keys_1, keys_2, values_0, values_1, values_2):
    return quadtree_forward([queries_0, queries_1, queries_2],
                            [keys_0, keys_1, keys_2],
                            [values_0, values_1, values_2])

if __name__ == "__main__":
    import jax
    _d = setup_inputs()
    print(jax.jit(kernel)(*tuple(_d.values())))

</pallas_src>

<mosaic_0001>
#map = affine_map<(d0, d1) -> (0, 0)>
#map1 = affine_map<(d0, d1) -> (0)>
module attributes {stable_mosaic.version = 14 : i64} {
  func.func @gk(%arg0: i32, %arg1: i32, %arg2: memref<32768x128xf32, #tpu.memory_space<hbm>>, %arg3: memref<262144xi32, #tpu.memory_space<hbm>>, %arg4: memref<262144x128xf32, #tpu.memory_space<hbm>>, %arg5: memref<512xi32, #tpu.memory_space<vmem>>, %arg6: memref<512x128xf32, #tpu.memory_space<vmem>>, %arg7: memref<!tpu.dma_semaphore, #tpu.memory_space<semaphore_mem>>) attributes {dimension_semantics = [#tpu.dimension_semantics<core_parallel>, #tpu.dimension_semantics<subcore_parallel>], iteration_bounds = array<i64: 2, 16>, scalar_prefetch = 0 : i64, scratch_operands = 3 : i64, tpu.core_type = #tpu.core_type<sc_vector_subcore>, window_params = [{transform_indices = #map}, {transform_indices = #map1}, {transform_indices = #map}]} {
    %mul3A = arith.constant 2 : i32
    %mul3A_0 = arith.muli %arg1, %mul3A : i32
    %add3A = arith.addi %mul3A_0, %arg0 : i32
    %mul3A_1 = arith.constant 8192 : i32
    %mul3A_2 = arith.muli %add3A, %mul3A_1 : i32
    %add3A_3 = arith.constant 0 : i32
    %add3A_4 = arith.addi %mul3A_2, %add3A_3 : i32
    "tpu.region"() ({
      %run_scoped3A = tpu.sem_alloc : memref<!tpu.dma_semaphore, #tpu.memory_space<semaphore_mem>>
      %dma_start3A_129 = tpu.memref_slice %arg3[%add3A_4] : memref<262144xi32, #tpu.memory_space<hbm>> -> memref<512xi32, #tpu.memory_space<hbm>>
      %dma_start3A_130 = tpu.memref_slice %arg3[%add3A_4] : memref<262144xi32, #tpu.memory_space<hbm>> -> memref<512xi32, #tpu.memory_space<hbm>>
      tpu.enqueue_dma source(%dma_start3A_130 : memref<512xi32, #tpu.memory_space<hbm>>) target(%arg5 : memref<512xi32, #tpu.memory_space<vmem>>) target_semaphore(%run_scoped3A : memref<!tpu.dma_semaphore, #tpu.memory_space<semaphore_mem>>)
      %dma_wait3A_131 = tpu.memref_slice %arg3[%add3A_4] : memref<262144xi32, #tpu.memory_space<hbm>> -> memref<512xi32, #tpu.memory_space<hbm>>
      %dma_wait3A_132 = tpu.memref_slice %arg3[%add3A_4] : memref<262144xi32, #tpu.memory_space<hbm>> -> memref<512xi32, #tpu.memory_space<hbm>>
      tpu.wait_dma2 semaphore(%run_scoped3A : memref<!tpu.dma_semaphore, #tpu.memory_space<semaphore_mem>>) src(%dma_wait3A_132 : memref<512xi32, #tpu.memory_space<hbm>>) dst(%arg5 : memref<512xi32, #tpu.memory_space<vmem>>)
      tpu.yield
    }) : () -> ()
    %dma_start3A = arith.constant 0 : i32
    %dma_start3A_5 = arith.constant 0 : i32
    %dma_start3A_6 = tpu.memref_slice %arg2[%dma_start3A, %dma_start3A_5] : memref<32768x128xf32, #tpu.memory_space<hbm>> -> memref<32768x128xf32, #tpu.memory_space<hbm>>
    tpu.enqueue_indirect_dma source(%dma_start3A_6 : memref<32768x128xf32, #tpu.memory_space<hbm>>) target(%arg6 : memref<512x128xf32, #tpu.memory_space<vmem>>) offsets(%arg5 : memref<512xi32, #tpu.memory_space<vmem>>) semaphore(%arg7 : memref<!tpu.dma_semaphore, #tpu.memory_space<semaphore_mem>>)
    %dma_wait3A = arith.constant 0 : i32
    %dma_wait3A_7 = arith.constant 0 : i32
    %dma_wait3A_8 = tpu.memref_slice %arg2[%dma_wait3A, %dma_wait3A_7] : memref<32768x128xf32, #tpu.memory_space<hbm>> -> memref<32768x128xf32, #tpu.memory_space<hbm>>
    tpu.wait_indirect_dma semaphore(%arg7 : memref<!tpu.dma_semaphore, #tpu.memory_space<semaphore_mem>>) src(%dma_wait3A_8 : memref<32768x128xf32, #tpu.memory_space<hbm>>) dst(%arg6 : memref<512x128xf32, #tpu.memory_space<vmem>>)
    "tpu.region"() ({
      %run_scoped3A = tpu.sem_alloc : memref<!tpu.dma_semaphore, #tpu.memory_space<semaphore_mem>>
      %dma_start3A_129 = arith.constant 0 : i32
      %dma_start3A_130 = tpu.memref_slice %arg4[%add3A_4, %dma_start3A_129] : memref<262144x128xf32, #tpu.memory_space<hbm>> -> memref<512x128xf32, #tpu.memory_space<hbm>>
      %dma_start3A_131 = arith.constant 0 : i32
      %dma_start3A_132 = tpu.memref_slice %arg4[%add3A_4, %dma_start3A_131] : memref<262144x128xf32, #tpu.memory_space<hbm>> -> memref<512x128xf32, #tpu.memory_space<hbm>>
      tpu.enqueue_dma source(%arg6 : memref<512x128xf32, #tpu.memory_space<vmem>>) target(%dma_start3A_132 : memref<512x128xf32, #tpu.memory_space<hbm>>) target_semaphore(%run_scoped3A : memref<!tpu.dma_semaphore, #tpu.memory_space<semaphore_mem>>)
      %dma_wait3A_133 = arith.constant 0 : i32
      %dma_wait3A_134 = tpu.memref_slice %arg4[%add3A_4, %dma_wait3A_133] : memref<262144x128xf32, #tpu.memory_space<hbm>> -> memref<512x128xf32, #tpu.memory_space<hbm>>
      %dma_wait3A_135 = arith.constant 0 : i32
      %dma_wait3A_136 = tpu.memref_slice %arg4[%add3A_4, %dma_wait3A_135] : memref<262144x128xf32, #tpu.memory_space<hbm>> -> memref<512x128xf32, #tpu.memory_space<hbm>>
      tpu.wait_dma2 semaphore(%run_scoped3A : memref<!tpu.dma_semaphore, #tpu.memory_space<semaphore_mem>>) src(%arg6 : memref<512x128xf32, #tpu.memory_space<vmem>>) dst(%dma_wait3A_136 : memref<512x128xf32, #tpu.memory_space<hbm>>)
      tpu.yield
    }) : () -> ()
    %add3A_9 = arith.constant 512 : i32
    %add3A_10 = arith.addi %mul3A_2, %add3A_9 : i32
    "tpu.region"() ({
      %run_scoped3A = tpu.sem_alloc : memref<!tpu.dma_semaphore, #tpu.memory_space<semaphore_mem>>
      %dma_start3A_129 = tpu.memref_slice %arg3[%add3A_10] : memref<262144xi32, #tpu.memory_space<hbm>> -> memref<512xi32, #tpu.memory_space<hbm>>
      %dma_start3A_130 = tpu.memref_slice %arg3[%add3A_10] : memref<262144xi32, #tpu.memory_space<hbm>> -> memref<512xi32, #tpu.memory_space<hbm>>
      tpu.enqueue_dma source(%dma_start3A_130 : memref<512xi32, #tpu.memory_space<hbm>>) target(%arg5 : memref<512xi32, #tpu.memory_space<vmem>>) target_semaphore(%run_scoped3A : memref<!tpu.dma_semaphore, #tpu.memory_space<semaphore_mem>>)
      %dma_wait3A_131 = tpu.memref_slice %arg3[%add3A_10] : memref<262144xi32, #tpu.memory_space<hbm>> -> memref<512xi32, #tpu.memory_space<hbm>>
      %dma_wait3A_132 = tpu.memref_slice %arg3[%add3A_10] : memref<262144xi32, #tpu.memory_space<hbm>> -> memref<512xi32, #tpu.memory_space<hbm>>
      tpu.wait_dma2 semaphore(%run_scoped3A : memref<!tpu.dma_semaphore, #tpu.memory_space<semaphore_mem>>) src(%dma_wait3A_132 : memref<512xi32, #tpu.memory_space<hbm>>) dst(%arg5 : memref<512xi32, #tpu.memory_space<vmem>>)
      tpu.yield
    }) : () -> ()
    %dma_start3A_11 = arith.constant 0 : i32
    %dma_start3A_12 = arith.constant 0 : i32
    %dma_start3A_13 = tpu.memref_slice %arg2[%dma_start3A_11, %dma_start3A_12] : memref<32768x128xf32, #tpu.memory_space<hbm>> -> memref<32768x128xf32, #tpu.memory_space<hbm>>
    tpu.enqueue_indirect_dma source(%dma_start3A_13 : memref<32768x128xf32, #tpu.memory_space<hbm>>) target(%arg6 : memref<512x128xf32, #tpu.memory_space<vmem>>) offsets(%arg5 : memref<512xi32, #tpu.memory_space<vmem>>) semaphore(%arg7 : memref<!tpu.dma_semaphore, #tpu.memory_space<semaphore_mem>>)
    %dma_wait3A_14 = arith.constant 0 : i32
    %dma_wait3A_15 = arith.constant 0 : i32
    %dma_wait3A_16 = tpu.memref_slice %arg2[%dma_wait3A_14, %dma_wait3A_15] : memref<32768x128xf32, #tpu.memory_space<hbm>> -> memref<32768x128xf32, #tpu.memory_space<hbm>>
    tpu.wait_indirect_dma semaphore(%arg7 : memref<!tpu.dma_semaphore, #tpu.memory_space<semaphore_mem>>) src(%dma_wait3A_16 : memref<32768x128xf32, #tpu.memory_space<hbm>>) dst(%arg6 : memref<512x128xf32, #tpu.memory_space<vmem>>)
    "tpu.region"() ({
      %run_scoped3A = tpu.sem_alloc : memref<!tpu.dma_semaphore, #tpu.memory_space<semaphore_mem>>
      %dma_start3A_129 = arith.constant 0 : i32
      %dma_start3A_130 = tpu.memref_slice %arg4[%add3A_10, %dma_start3A_129] : memref<262144x128xf32, #tpu.memory_space<hbm>> -> memref<512x128xf32, #tpu.memory_space<hbm>>
      %dma_start3A_131 = arith.constant 0 : i32
      %dma_start3A_132 = tpu.memref_slice %arg4[%add3A_10, %dma_start3A_131] : memref<262144x128xf32, #tpu.memory_space<hbm>> -> memref<512x128xf32, #tpu.memory_space<hbm>>
      tpu.enqueue_dma source(%arg6 : memref<512x128xf32, #tpu.memory_space<vmem>>) target(%dma_start3A_132 : memref<512x128xf32, #tpu.memory_space<hbm>>) target_semaphore(%run_scoped3A : memref<!tpu.dma_semaphore, #tpu.memory_space<semaphore_mem>>)
      %dma_wait3A_133 = arith.constant 0 : i32
      %dma_wait3A_134 = tpu.memref_slice %arg4[%add3A_10, %dma_wait3A_133] : memref<262144x128xf32, #tpu.memory_space<hbm>> -> memref<512x128xf32, #tpu.memory_space<hbm>>
      %dma_wait3A_135 = arith.constant 0 : i32
      %dma_wait3A_136 = tpu.memref_slice %arg4[%add3A_10, %dma_wait3A_135] : memref<262144x128xf32, #tpu.memory_space<hbm>> -> memref<512x128xf32, #tpu.memory_space<hbm>>
      tpu.wait_dma2 semaphore(%run_scoped3A : memref<!tpu.dma_semaphore, #tpu.memory_space<semaphore_mem>>) src(%arg6 : memref<512x128xf32, #tpu.memory_space<vmem>>) dst(%dma_wait3A_136 : memref<512x128xf32, #tpu.memory_space<hbm>>)
      tpu.yield
    }) : () -> ()
    %add3A_17 = arith.constant 1024 : i32
    %add3A_18 = arith.addi %mul3A_2, %add3A_17 : i32
    "tpu.region"() ({
      %run_scoped3A = tpu.sem_alloc : memref<!tpu.dma_semaphore, #tpu.memory_space<semaphore_mem>>
      %dma_start3A_129 = tpu.memref_slice %arg3[%add3A_18] : memref<262144xi32, #tpu.memory_space<hbm>> -> memref<512xi32, #tpu.memory_space<hbm>>
      %dma_start3A_130 = tpu.memref_slice %arg3[%add3A_18] : memref<262144xi32, #tpu.memory_space<hbm>> -> memref<512xi32, #tpu.memory_space<hbm>>
      tpu.enqueue_dma source(%dma_start3A_130 : memref<512xi32, #tpu.memory_space<hbm>>) target(%arg5 : memref<512xi32, #tpu.memory_space<vmem>>) target_semaphore(%run_scoped3A : memref<!tpu.dma_semaphore, #tpu.memory_space<semaphore_mem>>)
      %dma_wait3A_131 = tpu.memref_slice %arg3[%add3A_18] : memref<262144xi32, #tpu.memory_space<hbm>> -> memref<512xi32, #tpu.memory_space<hbm>>
      %dma_wait3A_132 = tpu.memref_slice %arg3[%add3A_18] : memref<262144xi32, #tpu.memory_space<hbm>> -> memref<512xi32, #tpu.memory_space<hbm>>
      tpu.wait_dma2 semaphore(%run_scoped3A : memref<!tpu.dma_semaphore, #tpu.memory_space<semaphore_mem>>) src(%dma_wait3A_132 : memref<512xi32, #tpu.memory_space<hbm>>) dst(%arg5 : memref<512xi32, #tpu.memory_space<vmem>>)
      tpu.yield
    }) : () -> ()
    %dma_start3A_19 = arith.constant 0 : i32
    %dma_start3A_20 = arith.constant 0 : i32
    %dma_start3A_21 = tpu.memref_slice %arg2[%dma_start3A_19, %dma_start3A_20] : memref<32768x128xf32, #tpu.memory_space<hbm>> -> memref<32768x128xf32, #tpu.memory_space<hbm>>
    tpu.enqueue_indirect_dma source(%dma_start3A_21 : memref<32768x128xf32, #tpu.memory_space<hbm>>) target(%arg6 : memref<512x128xf32, #tpu.memory_space<vmem>>) offsets(%arg5 : memref<512xi32, #tpu.memory_space<vmem>>) semaphore(%arg7 : memref<!tpu.dma_semaphore, #tpu.memory_space<semaphore_mem>>)
    %dma_wait3A_22 = arith.constant 0 : i32
    %dma_wait3A_23 = arith.constant 0 : i32
    %dma_wait3A_24 = tpu.memref_slice %arg2[%dma_wait3A_22, %dma_wait3A_23] : memref<32768x128xf32, #tpu.memory_space<hbm>> -> memref<32768x128xf32, #tpu.memory_space<hbm>>
    tpu.wait_indirect_dma semaphore(%arg7 : memref<!tpu.dma_semaphore, #tpu.memory_space<semaphore_mem>>) src(%dma_wait3A_24 : memref<32768x128xf32, #tpu.memory_space<hbm>>) dst(%arg6 : memref<512x128xf32, #tpu.memory_space<vmem>>)
    "tpu.region"() ({
      %run_scoped3A = tpu.sem_alloc : memref<!tpu.dma_semaphore, #tpu.memory_space<semaphore_mem>>
      %dma_start3A_129 = arith.constant 0 : i32
      %dma_start3A_130 = tpu.memref_slice %arg4[%add3A_18, %dma_start3A_129] : memref<262144x128xf32, #tpu.memory_space<hbm>> -> memref<512x128xf32, #tpu.memory_space<hbm>>
      %dma_start3A_131 = arith.constant 0 : i32
      %dma_start3A_132 = tpu.memref_slice %arg4[%add3A_18, %dma_start3A_131] : memref<262144x128xf32, #tpu.memory_space<hbm>> -> memref<512x128xf32, #tpu.memory_space<hbm>>
      tpu.enqueue_dma source(%arg6 : memref<512x128xf32, #tpu.memory_space<vmem>>) target(%dma_start3A_132 : memref<512x128xf32, #tpu.memory_space<hbm>>) target_semaphore(%run_scoped3A : memref<!tpu.dma_semaphore, #tpu.memory_space<semaphore_mem>>)
      %dma_wait3A_133 = arith.constant 0 : i32
      %dma_wait3A_134 = tpu.memref_slice %arg4[%add3A_18, %dma_wait3A_133] : memref<262144x128xf32, #tpu.memory_space<hbm>> -> memref<512x128xf32, #tpu.memory_space<hbm>>
      %dma_wait3A_135 = arith.constant 0 : i32
      %dma_wait3A_136 = tpu.memref_slice %arg4[%add3A_18, %dma_wait3A_135] : memref<262144x128xf32, #tpu.memory_space<hbm>> -> memref<512x128xf32, #tpu.memory_space<hbm>>
      tpu.wait_dma2 semaphore(%run_scoped3A : memref<!tpu.dma_semaphore, #tpu.memory_space<semaphore_mem>>) src(%arg6 : memref<512x128xf32, #tpu.memory_space<vmem>>) dst(%dma_wait3A_136 : memref<512x128xf32, #tpu.memory_space<hbm>>)
      tpu.yield
    }) : () -> ()
    %add3A_25 = arith.constant 1536 : i32
    %add3A_26 = arith.addi %mul3A_2, %add3A_25 : i32
    "tpu.region"() ({
      %run_scoped3A = tpu.sem_alloc : memref<!tpu.dma_semaphore, #tpu.memory_space<semaphore_mem>>
      %dma_start3A_129 = tpu.memref_slice %arg3[%add3A_26] : memref<262144xi32, #tpu.memory_space<hbm>> -> memref<512xi32, #tpu.memory_space<hbm>>
      %dma_start3A_130 = tpu.memref_slice %arg3[%add3A_26] : memref<262144xi32, #tpu.memory_space<hbm>> -> memref<512xi32, #tpu.memory_space<hbm>>
      tpu.enqueue_dma source(%dma_start3A_130 : memref<512xi32, #tpu.memory_space<hbm>>) target(%arg5 : memref<512xi32, #tpu.memory_space<vmem>>) target_semaphore(%run_scoped3A : memref<!tpu.dma_semaphore, #tpu.memory_space<semaphore_mem>>)
      %dma_wait3A_131 = tpu.memref_slice %arg3[%add3A_26] : memref<262144xi32, #tpu.memory_space<hbm>> -> memref<512xi32, #tpu.memory_space<hbm>>
      %dma_wait3A_132 = tpu.memref_slice %arg3[%add3A_26] : memref<262144xi32, #tpu.memory_space<hbm>> -> memref<512xi32, #tpu.memory_space<hbm>>
      tpu.wait_dma2 semaphore(%run_scoped3A : memref<!tpu.dma_semaphore, #tpu.memory_space<semaphore_mem>>) src(%dma_wait3A_132 : memref<512xi32, #tpu.memory_space<hbm>>) dst(%arg5 : memref<512xi32, #tpu.memory_space<vmem>>)
      tpu.yield
    }) : () -> ()
    %dma_start3A_27 = arith.constant 0 : i32
    %dma_start3A_28 = arith.constant 0 : i32
    %dma_start3A_29 = tpu.memref_slice %arg2[%dma_start3A_27, %dma_start3A_28] : memref<32768x128xf32, #tpu.memory_space<hbm>> -> memref<32768x128xf32, #tpu.memory_space<hbm>>
    tpu.enqueue_indirect_dma source(%dma_start3A_29 : memref<32768x128xf32, #tpu.memory_space<hbm>>) target(%arg6 : memref<512x128xf32, #tpu.memory_space<vmem>>) offsets(%arg5 : memref<512xi32, #tpu.memory_space<vmem>>) semaphore(%arg7 : memref<!tpu.dma_semaphore, #tpu.memory_space<semaphore_mem>>)
    %dma_wait3A_30 = arith.constant 0 : i32
    %dma_wait3A_31 = arith.constant 0 : i32
    %dma_wait3A_32 = tpu.memref_slice %arg2[%dma_wait3A_30, %dma_wait3A_31] : memref<32768x128xf32, #tpu.memory_space<hbm>> -> memref<32768x128xf32, #tpu.memory_space<hbm>>
    tpu.wait_indirect_dma semaphore(%arg7 : memref<!tpu.dma_semaphore, #tpu.memory_space<semaphore_mem>>) src(%dma_wait3A_32 : memref<32768x128xf32, #tpu.memory_space<hbm>>) dst(%arg6 : memref<512x128xf32, #tpu.memory_space<vmem>>)
    "tpu.region"() ({
      %run_scoped3A = tpu.sem_alloc : memref<!tpu.dma_semaphore, #tpu.memory_space<semaphore_mem>>
      %dma_start3A_129 = arith.constant 0 : i32
      %dma_start3A_130 = tpu.memref_slice %arg4[%add3A_26, %dma_start3A_129] : memref<262144x128xf32, #tpu.memory_space<hbm>> -> memref<512x128xf32, #tpu.memory_space<hbm>>
      %dma_start3A_131 = arith.constant 0 : i32
      %dma_start3A_132 = tpu.memref_slice %arg4[%add3A_26, %dma_start3A_131] : memref<262144x128xf32, #tpu.memory_space<hbm>> -> memref<512x128xf32, #tpu.memory_space<hbm>>
      tpu.enqueue_dma source(%arg6 : memref<512x128xf32, #tpu.memory_space<vmem>>) target(%dma_start3A_132 : memref<512x128xf32, #tpu.memory_space<hbm>>) target_semaphore(%run_scoped3A : memref<!tpu.dma_semaphore, #tpu.memory_space<semaphore_mem>>)
      %dma_wait3A_133 = arith.constant 0 : i32
      %dma_wait3A_134 = tpu.memref_slice %arg4[%add3A_26, %dma_wait3A_133] : memref<262144x128xf32, #tpu.memory_space<hbm>> -> memref<512x128xf32, #tpu.memory_space<hbm>>
      %dma_wait3A_135 = arith.constant 0 : i32
      %dma_wait3A_136 = tpu.memref_slice %arg4[%add3A_26, %dma_wait3A_135] : memref<262144x128xf32, #tpu.memory_space<hbm>> -> memref<512x128xf32, #tpu.memory_space<hbm>>
      tpu.wait_dma2 semaphore(%run_scoped3A : memref<!tpu.dma_semaphore, #tpu.memory_space<semaphore_mem>>) src(%arg6 : memref<512x128xf32, #tpu.memory_space<vmem>>) dst(%dma_wait3A_136 : memref<512x128xf32, #tpu.memory_space<hbm>>)
      tpu.yield
    }) : () -> ()
    %add3A_33 = arith.constant 2048 : i32
    %add3A_34 = arith.addi %mul3A_2, %add3A_33 : i32
    "tpu.region"() ({
      %run_scoped3A = tpu.sem_alloc : memref<!tpu.dma_semaphore, #tpu.memory_space<semaphore_mem>>
      %dma_start3A_129 = tpu.memref_slice %arg3[%add3A_34] : memref<262144xi32, #tpu.memory_space<hbm>> -> memref<512xi32, #tpu.memory_space<hbm>>
      %dma_start3A_130 = tpu.memref_slice %arg3[%add3A_34] : memref<262144xi32, #tpu.memory_space<hbm>> -> memref<512xi32, #tpu.memory_space<hbm>>
      tpu.enqueue_dma source(%dma_start3A_130 : memref<512xi32, #tpu.memory_space<hbm>>) target(%arg5 : memref<512xi32, #tpu.memory_space<vmem>>) target_semaphore(%run_scoped3A : memref<!tpu.dma_semaphore, #tpu.memory_space<semaphore_mem>>)
      %dma_wait3A_131 = tpu.memref_slice %arg3[%add3A_34] : memref<262144xi32, #tpu.memory_space<hbm>> -> memref<512xi32, #tpu.memory_space<hbm>>
      %dma_wait3A_132 = tpu.memref_slice %arg3[%add3A_34] : memref<262144xi32, #tpu.memory_space<hbm>> -> memref<512xi32, #tpu.memory_space<hbm>>
      tpu.wait_dma2 semaphore(%run_scoped3A : memref<!tpu.dma_semaphore, #tpu.memory_space<semaphore_mem>>) src(%dma_wait3A_132 : memref<512xi32, #tpu.memory_space<hbm>>) dst(%arg5 : memref<512xi32, #tpu.memory_space<vmem>>)
      tpu.yield
    }) : () -> ()
    %dma_start3A_35 = arith.constant 0 : i32
    %dma_start3A_36 = arith.constant 0 : i32
    %dma_start3A_37 = tpu.memref_slice %arg2[%dma_start3A_35, %dma_start3A_36] : memref<32768x128xf32, #tpu.memory_space<hbm>> -> memref<32768x128xf32, #tpu.memory_space<hbm>>
    tpu.enqueue_indirect_dma source(%dma_start3A_37 : memref<32768x128xf32, #tpu.memory_space<hbm>>) target(%arg6 : memref<512x128xf32, #tpu.memory_space<vmem>>) offsets(%arg5 : memref<512xi32, #tpu.memory_space<vmem>>) semaphore(%arg7 : memref<!tpu.dma_semaphore, #tpu.memory_space<semaphore_mem>>)
    %dma_wait3A_38 = arith.constant 0 : i32
    %dma_wait3A_39 = arith.constant 0 : i32
    %dma_wait3A_40 = tpu.memref_slice %arg2[%dma_wait3A_38, %dma_wait3A_39] : memref<32768x128xf32, #tpu.memory_space<hbm>> -> memref<32768x128xf32, #tpu.memory_space<hbm>>
    tpu.wait_indirect_dma semaphore(%arg7 : memref<!tpu.dma_semaphore, #tpu.memory_space<semaphore_mem>>) src(%dma_wait3A_40 : memref<32768x128xf32, #tpu.memory_space<hbm>>) dst(%arg6 : memref<512x128xf32, #tpu.memory_space<vmem>>)
    "tpu.region"() ({
      %run_scoped3A = tpu.sem_alloc : memref<!tpu.dma_semaphore, #tpu.memory_space<semaphore_mem>>
      %dma_start3A_129 = arith.constant 0 : i32
      %dma_start3A_130 = tpu.memref_slice %arg4[%add3A_34, %dma_start3A_129] : memref<262144x128xf32, #tpu.memory_space<hbm>> -> memref<512x128xf32, #tpu.memory_space<hbm>>
      %dma_start3A_131 = arith.constant 0 : i32
      %dma_start3A_132 = tpu.memref_slice %arg4[%add3A_34, %dma_start3A_131] : memref<262144x128xf32, #tpu.memory_space<hbm>> -> memref<512x128xf32, #tpu.memory_space<hbm>>
      tpu.enqueue_dma source(%arg6 : memref<512x128xf32, #tpu.memory_space<vmem>>) target(%dma_start3A_132 : memref<512x128xf32, #tpu.memory_space<hbm>>) target_semaphore(%run_scoped3A : memref<!tpu.dma_semaphore, #tpu.memory_space<semaphore_mem>>)
      %dma_wait3A_133 = arith.constant 0 : i32
      %dma_wait3A_134 = tpu.memref_slice %arg4[%add3A_34, %dma_wait3A_133] : memref<262144x128xf32, #tpu.memory_space<hbm>> -> memref<512x128xf32, #tpu.memory_space<hbm>>
      %dma_wait3A_135 = arith.constant 0 : i32
      %dma_wait3A_136 = tpu.memref_slice %arg4[%add3A_34, %dma_wait3A_135] : memref<262144x128xf32, #tpu.memory_space<hbm>> -> memref<512x128xf32, #tpu.memory_space<hbm>>
      tpu.wait_dma2 semaphore(%run_scoped3A : memref<!tpu.dma_semaphore, #tpu.memory_space<semaphore_mem>>) src(%arg6 : memref<512x128xf32, #tpu.memory_space<vmem>>) dst(%dma_wait3A_136 : memref<512x128xf32, #tpu.memory_space<hbm>>)
      tpu.yield
    }) : () -> ()
    %add3A_41 = arith.constant 2560 : i32
    %add3A_42 = arith.addi %mul3A_2, %add3A_41 : i32
    "tpu.region"() ({
      %run_scoped3A = tpu.sem_alloc : memref<!tpu.dma_semaphore, #tpu.memory_space<semaphore_mem>>
      %dma_start3A_129 = tpu.memref_slice %arg3[%add3A_42] : memref<262144xi32, #tpu.memory_space<hbm>> -> memref<512xi32, #tpu.memory_space<hbm>>
      %dma_start3A_130 = tpu.memref_slice %arg3[%add3A_42] : memref<262144xi32, #tpu.memory_space<hbm>> -> memref<512xi32, #tpu.memory_space<hbm>>
      tpu.enqueue_dma source(%dma_start3A_130 : memref<512xi32, #tpu.memory_space<hbm>>) target(%arg5 : memref<512xi32, #tpu.memory_space<vmem>>) target_semaphore(%run_scoped3A : memref<!tpu.dma_semaphore, #tpu.memory_space<semaphore_mem>>)
      %dma_wait3A_131 = tpu.memref_slice %arg3[%add3A_42] : memref<262144xi32, #tpu.memory_space<hbm>> -> memref<512xi32, #tpu.memory_space<hbm>>
      %dma_wait3A_132 = tpu.memref_slice %arg3[%add3A_42] : memref<262144xi32, #tpu.memory_space<hbm>> -> memref<512xi32, #tpu.memory_space<hbm>>
      tpu.wait_dma2 semaphore(%run_scoped3A : memref<!tpu.dma_semaphore, #tpu.memory_space<semaphore_mem>>) src(%dma_wait3A_132 : memref<512xi32, #tpu.memory_space<hbm>>) dst(%arg5 : memref<512xi32, #tpu.memory_space<vmem>>)
      tpu.yield
    }) : () -> ()
    %dma_start3A_43 = arith.constant 0 : i32
    %dma_start3A_44 = arith.constant 0 : i32
    %dma_start3A_45 = tpu.memref_slice %arg2[%dma_start3A_43, %dma_start3A_44] : memref<32768x128xf32, #tpu.memory_space<hbm>> -> memref<32768x128xf32, #tpu.memory_space<hbm>>
    tpu.enqueue_indirect_dma source(%dma_start3A_45 : memref<32768x128xf32, #tpu.memory_space<hbm>>) target(%arg6 : memref<512x128xf32, #tpu.memory_space<vmem>>) offsets(%arg5 : memref<512xi32, #tpu.memory_space<vmem>>) semaphore(%arg7 : memref<!tpu.dma_semaphore, #tpu.memory_space<semaphore_mem>>)
    %dma_wait3A_46 = arith.constant 0 : i32
    %dma_wait3A_47 = arith.constant 0 : i32
    %dma_wait3A_48 = tpu.memref_slice %arg2[%dma_wait3A_46, %dma_wait3A_47] : memref<32768x128xf32, #tpu.memory_space<hbm>> -> memref<32768x128xf32, #tpu.memory_space<hbm>>
    tpu.wait_indirect_dma semaphore(%arg7 : memref<!tpu.dma_semaphore, #tpu.memory_space<semaphore_mem>>) src(%dma_wait3A_48 : memref<32768x128xf32, #tpu.memory_space<hbm>>) dst(%arg6 : memref<512x128xf32, #tpu.memory_space<vmem>>)
    "tpu.region"() ({
      %run_scoped3A = tpu.sem_alloc : memref<!tpu.dma_semaphore, #tpu.memory_space<semaphore_mem>>
      %dma_start3A_129 = arith.constant 0 : i32
      %dma_start3A_130 = tpu.memref_slice %arg4[%add3A_42, %dma_start3A_129] : memref<262144x128xf32, #tpu.memory_space<hbm>> -> memref<512x128xf32, #tpu.memory_space<hbm>>
      %dma_start3A_131 = arith.constant 0 : i32
      %dma_start3A_132 = tpu.memref_slice %arg4[%add3A_42, %dma_start3A_131] : memref<262144x128xf32, #tpu.memory_space<hbm>> -> memref<512x128xf32, #tpu.memory_space<hbm>>
      tpu.enqueue_dma source(%arg6 : memref<512x128xf32, #tpu.memory_space<vmem>>) target(%dma_start3A_132 : memref<512x128xf32, #tpu.memory_space<hbm>>) target_semaphore(%run_scoped3A : memref<!tpu.dma_semaphore, #tpu.memory_space<semaphore_mem>>)
      %dma_wait3A_133 = arith.constant 0 : i32
      %dma_wait3A_134 = tpu.memref_slice %arg4[%add3A_42, %dma_wait3A_133] : memref<262144x128xf32, #tpu.memory_space<hbm>> -> memref<512x128xf32, #tpu.memory_space<hbm>>
      %dma_wait3A_135 = arith.constant 0 : i32
      %dma_wait3A_136 = tpu.memref_slice %arg4[%add3A_42, %dma_wait3A_135] : memref<262144x128xf32, #tpu.memory_space<hbm>> -> memref<512x128xf32, #tpu.memory_space<hbm>>
      tpu.wait_dma2 semaphore(%run_scoped3A : memref<!tpu.dma_semaphore, #tpu.memory_space<semaphore_mem>>) src(%arg6 : memref<512x128xf32, #tpu.memory_space<vmem>>) dst(%dma_wait3A_136 : memref<512x128xf32, #tpu.memory_space<hbm>>)
      tpu.yield
    }) : () -> ()
    %add3A_49 = arith.constant 3072 : i32
    %add3A_50 = arith.addi %mul3A_2, %add3A_49 : i32
    "tpu.region"() ({
      %run_scoped3A = tpu.sem_alloc : memref<!tpu.dma_semaphore, #tpu.memory_space<semaphore_mem>>
      %dma_start3A_129 = tpu.memref_slice %arg3[%add3A_50] : memref<262144xi32, #tpu.memory_space<hbm>> -> memref<512xi32, #tpu.memory_space<hbm>>
      %dma_start3A_130 = tpu.memref_slice %arg3[%add3A_50] : memref<262144xi32, #tpu.memory_space<hbm>> -> memref<512xi32, #tpu.memory_space<hbm>>
      tpu.enqueue_dma source(%dma_start3A_130 : memref<512xi32, #tpu.memory_space<hbm>>) target(%arg5 : memref<512xi32, #tpu.memory_space<vmem>>) target_semaphore(%run_scoped3A : memref<!tpu.dma_semaphore, #tpu.memory_space<semaphore_mem>>)
      %dma_wait3A_131 = tpu.memref_slice %arg3[%add3A_50] : memref<262144xi32, #tpu.memory_space<hbm>> -> memref<512xi32, #tpu.memory_space<hbm>>
      %dma_wait3A_132 = tpu.memref_slice %arg3[%add3A_50] : memref<262144xi32, #tpu.memory_space<hbm>> -> memref<512xi32, #tpu.memory_space<hbm>>
      tpu.wait_dma2 semaphore(%run_scoped3A : memref<!tpu.dma_semaphore, #tpu.memory_space<semaphore_mem>>) src(%dma_wait3A_132 : memref<512xi32, #tpu.memory_space<hbm>>) dst(%arg5 : memref<512xi32, #tpu.memory_space<vmem>>)
      tpu.yield
    }) : () -> ()
    %dma_start3A_51 = arith.constant 0 : i32
    %dma_start3A_52 = arith.constant 0 : i32
    %dma_start3A_53 = tpu.memref_slice %arg2[%dma_start3A_51, %dma_start3A_52] : memref<32768x128xf32, #tpu.memory_space<hbm>> -> memref<32768x128xf32, #tpu.memory_space<hbm>>
    tpu.enqueue_indirect_dma source(%dma_start3A_53 : memref<32768x128xf32, #tpu.memory_space<hbm>>) target(%arg6 : memref<512x128xf32, #tpu.memory_space<vmem>>) offsets(%arg5 : memref<512xi32, #tpu.memory_space<vmem>>) semaphore(%arg7 : memref<!tpu.dma_semaphore, #tpu.memory_space<semaphore_mem>>)
    %dma_wait3A_54 = arith.constant 0 : i32
    %dma_wait3A_55 = arith.constant 0 : i32
    %dma_wait3A_56 = tpu.memref_slice %arg2[%dma_wait3A_54, %dma_wait3A_55] : memref<32768x128xf32, #tpu.memory_space<hbm>> -> memref<32768x128xf32, #tpu.memory_space<hbm>>
    tpu.wait_indirect_dma semaphore(%arg7 : memref<!tpu.dma_semaphore, #tpu.memory_space<semaphore_mem>>) src(%dma_wait3A_56 : memref<32768x128xf32, #tpu.memory_space<hbm>>) dst(%arg6 : memref<512x128xf32, #tpu.memory_space<vmem>>)
    "tpu.region"() ({
      %run_scoped3A = tpu.sem_alloc : memref<!tpu.dma_semaphore, #tpu.memory_space<semaphore_mem>>
      %dma_start3A_129 = arith.constant 0 : i32
      %dma_start3A_130 = tpu.memref_slice %arg4[%add3A_50, %dma_start3A_129] : memref<262144x128xf32, #tpu.memory_space<hbm>> -> memref<512x128xf32, #tpu.memory_space<hbm>>
      %dma_start3A_131 = arith.constant 0 : i32
      %dma_start3A_132 = tpu.memref_slice %arg4[%add3A_50, %dma_start3A_131] : memref<262144x128xf32, #tpu.memory_space<hbm>> -> memref<512x128xf32, #tpu.memory_space<hbm>>
      tpu.enqueue_dma source(%arg6 : memref<512x128xf32, #tpu.memory_space<vmem>>) target(%dma_start3A_132 : memref<512x128xf32, #tpu.memory_space<hbm>>) target_semaphore(%run_scoped3A : memref<!tpu.dma_semaphore, #tpu.memory_space<semaphore_mem>>)
      %dma_wait3A_133 = arith.constant 0 : i32
      %dma_wait3A_134 = tpu.memref_slice %arg4[%add3A_50, %dma_wait3A_133] : memref<262144x128xf32, #tpu.memory_space<hbm>> -> memref<512x128xf32, #tpu.memory_space<hbm>>
      %dma_wait3A_135 = arith.constant 0 : i32
      %dma_wait3A_136 = tpu.memref_slice %arg4[%add3A_50, %dma_wait3A_135] : memref<262144x128xf32, #tpu.memory_space<hbm>> -> memref<512x128xf32, #tpu.memory_space<hbm>>
      tpu.wait_dma2 semaphore(%run_scoped3A : memref<!tpu.dma_semaphore, #tpu.memory_space<semaphore_mem>>) src(%arg6 : memref<512x128xf32, #tpu.memory_space<vmem>>) dst(%dma_wait3A_136 : memref<512x128xf32, #tpu.memory_space<hbm>>)
      tpu.yield
    }) : () -> ()
    %add3A_57 = arith.constant 3584 : i32
    %add3A_58 = arith.addi %mul3A_2, %add3A_57 : i32
    "tpu.region"() ({
      %run_scoped3A = tpu.sem_alloc : memref<!tpu.dma_semaphore, #tpu.memory_space<semaphore_mem>>
      %dma_start3A_129 = tpu.memref_slice %arg3[%add3A_58] : memref<262144xi32, #tpu.memory_space<hbm>> -> memref<512xi32, #tpu.memory_space<hbm>>
      %dma_start3A_130 = tpu.memref_slice %arg3[%add3A_58] : memref<262144xi32, #tpu.memory_space<hbm>> -> memref<512xi32, #tpu.memory_space<hbm>>
      tpu.enqueue_dma source(%dma_start3A_130 : memref<512xi32, #tpu.memory_space<hbm>>) target(%arg5 : memref<512xi32, #tpu.memory_space<vmem>>) target_semaphore(%run_scoped3A : memref<!tpu.dma_semaphore, #tpu.memory_space<semaphore_mem>>)
      %dma_wait3A_131 = tpu.memref_slice %arg3[%add3A_58] : memref<262144xi32, #tpu.memory_space<hbm>> -> memref<512xi32, #tpu.memory_space<hbm>>
      %dma_wait3A_132 = tpu.memref_slice %arg3[%add3A_58] : memref<262144xi32, #tpu.memory_space<hbm>> -> memref<512xi32, #tpu.memory_space<hbm>>
      tpu.wait_dma2 semaphore(%run_scoped3A : memref<!tpu.dma_semaphore, #tpu.memory_space<semaphore_mem>>) src(%dma_wait3A_132 : memref<512xi32, #tpu.memory_space<hbm>>) dst(%arg5 : memref<512xi32, #tpu.memory_space<vmem>>)
      tpu.yield
    }) : () -> ()
    %dma_start3A_59 = arith.constant 0 : i32
    %dma_start3A_60 = arith.constant 0 : i32
    %dma_start3A_61 = tpu.memref_slice %arg2[%dma_start3A_59, %dma_start3A_60] : memref<32768x128xf32, #tpu.memory_space<hbm>> -> memref<32768x128xf32, #tpu.memory_space<hbm>>
    tpu.enqueue_indirect_dma source(%dma_start3A_61 : memref<32768x128xf32, #tpu.memory_space<hbm>>) target(%arg6 : memref<512x128xf32, #tpu.memory_space<vmem>>) offsets(%arg5 : memref<512xi32, #tpu.memory_space<vmem>>) semaphore(%arg7 : memref<!tpu.dma_semaphore, #tpu.memory_space<semaphore_mem>>)
    %dma_wait3A_62 = arith.constant 0 : i32
    %dma_wait3A_63 = arith.constant 0 : i32
    %dma_wait3A_64 = tpu.memref_slice %arg2[%dma_wait3A_62, %dma_wait3A_63] : memref<32768x128xf32, #tpu.memory_space<hbm>> -> memref<32768x128xf32, #tpu.memory_space<hbm>>
    tpu.wait_indirect_dma semaphore(%arg7 : memref<!tpu.dma_semaphore, #tpu.memory_space<semaphore_mem>>) src(%dma_wait3A_64 : memref<32768x128xf32, #tpu.memory_space<hbm>>) dst(%arg6 : memref<512x128xf32, #tpu.memory_space<vmem>>)
    "tpu.region"() ({
      %run_scoped3A = tpu.sem_alloc : memref<!tpu.dma_semaphore, #tpu.memory_space<semaphore_mem>>
      %dma_start3A_129 = arith.constant 0 : i32
      %dma_start3A_130 = tpu.memref_slice %arg4[%add3A_58, %dma_start3A_129] : memref<262144x128xf32, #tpu.memory_space<hbm>> -> memref<512x128xf32, #tpu.memory_space<hbm>>
      %dma_start3A_131 = arith.constant 0 : i32
      %dma_start3A_132 = tpu.memref_slice %arg4[%add3A_58, %dma_start3A_131] : memref<262144x128xf32, #tpu.memory_space<hbm>> -> memref<512x128xf32, #tpu.memory_space<hbm>>
      tpu.enqueue_dma source(%arg6 : memref<512x128xf32, #tpu.memory_space<vmem>>) target(%dma_start3A_132 : memref<512x128xf32, #tpu.memory_space<hbm>>) target_semaphore(%run_scoped3A : memref<!tpu.dma_semaphore, #tpu.memory_space<semaphore_mem>>)
      %dma_wait3A_133 = arith.constant 0 : i32
      %dma_wait3A_134 = tpu.memref_slice %arg4[%add3A_58, %dma_wait3A_133] : memref<262144x128xf32, #tpu.memory_space<hbm>> -> memref<512x128xf32, #tpu.memory_space<hbm>>
      %dma_wait3A_135 = arith.constant 0 : i32
      %dma_wait3A_136 = tpu.memref_slice %arg4[%add3A_58, %dma_wait3A_135] : memref<262144x128xf32, #tpu.memory_space<hbm>> -> memref<512x128xf32, #tpu.memory_space<hbm>>
      tpu.wait_dma2 semaphore(%run_scoped3A : memref<!tpu.dma_semaphore, #tpu.memory_space<semaphore_mem>>) src(%arg6 : memref<512x128xf32, #tpu.memory_space<vmem>>) dst(%dma_wait3A_136 : memref<512x128xf32, #tpu.memory_space<hbm>>)
      tpu.yield
    }) : () -> ()
    %add3A_65 = arith.constant 4096 : i32
    %add3A_66 = arith.addi %mul3A_2, %add3A_65 : i32
    "tpu.region"() ({
      %run_scoped3A = tpu.sem_alloc : memref<!tpu.dma_semaphore, #tpu.memory_space<semaphore_mem>>
      %dma_start3A_129 = tpu.memref_slice %arg3[%add3A_66] : memref<262144xi32, #tpu.memory_space<hbm>> -> memref<512xi32, #tpu.memory_space<hbm>>
      %dma_start3A_130 = tpu.memref_slice %arg3[%add3A_66] : memref<262144xi32, #tpu.memory_space<hbm>> -> memref<512xi32, #tpu.memory_space<hbm>>
      tpu.enqueue_dma source(%dma_start3A_130 : memref<512xi32, #tpu.memory_space<hbm>>) target(%arg5 : memref<512xi32, #tpu.memory_space<vmem>>) target_semaphore(%run_scoped3A : memref<!tpu.dma_semaphore, #tpu.memory_space<semaphore_mem>>)
      %dma_wait3A_131 = tpu.memref_slice %arg3[%add3A_66] : memref<262144xi32, #tpu.memory_space<hbm>> -> memref<512xi32, #tpu.memory_space<hbm>>
      %dma_wait3A_132 = tpu.memref_slice %arg3[%add3A_66] : memref<262144xi32, #tpu.memory_space<hbm>> -> memref<512xi32, #tpu.memory_space<hbm>>
      tpu.wait_dma2 semaphore(%run_scoped3A : memref<!tpu.dma_semaphore, #tpu.memory_space<semaphore_mem>>) src(%dma_wait3A_132 : memref<512xi32, #tpu.memory_space<hbm>>) dst(%arg5 : memref<512xi32, #tpu.memory_space<vmem>>)
      tpu.yield
    }) : () -> ()
    %dma_start3A_67 = arith.constant 0 : i32
    %dma_start3A_68 = arith.constant 0 : i32
    %dma_start3A_69 = tpu.memref_slice %arg2[%dma_start3A_67, %dma_start3A_68] : memref<32768x128xf32, #tpu.memory_space<hbm>> -> memref<32768x128xf32, #tpu.memory_space<hbm>>
    tpu.enqueue_indirect_dma source(%dma_start3A_69 : memref<32768x128xf32, #tpu.memory_space<hbm>>) target(%arg6 : memref<512x128xf32, #tpu.memory_space<vmem>>) offsets(%arg5 : memref<512xi32, #tpu.memory_space<vmem>>) semaphore(%arg7 : memref<!tpu.dma_semaphore, #tpu.memory_space<semaphore_mem>>)
    %dma_wait3A_70 = arith.constant 0 : i32
    %dma_wait3A_71 = arith.constant 0 : i32
    %dma_wait3A_72 = tpu.memref_slice %arg2[%dma_wait3A_70, %dma_wait3A_71] : memref<32768x128xf32, #tpu.memory_space<hbm>> -> memref<32768x128xf32, #tpu.memory_space<hbm>>
    tpu.wait_indirect_dma semaphore(%arg7 : memref<!tpu.dma_semaphore, #tpu.memory_space<semaphore_mem>>) src(%dma_wait3A_72 : memref<32768x128xf32, #tpu.memory_space<hbm>>) dst(%arg6 : memref<512x128xf32, #tpu.memory_space<vmem>>)
    "tpu.region"() ({
      %run_scoped3A = tpu.sem_alloc : memref<!tpu.dma_semaphore, #tpu.memory_space<semaphore_mem>>
      %dma_start3A_129 = arith.constant 0 : i32
      %dma_start3A_130 = tpu.memref_slice %arg4[%add3A_66, %dma_start3A_129] : memref<262144x128xf32, #tpu.memory_space<hbm>> -> memref<512x128xf32, #tpu.memory_space<hbm>>
      %dma_start3A_131 = arith.constant 0 : i32
      %dma_start3A_132 = tpu.memref_slice %arg4[%add3A_66, %dma_start3A_131] : memref<262144x128xf32, #tpu.memory_space<hbm>> -> memref<512x128xf32, #tpu.memory_space<hbm>>
      tpu.enqueue_dma source(%arg6 : memref<512x128xf32, #tpu.memory_space<vmem>>) target(%dma_start3A_132 : memref<512x128xf32, #tpu.memory_space<hbm>>) target_semaphore(%run_scoped3A : memref<!tpu.dma_semaphore, #tpu.memory_space<semaphore_mem>>)
      %dma_wait3A_133 = arith.constant 0 : i32
      %dma_wait3A_134 = tpu.memref_slice %arg4[%add3A_66, %dma_wait3A_133] : memref<262144x128xf32, #tpu.memory_space<hbm>> -> memref<512x128xf32, #tpu.memory_space<hbm>>
      %dma_wait3A_135 = arith.constant 0 : i32
      %dma_wait3A_136 = tpu.memref_slice %arg4[%add3A_66, %dma_wait3A_135] : memref<262144x128xf32, #tpu.memory_space<hbm>> -> memref<512x128xf32, #tpu.memory_space<hbm>>
      tpu.wait_dma2 semaphore(%run_scoped3A : memref<!tpu.dma_semaphore, #tpu.memory_space<semaphore_mem>>) src(%arg6 : memref<512x128xf32, #tpu.memory_space<vmem>>) dst(%dma_wait3A_136 : memref<512x128xf32, #tpu.memory_space<hbm>>)
      tpu.yield
    }) : () -> ()
    %add3A_73 = arith.constant 4608 : i32
    %add3A_74 = arith.addi %mul3A_2, %add3A_73 : i32
    "tpu.region"() ({
      %run_scoped3A = tpu.sem_alloc : memref<!tpu.dma_semaphore, #tpu.memory_space<semaphore_mem>>
      %dma_start3A_129 = tpu.memref_slice %arg3[%add3A_74] : memref<262144xi32, #tpu.memory_space<hbm>> -> memref<512xi32, #tpu.memory_space<hbm>>
      %dma_start3A_130 = tpu.memref_slice %arg3[%add3A_74] : memref<262144xi32, #tpu.memory_space<hbm>> -> memref<512xi32, #tpu.memory_space<hbm>>
      tpu.enqueue_dma source(%dma_start3A_130 : memref<512xi32, #tpu.memory_space<hbm>>) target(%arg5 : memref<512xi32, #tpu.memory_space<vmem>>) target_semaphore(%run_scoped3A : memref<!tpu.dma_semaphore, #tpu.memory_space<semaphore_mem>>)
      %dma_wait3A_131 = tpu.memref_slice %arg3[%add3A_74] : memref<262144xi32, #tpu.memory_space<hbm>> -> memref<512xi32, #tpu.memory_space<hbm>>
      %dma_wait3A_132 = tpu.memref_slice %arg3[%add3A_74] : memref<262144xi32, #tpu.memory_space<hbm>> -> memref<512xi32, #tpu.memory_space<hbm>>
      tpu.wait_dma2 semaphore(%run_scoped3A : memref<!tpu.dma_semaphore, #tpu.memory_space<semaphore_mem>>) src(%dma_wait3A_132 : memref<512xi32, #tpu.memory_space<hbm>>) dst(%arg5 : memref<512xi32, #tpu.memory_space<vmem>>)
      tpu.yield
    }) : () -> ()
    %dma_start3A_75 = arith.constant 0 : i32
    %dma_start3A_76 = arith.constant 0 : i32
    %dma_start3A_77 = tpu.memref_slice %arg2[%dma_start3A_75, %dma_start3A_76] : memref<32768x128xf32, #tpu.memory_space<hbm>> -> memref<32768x128xf32, #tpu.memory_space<hbm>>
    tpu.enqueue_indirect_dma source(%dma_start3A_77 : memref<32768x128xf32, #tpu.memory_space<hbm>>) target(%arg6 : memref<512x128xf32, #tpu.memory_space<vmem>>) offsets(%arg5 : memref<512xi32, #tpu.memory_space<vmem>>) semaphore(%arg7 : memref<!tpu.dma_semaphore, #tpu.memory_space<semaphore_mem>>)
    %dma_wait3A_78 = arith.constant 0 : i32
    %dma_wait3A_79 = arith.constant 0 : i32
    %dma_wait3A_80 = tpu.memref_slice %arg2[%dma_wait3A_78, %dma_wait3A_79] : memref<32768x128xf32, #tpu.memory_space<hbm>> -> memref<32768x128xf32, #tpu.memory_space<hbm>>
    tpu.wait_indirect_dma semaphore(%arg7 : memref<!tpu.dma_semaphore, #tpu.memory_space<semaphore_mem>>) src(%dma_wait3A_80 : memref<32768x128xf32, #tpu.memory_space<hbm>>) dst(%arg6 : memref<512x128xf32, #tpu.memory_space<vmem>>)
    "tpu.region"() ({
      %run_scoped3A = tpu.sem_alloc : memref<!tpu.dma_semaphore, #tpu.memory_space<semaphore_mem>>
      %dma_start3A_129 = arith.constant 0 : i32
      %dma_start3A_130 = tpu.memref_slice %arg4[%add3A_74, %dma_start3A_129] : memref<262144x128xf32, #tpu.memory_space<hbm>> -> memref<512x128xf32, #tpu.memory_space<hbm>>
      %dma_start3A_131 = arith.constant 0 : i32
      %dma_start3A_132 = tpu.memref_slice %arg4[%add3A_74, %dma_start3A_131] : memref<262144x128xf32, #tpu.memory_space<hbm>> -> memref<512x128xf32, #tpu.memory_space<hbm>>
      tpu.enqueue_dma source(%arg6 : memref<512x128xf32, #tpu.memory_space<vmem>>) target(%dma_start3A_132 : memref<512x128xf32, #tpu.memory_space<hbm>>) target_semaphore(%run_scoped3A : memref<!tpu.dma_semaphore, #tpu.memory_space<semaphore_mem>>)
      %dma_wait3A_133 = arith.constant 0 : i32
      %dma_wait3A_134 = tpu.memref_slice %arg4[%add3A_74, %dma_wait3A_133] : memref<262144x128xf32, #tpu.memory_space<hbm>> -> memref<512x128xf32, #tpu.memory_space<hbm>>
      %dma_wait3A_135 = arith.constant 0 : i32
      %dma_wait3A_136 = tpu.memref_slice %arg4[%add3A_74, %dma_wait3A_135] : memref<262144x128xf32, #tpu.memory_space<hbm>> -> memref<512x128xf32, #tpu.memory_space<hbm>>
      tpu.wait_dma2 semaphore(%run_scoped3A : memref<!tpu.dma_semaphore, #tpu.memory_space<semaphore_mem>>) src(%arg6 : memref<512x128xf32, #tpu.memory_space<vmem>>) dst(%dma_wait3A_136 : memref<512x128xf32, #tpu.memory_space<hbm>>)
      tpu.yield
    }) : () -> ()
    %add3A_81 = arith.constant 5120 : i32
    %add3A_82 = arith.addi %mul3A_2, %add3A_81 : i32
    "tpu.region"() ({
      %run_scoped3A = tpu.sem_alloc : memref<!tpu.dma_semaphore, #tpu.memory_space<semaphore_mem>>
      %dma_start3A_129 = tpu.memref_slice %arg3[%add3A_82] : memref<262144xi32, #tpu.memory_space<hbm>> -> memref<512xi32, #tpu.memory_space<hbm>>
      %dma_start3A_130 = tpu.memref_slice %arg3[%add3A_82] : memref<262144xi32, #tpu.memory_space<hbm>> -> memref<512xi32, #tpu.memory_space<hbm>>
      tpu.enqueue_dma source(%dma_start3A_130 : memref<512xi32, #tpu.memory_space<hbm>>) target(%arg5 : memref<512xi32, #tpu.memory_space<vmem>>) target_semaphore(%run_scoped3A : memref<!tpu.dma_semaphore, #tpu.memory_space<semaphore_mem>>)
      %dma_wait3A_131 = tpu.memref_slice %arg3[%add3A_82] : memref<262144xi32, #tpu.memory_space<hbm>> -> memref<512xi32, #tpu.memory_space<hbm>>
      %dma_wait3A_132 = tpu.memref_slice %arg3[%add3A_82] : memref<262144xi32, #tpu.memory_space<hbm>> -> memref<512xi32, #tpu.memory_space<hbm>>
      tpu.wait_dma2 semaphore(%run_scoped3A : memref<!tpu.dma_semaphore, #tpu.memory_space<semaphore_mem>>) src(%dma_wait3A_132 : memref<512xi32, #tpu.memory_space<hbm>>) dst(%arg5 : memref<512xi32, #tpu.memory_space<vmem>>)
      tpu.yield
    }) : () -> ()
    %dma_start3A_83 = arith.constant 0 : i32
    %dma_start3A_84 = arith.constant 0 : i32
    %dma_start3A_85 = tpu.memref_slice %arg2[%dma_start3A_83, %dma_start3A_84] : memref<32768x128xf32, #tpu.memory_space<hbm>> -> memref<32768x128xf32, #tpu.memory_space<hbm>>
    tpu.enqueue_indirect_dma source(%dma_start3A_85 : memref<32768x128xf32, #tpu.memory_space<hbm>>) target(%arg6 : memref<512x128xf32, #tpu.memory_space<vmem>>) offsets(%arg5 : memref<512xi32, #tpu.memory_space<vmem>>) semaphore(%arg7 : memref<!tpu.dma_semaphore, #tpu.memory_space<semaphore_mem>>)
    %dma_wait3A_86 = arith.constant 0 : i32
    %dma_wait3A_87 = arith.constant 0 : i32
    %dma_wait3A_88 = tpu.memref_slice %arg2[%dma_wait3A_86, %dma_wait3A_87] : memref<32768x128xf32, #tpu.memory_space<hbm>> -> memref<32768x128xf32, #tpu.memory_space<hbm>>
    tpu.wait_indirect_dma semaphore(%arg7 : memref<!tpu.dma_semaphore, #tpu.memory_space<semaphore_mem>>) src(%dma_wait3A_88 : memref<32768x128xf32, #tpu.memory_space<hbm>>) dst(%arg6 : memref<512x128xf32, #tpu.memory_space<vmem>>)
    "tpu.region"() ({
      %run_scoped3A = tpu.sem_alloc : memref<!tpu.dma_semaphore, #tpu.memory_space<semaphore_mem>>
      %dma_start3A_129 = arith.constant 0 : i32
      %dma_start3A_130 = tpu.memref_slice %arg4[%add3A_82, %dma_start3A_129] : memref<262144x128xf32, #tpu.memory_space<hbm>> -> memref<512x128xf32, #tpu.memory_space<hbm>>
      %dma_start3A_131 = arith.constant 0 : i32
      %dma_start3A_132 = tpu.memref_slice %arg4[%add3A_82, %dma_start3A_131] : memref<262144x128xf32, #tpu.memory_space<hbm>> -> memref<512x128xf32, #tpu.memory_space<hbm>>
      tpu.enqueue_dma source(%arg6 : memref<512x128xf32, #tpu.memory_space<vmem>>) target(%dma_start3A_132 : memref<512x128xf32, #tpu.memory_space<hbm>>) target_semaphore(%run_scoped3A : memref<!tpu.dma_semaphore, #tpu.memory_space<semaphore_mem>>)
      %dma_wait3A_133 = arith.constant 0 : i32
      %dma_wait3A_134 = tpu.memref_slice %arg4[%add3A_82, %dma_wait3A_133] : memref<262144x128xf32, #tpu.memory_space<hbm>> -> memref<512x128xf32, #tpu.memory_space<hbm>>
      %dma_wait3A_135 = arith.constant 0 : i32
      %dma_wait3A_136 = tpu.memref_slice %arg4[%add3A_82, %dma_wait3A_135] : memref<262144x128xf32, #tpu.memory_space<hbm>> -> memref<512x128xf32, #tpu.memory_space<hbm>>
      tpu.wait_dma2 semaphore(%run_scoped3A : memref<!tpu.dma_semaphore, #tpu.memory_space<semaphore_mem>>) src(%arg6 : memref<512x128xf32, #tpu.memory_space<vmem>>) dst(%dma_wait3A_136 : memref<512x128xf32, #tpu.memory_space<hbm>>)
      tpu.yield
    }) : () -> ()
    %add3A_89 = arith.constant 5632 : i32
    %add3A_90 = arith.addi %mul3A_2, %add3A_89 : i32
    "tpu.region"() ({
      %run_scoped3A = tpu.sem_alloc : memref<!tpu.dma_semaphore, #tpu.memory_space<semaphore_mem>>
      %dma_start3A_129 = tpu.memref_slice %arg3[%add3A_90] : memref<262144xi32, #tpu.memory_space<hbm>> -> memref<512xi32, #tpu.memory_space<hbm>>
      %dma_start3A_130 = tpu.memref_slice %arg3[%add3A_90] : memref<262144xi32, #tpu.memory_space<hbm>> -> memref<512xi32, #tpu.memory_space<hbm>>
      tpu.enqueue_dma source(%dma_start3A_130 : memref<512xi32, #tpu.memory_space<hbm>>) target(%arg5 : memref<512xi32, #tpu.memory_space<vmem>>) target_semaphore(%run_scoped3A : memref<!tpu.dma_semaphore, #tpu.memory_space<semaphore_mem>>)
      %dma_wait3A_131 = tpu.memref_slice %arg3[%add3A_90] : memref<262144xi32, #tpu.memory_space<hbm>> -> memref<512xi32, #tpu.memory_space<hbm>>
      %dma_wait3A_132 = tpu.memref_slice %arg3[%add3A_90] : memref<262144xi32, #tpu.memory_space<hbm>> -> memref<512xi32, #tpu.memory_space<hbm>>
      tpu.wait_dma2 semaphore(%run_scoped3A : memref<!tpu.dma_semaphore, #tpu.memory_space<semaphore_mem>>) src(%dma_wait3A_132 : memref<512xi32, #tpu.memory_space<hbm>>) dst(%arg5 : memref<512xi32, #tpu.memory_space<vmem>>)
      tpu.yield
    }) : () -> ()
    %dma_start3A_91 = arith.constant 0 : i32
    %dma_start3A_92 = arith.constant 0 : i32
    %dma_start3A_93 = tpu.memref_slice %arg2[%dma_start3A_91, %dma_start3A_92] : memref<32768x128xf32, #tpu.memory_space<hbm>> -> memref<32768x128xf32, #tpu.memory_space<hbm>>
    tpu.enqueue_indirect_dma source(%dma_start3A_93 : memref<32768x128xf32, #tpu.memory_space<hbm>>) target(%arg6 : memref<512x128xf32, #tpu.memory_space<vmem>>) offsets(%arg5 : memref<512xi32, #tpu.memory_space<vmem>>) semaphore(%arg7 : memref<!tpu.dma_semaphore, #tpu.memory_space<semaphore_mem>>)
    %dma_wait3A_94 = arith.constant 0 : i32
    %dma_wait3A_95 = arith.constant 0 : i32
    %dma_wait3A_96 = tpu.memref_slice %arg2[%dma_wait3A_94, %dma_wait3A_95] : memref<32768x128xf32, #tpu.memory_space<hbm>> -> memref<32768x128xf32, #tpu.memory_space<hbm>>
    tpu.wait_indirect_dma semaphore(%arg7 : memref<!tpu.dma_semaphore, #tpu.memory_space<semaphore_mem>>) src(%dma_wait3A_96 : memref<32768x128xf32, #tpu.memory_space<hbm>>) dst(%arg6 : memref<512x128xf32, #tpu.memory_space<vmem>>)
    "tpu.region"() ({
      %run_scoped3A = tpu.sem_alloc : memref<!tpu.dma_semaphore, #tpu.memory_space<semaphore_mem>>
      %dma_start3A_129 = arith.constant 0 : i32
      %dma_start3A_130 = tpu.memref_slice %arg4[%add3A_90, %dma_start3A_129] : memref<262144x128xf32, #tpu.memory_space<hbm>> -> memref<512x128xf32, #tpu.memory_space<hbm>>
      %dma_start3A_131 = arith.constant 0 : i32
      %dma_start3A_132 = tpu.memref_slice %arg4[%add3A_90, %dma_start3A_131] : memref<262144x128xf32, #tpu.memory_space<hbm>> -> memref<512x128xf32, #tpu.memory_space<hbm>>
      tpu.enqueue_dma source(%arg6 : memref<512x128xf32, #tpu.memory_space<vmem>>) target(%dma_start3A_132 : memref<512x128xf32, #tpu.memory_space<hbm>>) target_semaphore(%run_scoped3A : memref<!tpu.dma_semaphore, #tpu.memory_space<semaphore_mem>>)
      %dma_wait3A_133 = arith.constant 0 : i32
      %dma_wait3A_134 = tpu.memref_slice %arg4[%add3A_90, %dma_wait3A_133] : memref<262144x128xf32, #tpu.memory_space<hbm>> -> memref<512x128xf32, #tpu.memory_space<hbm>>
      %dma_wait3A_135 = arith.constant 0 : i32
      %dma_wait3A_136 = tpu.memref_slice %arg4[%add3A_90, %dma_wait3A_135] : memref<262144x128xf32, #tpu.memory_space<hbm>> -> memref<512x128xf32, #tpu.memory_space<hbm>>
      tpu.wait_dma2 semaphore(%run_scoped3A : memref<!tpu.dma_semaphore, #tpu.memory_space<semaphore_mem>>) src(%arg6 : memref<512x128xf32, #tpu.memory_space<vmem>>) dst(%dma_wait3A_136 : memref<512x128xf32, #tpu.memory_space<hbm>>)
      tpu.yield
    }) : () -> ()
    %add3A_97 = arith.constant 6144 : i32
    %add3A_98 = arith.addi %mul3A_2, %add3A_97 : i32
    "tpu.region"() ({
      %run_scoped3A = tpu.sem_alloc : memref<!tpu.dma_semaphore, #tpu.memory_space<semaphore_mem>>
      %dma_start3A_129 = tpu.memref_slice %arg3[%add3A_98] : memref<262144xi32, #tpu.memory_space<hbm>> -> memref<512xi32, #tpu.memory_space<hbm>>
      %dma_start3A_130 = tpu.memref_slice %arg3[%add3A_98] : memref<262144xi32, #tpu.memory_space<hbm>> -> memref<512xi32, #tpu.memory_space<hbm>>
      tpu.enqueue_dma source(%dma_start3A_130 : memref<512xi32, #tpu.memory_space<hbm>>) target(%arg5 : memref<512xi32, #tpu.memory_space<vmem>>) target_semaphore(%run_scoped3A : memref<!tpu.dma_semaphore, #tpu.memory_space<semaphore_mem>>)
      %dma_wait3A_131 = tpu.memref_slice %arg3[%add3A_98] : memref<262144xi32, #tpu.memory_space<hbm>> -> memref<512xi32, #tpu.memory_space<hbm>>
      %dma_wait3A_132 = tpu.memref_slice %arg3[%add3A_98] : memref<262144xi32, #tpu.memory_space<hbm>> -> memref<512xi32, #tpu.memory_space<hbm>>
      tpu.wait_dma2 semaphore(%run_scoped3A : memref<!tpu.dma_semaphore, #tpu.memory_space<semaphore_mem>>) src(%dma_wait3A_132 : memref<512xi32, #tpu.memory_space<hbm>>) dst(%arg5 : memref<512xi32, #tpu.memory_space<vmem>>)
      tpu.yield
    }) : () -> ()
    %dma_start3A_99 = arith.constant 0 : i32
    %dma_start3A_100 = arith.constant 0 : i32
    %dma_start3A_101 = tpu.memref_slice %arg2[%dma_start3A_99, %dma_start3A_100] : memref<32768x128xf32, #tpu.memory_space<hbm>> -> memref<32768x128xf32, #tpu.memory_space<hbm>>
    tpu.enqueue_indirect_dma source(%dma_start3A_101 : memref<32768x128xf32, #tpu.memory_space<hbm>>) target(%arg6 : memref<512x128xf32, #tpu.memory_space<vmem>>) offsets(%arg5 : memref<512xi32, #tpu.memory_space<vmem>>) semaphore(%arg7 : memref<!tpu.dma_semaphore, #tpu.memory_space<semaphore_mem>>)
    %dma_wait3A_102 = arith.constant 0 : i32
    %dma_wait3A_103 = arith.constant 0 : i32
    %dma_wait3A_104 = tpu.memref_slice %arg2[%dma_wait3A_102, %dma_wait3A_103] : memref<32768x128xf32, #tpu.memory_space<hbm>> -> memref<32768x128xf32, #tpu.memory_space<hbm>>
    tpu.wait_indirect_dma semaphore(%arg7 : memref<!tpu.dma_semaphore, #tpu.memory_space<semaphore_mem>>) src(%dma_wait3A_104 : memref<32768x128xf32, #tpu.memory_space<hbm>>) dst(%arg6 : memref<512x128xf32, #tpu.memory_space<vmem>>)
    "tpu.region"() ({
      %run_scoped3A = tpu.sem_alloc : memref<!tpu.dma_semaphore, #tpu.memory_space<semaphore_mem>>
      %dma_start3A_129 = arith.constant 0 : i32
      %dma_start3A_130 = tpu.memref_slice %arg4[%add3A_98, %dma_start3A_129] : memref<262144x128xf32, #tpu.memory_space<hbm>> -> memref<512x128xf32, #tpu.memory_space<hbm>>
      %dma_start3A_131 = arith.constant 0 : i32
      %dma_start3A_132 = tpu.memref_slice %arg4[%add3A_98, %dma_start3A_131] : memref<262144x128xf32, #tpu.memory_space<hbm>> -> memref<512x128xf32, #tpu.memory_space<hbm>>
      tpu.enqueue_dma source(%arg6 : memref<512x128xf32, #tpu.memory_space<vmem>>) target(%dma_start3A_132 : memref<512x128xf32, #tpu.memory_space<hbm>>) target_semaphore(%run_scoped3A : memref<!tpu.dma_semaphore, #tpu.memory_space<semaphore_mem>>)
      %dma_wait3A_133 = arith.constant 0 : i32
      %dma_wait3A_134 = tpu.memref_slice %arg4[%add3A_98, %dma_wait3A_133] : memref<262144x128xf32, #tpu.memory_space<hbm>> -> memref<512x128xf32, #tpu.memory_space<hbm>>
      %dma_wait3A_135 = arith.constant 0 : i32
      %dma_wait3A_136 = tpu.memref_slice %arg4[%add3A_98, %dma_wait3A_135] : memref<262144x128xf32, #tpu.memory_space<hbm>> -> memref<512x128xf32, #tpu.memory_space<hbm>>
      tpu.wait_dma2 semaphore(%run_scoped3A : memref<!tpu.dma_semaphore, #tpu.memory_space<semaphore_mem>>) src(%arg6 : memref<512x128xf32, #tpu.memory_space<vmem>>) dst(%dma_wait3A_136 : memref<512x128xf32, #tpu.memory_space<hbm>>)
      tpu.yield
    }) : () -> ()
    %add3A_105 = arith.constant 6656 : i32
    %add3A_106 = arith.addi %mul3A_2, %add3A_105 : i32
    "tpu.region"() ({
      %run_scoped3A = tpu.sem_alloc : memref<!tpu.dma_semaphore, #tpu.memory_space<semaphore_mem>>
      %dma_start3A_129 = tpu.memref_slice %arg3[%add3A_106] : memref<262144xi32, #tpu.memory_space<hbm>> -> memref<512xi32, #tpu.memory_space<hbm>>
      %dma_start3A_130 = tpu.memref_slice %arg3[%add3A_106] : memref<262144xi32, #tpu.memory_space<hbm>> -> memref<512xi32, #tpu.memory_space<hbm>>
      tpu.enqueue_dma source(%dma_start3A_130 : memref<512xi32, #tpu.memory_space<hbm>>) target(%arg5 : memref<512xi32, #tpu.memory_space<vmem>>) target_semaphore(%run_scoped3A : memref<!tpu.dma_semaphore, #tpu.memory_space<semaphore_mem>>)
      %dma_wait3A_131 = tpu.memref_slice %arg3[%add3A_106] : memref<262144xi32, #tpu.memory_space<hbm>> -> memref<512xi32, #tpu.memory_space<hbm>>
      %dma_wait3A_132 = tpu.memref_slice %arg3[%add3A_106] : memref<262144xi32, #tpu.memory_space<hbm>> -> memref<512xi32, #tpu.memory_space<hbm>>
      tpu.wait_dma2 semaphore(%run_scoped3A : memref<!tpu.dma_semaphore, #tpu.memory_space<semaphore_mem>>) src(%dma_wait3A_132 : memref<512xi32, #tpu.memory_space<hbm>>) dst(%arg5 : memref<512xi32, #tpu.memory_space<vmem>>)
      tpu.yield
    }) : () -> ()
    %dma_start3A_107 = arith.constant 0 : i32
    %dma_start3A_108 = arith.constant 0 : i32
    %dma_start3A_109 = tpu.memref_slice %arg2[%dma_start3A_107, %dma_start3A_108] : memref<32768x128xf32, #tpu.memory_space<hbm>> -> memref<32768x128xf32, #tpu.memory_space<hbm>>
    tpu.enqueue_indirect_dma source(%dma_start3A_109 : memref<32768x128xf32, #tpu.memory_space<hbm>>) target(%arg6 : memref<512x128xf32, #tpu.memory_space<vmem>>) offsets(%arg5 : memref<512xi32, #tpu.memory_space<vmem>>) semaphore(%arg7 : memref<!tpu.dma_semaphore, #tpu.memory_space<semaphore_mem>>)
    %dma_wait3A_110 = arith.constant 0 : i32
    %dma_wait3A_111 = arith.constant 0 : i32
    %dma_wait3A_112 = tpu.memref_slice %arg2[%dma_wait3A_110, %dma_wait3A_111] : memref<32768x128xf32, #tpu.memory_space<hbm>> -> memref<32768x128xf32, #tpu.memory_space<hbm>>
    tpu.wait_indirect_dma semaphore(%arg7 : memref<!tpu.dma_semaphore, #tpu.memory_space<semaphore_mem>>) src(%dma_wait3A_112 : memref<32768x128xf32, #tpu.memory_space<hbm>>) dst(%arg6 : memref<512x128xf32, #tpu.memory_space<vmem>>)
    "tpu.region"() ({
      %run_scoped3A = tpu.sem_alloc : memref<!tpu.dma_semaphore, #tpu.memory_space<semaphore_mem>>
      %dma_start3A_129 = arith.constant 0 : i32
      %dma_start3A_130 = tpu.memref_slice %arg4[%add3A_106, %dma_start3A_129] : memref<262144x128xf32, #tpu.memory_space<hbm>> -> memref<512x128xf32, #tpu.memory_space<hbm>>
      %dma_start3A_131 = arith.constant 0 : i32
      %dma_start3A_132 = tpu.memref_slice %arg4[%add3A_106, %dma_start3A_131] : memref<262144x128xf32, #tpu.memory_space<hbm>> -> memref<512x128xf32, #tpu.memory_space<hbm>>
      tpu.enqueue_dma source(%arg6 : memref<512x128xf32, #tpu.memory_space<vmem>>) target(%dma_start3A_132 : memref<512x128xf32, #tpu.memory_space<hbm>>) target_semaphore(%run_scoped3A : memref<!tpu.dma_semaphore, #tpu.memory_space<semaphore_mem>>)
      %dma_wait3A_133 = arith.constant 0 : i32
      %dma_wait3A_134 = tpu.memref_slice %arg4[%add3A_106, %dma_wait3A_133] : memref<262144x128xf32, #tpu.memory_space<hbm>> -> memref<512x128xf32, #tpu.memory_space<hbm>>
      %dma_wait3A_135 = arith.constant 0 : i32
      %dma_wait3A_136 = tpu.memref_slice %arg4[%add3A_106, %dma_wait3A_135] : memref<262144x128xf32, #tpu.memory_space<hbm>> -> memref<512x128xf32, #tpu.memory_space<hbm>>
      tpu.wait_dma2 semaphore(%run_scoped3A : memref<!tpu.dma_semaphore, #tpu.memory_space<semaphore_mem>>) src(%arg6 : memref<512x128xf32, #tpu.memory_space<vmem>>) dst(%dma_wait3A_136 : memref<512x128xf32, #tpu.memory_space<hbm>>)
      tpu.yield
    }) : () -> ()
    %add3A_113 = arith.constant 7168 : i32
    %add3A_114 = arith.addi %mul3A_2, %add3A_113 : i32
    "tpu.region"() ({
      %run_scoped3A = tpu.sem_alloc : memref<!tpu.dma_semaphore, #tpu.memory_space<semaphore_mem>>
      %dma_start3A_129 = tpu.memref_slice %arg3[%add3A_114] : memref<262144xi32, #tpu.memory_space<hbm>> -> memref<512xi32, #tpu.memory_space<hbm>>
      %dma_start3A_130 = tpu.memref_slice %arg3[%add3A_114] : memref<262144xi32, #tpu.memory_space<hbm>> -> memref<512xi32, #tpu.memory_space<hbm>>
      tpu.enqueue_dma source(%dma_start3A_130 : memref<512xi32, #tpu.memory_space<hbm>>) target(%arg5 : memref<512xi32, #tpu.memory_space<vmem>>) target_semaphore(%run_scoped3A : memref<!tpu.dma_semaphore, #tpu.memory_space<semaphore_mem>>)
      %dma_wait3A_131 = tpu.memref_slice %arg3[%add3A_114] : memref<262144xi32, #tpu.memory_space<hbm>> -> memref<512xi32, #tpu.memory_space<hbm>>
      %dma_wait3A_132 = tpu.memref_slice %arg3[%add3A_114] : memref<262144xi32, #tpu.memory_space<hbm>> -> memref<512xi32, #tpu.memory_space<hbm>>
      tpu.wait_dma2 semaphore(%run_scoped3A : memref<!tpu.dma_semaphore, #tpu.memory_space<semaphore_mem>>) src(%dma_wait3A_132 : memref<512xi32, #tpu.memory_space<hbm>>) dst(%arg5 : memref<512xi32, #tpu.memory_space<vmem>>)
      tpu.yield
    }) : () -> ()
    %dma_start3A_115 = arith.constant 0 : i32
    %dma_start3A_116 = arith.constant 0 : i32
    %dma_start3A_117 = tpu.memref_slice %arg2[%dma_start3A_115, %dma_start3A_116] : memref<32768x128xf32, #tpu.memory_space<hbm>> -> memref<32768x128xf32, #tpu.memory_space<hbm>>
    tpu.enqueue_indirect_dma source(%dma_start3A_117 : memref<32768x128xf32, #tpu.memory_space<hbm>>) target(%arg6 : memref<512x128xf32, #tpu.memory_space<vmem>>) offsets(%arg5 : memref<512xi32, #tpu.memory_space<vmem>>) semaphore(%arg7 : memref<!tpu.dma_semaphore, #tpu.memory_space<semaphore_mem>>)
    %dma_wait3A_118 = arith.constant 0 : i32
    %dma_wait3A_119 = arith.constant 0 : i32
    %dma_wait3A_120 = tpu.memref_slice %arg2[%dma_wait3A_118, %dma_wait3A_119] : memref<32768x128xf32, #tpu.memory_space<hbm>> -> memref<32768x128xf32, #tpu.memory_space<hbm>>
    tpu.wait_indirect_dma semaphore(%arg7 : memref<!tpu.dma_semaphore, #tpu.memory_space<semaphore_mem>>) src(%dma_wait3A_120 : memref<32768x128xf32, #tpu.memory_space<hbm>>) dst(%arg6 : memref<512x128xf32, #tpu.memory_space<vmem>>)
    "tpu.region"() ({
      %run_scoped3A = tpu.sem_alloc : memref<!tpu.dma_semaphore, #tpu.memory_space<semaphore_mem>>
      %dma_start3A_129 = arith.constant 0 : i32
      %dma_start3A_130 = tpu.memref_slice %arg4[%add3A_114, %dma_start3A_129] : memref<262144x128xf32, #tpu.memory_space<hbm>> -> memref<512x128xf32, #tpu.memory_space<hbm>>
      %dma_start3A_131 = arith.constant 0 : i32
      %dma_start3A_132 = tpu.memref_slice %arg4[%add3A_114, %dma_start3A_131] : memref<262144x128xf32, #tpu.memory_space<hbm>> -> memref<512x128xf32, #tpu.memory_space<hbm>>
      tpu.enqueue_dma source(%arg6 : memref<512x128xf32, #tpu.memory_space<vmem>>) target(%dma_start3A_132 : memref<512x128xf32, #tpu.memory_space<hbm>>) target_semaphore(%run_scoped3A : memref<!tpu.dma_semaphore, #tpu.memory_space<semaphore_mem>>)
      %dma_wait3A_133 = arith.constant 0 : i32
      %dma_wait3A_134 = tpu.memref_slice %arg4[%add3A_114, %dma_wait3A_133] : memref<262144x128xf32, #tpu.memory_space<hbm>> -> memref<512x128xf32, #tpu.memory_space<hbm>>
      %dma_wait3A_135 = arith.constant 0 : i32
      %dma_wait3A_136 = tpu.memref_slice %arg4[%add3A_114, %dma_wait3A_135] : memref<262144x128xf32, #tpu.memory_space<hbm>> -> memref<512x128xf32, #tpu.memory_space<hbm>>
      tpu.wait_dma2 semaphore(%run_scoped3A : memref<!tpu.dma_semaphore, #tpu.memory_space<semaphore_mem>>) src(%arg6 : memref<512x128xf32, #tpu.memory_space<vmem>>) dst(%dma_wait3A_136 : memref<512x128xf32, #tpu.memory_space<hbm>>)
      tpu.yield
    }) : () -> ()
    %add3A_121 = arith.constant 7680 : i32
    %add3A_122 = arith.addi %mul3A_2, %add3A_121 : i32
    "tpu.region"() ({
      %run_scoped3A = tpu.sem_alloc : memref<!tpu.dma_semaphore, #tpu.memory_space<semaphore_mem>>
      %dma_start3A_129 = tpu.memref_slice %arg3[%add3A_122] : memref<262144xi32, #tpu.memory_space<hbm>> -> memref<512xi32, #tpu.memory_space<hbm>>
      %dma_start3A_130 = tpu.memref_slice %arg3[%add3A_122] : memref<262144xi32, #tpu.memory_space<hbm>> -> memref<512xi32, #tpu.memory_space<hbm>>
      tpu.enqueue_dma source(%dma_start3A_130 : memref<512xi32, #tpu.memory_space<hbm>>) target(%arg5 : memref<512xi32, #tpu.memory_space<vmem>>) target_semaphore(%run_scoped3A : memref<!tpu.dma_semaphore, #tpu.memory_space<semaphore_mem>>)
      %dma_wait3A_131 = tpu.memref_slice %arg3[%add3A_122] : memref<262144xi32, #tpu.memory_space<hbm>> -> memref<512xi32, #tpu.memory_space<hbm>>
      %dma_wait3A_132 = tpu.memref_slice %arg3[%add3A_122] : memref<262144xi32, #tpu.memory_space<hbm>> -> memref<512xi32, #tpu.memory_space<hbm>>
      tpu.wait_dma2 semaphore(%run_scoped3A : memref<!tpu.dma_semaphore, #tpu.memory_space<semaphore_mem>>) src(%dma_wait3A_132 : memref<512xi32, #tpu.memory_space<hbm>>) dst(%arg5 : memref<512xi32, #tpu.memory_space<vmem>>)
      tpu.yield
    }) : () -> ()
    %dma_start3A_123 = arith.constant 0 : i32
    %dma_start3A_124 = arith.constant 0 : i32
    %dma_start3A_125 = tpu.memref_slice %arg2[%dma_start3A_123, %dma_start3A_124] : memref<32768x128xf32, #tpu.memory_space<hbm>> -> memref<32768x128xf32, #tpu.memory_space<hbm>>
    tpu.enqueue_indirect_dma source(%dma_start3A_125 : memref<32768x128xf32, #tpu.memory_space<hbm>>) target(%arg6 : memref<512x128xf32, #tpu.memory_space<vmem>>) offsets(%arg5 : memref<512xi32, #tpu.memory_space<vmem>>) semaphore(%arg7 : memref<!tpu.dma_semaphore, #tpu.memory_space<semaphore_mem>>)
    %dma_wait3A_126 = arith.constant 0 : i32
    %dma_wait3A_127 = arith.constant 0 : i32
    %dma_wait3A_128 = tpu.memref_slice %arg2[%dma_wait3A_126, %dma_wait3A_127] : memref<32768x128xf32, #tpu.memory_space<hbm>> -> memref<32768x128xf32, #tpu.memory_space<hbm>>
    tpu.wait_indirect_dma semaphore(%arg7 : memref<!tpu.dma_semaphore, #tpu.memory_space<semaphore_mem>>) src(%dma_wait3A_128 : memref<32768x128xf32, #tpu.memory_space<hbm>>) dst(%arg6 : memref<512x128xf32, #tpu.memory_space<vmem>>)
    "tpu.region"() ({
      %run_scoped3A = tpu.sem_alloc : memref<!tpu.dma_semaphore, #tpu.memory_space<semaphore_mem>>
      %dma_start3A_129 = arith.constant 0 : i32
      %dma_start3A_130 = tpu.memref_slice %arg4[%add3A_122, %dma_start3A_129] : memref<262144x128xf32, #tpu.memory_space<hbm>> -> memref<512x128xf32, #tpu.memory_space<hbm>>
      %dma_start3A_131 = arith.constant 0 : i32
      %dma_start3A_132 = tpu.memref_slice %arg4[%add3A_122, %dma_start3A_131] : memref<262144x128xf32, #tpu.memory_space<hbm>> -> memref<512x128xf32, #tpu.memory_space<hbm>>
      tpu.enqueue_dma source(%arg6 : memref<512x128xf32, #tpu.memory_space<vmem>>) target(%dma_start3A_132 : memref<512x128xf32, #tpu.memory_space<hbm>>) target_semaphore(%run_scoped3A : memref<!tpu.dma_semaphore, #tpu.memory_space<semaphore_mem>>)
      %dma_wait3A_133 = arith.constant 0 : i32
      %dma_wait3A_134 = tpu.memref_slice %arg4[%add3A_122, %dma_wait3A_133] : memref<262144x128xf32, #tpu.memory_space<hbm>> -> memref<512x128xf32, #tpu.memory_space<hbm>>
      %dma_wait3A_135 = arith.constant 0 : i32
      %dma_wait3A_136 = tpu.memref_slice %arg4[%add3A_122, %dma_wait3A_135] : memref<262144x128xf32, #tpu.memory_space<hbm>> -> memref<512x128xf32, #tpu.memory_space<hbm>>
      tpu.wait_dma2 semaphore(%run_scoped3A : memref<!tpu.dma_semaphore, #tpu.memory_space<semaphore_mem>>) src(%arg6 : memref<512x128xf32, #tpu.memory_space<vmem>>) dst(%dma_wait3A_136 : memref<512x128xf32, #tpu.memory_space<hbm>>)
      tpu.yield
    }) : () -> ()
    return
  }
}

#map = affine_map<(d0, d1) -> (0, 0)>
#map1 = affine_map<(d0, d1) -> (0)>
module attributes {stable_mosaic.version = 14 : i64} {
  func.func @gk(%arg0: i32, %arg1: i32, %arg2: memref<8192x128xf32, #tpu.memory_space<hbm>>, %arg3: memref<65536xi32, #tpu.memory_space<hbm>>, %arg4: memref<65536x128xf32, #tpu.memory_space<hbm>>, %arg5: memref<512xi32, #tpu.memory_space<vmem>>, %arg6: memref<512x128xf32, #tpu.memory_space<vmem>>, %arg7: memref<!tpu.dma_semaphore, #tpu.memory_space<semaphore_mem>>) attributes {dimension_semantics = [#tpu.dimension_semantics<core_parallel>, #tpu.dimension_semantics<subcore_parallel>], iteration_bounds = array<i64: 2, 16>, scalar_prefetch = 0 : i64, scratch_operands = 3 : i64, tpu.core_type = #tpu.core_type<sc_vector_subcore>, window_params = [{transform_indices = #map}, {transform_indices = #map1}, {transform_indices = #map}]} {
    %mul3A = arith.constant 2 : i32
    %mul3A_0 = arith.muli %arg1, %mul3A : i32
    %add3A = arith.addi %mul3A_0, %arg0 : i32
    %mul3A_1 = arith.constant 2048 : i32
    %mul3A_2 = arith.muli %add3A, %mul3A_1 : i32
    %add3A_3 = arith.constant 0 : i32
    %add3A_4 = arith.addi %mul3A_2, %add3A_3 : i32
    "tpu.region"() ({
      %run_scoped3A = tpu.sem_alloc : memref<!tpu.dma_semaphore, #tpu.memory_space<semaphore_mem>>
      %dma_start3A_33 = tpu.memref_slice %arg3[%add3A_4] : memref<65536xi32, #tpu.memory_space<hbm>> -> memref<512xi32, #tpu.memory_space<hbm>>
      %dma_start3A_34 = tpu.memref_slice %arg3[%add3A_4] : memref<65536xi32, #tpu.memory_space<hbm>> -> memref<512xi32, #tpu.memory_space<hbm>>
      tpu.enqueue_dma source(%dma_start3A_34 : memref<512xi32, #tpu.memory_space<hbm>>) target(%arg5 : memref<512xi32, #tpu.memory_space<vmem>>) target_semaphore(%run_scoped3A : memref<!tpu.dma_semaphore, #tpu.memory_space<semaphore_mem>>)
      %dma_wait3A_35 = tpu.memref_slice %arg3[%add3A_4] : memref<65536xi32, #tpu.memory_space<hbm>> -> memref<512xi32, #tpu.memory_space<hbm>>
      %dma_wait3A_36 = tpu.memref_slice %arg3[%add3A_4] : memref<65536xi32, #tpu.memory_space<hbm>> -> memref<512xi32, #tpu.memory_space<hbm>>
      tpu.wait_dma2 semaphore(%run_scoped3A : memref<!tpu.dma_semaphore, #tpu.memory_space<semaphore_mem>>) src(%dma_wait3A_36 : memref<512xi32, #tpu.memory_space<hbm>>) dst(%arg5 : memref<512xi32, #tpu.memory_space<vmem>>)
      tpu.yield
    }) : () -> ()
    %dma_start3A = arith.constant 0 : i32
    %dma_start3A_5 = arith.constant 0 : i32
    %dma_start3A_6 = tpu.memref_slice %arg2[%dma_start3A, %dma_start3A_5] : memref<8192x128xf32, #tpu.memory_space<hbm>> -> memref<8192x128xf32, #tpu.memory_space<hbm>>
    tpu.enqueue_indirect_dma source(%dma_start3A_6 : memref<8192x128xf32, #tpu.memory_space<hbm>>) target(%arg6 : memref<512x128xf32, #tpu.memory_space<vmem>>) offsets(%arg5 : memref<512xi32, #tpu.memory_space<vmem>>) semaphore(%arg7 : memref<!tpu.dma_semaphore, #tpu.memory_space<semaphore_mem>>)
    %dma_wait3A = arith.constant 0 : i32
    %dma_wait3A_7 = arith.constant 0 : i32
    %dma_wait3A_8 = tpu.memref_slice %arg2[%dma_wait3A, %dma_wait3A_7] : memref<8192x128xf32, #tpu.memory_space<hbm>> -> memref<8192x128xf32, #tpu.memory_space<hbm>>
    tpu.wait_indirect_dma semaphore(%arg7 : memref<!tpu.dma_semaphore, #tpu.memory_space<semaphore_mem>>) src(%dma_wait3A_8 : memref<8192x128xf32, #tpu.memory_space<hbm>>) dst(%arg6 : memref<512x128xf32, #tpu.memory_space<vmem>>)
    "tpu.region"() ({
      %run_scoped3A = tpu.sem_alloc : memref<!tpu.dma_semaphore, #tpu.memory_space<semaphore_mem>>
      %dma_start3A_33 = arith.constant 0 : i32
      %dma_start3A_34 = tpu.memref_slice %arg4[%add3A_4, %dma_start3A_33] : memref<65536x128xf32, #tpu.memory_space<hbm>> -> memref<512x128xf32, #tpu.memory_space<hbm>>
      %dma_start3A_35 = arith.constant 0 : i32
      %dma_start3A_36 = tpu.memref_slice %arg4[%add3A_4, %dma_start3A_35] : memref<65536x128xf32, #tpu.memory_space<hbm>> -> memref<512x128xf32, #tpu.memory_space<hbm>>
      tpu.enqueue_dma source(%arg6 : memref<512x128xf32, #tpu.memory_space<vmem>>) target(%dma_start3A_36 : memref<512x128xf32, #tpu.memory_space<hbm>>) target_semaphore(%run_scoped3A : memref<!tpu.dma_semaphore, #tpu.memory_space<semaphore_mem>>)
      %dma_wait3A_37 = arith.constant 0 : i32
      %dma_wait3A_38 = tpu.memref_slice %arg4[%add3A_4, %dma_wait3A_37] : memref<65536x128xf32, #tpu.memory_space<hbm>> -> memref<512x128xf32, #tpu.memory_space<hbm>>
      %dma_wait3A_39 = arith.constant 0 : i32
      %dma_wait3A_40 = tpu.memref_slice %arg4[%add3A_4, %dma_wait3A_39] : memref<65536x128xf32, #tpu.memory_space<hbm>> -> memref<512x128xf32, #tpu.memory_space<hbm>>
      tpu.wait_dma2 semaphore(%run_scoped3A : memref<!tpu.dma_semaphore, #tpu.memory_space<semaphore_mem>>) src(%arg6 : memref<512x128xf32, #tpu.memory_space<vmem>>) dst(%dma_wait3A_40 : memref<512x128xf32, #tpu.memory_space<hbm>>)
      tpu.yield
    }) : () -> ()
    %add3A_9 = arith.constant 512 : i32
    %add3A_10 = arith.addi %mul3A_2, %add3A_9 : i32
    "tpu.region"() ({
      %run_scoped3A = tpu.sem_alloc : memref<!tpu.dma_semaphore, #tpu.memory_space<semaphore_mem>>
      %dma_start3A_33 = tpu.memref_slice %arg3[%add3A_10] : memref<65536xi32, #tpu.memory_space<hbm>> -> memref<512xi32, #tpu.memory_space<hbm>>
      %dma_start3A_34 = tpu.memref_slice %arg3[%add3A_10] : memref<65536xi32, #tpu.memory_space<hbm>> -> memref<512xi32, #tpu.memory_space<hbm>>
      tpu.enqueue_dma source(%dma_start3A_34 : memref<512xi32, #tpu.memory_space<hbm>>) target(%arg5 : memref<512xi32, #tpu.memory_space<vmem>>) target_semaphore(%run_scoped3A : memref<!tpu.dma_semaphore, #tpu.memory_space<semaphore_mem>>)
      %dma_wait3A_35 = tpu.memref_slice %arg3[%add3A_10] : memref<65536xi32, #tpu.memory_space<hbm>> -> memref<512xi32, #tpu.memory_space<hbm>>
      %dma_wait3A_36 = tpu.memref_slice %arg3[%add3A_10] : memref<65536xi32, #tpu.memory_space<hbm>> -> memref<512xi32, #tpu.memory_space<hbm>>
      tpu.wait_dma2 semaphore(%run_scoped3A : memref<!tpu.dma_semaphore, #tpu.memory_space<semaphore_mem>>) src(%dma_wait3A_36 : memref<512xi32, #tpu.memory_space<hbm>>) dst(%arg5 : memref<512xi32, #tpu.memory_space<vmem>>)
      tpu.yield
    }) : () -> ()
    %dma_start3A_11 = arith.constant 0 : i32
    %dma_start3A_12 = arith.constant 0 : i32
    %dma_start3A_13 = tpu.memref_slice %arg2[%dma_start3A_11, %dma_start3A_12] : memref<8192x128xf32, #tpu.memory_space<hbm>> -> memref<8192x128xf32, #tpu.memory_space<hbm>>
    tpu.enqueue_indirect_dma source(%dma_start3A_13 : memref<8192x128xf32, #tpu.memory_space<hbm>>) target(%arg6 : memref<512x128xf32, #tpu.memory_space<vmem>>) offsets(%arg5 : memref<512xi32, #tpu.memory_space<vmem>>) semaphore(%arg7 : memref<!tpu.dma_semaphore, #tpu.memory_space<semaphore_mem>>)
    %dma_wait3A_14 = arith.constant 0 : i32
    %dma_wait3A_15 = arith.constant 0 : i32
    %dma_wait3A_16 = tpu.memref_slice %arg2[%dma_wait3A_14, %dma_wait3A_15] : memref<8192x128xf32, #tpu.memory_space<hbm>> -> memref<8192x128xf32, #tpu.memory_space<hbm>>
    tpu.wait_indirect_dma semaphore(%arg7 : memref<!tpu.dma_semaphore, #tpu.memory_space<semaphore_mem>>) src(%dma_wait3A_16 : memref<8192x128xf32, #tpu.memory_space<hbm>>) dst(%arg6 : memref<512x128xf32, #tpu.memory_space<vmem>>)
    "tpu.region"() ({
      %run_scoped3A = tpu.sem_alloc : memref<!tpu.dma_semaphore, #tpu.memory_space<semaphore_mem>>
      %dma_start3A_33 = arith.constant 0 : i32
      %dma_start3A_34 = tpu.memref_slice %arg4[%add3A_10, %dma_start3A_33] : memref<65536x128xf32, #tpu.memory_space<hbm>> -> memref<512x128xf32, #tpu.memory_space<hbm>>
      %dma_start3A_35 = arith.constant 0 : i32
      %dma_start3A_36 = tpu.memref_slice %arg4[%add3A_10, %dma_start3A_35] : memref<65536x128xf32, #tpu.memory_space<hbm>> -> memref<512x128xf32, #tpu.memory_space<hbm>>
      tpu.enqueue_dma source(%arg6 : memref<512x128xf32, #tpu.memory_space<vmem>>) target(%dma_start3A_36 : memref<512x128xf32, #tpu.memory_space<hbm>>) target_semaphore(%run_scoped3A : memref<!tpu.dma_semaphore, #tpu.memory_space<semaphore_mem>>)
      %dma_wait3A_37 = arith.constant 0 : i32
      %dma_wait3A_38 = tpu.memref_slice %arg4[%add3A_10, %dma_wait3A_37] : memref<65536x128xf32, #tpu.memory_space<hbm>> -> memref<512x128xf32, #tpu.memory_space<hbm>>
      %dma_wait3A_39 = arith.constant 0 : i32
      %dma_wait3A_40 = tpu.memref_slice %arg4[%add3A_10, %dma_wait3A_39] : memref<65536x128xf32, #tpu.memory_space<hbm>> -> memref<512x128xf32, #tpu.memory_space<hbm>>
      tpu.wait_dma2 semaphore(%run_scoped3A : memref<!tpu.dma_semaphore, #tpu.memory_space<semaphore_mem>>) src(%arg6 : memref<512x128xf32, #tpu.memory_space<vmem>>) dst(%dma_wait3A_40 : memref<512x128xf32, #tpu.memory_space<hbm>>)
      tpu.yield
    }) : () -> ()
    %add3A_17 = arith.constant 1024 : i32
    %add3A_18 = arith.addi %mul3A_2, %add3A_17 : i32
    "tpu.region"() ({
      %run_scoped3A = tpu.sem_alloc : memref<!tpu.dma_semaphore, #tpu.memory_space<semaphore_mem>>
      %dma_start3A_33 = tpu.memref_slice %arg3[%add3A_18] : memref<65536xi32, #tpu.memory_space<hbm>> -> memref<512xi32, #tpu.memory_space<hbm>>
      %dma_start3A_34 = tpu.memref_slice %arg3[%add3A_18] : memref<65536xi32, #tpu.memory_space<hbm>> -> memref<512xi32, #tpu.memory_space<hbm>>
      tpu.enqueue_dma source(%dma_start3A_34 : memref<512xi32, #tpu.memory_space<hbm>>) target(%arg5 : memref<512xi32, #tpu.memory_space<vmem>>) target_semaphore(%run_scoped3A : memref<!tpu.dma_semaphore, #tpu.memory_space<semaphore_mem>>)
      %dma_wait3A_35 = tpu.memref_slice %arg3[%add3A_18] : memref<65536xi32, #tpu.memory_space<hbm>> -> memref<512xi32, #tpu.memory_space<hbm>>
      %dma_wait3A_36 = tpu.memref_slice %arg3[%add3A_18] : memref<65536xi32, #tpu.memory_space<hbm>> -> memref<512xi32, #tpu.memory_space<hbm>>
      tpu.wait_dma2 semaphore(%run_scoped3A : memref<!tpu.dma_semaphore, #tpu.memory_space<semaphore_mem>>) src(%dma_wait3A_36 : memref<512xi32, #tpu.memory_space<hbm>>) dst(%arg5 : memref<512xi32, #tpu.memory_space<vmem>>)
      tpu.yield
    }) : () -> ()
    %dma_start3A_19 = arith.constant 0 : i32
    %dma_start3A_20 = arith.constant 0 : i32
    %dma_start3A_21 = tpu.memref_slice %arg2[%dma_start3A_19, %dma_start3A_20] : memref<8192x128xf32, #tpu.memory_space<hbm>> -> memref<8192x128xf32, #tpu.memory_space<hbm>>
    tpu.enqueue_indirect_dma source(%dma_start3A_21 : memref<8192x128xf32, #tpu.memory_space<hbm>>) target(%arg6 : memref<512x128xf32, #tpu.memory_space<vmem>>) offsets(%arg5 : memref<512xi32, #tpu.memory_space<vmem>>) semaphore(%arg7 : memref<!tpu.dma_semaphore, #tpu.memory_space<semaphore_mem>>)
    %dma_wait3A_22 = arith.constant 0 : i32
    %dma_wait3A_23 = arith.constant 0 : i32
    %dma_wait3A_24 = tpu.memref_slice %arg2[%dma_wait3A_22, %dma_wait3A_23] : memref<8192x128xf32, #tpu.memory_space<hbm>> -> memref<8192x128xf32, #tpu.memory_space<hbm>>
    tpu.wait_indirect_dma semaphore(%arg7 : memref<!tpu.dma_semaphore, #tpu.memory_space<semaphore_mem>>) src(%dma_wait3A_24 : memref<8192x128xf32, #tpu.memory_space<hbm>>) dst(%arg6 : memref<512x128xf32, #tpu.memory_space<vmem>>)
    "tpu.region"() ({
      %run_scoped3A = tpu.sem_alloc : memref<!tpu.dma_semaphore, #tpu.memory_space<semaphore_mem>>
      %dma_start3A_33 = arith.constant 0 : i32
      %dma_start3A_34 = tpu.memref_slice %arg4[%add3A_18, %dma_start3A_33] : memref<65536x128xf32, #tpu.memory_space<hbm>> -> memref<512x128xf32, #tpu.memory_space<hbm>>
      %dma_start3A_35 = arith.constant 0 : i32
      %dma_start3A_36 = tpu.memref_slice %arg4[%add3A_18, %dma_start3A_35] : memref<65536x128xf32, #tpu.memory_space<hbm>> -> memref<512x128xf32, #tpu.memory_space<hbm>>
      tpu.enqueue_dma source(%arg6 : memref<512x128xf32, #tpu.memory_space<vmem>>) target(%dma_start3A_36 : memref<512x128xf32, #tpu.memory_space<hbm>>) target_semaphore(%run_scoped3A : memref<!tpu.dma_semaphore, #tpu.memory_space<semaphore_mem>>)
      %dma_wait3A_37 = arith.constant 0 : i32
      %dma_wait3A_38 = tpu.memref_slice %arg4[%add3A_18, %dma_wait3A_37] : memref<65536x128xf32, #tpu.memory_space<hbm>> -> memref<512x128xf32, #tpu.memory_space<hbm>>
      %dma_wait3A_39 = arith.constant 0 : i32
      %dma_wait3A_40 = tpu.memref_slice %arg4[%add3A_18, %dma_wait3A_39] : memref<65536x128xf32, #tpu.memory_space<hbm>> -> memref<512x128xf32, #tpu.memory_space<hbm>>
      tpu.wait_dma2 semaphore(%run_scoped3A : memref<!tpu.dma_semaphore, #tpu.memory_space<semaphore_mem>>) src(%arg6 : memref<512x128xf32, #tpu.memory_space<vmem>>) dst(%dma_wait3A_40 : memref<512x128xf32, #tpu.memory_space<hbm>>)
      tpu.yield
    }) : () -> ()
    %add3A_25 = arith.constant 1536 : i32
    %add3A_26 = arith.addi %mul3A_2, %add3A_25 : i32
    "tpu.region"() ({
      %run_scoped3A = tpu.sem_alloc : memref<!tpu.dma_semaphore, #tpu.memory_space<semaphore_mem>>
      %dma_start3A_33 = tpu.memref_slice %arg3[%add3A_26] : memref<65536xi32, #tpu.memory_space<hbm>> -> memref<512xi32, #tpu.memory_space<hbm>>
      %dma_start3A_34 = tpu.memref_slice %arg3[%add3A_26] : memref<65536xi32, #tpu.memory_space<hbm>> -> memref<512xi32, #tpu.memory_space<hbm>>
      tpu.enqueue_dma source(%dma_start3A_34 : memref<512xi32, #tpu.memory_space<hbm>>) target(%arg5 : memref<512xi32, #tpu.memory_space<vmem>>) target_semaphore(%run_scoped3A : memref<!tpu.dma_semaphore, #tpu.memory_space<semaphore_mem>>)
      %dma_wait3A_35 = tpu.memref_slice %arg3[%add3A_26] : memref<65536xi32, #tpu.memory_space<hbm>> -> memref<512xi32, #tpu.memory_space<hbm>>
      %dma_wait3A_36 = tpu.memref_slice %arg3[%add3A_26] : memref<65536xi32, #tpu.memory_space<hbm>> -> memref<512xi32, #tpu.memory_space<hbm>>
      tpu.wait_dma2 semaphore(%run_scoped3A : memref<!tpu.dma_semaphore, #tpu.memory_space<semaphore_mem>>) src(%dma_wait3A_36 : memref<512xi32, #tpu.memory_space<hbm>>) dst(%arg5 : memref<512xi32, #tpu.memory_space<vmem>>)
      tpu.yield
    }) : () -> ()
    %dma_start3A_27 = arith.constant 0 : i32
    %dma_start3A_28 = arith.constant 0 : i32
    %dma_start3A_29 = tpu.memref_slice %arg2[%dma_start3A_27, %dma_start3A_28] : memref<8192x128xf32, #tpu.memory_space<hbm>> -> memref<8192x128xf32, #tpu.memory_space<hbm>>
    tpu.enqueue_indirect_dma source(%dma_start3A_29 : memref<8192x128xf32, #tpu.memory_space<hbm>>) target(%arg6 : memref<512x128xf32, #tpu.memory_space<vmem>>) offsets(%arg5 : memref<512xi32, #tpu.memory_space<vmem>>) semaphore(%arg7 : memref<!tpu.dma_semaphore, #tpu.memory_space<semaphore_mem>>)
    %dma_wait3A_30 = arith.constant 0 : i32
    %dma_wait3A_31 = arith.constant 0 : i32
    %dma_wait3A_32 = tpu.memref_slice %arg2[%dma_wait3A_30, %dma_wait3A_31] : memref<8192x128xf32, #tpu.memory_space<hbm>> -> memref<8192x128xf32, #tpu.memory_space<hbm>>
    tpu.wait_indirect_dma semaphore(%arg7 : memref<!tpu.dma_semaphore, #tpu.memory_space<semaphore_mem>>) src(%dma_wait3A_32 : memref<8192x128xf32, #tpu.memory_space<hbm>>) dst(%arg6 : memref<512x128xf32, #tpu.memory_space<vmem>>)
    "tpu.region"() ({
      %run_scoped3A = tpu.sem_alloc : memref<!tpu.dma_semaphore, #tpu.memory_space<semaphore_mem>>
      %dma_start3A_33 = arith.constant 0 : i32
      %dma_start3A_34 = tpu.memref_slice %arg4[%add3A_26, %dma_start3A_33] : memref<65536x128xf32, #tpu.memory_space<hbm>> -> memref<512x128xf32, #tpu.memory_space<hbm>>
      %dma_start3A_35 = arith.constant 0 : i32
      %dma_start3A_36 = tpu.memref_slice %arg4[%add3A_26, %dma_start3A_35] : memref<65536x128xf32, #tpu.memory_space<hbm>> -> memref<512x128xf32, #tpu.memory_space<hbm>>
      tpu.enqueue_dma source(%arg6 : memref<512x128xf32, #tpu.memory_space<vmem>>) target(%dma_start3A_36 : memref<512x128xf32, #tpu.memory_space<hbm>>) target_semaphore(%run_scoped3A : memref<!tpu.dma_semaphore, #tpu.memory_space<semaphore_mem>>)
      %dma_wait3A_37 = arith.constant 0 : i32
      %dma_wait3A_38 = tpu.memref_slice %arg4[%add3A_26, %dma_wait3A_37] : memref<65536x128xf32, #tpu.memory_space<hbm>> -> memref<512x128xf32, #tpu.memory_space<hbm>>
      %dma_wait3A_39 = arith.constant 0 : i32
      %dma_wait3A_40 = tpu.memref_slice %arg4[%add3A_26, %dma_wait3A_39] : memref<65536x128xf32, #tpu.memory_space<hbm>> -> memref<512x128xf32, #tpu.memory_space<hbm>>
      tpu.wait_dma2 semaphore(%run_scoped3A : memref<!tpu.dma_semaphore, #tpu.memory_space<semaphore_mem>>) src(%arg6 : memref<512x128xf32, #tpu.memory_space<vmem>>) dst(%dma_wait3A_40 : memref<512x128xf32, #tpu.memory_space<hbm>>)
      tpu.yield
    }) : () -> ()
    return
  }
}

module attributes {stable_mosaic.version = 14 : i64} {
  func.func @_coarse_body(%arg0: i32, %arg1: i32, %arg2: memref<1x64x16xf32, #tpu.memory_space<vmem>>, %arg3: memref<1x1024x16xf32, #tpu.memory_space<vmem>>, %arg4: memref<1x1024x16xf32, #tpu.memory_space<vmem>>, %arg5: memref<1x64x16xf32, #tpu.memory_space<vmem>>, %arg6: memref<1x64x8xf32, #tpu.memory_space<vmem>>, %arg7: memref<1x64x8xi32, #tpu.memory_space<vmem>>) attributes {dimension_semantics = [#tpu.dimension_semantics<arbitrary>, #tpu.dimension_semantics<arbitrary>], iteration_bounds = array<i64: 8, 16>, scalar_prefetch = 0 : i64, scratch_operands = 0 : i64, tpu.core_type = #tpu.core_type<tc>, window_params = [{transform_indices = @transform_0, window_bounds = array<i64: 1, 64, 16>}, {transform_indices = @transform_1, window_bounds = array<i64: 1, 1024, 16>}, {transform_indices = @transform_2, window_bounds = array<i64: 1, 1024, 16>}, {transform_indices = @transform_3, window_bounds = array<i64: 1, 64, 16>}, {transform_indices = @transform_4, window_bounds = array<i64: 1, 64, 8>}, {transform_indices = @transform_5, window_bounds = array<i64: 1, 64, 8>}]} {
    %get3A = arith.constant 0 : index
    %get3A_0 = arith.constant 0 : index
    %get3A_1 = arith.constant 0 : index
    %get3A_2 = vector.load %arg2[%get3A, %get3A_0, %get3A_1] : memref<1x64x16xf32, #tpu.memory_space<vmem>>, vector<1x64x16xf32>
    %get3A_3 = vector.shape_cast %get3A_2 : vector<1x64x16xf32> to vector<64x16xf32>
    %get3A_4 = arith.constant 0 : index
    %get3A_5 = arith.constant 0 : index
    %get3A_6 = arith.constant 0 : index
    %get3A_7 = vector.load %arg3[%get3A_4, %get3A_5, %get3A_6] : memref<1x1024x16xf32, #tpu.memory_space<vmem>>, vector<1x1024x16xf32>
    %get3A_8 = vector.shape_cast %get3A_7 : vector<1x1024x16xf32> to vector<1024x16xf32>
    %get3A_9 = arith.constant 0 : index
    %get3A_10 = arith.constant 0 : index
    %get3A_11 = arith.constant 0 : index
    %get3A_12 = vector.load %arg4[%get3A_9, %get3A_10, %get3A_11] : memref<1x1024x16xf32, #tpu.memory_space<vmem>>, vector<1x1024x16xf32>
    %get3A_13 = vector.shape_cast %get3A_12 : vector<1x1024x16xf32> to vector<1024x16xf32>
    %convert_element_type3A = arith.truncf %get3A_3 : vector<64x16xf32> to vector<64x16xbf16>
    %convert_element_type3A_14 = arith.truncf %get3A_8 : vector<1024x16xf32> to vector<1024x16xbf16>
    %dot_general3A = arith.constant dense<0.000000e+00> : vector<64x1024xf32>
    %dot_general3A_15 = tpu.matmul %convert_element_type3A, %convert_element_type3A_14, %dot_general3A {dimension_numbers = #tpu.dot_dimension_numbers<[1], [1], [0], [0], [0, 0, 1, 0], [], []>, transpose_lhs_hint = false} : vector<64x16xbf16>, vector<1024x16xbf16>, vector<64x1024xf32> -> vector<64x1024xf32>
    %mul3A = arith.constant 2.500000e-01 : f32
    %mul3A_16 = vector.broadcast %mul3A : f32 to vector<64x1024xf32>
    %mul3A_17 = arith.mulf %dot_general3A_15, %mul3A_16 : vector<64x1024xf32>
    %reduce_max3A = arith.constant dense<0xFF800000> : vector<64xf32>
    %reduce_max3A_18 = vector.multi_reduction <maximumf>, %mul3A_17, %reduce_max3A [1] : vector<64x1024xf32> to vector<64xf32>
    %broadcast_in_dim3A = vector.shape_cast %reduce_max3A_18 : vector<64xf32> to vector<64x1xf32>
    %sub3A = vector.broadcast %broadcast_in_dim3A : vector<64x1xf32> to vector<64x1024xf32>
    %sub3A_19 = arith.subf %mul3A_17, %sub3A : vector<64x1024xf32>
    %exp3A = math.exp %sub3A_19 : vector<64x1024xf32>
    %reduce_sum3A = arith.constant dense<0.000000e+00> : vector<64xf32>
    %reduce_sum3A_20 = vector.multi_reduction <add>, %exp3A, %reduce_sum3A [1] : vector<64x1024xf32> to vector<64xf32>
    %broadcast_in_dim3A_21 = vector.shape_cast %reduce_sum3A_20 : vector<64xf32> to vector<64x1xf32>
    %div3A = vector.broadcast %broadcast_in_dim3A_21 : vector<64x1xf32> to vector<64x1024xf32>
    %div3A_22 = arith.divf %exp3A, %div3A : vector<64x1024xf32>
    %iota3A = tpu.iota {dimensions = array<i32: 1>} : vector<64x1024xi32>
    %broadcast_in_dim3A_23 = arith.constant false
    %broadcast_in_dim3A_24 = vector.broadcast %broadcast_in_dim3A_23 : i1 to vector<64x1024xi1>
    %reduce_max3A_25 = arith.constant dense<0xFF800000> : vector<64xf32>
    %reduce_max3A_26 = vector.multi_reduction <maximumf>, %div3A_22, %reduce_max3A_25 [1] : vector<64x1024xf32> to vector<64xf32>
    %broadcast_in_dim3A_27 = vector.shape_cast %reduce_max3A_26 : vector<64xf32> to vector<64x1xf32>
    %eq3A = vector.broadcast %broadcast_in_dim3A_27 : vector<64x1xf32> to vector<64x1024xf32>
    %eq3A_28 = arith.cmpf oeq, %div3A_22, %eq3A : vector<64x1024xf32>
    %jit3A = arith.constant 1024 : i32
    %broadcast_in_dim3A_29 = vector.broadcast %jit3A : i32 to vector<64x1024xi32>
    %select_n3A = arith.select %eq3A_28, %iota3A, %broadcast_in_dim3A_29 : vector<64x1024xi1>, vector<64x1024xi32>
    %reduce_min3A = arith.constant dense<2147483647> : vector<64xi32>
    %reduce_min3A_30 = vector.multi_reduction <minsi>, %select_n3A, %reduce_min3A [1] : vector<64x1024xi32> to vector<64xi32>
    %broadcast_in_dim3A_31 = vector.shape_cast %reduce_min3A_30 : vector<64xi32> to vector<64x1xi32>
    %eq3A_32 = vector.broadcast %broadcast_in_dim3A_31 : vector<64x1xi32> to vector<64x1024xi32>
    %eq3A_33 = arith.cmpi eq, %iota3A, %eq3A_32 : vector<64x1024xi32>
    %jit3A_34 = arith.constant -1.000000e+00 : f32
    %broadcast_in_dim3A_35 = vector.broadcast %jit3A_34 : f32 to vector<64x1024xf32>
    %select_n3A_36 = arith.select %eq3A_33, %broadcast_in_dim3A_35, %div3A_22 : vector<64x1024xi1>, vector<64x1024xf32>
    %or3A = arith.ori %broadcast_in_dim3A_24, %eq3A_33 : vector<64x1024xi1>
    %reshape3A = vector.shape_cast %broadcast_in_dim3A_27 : vector<64x1xf32> to vector<64xf32>
    %reshape3A_37 = vector.shape_cast %broadcast_in_dim3A_31 : vector<64x1xi32> to vector<64xi32>
    %reduce_max3A_38 = arith.constant dense<0xFF800000> : vector<64xf32>
    %reduce_max3A_39 = vector.multi_reduction <maximumf>, %select_n3A_36, %reduce_max3A_38 [1] : vector<64x1024xf32> to vector<64xf32>
    %broadcast_in_dim3A_40 = vector.shape_cast %reduce_max3A_39 : vector<64xf32> to vector<64x1xf32>
    %eq3A_41 = vector.broadcast %broadcast_in_dim3A_40 : vector<64x1xf32> to vector<64x1024xf32>
    %eq3A_42 = arith.cmpf oeq, %select_n3A_36, %eq3A_41 : vector<64x1024xf32>
    %jit3A_43 = arith.constant 1024 : i32
    %broadcast_in_dim3A_44 = vector.broadcast %jit3A_43 : i32 to vector<64x1024xi32>
    %select_n3A_45 = arith.select %eq3A_42, %iota3A, %broadcast_in_dim3A_44 : vector<64x1024xi1>, vector<64x1024xi32>
    %reduce_min3A_46 = arith.constant dense<2147483647> : vector<64xi32>
    %reduce_min3A_47 = vector.multi_reduction <minsi>, %select_n3A_45, %reduce_min3A_46 [1] : vector<64x1024xi32> to vector<64xi32>
    %broadcast_in_dim3A_48 = vector.shape_cast %reduce_min3A_47 : vector<64xi32> to vector<64x1xi32>
    %eq3A_49 = vector.broadcast %broadcast_in_dim3A_48 : vector<64x1xi32> to vector<64x1024xi32>
    %eq3A_50 = arith.cmpi eq, %iota3A, %eq3A_49 : vector<64x1024xi32>
    %jit3A_51 = arith.constant -1.000000e+00 : f32
    %broadcast_in_dim3A_52 = vector.broadcast %jit3A_51 : f32 to vector<64x1024xf32>
    %select_n3A_53 = arith.select %eq3A_50, %broadcast_in_dim3A_52, %select_n3A_36 : vector<64x1024xi1>, vector<64x1024xf32>
    %or3A_54 = arith.ori %or3A, %eq3A_50 : vector<64x1024xi1>
    %reshape3A_55 = vector.shape_cast %broadcast_in_dim3A_40 : vector<64x1xf32> to vector<64xf32>
    %reshape3A_56 = vector.shape_cast %broadcast_in_dim3A_48 : vector<64x1xi32> to vector<64xi32>
    %reduce_max3A_57 = arith.constant dense<0xFF800000> : vector<64xf32>
    %reduce_max3A_58 = vector.multi_reduction <maximumf>, %select_n3A_53, %reduce_max3A_57 [1] : vector<64x1024xf32> to vector<64xf32>
    %broadcast_in_dim3A_59 = vector.shape_cast %reduce_max3A_58 : vector<64xf32> to vector<64x1xf32>
    %eq3A_60 = vector.broadcast %broadcast_in_dim3A_59 : vector<64x1xf32> to vector<64x1024xf32>
    %eq3A_61 = arith.cmpf oeq, %select_n3A_53, %eq3A_60 : vector<64x1024xf32>
    %jit3A_62 = arith.constant 1024 : i32
    %broadcast_in_dim3A_63 = vector.broadcast %jit3A_62 : i32 to vector<64x1024xi32>
    %select_n3A_64 = arith.select %eq3A_61, %iota3A, %broadcast_in_dim3A_63 : vector<64x1024xi1>, vector<64x1024xi32>
    %reduce_min3A_65 = arith.constant dense<2147483647> : vector<64xi32>
    %reduce_min3A_66 = vector.multi_reduction <minsi>, %select_n3A_64, %reduce_min3A_65 [1] : vector<64x1024xi32> to vector<64xi32>
    %broadcast_in_dim3A_67 = vector.shape_cast %reduce_min3A_66 : vector<64xi32> to vector<64x1xi32>
    %eq3A_68 = vector.broadcast %broadcast_in_dim3A_67 : vector<64x1xi32> to vector<64x1024xi32>
    %eq3A_69 = arith.cmpi eq, %iota3A, %eq3A_68 : vector<64x1024xi32>
    %jit3A_70 = arith.constant -1.000000e+00 : f32
    %broadcast_in_dim3A_71 = vector.broadcast %jit3A_70 : f32 to vector<64x1024xf32>
    %select_n3A_72 = arith.select %eq3A_69, %broadcast_in_dim3A_71, %select_n3A_53 : vector<64x1024xi1>, vector<64x1024xf32>
    %or3A_73 = arith.ori %or3A_54, %eq3A_69 : vector<64x1024xi1>
    %reshape3A_74 = vector.shape_cast %broadcast_in_dim3A_59 : vector<64x1xf32> to vector<64xf32>
    %reshape3A_75 = vector.shape_cast %broadcast_in_dim3A_67 : vector<64x1xi32> to vector<64xi32>
    %reduce_max3A_76 = arith.constant dense<0xFF800000> : vector<64xf32>
    %reduce_max3A_77 = vector.multi_reduction <maximumf>, %select_n3A_72, %reduce_max3A_76 [1] : vector<64x1024xf32> to vector<64xf32>
    %broadcast_in_dim3A_78 = vector.shape_cast %reduce_max3A_77 : vector<64xf32> to vector<64x1xf32>
    %eq3A_79 = vector.broadcast %broadcast_in_dim3A_78 : vector<64x1xf32> to vector<64x1024xf32>
    %eq3A_80 = arith.cmpf oeq, %select_n3A_72, %eq3A_79 : vector<64x1024xf32>
    %jit3A_81 = arith.constant 1024 : i32
    %broadcast_in_dim3A_82 = vector.broadcast %jit3A_81 : i32 to vector<64x1024xi32>
    %select_n3A_83 = arith.select %eq3A_80, %iota3A, %broadcast_in_dim3A_82 : vector<64x1024xi1>, vector<64x1024xi32>
    %reduce_min3A_84 = arith.constant dense<2147483647> : vector<64xi32>
    %reduce_min3A_85 = vector.multi_reduction <minsi>, %select_n3A_83, %reduce_min3A_84 [1] : vector<64x1024xi32> to vector<64xi32>
    %broadcast_in_dim3A_86 = vector.shape_cast %reduce_min3A_85 : vector<64xi32> to vector<64x1xi32>
    %eq3A_87 = vector.broadcast %broadcast_in_dim3A_86 : vector<64x1xi32> to vector<64x1024xi32>
    %eq3A_88 = arith.cmpi eq, %iota3A, %eq3A_87 : vector<64x1024xi32>
    %jit3A_89 = arith.constant -1.000000e+00 : f32
    %broadcast_in_dim3A_90 = vector.broadcast %jit3A_89 : f32 to vector<64x1024xf32>
    %select_n3A_91 = arith.select %eq3A_88, %broadcast_in_dim3A_90, %select_n3A_72 : vector<64x1024xi1>, vector<64x1024xf32>
    %or3A_92 = arith.ori %or3A_73, %eq3A_88 : vector<64x1024xi1>
    %reshape3A_93 = vector.shape_cast %broadcast_in_dim3A_78 : vector<64x1xf32> to vector<64xf32>
    %reshape3A_94 = vector.shape_cast %broadcast_in_dim3A_86 : vector<64x1xi32> to vector<64xi32>
    %reduce_max3A_95 = arith.constant dense<0xFF800000> : vector<64xf32>
    %reduce_max3A_96 = vector.multi_reduction <maximumf>, %select_n3A_91, %reduce_max3A_95 [1] : vector<64x1024xf32> to vector<64xf32>
    %broadcast_in_dim3A_97 = vector.shape_cast %reduce_max3A_96 : vector<64xf32> to vector<64x1xf32>
    %eq3A_98 = vector.broadcast %broadcast_in_dim3A_97 : vector<64x1xf32> to vector<64x1024xf32>
    %eq3A_99 = arith.cmpf oeq, %select_n3A_91, %eq3A_98 : vector<64x1024xf32>
    %jit3A_100 = arith.constant 1024 : i32
    %broadcast_in_dim3A_101 = vector.broadcast %jit3A_100 : i32 to vector<64x1024xi32>
    %select_n3A_102 = arith.select %eq3A_99, %iota3A, %broadcast_in_dim3A_101 : vector<64x1024xi1>, vector<64x1024xi32>
    %reduce_min3A_103 = arith.constant dense<2147483647> : vector<64xi32>
    %reduce_min3A_104 = vector.multi_reduction <minsi>, %select_n3A_102, %reduce_min3A_103 [1] : vector<64x1024xi32> to vector<64xi32>
    %broadcast_in_dim3A_105 = vector.shape_cast %reduce_min3A_104 : vector<64xi32> to vector<64x1xi32>
    %eq3A_106 = vector.broadcast %broadcast_in_dim3A_105 : vector<64x1xi32> to vector<64x1024xi32>
    %eq3A_107 = arith.cmpi eq, %iota3A, %eq3A_106 : vector<64x1024xi32>
    %jit3A_108 = arith.constant -1.000000e+00 : f32
    %broadcast_in_dim3A_109 = vector.broadcast %jit3A_108 : f32 to vector<64x1024xf32>
    %select_n3A_110 = arith.select %eq3A_107, %broadcast_in_dim3A_109, %select_n3A_91 : vector<64x1024xi1>, vector<64x1024xf32>
    %or3A_111 = arith.ori %or3A_92, %eq3A_107 : vector<64x1024xi1>
    %reshape3A_112 = vector.shape_cast %broadcast_in_dim3A_97 : vector<64x1xf32> to vector<64xf32>
    %reshape3A_113 = vector.shape_cast %broadcast_in_dim3A_105 : vector<64x1xi32> to vector<64xi32>
    %reduce_max3A_114 = arith.constant dense<0xFF800000> : vector<64xf32>
    %reduce_max3A_115 = vector.multi_reduction <maximumf>, %select_n3A_110, %reduce_max3A_114 [1] : vector<64x1024xf32> to vector<64xf32>
    %broadcast_in_dim3A_116 = vector.shape_cast %reduce_max3A_115 : vector<64xf32> to vector<64x1xf32>
    %eq3A_117 = vector.broadcast %broadcast_in_dim3A_116 : vector<64x1xf32> to vector<64x1024xf32>
    %eq3A_118 = arith.cmpf oeq, %select_n3A_110, %eq3A_117 : vector<64x1024xf32>
    %jit3A_119 = arith.constant 1024 : i32
    %broadcast_in_dim3A_120 = vector.broadcast %jit3A_119 : i32 to vector<64x1024xi32>
    %select_n3A_121 = arith.select %eq3A_118, %iota3A, %broadcast_in_dim3A_120 : vector<64x1024xi1>, vector<64x1024xi32>
    %reduce_min3A_122 = arith.constant dense<2147483647> : vector<64xi32>
    %reduce_min3A_123 = vector.multi_reduction <minsi>, %select_n3A_121, %reduce_min3A_122 [1] : vector<64x1024xi32> to vector<64xi32>
    %broadcast_in_dim3A_124 = vector.shape_cast %reduce_min3A_123 : vector<64xi32> to vector<64x1xi32>
    %eq3A_125 = vector.broadcast %broadcast_in_dim3A_124 : vector<64x1xi32> to vector<64x1024xi32>
    %eq3A_126 = arith.cmpi eq, %iota3A, %eq3A_125 : vector<64x1024xi32>
    %jit3A_127 = arith.constant -1.000000e+00 : f32
    %broadcast_in_dim3A_128 = vector.broadcast %jit3A_127 : f32 to vector<64x1024xf32>
    %select_n3A_129 = arith.select %eq3A_126, %broadcast_in_dim3A_128, %select_n3A_110 : vector<64x1024xi1>, vector<64x1024xf32>
    %or3A_130 = arith.ori %or3A_111, %eq3A_126 : vector<64x1024xi1>
    %reshape3A_131 = vector.shape_cast %broadcast_in_dim3A_116 : vector<64x1xf32> to vector<64xf32>
    %reshape3A_132 = vector.shape_cast %broadcast_in_dim3A_124 : vector<64x1xi32> to vector<64xi32>
    %reduce_max3A_133 = arith.constant dense<0xFF800000> : vector<64xf32>
    %reduce_max3A_134 = vector.multi_reduction <maximumf>, %select_n3A_129, %reduce_max3A_133 [1] : vector<64x1024xf32> to vector<64xf32>
    %broadcast_in_dim3A_135 = vector.shape_cast %reduce_max3A_134 : vector<64xf32> to vector<64x1xf32>
    %eq3A_136 = vector.broadcast %broadcast_in_dim3A_135 : vector<64x1xf32> to vector<64x1024xf32>
    %eq3A_137 = arith.cmpf oeq, %select_n3A_129, %eq3A_136 : vector<64x1024xf32>
    %jit3A_138 = arith.constant 1024 : i32
    %broadcast_in_dim3A_139 = vector.broadcast %jit3A_138 : i32 to vector<64x1024xi32>
    %select_n3A_140 = arith.select %eq3A_137, %iota3A, %broadcast_in_dim3A_139 : vector<64x1024xi1>, vector<64x1024xi32>
    %reduce_min3A_141 = arith.constant dense<2147483647> : vector<64xi32>
    %reduce_min3A_142 = vector.multi_reduction <minsi>, %select_n3A_140, %reduce_min3A_141 [1] : vector<64x1024xi32> to vector<64xi32>
    %broadcast_in_dim3A_143 = vector.shape_cast %reduce_min3A_142 : vector<64xi32> to vector<64x1xi32>
    %eq3A_144 = vector.broadcast %broadcast_in_dim3A_143 : vector<64x1xi32> to vector<64x1024xi32>
    %eq3A_145 = arith.cmpi eq, %iota3A, %eq3A_144 : vector<64x1024xi32>
    %jit3A_146 = arith.constant -1.000000e+00 : f32
    %broadcast_in_dim3A_147 = vector.broadcast %jit3A_146 : f32 to vector<64x1024xf32>
    %select_n3A_148 = arith.select %eq3A_145, %broadcast_in_dim3A_147, %select_n3A_129 : vector<64x1024xi1>, vector<64x1024xf32>
    %or3A_149 = arith.ori %or3A_130, %eq3A_145 : vector<64x1024xi1>
    %reshape3A_150 = vector.shape_cast %broadcast_in_dim3A_135 : vector<64x1xf32> to vector<64xf32>
    %reshape3A_151 = vector.shape_cast %broadcast_in_dim3A_143 : vector<64x1xi32> to vector<64xi32>
    %reduce_max3A_152 = arith.constant dense<0xFF800000> : vector<64xf32>
    %reduce_max3A_153 = vector.multi_reduction <maximumf>, %select_n3A_148, %reduce_max3A_152 [1] : vector<64x1024xf32> to vector<64xf32>
    %broadcast_in_dim3A_154 = vector.shape_cast %reduce_max3A_153 : vector<64xf32> to vector<64x1xf32>
    %eq3A_155 = vector.broadcast %broadcast_in_dim3A_154 : vector<64x1xf32> to vector<64x1024xf32>
    %eq3A_156 = arith.cmpf oeq, %select_n3A_148, %eq3A_155 : vector<64x1024xf32>
    %jit3A_157 = arith.constant 1024 : i32
    %broadcast_in_dim3A_158 = vector.broadcast %jit3A_157 : i32 to vector<64x1024xi32>
    %select_n3A_159 = arith.select %eq3A_156, %iota3A, %broadcast_in_dim3A_158 : vector<64x1024xi1>, vector<64x1024xi32>
    %reduce_min3A_160 = arith.constant dense<2147483647> : vector<64xi32>
    %reduce_min3A_161 = vector.multi_reduction <minsi>, %select_n3A_159, %reduce_min3A_160 [1] : vector<64x1024xi32> to vector<64xi32>
    %broadcast_in_dim3A_162 = vector.shape_cast %reduce_min3A_161 : vector<64xi32> to vector<64x1xi32>
    %eq3A_163 = vector.broadcast %broadcast_in_dim3A_162 : vector<64x1xi32> to vector<64x1024xi32>
    %eq3A_164 = arith.cmpi eq, %iota3A, %eq3A_163 : vector<64x1024xi32>
    %or3A_165 = arith.ori %or3A_149, %eq3A_164 : vector<64x1024xi1>
    %reshape3A_166 = vector.shape_cast %broadcast_in_dim3A_154 : vector<64x1xf32> to vector<64xf32>
    %reshape3A_167 = vector.shape_cast %broadcast_in_dim3A_162 : vector<64x1xi32> to vector<64xi32>
    %jit3A_168 = arith.constant 0.000000e+00 : f32
    %broadcast_in_dim3A_169 = vector.broadcast %jit3A_168 : f32 to vector<64x1024xf32>
    %select_n3A_170 = arith.select %or3A_165, %broadcast_in_dim3A_169, %div3A_22 : vector<64x1024xi1>, vector<64x1024xf32>
    %convert_element_type3A_171 = arith.truncf %select_n3A_170 : vector<64x1024xf32> to vector<64x1024xbf16>
    %convert_element_type3A_172 = arith.truncf %get3A_13 : vector<1024x16xf32> to vector<1024x16xbf16>
    %dot_general3A_173 = arith.constant dense<0.000000e+00> : vector<64x16xf32>
    %dot_general3A_174 = tpu.matmul %convert_element_type3A_171, %convert_element_type3A_172, %dot_general3A_173 {dimension_numbers = #tpu.dot_dimension_numbers<[1], [0], [0], [1], [0, 0, 1, 1], [], []>, transpose_lhs_hint = false} : vector<64x1024xbf16>, vector<1024x16xbf16>, vector<64x16xf32> -> vector<64x16xf32>
    %swap3A = arith.constant 0 : index
    %swap3A_175 = arith.constant 0 : index
    %swap3A_176 = arith.constant 0 : index
    %swap3A_177 = vector.load %arg5[%swap3A, %swap3A_175, %swap3A_176] : memref<1x64x16xf32, #tpu.memory_space<vmem>>, vector<1x64x16xf32>
    %swap3A_178 = vector.shape_cast %swap3A_177 : vector<1x64x16xf32> to vector<64x16xf32>
    %swap3A_179 = vector.shape_cast %dot_general3A_174 : vector<64x16xf32> to vector<1x64x16xf32>
    tpu.vector_store %arg5[%swap3A, %swap3A_175, %swap3A_176], %swap3A_179 {strides = array<i32>} : memref<1x64x16xf32, #tpu.memory_space<vmem>>, vector<1x64x16xf32>,
    %broadcast_in_dim3A_180 = vector.shape_cast %reshape3A : vector<64xf32> to vector<64x1xf32>
    %broadcast_in_dim3A_181 = vector.shape_cast %reshape3A_55 : vector<64xf32> to vector<64x1xf32>
    %broadcast_in_dim3A_182 = vector.shape_cast %reshape3A_74 : vector<64xf32> to vector<64x1xf32>
    %broadcast_in_dim3A_183 = vector.shape_cast %reshape3A_93 : vector<64xf32> to vector<64x1xf32>
    %broadcast_in_dim3A_184 = vector.shape_cast %reshape3A_112 : vector<64xf32> to vector<64x1xf32>
    %broadcast_in_dim3A_185 = vector.shape_cast %reshape3A_131 : vector<64xf32> to vector<64x1xf32>
    %broadcast_in_dim3A_186 = vector.shape_cast %reshape3A_150 : vector<64xf32> to vector<64x1xf32>
    %broadcast_in_dim3A_187 = vector.shape_cast %reshape3A_166 : vector<64xf32> to vector<64x1xf32>
    %concatenate3A = tpu.concatenate %broadcast_in_dim3A_180, %broadcast_in_dim3A_181, %broadcast_in_dim3A_182, %broadcast_in_dim3A_183, %broadcast_in_dim3A_184, %broadcast_in_dim3A_185, %broadcast_in_dim3A_186, %broadcast_in_dim3A_187 in 1 : vector<64x1xf32>, vector<64x1xf32>, vector<64x1xf32>, vector<64x1xf32>, vector<64x1xf32>, vector<64x1xf32>, vector<64x1xf32>, vector<64x1xf32> -> vector<64x8xf32>
    %swap3A_188 = arith.constant 0 : index
    %swap3A_189 = arith.constant 0 : index
    %swap3A_190 = arith.constant 0 : index
    %swap3A_191 = vector.load %arg6[%swap3A_188, %swap3A_189, %swap3A_190] : memref<1x64x8xf32, #tpu.memory_space<vmem>>, vector<1x64x8xf32>
    %swap3A_192 = vector.shape_cast %swap3A_191 : vector<1x64x8xf32> to vector<64x8xf32>
    %swap3A_193 = vector.shape_cast %concatenate3A : vector<64x8xf32> to vector<1x64x8xf32>
    tpu.vector_store %arg6[%swap3A_188, %swap3A_189, %swap3A_190], %swap3A_193 {strides = array<i32>} : memref<1x64x8xf32, #tpu.memory_space<vmem>>, vector<1x64x8xf32>,
    %broadcast_in_dim3A_194 = vector.shape_cast %reshape3A_37 : vector<64xi32> to vector<64x1xi32>
    %broadcast_in_dim3A_195 = vector.shape_cast %reshape3A_56 : vector<64xi32> to vector<64x1xi32>
    %broadcast_in_dim3A_196 = vector.shape_cast %reshape3A_75 : vector<64xi32> to vector<64x1xi32>
    %broadcast_in_dim3A_197 = vector.shape_cast %reshape3A_94 : vector<64xi32> to vector<64x1xi32>
    %broadcast_in_dim3A_198 = vector.shape_cast %reshape3A_113 : vector<64xi32> to vector<64x1xi32>
    %broadcast_in_dim3A_199 = vector.shape_cast %reshape3A_132 : vector<64xi32> to vector<64x1xi32>
    %broadcast_in_dim3A_200 = vector.shape_cast %reshape3A_151 : vector<64xi32> to vector<64x1xi32>
    %broadcast_in_dim3A_201 = vector.shape_cast %reshape3A_167 : vector<64xi32> to vector<64x1xi32>
    %concatenate3A_202 = tpu.concatenate %broadcast_in_dim3A_194, %broadcast_in_dim3A_195, %broadcast_in_dim3A_196, %broadcast_in_dim3A_197, %broadcast_in_dim3A_198, %broadcast_in_dim3A_199, %broadcast_in_dim3A_200, %broadcast_in_dim3A_201 in 1 : vector<64x1xi32>, vector<64x1xi32>, vector<64x1xi32>, vector<64x1xi32>, vector<64x1xi32>, vector<64x1xi32>, vector<64x1xi32>, vector<64x1xi32> -> vector<64x8xi32>
    %mul3A_203 = arith.constant 1024 : i32
    %mul3A_204 = arith.muli %arg0, %mul3A_203 : i32
    %add3A = vector.broadcast %mul3A_204 : i32 to vector<64x8xi32>
    %add3A_205 = arith.addi %concatenate3A_202, %add3A : vector<64x8xi32>
    %swap3A_206 = arith.constant 0 : index
    %swap3A_207 = arith.constant 0 : index
    %swap3A_208 = arith.constant 0 : index
    %swap3A_209 = vector.load %arg7[%swap3A_206, %swap3A_207, %swap3A_208] : memref<1x64x8xi32, #tpu.memory_space<vmem>>, vector<1x64x8xi32>
    %swap3A_210 = vector.shape_cast %swap3A_209 : vector<1x64x8xi32> to vector<64x8xi32>
    %swap3A_211 = vector.shape_cast %add3A_205 : vector<64x8xi32> to vector<1x64x8xi32>
    tpu.vector_store %arg7[%swap3A_206, %swap3A_207, %swap3A_208], %swap3A_211 {strides = array<i32>} : memref<1x64x8xi32, #tpu.memory_space<vmem>>, vector<1x64x8xi32>,
    return
  }
  func.func @transform_0(%arg0: i32, %arg1: i32) -> (i32, i32, i32) {
    %c0_i32 = arith.constant 0 : i32
    %c0_i32_0 = arith.constant 0 : i32
    return %arg0, %arg1, %c0_i32 : i32, i32, i32
  }
  func.func @transform_1(%arg0: i32, %arg1: i32) -> (i32, i32, i32) {
    %c0_i32 = arith.constant 0 : i32
    %c0_i32_0 = arith.constant 0 : i32
    %c0_i32_1 = arith.constant 0 : i32
    return %arg0, %c0_i32, %c0_i32_0 : i32, i32, i32
  }
  func.func @transform_2(%arg0: i32, %arg1: i32) -> (i32, i32, i32) {
    %c0_i32 = arith.constant 0 : i32
    %c0_i32_0 = arith.constant 0 : i32
    %c0_i32_1 = arith.constant 0 : i32
    return %arg0, %c0_i32, %c0_i32_0 : i32, i32, i32
  }
  func.func @transform_3(%arg0: i32, %arg1: i32) -> (i32, i32, i32) {
    %c0_i32 = arith.constant 0 : i32
    %c0_i32_0 = arith.constant 0 : i32
    return %arg0, %arg1, %c0_i32 : i32, i32, i32
  }
  func.func @transform_4(%arg0: i32, %arg1: i32) -> (i32, i32, i32) {
    %c0_i32 = arith.constant 0 : i32
    %c0_i32_0 = arith.constant 0 : i32
    return %arg0, %arg1, %c0_i32 : i32, i32, i32
  }
  func.func @transform_5(%arg0: i32, %arg1: i32) -> (i32, i32, i32) {
    %c0_i32 = arith.constant 0 : i32
    %c0_i32_0 = arith.constant 0 : i32
    return %arg0, %arg1, %c0_i32 : i32, i32, i32
  }
}

module attributes {stable_mosaic.version = 14 : i64} {
  func.func @_fine_body(%arg0: i32, %arg1: i32, %arg2: memref<1x64x4x16xf32, #tpu.memory_space<vmem>>, %arg3: memref<1x64x8x8x16xf32, #tpu.memory_space<vmem>>, %arg4: memref<1x64x8xf32, #tpu.memory_space<vmem>>, %arg5: memref<1x64x8xi32, #tpu.memory_space<vmem>>, %arg6: memref<1x64x16xf32, #tpu.memory_space<vmem>>, %arg7: memref<1x64x4x16xf32, #tpu.memory_space<vmem>>, %arg8: memref<1x64x4x8xf32, #tpu.memory_space<vmem>>, %arg9: memref<1x64x4x8xi32, #tpu.memory_space<vmem>>) attributes {dimension_semantics = [#tpu.dimension_semantics<arbitrary>, #tpu.dimension_semantics<arbitrary>], iteration_bounds = array<i64: 8, 16>, scalar_prefetch = 0 : i64, scratch_operands = 0 : i64, tpu.core_type = #tpu.core_type<tc>, window_params = [{transform_indices = @transform_0, window_bounds = array<i64: 1, 64, 4, 16>}, {transform_indices = @transform_1, window_bounds = array<i64: 1, 64, 8, 8, 16>}, {transform_indices = @transform_2, window_bounds = array<i64: 1, 64, 8>}, {transform_indices = @transform_3, window_bounds = array<i64: 1, 64, 8>}, {transform_indices = @transform_4, window_bounds = array<i64: 1, 64, 16>}, {transform_indices = @transform_5, window_bounds = array<i64: 1, 64, 4, 16>}, {transform_indices = @transform_6, window_bounds = array<i64: 1, 64, 4, 8>}, {transform_indices = @transform_7, window_bounds = array<i64: 1, 64, 4, 8>}]} {
    %get3A = arith.constant 0 : index
    %get3A_0 = arith.constant 0 : index
    %get3A_1 = arith.constant 0 : index
    %get3A_2 = arith.constant 0 : index
    %get3A_3 = vector.load %arg2[%get3A, %get3A_0, %get3A_1, %get3A_2] : memref<1x64x4x16xf32, #tpu.memory_space<vmem>>, vector<1x64x4x16xf32>
    %get3A_4 = vector.shape_cast %get3A_3 : vector<1x64x4x16xf32> to vector<64x4x16xf32>
    %get3A_5 = arith.constant 0 : index
    %get3A_6 = arith.constant 0 : index
    %get3A_7 = arith.constant 0 : index
    %get3A_8 = arith.constant 0 : index
    %get3A_9 = arith.constant 0 : index
    %get3A_10 = vector.load %arg3[%get3A_5, %get3A_6, %get3A_7, %get3A_8, %get3A_9] : memref<1x64x8x8x16xf32, #tpu.memory_space<vmem>>, vector<1x64x8x8x16xf32>
    %get3A_11 = vector.shape_cast %get3A_10 : vector<1x64x8x8x16xf32> to vector<64x8x8x16xf32>
    %slice3A = vector.extract_strided_slice %get3A_11 {offsets = [0, 0, 0, 0], sizes = [64, 8, 4, 16], strides = [1, 1, 1, 1]} : vector<64x8x8x16xf32> to vector<64x8x4x16xf32>
    %slice3A_12 = vector.extract_strided_slice %get3A_11 {offsets = [0, 0, 4, 0], sizes = [64, 8, 4, 16], strides = [1, 1, 1, 1]} : vector<64x8x8x16xf32> to vector<64x8x4x16xf32>
    %get3A_13 = arith.constant 0 : index
    %get3A_14 = arith.constant 0 : index
    %get3A_15 = arith.constant 0 : index
    %get3A_16 = vector.load %arg4[%get3A_13, %get3A_14, %get3A_15] : memref<1x64x8xf32, #tpu.memory_space<vmem>>, vector<1x64x8xf32>
    %get3A_17 = vector.shape_cast %get3A_16 : vector<1x64x8xf32> to vector<64x8xf32>
    %get3A_18 = arith.constant 0 : index
    %get3A_19 = arith.constant 0 : index
    %get3A_20 = arith.constant 0 : index
    %get3A_21 = vector.load %arg5[%get3A_18, %get3A_19, %get3A_20] : memref<1x64x8xi32, #tpu.memory_space<vmem>>, vector<1x64x8xi32>
    %get3A_22 = vector.shape_cast %get3A_21 : vector<1x64x8xi32> to vector<64x8xi32>
    %mul3A = arith.constant 1024 : i32
    %mul3A_23 = arith.muli %arg0, %mul3A : i32
    %sub3A = vector.broadcast %mul3A_23 : i32 to vector<64x8xi32>
    %sub3A_24 = arith.subi %get3A_22, %sub3A : vector<64x8xi32>
    %get3A_25 = arith.constant 0 : index
    %get3A_26 = arith.constant 0 : index
    %get3A_27 = arith.constant 0 : index
    %get3A_28 = vector.load %arg6[%get3A_25, %get3A_26, %get3A_27] : memref<1x64x16xf32, #tpu.memory_space<vmem>>, vector<1x64x16xf32>
    %get3A_29 = vector.shape_cast %get3A_28 : vector<1x64x16xf32> to vector<64x16xf32>
    %iota3A = tpu.iota {dimensions = array<i32: 1>} : vector<64x8x4xi32>
    %mul3A_30 = arith.constant 4 : i32
    %mul3A_31 = vector.broadcast %mul3A_30 : i32 to vector<64x8x4xi32>
    %mul3A_32 = arith.muli %iota3A, %mul3A_31 : vector<64x8x4xi32>
    %iota3A_33 = tpu.iota {dimensions = array<i32: 2>} : vector<64x8x4xi32>
    %add3A = arith.addi %mul3A_32, %iota3A_33 : vector<64x8x4xi32>
    %iota3A_34 = tpu.iota {dimensions = array<i32: 1>} : vector<64x32xi32>
    %jit3A = arith.constant 4 : i32
    %div3A = vector.broadcast %jit3A : i32 to vector<64x32xi32>
    %div3A_35 = arith.divsi %iota3A_34, %div3A : vector<64x32xi32>
    %sign3A = arith.constant 0 : i32
    %sign3A_36 = vector.broadcast %sign3A : i32 to vector<64x32xi32>
    %sign3A_37 = arith.cmpi sgt, %iota3A_34, %sign3A_36 : vector<64x32xi32>
    %sign3A_38 = arith.extui %sign3A_37 : vector<64x32xi1> to vector<64x32xi32>
    %sign3A_39 = arith.constant 0 : i32
    %sign3A_40 = vector.broadcast %sign3A_39 : i32 to vector<64x32xi32>
    %sign3A_41 = arith.cmpi slt, %iota3A_34, %sign3A_40 : vector<64x32xi32>
    %sign3A_42 = arith.extui %sign3A_41 : vector<64x32xi1> to vector<64x32xi32>
    %sign3A_43 = arith.subi %sign3A_38, %sign3A_42 : vector<64x32xi32>
    %sign3A_44 = arith.constant 0 : i32
    %sign3A_45 = arith.cmpi sgt, %jit3A, %sign3A_44 : i32
    %sign3A_46 = arith.extui %sign3A_45 : i1 to i32
    %sign3A_47 = arith.constant 0 : i32
    %sign3A_48 = arith.cmpi slt, %jit3A, %sign3A_47 : i32
    %sign3A_49 = arith.extui %sign3A_48 : i1 to i32
    %sign3A_50 = arith.subi %sign3A_46, %sign3A_49 : i32
    %ne3A = vector.broadcast %sign3A_50 : i32 to vector<64x32xi32>
    %ne3A_51 = arith.cmpi ne, %sign3A_43, %ne3A : vector<64x32xi32>
    %rem3A = vector.broadcast %jit3A : i32 to vector<64x32xi32>
    %rem3A_52 = arith.remsi %iota3A_34, %rem3A : vector<64x32xi32>
    %ne3A_53 = arith.constant 0 : i32
    %ne3A_54 = vector.broadcast %ne3A_53 : i32 to vector<64x32xi32>
    %ne3A_55 = arith.cmpi ne, %rem3A_52, %ne3A_54 : vector<64x32xi32>
    %and3A = arith.andi %ne3A_51, %ne3A_55 : vector<64x32xi1>
    %sub3A_56 = arith.constant 1 : i32
    %sub3A_57 = vector.broadcast %sub3A_56 : i32 to vector<64x32xi32>
    %sub3A_58 = arith.subi %div3A_35, %sub3A_57 : vector<64x32xi32>
    %select_n3A = arith.select %and3A, %sub3A_58, %div3A_35 : vector<64x32xi1>, vector<64x32xi32>
    %jit3A_59 = arith.constant 4 : i32
    %eq3A = arith.constant 0 : i32
    %eq3A_60 = arith.cmpi eq, %jit3A_59, %eq3A : i32
    %jit3A_61 = arith.constant 1 : i32
    %select_n3A_62 = arith.select %eq3A_60, %jit3A_61, %jit3A_59 : i32
    %rem3A_63 = vector.broadcast %select_n3A_62 : i32 to vector<64x32xi32>
    %rem3A_64 = arith.remsi %iota3A_34, %rem3A_63 : vector<64x32xi32>
    %ne3A_65 = arith.constant 0 : i32
    %ne3A_66 = vector.broadcast %ne3A_65 : i32 to vector<64x32xi32>
    %ne3A_67 = arith.cmpi ne, %rem3A_64, %ne3A_66 : vector<64x32xi32>
    %lt3A = arith.constant 0 : i32
    %lt3A_68 = vector.broadcast %lt3A : i32 to vector<64x32xi32>
    %lt3A_69 = arith.cmpi slt, %rem3A_64, %lt3A_68 : vector<64x32xi32>
    %lt3A_70 = arith.constant 0 : i32
    %lt3A_71 = arith.cmpi slt, %select_n3A_62, %lt3A_70 : i32
    %ne3A_72 = vector.broadcast %lt3A_71 : i1 to vector<64x32xi1>
    %ne3A_73 = vector.broadcast %ne3A_72 : vector<64x32xi1> to vector<64x32xi1>
    %ne3A_74 = arith.xori %lt3A_69, %ne3A_73 : vector<64x32xi1>
    %and3A_75 = arith.andi %ne3A_74, %ne3A_67 : vector<64x32xi1>
    %add3A_76 = vector.broadcast %select_n3A_62 : i32 to vector<64x32xi32>
    %add3A_77 = arith.addi %rem3A_64, %add3A_76 : vector<64x32xi32>
    %select_n3A_78 = arith.select %and3A_75, %add3A_77, %rem3A_64 : vector<64x32xi1>, vector<64x32xi32>
    %broadcast_in_dim3A = arith.constant 0 : i32
    %broadcast_in_dim3A_79 = vector.broadcast %broadcast_in_dim3A : i32 to vector<64x32xi32>
    %eq3A_80 = arith.constant 0 : i32
    %eq3A_81 = vector.broadcast %eq3A_80 : i32 to vector<64x32xi32>
    %eq3A_82 = arith.cmpi eq, %select_n3A, %eq3A_81 : vector<64x32xi32>
    %slice3A_83 = vector.extract_strided_slice %sub3A_24 {offsets = [0, 0], sizes = [64, 1], strides = [1, 1]} : vector<64x8xi32> to vector<64x1xi32>
    %squeeze3A = vector.shape_cast %slice3A_83 : vector<64x1xi32> to vector<64xi32>
    %broadcast_in_dim3A_84 = vector.shape_cast %squeeze3A : vector<64xi32> to vector<64x1xi32>
    %broadcast_in_dim3A_85 = vector.shape_cast %broadcast_in_dim3A_84 : vector<64x1xi32> to vector<64x1xi32>
    %broadcast_in_dim3A_86 = vector.broadcast %broadcast_in_dim3A_85 : vector<64x1xi32> to vector<64x32xi32>
    %select_n3A_87 = arith.select %eq3A_82, %broadcast_in_dim3A_86, %broadcast_in_dim3A_79 : vector<64x32xi1>, vector<64x32xi32>
    %eq3A_88 = arith.constant 1 : i32
    %eq3A_89 = vector.broadcast %eq3A_88 : i32 to vector<64x32xi32>
    %eq3A_90 = arith.cmpi eq, %select_n3A, %eq3A_89 : vector<64x32xi32>
    %slice3A_91 = vector.extract_strided_slice %sub3A_24 {offsets = [0, 1], sizes = [64, 1], strides = [1, 1]} : vector<64x8xi32> to vector<64x1xi32>
    %squeeze3A_92 = vector.shape_cast %slice3A_91 : vector<64x1xi32> to vector<64xi32>
    %broadcast_in_dim3A_93 = vector.shape_cast %squeeze3A_92 : vector<64xi32> to vector<64x1xi32>
    %broadcast_in_dim3A_94 = vector.shape_cast %broadcast_in_dim3A_93 : vector<64x1xi32> to vector<64x1xi32>
    %broadcast_in_dim3A_95 = vector.broadcast %broadcast_in_dim3A_94 : vector<64x1xi32> to vector<64x32xi32>
    %select_n3A_96 = arith.select %eq3A_90, %broadcast_in_dim3A_95, %select_n3A_87 : vector<64x32xi1>, vector<64x32xi32>
    %eq3A_97 = arith.constant 2 : i32
    %eq3A_98 = vector.broadcast %eq3A_97 : i32 to vector<64x32xi32>
    %eq3A_99 = arith.cmpi eq, %select_n3A, %eq3A_98 : vector<64x32xi32>
    %slice3A_100 = vector.extract_strided_slice %sub3A_24 {offsets = [0, 2], sizes = [64, 1], strides = [1, 1]} : vector<64x8xi32> to vector<64x1xi32>
    %squeeze3A_101 = vector.shape_cast %slice3A_100 : vector<64x1xi32> to vector<64xi32>
    %broadcast_in_dim3A_102 = vector.shape_cast %squeeze3A_101 : vector<64xi32> to vector<64x1xi32>
    %broadcast_in_dim3A_103 = vector.shape_cast %broadcast_in_dim3A_102 : vector<64x1xi32> to vector<64x1xi32>
    %broadcast_in_dim3A_104 = vector.broadcast %broadcast_in_dim3A_103 : vector<64x1xi32> to vector<64x32xi32>
    %select_n3A_105 = arith.select %eq3A_99, %broadcast_in_dim3A_104, %select_n3A_96 : vector<64x32xi1>, vector<64x32xi32>
    %eq3A_106 = arith.constant 3 : i32
    %eq3A_107 = vector.broadcast %eq3A_106 : i32 to vector<64x32xi32>
    %eq3A_108 = arith.cmpi eq, %select_n3A, %eq3A_107 : vector<64x32xi32>
    %slice3A_109 = vector.extract_strided_slice %sub3A_24 {offsets = [0, 3], sizes = [64, 1], strides = [1, 1]} : vector<64x8xi32> to vector<64x1xi32>
    %squeeze3A_110 = vector.shape_cast %slice3A_109 : vector<64x1xi32> to vector<64xi32>
    %broadcast_in_dim3A_111 = vector.shape_cast %squeeze3A_110 : vector<64xi32> to vector<64x1xi32>
    %broadcast_in_dim3A_112 = vector.shape_cast %broadcast_in_dim3A_111 : vector<64x1xi32> to vector<64x1xi32>
    %broadcast_in_dim3A_113 = vector.broadcast %broadcast_in_dim3A_112 : vector<64x1xi32> to vector<64x32xi32>
    %select_n3A_114 = arith.select %eq3A_108, %broadcast_in_dim3A_113, %select_n3A_105 : vector<64x32xi1>, vector<64x32xi32>
    %eq3A_115 = arith.constant 4 : i32
    %eq3A_116 = vector.broadcast %eq3A_115 : i32 to vector<64x32xi32>
    %eq3A_117 = arith.cmpi eq, %select_n3A, %eq3A_116 : vector<64x32xi32>
    %slice3A_118 = vector.extract_strided_slice %sub3A_24 {offsets = [0, 4], sizes = [64, 1], strides = [1, 1]} : vector<64x8xi32> to vector<64x1xi32>
    %squeeze3A_119 = vector.shape_cast %slice3A_118 : vector<64x1xi32> to vector<64xi32>
    %broadcast_in_dim3A_120 = vector.shape_cast %squeeze3A_119 : vector<64xi32> to vector<64x1xi32>
    %broadcast_in_dim3A_121 = vector.shape_cast %broadcast_in_dim3A_120 : vector<64x1xi32> to vector<64x1xi32>
    %broadcast_in_dim3A_122 = vector.broadcast %broadcast_in_dim3A_121 : vector<64x1xi32> to vector<64x32xi32>
    %select_n3A_123 = arith.select %eq3A_117, %broadcast_in_dim3A_122, %select_n3A_114 : vector<64x32xi1>, vector<64x32xi32>
    %eq3A_124 = arith.constant 5 : i32
    %eq3A_125 = vector.broadcast %eq3A_124 : i32 to vector<64x32xi32>
    %eq3A_126 = arith.cmpi eq, %select_n3A, %eq3A_125 : vector<64x32xi32>
    %slice3A_127 = vector.extract_strided_slice %sub3A_24 {offsets = [0, 5], sizes = [64, 1], strides = [1, 1]} : vector<64x8xi32> to vector<64x1xi32>
    %squeeze3A_128 = vector.shape_cast %slice3A_127 : vector<64x1xi32> to vector<64xi32>
    %broadcast_in_dim3A_129 = vector.shape_cast %squeeze3A_128 : vector<64xi32> to vector<64x1xi32>
    %broadcast_in_dim3A_130 = vector.shape_cast %broadcast_in_dim3A_129 : vector<64x1xi32> to vector<64x1xi32>
    %broadcast_in_dim3A_131 = vector.broadcast %broadcast_in_dim3A_130 : vector<64x1xi32> to vector<64x32xi32>
    %select_n3A_132 = arith.select %eq3A_126, %broadcast_in_dim3A_131, %select_n3A_123 : vector<64x32xi1>, vector<64x32xi32>
    %eq3A_133 = arith.constant 6 : i32
    %eq3A_134 = vector.broadcast %eq3A_133 : i32 to vector<64x32xi32>
    %eq3A_135 = arith.cmpi eq, %select_n3A, %eq3A_134 : vector<64x32xi32>
    %slice3A_136 = vector.extract_strided_slice %sub3A_24 {offsets = [0, 6], sizes = [64, 1], strides = [1, 1]} : vector<64x8xi32> to vector<64x1xi32>
    %squeeze3A_137 = vector.shape_cast %slice3A_136 : vector<64x1xi32> to vector<64xi32>
    %broadcast_in_dim3A_138 = vector.shape_cast %squeeze3A_137 : vector<64xi32> to vector<64x1xi32>
    %broadcast_in_dim3A_139 = vector.shape_cast %broadcast_in_dim3A_138 : vector<64x1xi32> to vector<64x1xi32>
    %broadcast_in_dim3A_140 = vector.broadcast %broadcast_in_dim3A_139 : vector<64x1xi32> to vector<64x32xi32>
    %select_n3A_141 = arith.select %eq3A_135, %broadcast_in_dim3A_140, %select_n3A_132 : vector<64x32xi1>, vector<64x32xi32>
    %eq3A_142 = arith.constant 7 : i32
    %eq3A_143 = vector.broadcast %eq3A_142 : i32 to vector<64x32xi32>
    %eq3A_144 = arith.cmpi eq, %select_n3A, %eq3A_143 : vector<64x32xi32>
    %slice3A_145 = vector.extract_strided_slice %sub3A_24 {offsets = [0, 7], sizes = [64, 1], strides = [1, 1]} : vector<64x8xi32> to vector<64x1xi32>
    %squeeze3A_146 = vector.shape_cast %slice3A_145 : vector<64x1xi32> to vector<64xi32>
    %broadcast_in_dim3A_147 = vector.shape_cast %squeeze3A_146 : vector<64xi32> to vector<64x1xi32>
    %broadcast_in_dim3A_148 = vector.shape_cast %broadcast_in_dim3A_147 : vector<64x1xi32> to vector<64x1xi32>
    %broadcast_in_dim3A_149 = vector.broadcast %broadcast_in_dim3A_148 : vector<64x1xi32> to vector<64x32xi32>
    %select_n3A_150 = arith.select %eq3A_144, %broadcast_in_dim3A_149, %select_n3A_141 : vector<64x32xi1>, vector<64x32xi32>
    %jit3A_151 = arith.constant 32 : i32
    %div3A_152 = vector.broadcast %jit3A_151 : i32 to vector<64x32xi32>
    %div3A_153 = arith.divsi %select_n3A_150, %div3A_152 : vector<64x32xi32>
    %sign3A_154 = arith.constant 0 : i32
    %sign3A_155 = vector.broadcast %sign3A_154 : i32 to vector<64x32xi32>
    %sign3A_156 = arith.cmpi sgt, %select_n3A_150, %sign3A_155 : vector<64x32xi32>
    %sign3A_157 = arith.extui %sign3A_156 : vector<64x32xi1> to vector<64x32xi32>
    %sign3A_158 = arith.constant 0 : i32
    %sign3A_159 = vector.broadcast %sign3A_158 : i32 to vector<64x32xi32>
    %sign3A_160 = arith.cmpi slt, %select_n3A_150, %sign3A_159 : vector<64x32xi32>
    %sign3A_161 = arith.extui %sign3A_160 : vector<64x32xi1> to vector<64x32xi32>
    %sign3A_162 = arith.subi %sign3A_157, %sign3A_161 : vector<64x32xi32>
    %sign3A_163 = arith.constant 0 : i32
    %sign3A_164 = arith.cmpi sgt, %jit3A_151, %sign3A_163 : i32
    %sign3A_165 = arith.extui %sign3A_164 : i1 to i32
    %sign3A_166 = arith.constant 0 : i32
    %sign3A_167 = arith.cmpi slt, %jit3A_151, %sign3A_166 : i32
    %sign3A_168 = arith.extui %sign3A_167 : i1 to i32
    %sign3A_169 = arith.subi %sign3A_165, %sign3A_168 : i32
    %ne3A_170 = vector.broadcast %sign3A_169 : i32 to vector<64x32xi32>
    %ne3A_171 = arith.cmpi ne, %sign3A_162, %ne3A_170 : vector<64x32xi32>
    %rem3A_172 = vector.broadcast %jit3A_151 : i32 to vector<64x32xi32>
    %rem3A_173 = arith.remsi %select_n3A_150, %rem3A_172 : vector<64x32xi32>
    %ne3A_174 = arith.constant 0 : i32
    %ne3A_175 = vector.broadcast %ne3A_174 : i32 to vector<64x32xi32>
    %ne3A_176 = arith.cmpi ne, %rem3A_173, %ne3A_175 : vector<64x32xi32>
    %and3A_177 = arith.andi %ne3A_171, %ne3A_176 : vector<64x32xi1>
    %sub3A_178 = arith.constant 1 : i32
    %sub3A_179 = vector.broadcast %sub3A_178 : i32 to vector<64x32xi32>
    %sub3A_180 = arith.subi %div3A_153, %sub3A_179 : vector<64x32xi32>
    %select_n3A_181 = arith.select %and3A_177, %sub3A_180, %div3A_153 : vector<64x32xi1>, vector<64x32xi32>
    %jit3A_182 = arith.constant 32 : i32
    %eq3A_183 = arith.constant 0 : i32
    %eq3A_184 = arith.cmpi eq, %jit3A_182, %eq3A_183 : i32
    %jit3A_185 = arith.constant 1 : i32
    %select_n3A_186 = arith.select %eq3A_184, %jit3A_185, %jit3A_182 : i32
    %rem3A_187 = vector.broadcast %select_n3A_186 : i32 to vector<64x32xi32>
    %rem3A_188 = arith.remsi %select_n3A_150, %rem3A_187 : vector<64x32xi32>
    %ne3A_189 = arith.constant 0 : i32
    %ne3A_190 = vector.broadcast %ne3A_189 : i32 to vector<64x32xi32>
    %ne3A_191 = arith.cmpi ne, %rem3A_188, %ne3A_190 : vector<64x32xi32>
    %lt3A_192 = arith.constant 0 : i32
    %lt3A_193 = vector.broadcast %lt3A_192 : i32 to vector<64x32xi32>
    %lt3A_194 = arith.cmpi slt, %rem3A_188, %lt3A_193 : vector<64x32xi32>
    %lt3A_195 = arith.constant 0 : i32
    %lt3A_196 = arith.cmpi slt, %select_n3A_186, %lt3A_195 : i32
    %ne3A_197 = vector.broadcast %lt3A_196 : i1 to vector<64x32xi1>
    %ne3A_198 = vector.broadcast %ne3A_197 : vector<64x32xi1> to vector<64x32xi1>
    %ne3A_199 = arith.xori %lt3A_194, %ne3A_198 : vector<64x32xi1>
    %and3A_200 = arith.andi %ne3A_199, %ne3A_191 : vector<64x32xi1>
    %add3A_201 = vector.broadcast %select_n3A_186 : i32 to vector<64x32xi32>
    %add3A_202 = arith.addi %rem3A_188, %add3A_201 : vector<64x32xi32>
    %select_n3A_203 = arith.select %and3A_200, %add3A_202, %rem3A_188 : vector<64x32xi1>, vector<64x32xi32>
    %jit3A_204 = arith.constant 2 : i32
    %div3A_205 = vector.broadcast %jit3A_204 : i32 to vector<64x32xi32>
    %div3A_206 = arith.divsi %select_n3A_78, %div3A_205 : vector<64x32xi32>
    %sign3A_207 = arith.constant 0 : i32
    %sign3A_208 = vector.broadcast %sign3A_207 : i32 to vector<64x32xi32>
    %sign3A_209 = arith.cmpi sgt, %select_n3A_78, %sign3A_208 : vector<64x32xi32>
    %sign3A_210 = arith.extui %sign3A_209 : vector<64x32xi1> to vector<64x32xi32>
    %sign3A_211 = arith.constant 0 : i32
    %sign3A_212 = vector.broadcast %sign3A_211 : i32 to vector<64x32xi32>
    %sign3A_213 = arith.cmpi slt, %select_n3A_78, %sign3A_212 : vector<64x32xi32>
    %sign3A_214 = arith.extui %sign3A_213 : vector<64x32xi1> to vector<64x32xi32>
    %sign3A_215 = arith.subi %sign3A_210, %sign3A_214 : vector<64x32xi32>
    %sign3A_216 = arith.constant 0 : i32
    %sign3A_217 = arith.cmpi sgt, %jit3A_204, %sign3A_216 : i32
    %sign3A_218 = arith.extui %sign3A_217 : i1 to i32
    %sign3A_219 = arith.constant 0 : i32
    %sign3A_220 = arith.cmpi slt, %jit3A_204, %sign3A_219 : i32
    %sign3A_221 = arith.extui %sign3A_220 : i1 to i32
    %sign3A_222 = arith.subi %sign3A_218, %sign3A_221 : i32
    %ne3A_223 = vector.broadcast %sign3A_222 : i32 to vector<64x32xi32>
    %ne3A_224 = arith.cmpi ne, %sign3A_215, %ne3A_223 : vector<64x32xi32>
    %rem3A_225 = vector.broadcast %jit3A_204 : i32 to vector<64x32xi32>
    %rem3A_226 = arith.remsi %select_n3A_78, %rem3A_225 : vector<64x32xi32>
    %ne3A_227 = arith.constant 0 : i32
    %ne3A_228 = vector.broadcast %ne3A_227 : i32 to vector<64x32xi32>
    %ne3A_229 = arith.cmpi ne, %rem3A_226, %ne3A_228 : vector<64x32xi32>
    %and3A_230 = arith.andi %ne3A_224, %ne3A_229 : vector<64x32xi1>
    %sub3A_231 = arith.constant 1 : i32
    %sub3A_232 = vector.broadcast %sub3A_231 : i32 to vector<64x32xi32>
    %sub3A_233 = arith.subi %div3A_206, %sub3A_232 : vector<64x32xi32>
    %select_n3A_234 = arith.select %and3A_230, %sub3A_233, %div3A_206 : vector<64x32xi1>, vector<64x32xi32>
    %jit3A_235 = arith.constant 2 : i32
    %eq3A_236 = arith.constant 0 : i32
    %eq3A_237 = arith.cmpi eq, %jit3A_235, %eq3A_236 : i32
    %jit3A_238 = arith.constant 1 : i32
    %select_n3A_239 = arith.select %eq3A_237, %jit3A_238, %jit3A_235 : i32
    %rem3A_240 = vector.broadcast %select_n3A_239 : i32 to vector<64x32xi32>
    %rem3A_241 = arith.remsi %select_n3A_78, %rem3A_240 : vector<64x32xi32>
    %ne3A_242 = arith.constant 0 : i32
    %ne3A_243 = vector.broadcast %ne3A_242 : i32 to vector<64x32xi32>
    %ne3A_244 = arith.cmpi ne, %rem3A_241, %ne3A_243 : vector<64x32xi32>
    %lt3A_245 = arith.constant 0 : i32
    %lt3A_246 = vector.broadcast %lt3A_245 : i32 to vector<64x32xi32>
    %lt3A_247 = arith.cmpi slt, %rem3A_241, %lt3A_246 : vector<64x32xi32>
    %lt3A_248 = arith.constant 0 : i32
    %lt3A_249 = arith.cmpi slt, %select_n3A_239, %lt3A_248 : i32
    %ne3A_250 = vector.broadcast %lt3A_249 : i1 to vector<64x32xi1>
    %ne3A_251 = vector.broadcast %ne3A_250 : vector<64x32xi1> to vector<64x32xi1>
    %ne3A_252 = arith.xori %lt3A_247, %ne3A_251 : vector<64x32xi1>
    %and3A_253 = arith.andi %ne3A_252, %ne3A_244 : vector<64x32xi1>
    %add3A_254 = vector.broadcast %select_n3A_239 : i32 to vector<64x32xi32>
    %add3A_255 = arith.addi %rem3A_241, %add3A_254 : vector<64x32xi32>
    %select_n3A_256 = arith.select %and3A_253, %add3A_255, %rem3A_241 : vector<64x32xi1>, vector<64x32xi32>
    %mul3A_257 = arith.constant 2 : i32
    %mul3A_258 = vector.broadcast %mul3A_257 : i32 to vector<64x32xi32>
    %mul3A_259 = arith.muli %mul3A_258, %select_n3A_181 : vector<64x32xi32>
    %add3A_260 = arith.addi %mul3A_259, %select_n3A_234 : vector<64x32xi32>
    %mul3A_261 = arith.constant 64 : i32
    %mul3A_262 = vector.broadcast %mul3A_261 : i32 to vector<64x32xi32>
    %mul3A_263 = arith.muli %add3A_260, %mul3A_262 : vector<64x32xi32>
    %mul3A_264 = arith.constant 2 : i32
    %mul3A_265 = vector.broadcast %mul3A_264 : i32 to vector<64x32xi32>
    %mul3A_266 = arith.muli %mul3A_265, %select_n3A_203 : vector<64x32xi32>
    %add3A_267 = arith.addi %mul3A_266, %select_n3A_256 : vector<64x32xi32>
    %add3A_268 = arith.addi %mul3A_263, %add3A_267 : vector<64x32xi32>
    %slice3A_269 = vector.extract_strided_slice %get3A_4 {offsets = [0, 0, 0], sizes = [64, 1, 16], strides = [1, 1, 1]} : vector<64x4x16xf32> to vector<64x1x16xf32>
    %squeeze3A_270 = vector.shape_cast %slice3A_269 : vector<64x1x16xf32> to vector<64x16xf32>
    %convert_element_type3A = arith.truncf %squeeze3A_270 : vector<64x16xf32> to vector<64x16xbf16>
    %convert_element_type3A_271 = arith.extf %convert_element_type3A : vector<64x16xbf16> to vector<64x16xf32>
    %convert_element_type3A_272 = arith.truncf %slice3A : vector<64x8x4x16xf32> to vector<64x8x4x16xbf16>
    %convert_element_type3A_273 = arith.extf %convert_element_type3A_272 : vector<64x8x4x16xbf16> to vector<64x8x4x16xf32>
    %broadcast_in_dim3A_274 = vector.shape_cast %convert_element_type3A_271 : vector<64x16xf32> to vector<64x1x1x16xf32>
    %mul3A_275 = vector.broadcast %broadcast_in_dim3A_274 : vector<64x1x1x16xf32> to vector<64x8x4x16xf32>
    %mul3A_276 = arith.mulf %mul3A_275, %convert_element_type3A_273 : vector<64x8x4x16xf32>
    %reduce_sum3A = arith.constant dense<0.000000e+00> : vector<64x8x4xf32>
    %reduce_sum3A_277 = vector.multi_reduction <add>, %mul3A_276, %reduce_sum3A [3] : vector<64x8x4x16xf32> to vector<64x8x4xf32>
    %mul3A_278 = arith.constant 2.500000e-01 : f32
    %mul3A_279 = vector.broadcast %mul3A_278 : f32 to vector<64x8x4xf32>
    %mul3A_280 = arith.mulf %reduce_sum3A_277, %mul3A_279 : vector<64x8x4xf32>
    %reduce_max3A = arith.constant dense<0xFF800000> : vector<64x8xf32>
    %reduce_max3A_281 = vector.multi_reduction <maximumf>, %mul3A_280, %reduce_max3A [2] : vector<64x8x4xf32> to vector<64x8xf32>
    %broadcast_in_dim3A_282 = vector.shape_cast %reduce_max3A_281 : vector<64x8xf32> to vector<64x8x1xf32>
    %sub3A_283 = vector.broadcast %broadcast_in_dim3A_282 : vector<64x8x1xf32> to vector<64x8x4xf32>
    %sub3A_284 = arith.subf %mul3A_280, %sub3A_283 : vector<64x8x4xf32>
    %exp3A = math.exp %sub3A_284 : vector<64x8x4xf32>
    %reduce_sum3A_285 = arith.constant dense<0.000000e+00> : vector<64x8xf32>
    %reduce_sum3A_286 = vector.multi_reduction <add>, %exp3A, %reduce_sum3A_285 [2] : vector<64x8x4xf32> to vector<64x8xf32>
    %broadcast_in_dim3A_287 = vector.shape_cast %reduce_sum3A_286 : vector<64x8xf32> to vector<64x8x1xf32>
    %div3A_288 = vector.broadcast %broadcast_in_dim3A_287 : vector<64x8x1xf32> to vector<64x8x4xf32>
    %div3A_289 = arith.divf %exp3A, %div3A_288 : vector<64x8x4xf32>
    %broadcast_in_dim3A_290 = vector.shape_cast %get3A_17 : vector<64x8xf32> to vector<64x8x1xf32>
    %mul3A_291 = vector.broadcast %broadcast_in_dim3A_290 : vector<64x8x1xf32> to vector<64x8x4xf32>
    %mul3A_292 = arith.mulf %div3A_289, %mul3A_291 : vector<64x8x4xf32>
    %broadcast_in_dim3A_293 = arith.constant false
    %broadcast_in_dim3A_294 = vector.broadcast %broadcast_in_dim3A_293 : i1 to vector<64x8x4xi1>
    %reduce_max3A_295 = arith.constant dense<0xFF800000> : vector<64xf32>
    %reduce_max3A_296 = vector.multi_reduction <maximumf>, %mul3A_292, %reduce_max3A_295 [1, 2] : vector<64x8x4xf32> to vector<64xf32>
    %broadcast_in_dim3A_297 = vector.shape_cast %reduce_max3A_296 : vector<64xf32> to vector<64x1x1xf32>
    %eq3A_298 = vector.broadcast %broadcast_in_dim3A_297 : vector<64x1x1xf32> to vector<64x8x4xf32>
    %eq3A_299 = arith.cmpf oeq, %mul3A_292, %eq3A_298 : vector<64x8x4xf32>
    %jit3A_300 = arith.constant 32 : i32
    %broadcast_in_dim3A_301 = vector.broadcast %jit3A_300 : i32 to vector<64x8x4xi32>
    %select_n3A_302 = arith.select %eq3A_299, %add3A, %broadcast_in_dim3A_301 : vector<64x8x4xi1>, vector<64x8x4xi32>
    %reduce_min3A = arith.constant dense<2147483647> : vector<64xi32>
    %reduce_min3A_303 = vector.multi_reduction <minsi>, %select_n3A_302, %reduce_min3A [1, 2] : vector<64x8x4xi32> to vector<64xi32>
    %broadcast_in_dim3A_304 = vector.shape_cast %reduce_min3A_303 : vector<64xi32> to vector<64x1x1xi32>
    %eq3A_305 = vector.broadcast %broadcast_in_dim3A_304 : vector<64x1x1xi32> to vector<64x8x4xi32>
    %eq3A_306 = arith.cmpi eq, %add3A, %eq3A_305 : vector<64x8x4xi32>
    %jit3A_307 = arith.constant -1.000000e+00 : f32
    %broadcast_in_dim3A_308 = vector.broadcast %jit3A_307 : f32 to vector<64x8x4xf32>
    %select_n3A_309 = arith.select %eq3A_306, %broadcast_in_dim3A_308, %mul3A_292 : vector<64x8x4xi1>, vector<64x8x4xf32>
    %or3A = arith.ori %broadcast_in_dim3A_294, %eq3A_306 : vector<64x8x4xi1>
    %reshape3A = vector.shape_cast %broadcast_in_dim3A_297 : vector<64x1x1xf32> to vector<64xf32>
    %reshape3A_310 = vector.shape_cast %broadcast_in_dim3A_304 : vector<64x1x1xi32> to vector<64xi32>
    %reduce_max3A_311 = arith.constant dense<0xFF800000> : vector<64xf32>
    %reduce_max3A_312 = vector.multi_reduction <maximumf>, %select_n3A_309, %reduce_max3A_311 [1, 2] : vector<64x8x4xf32> to vector<64xf32>
    %broadcast_in_dim3A_313 = vector.shape_cast %reduce_max3A_312 : vector<64xf32> to vector<64x1x1xf32>
    %eq3A_314 = vector.broadcast %broadcast_in_dim3A_313 : vector<64x1x1xf32> to vector<64x8x4xf32>
    %eq3A_315 = arith.cmpf oeq, %select_n3A_309, %eq3A_314 : vector<64x8x4xf32>
    %jit3A_316 = arith.constant 32 : i32
    %broadcast_in_dim3A_317 = vector.broadcast %jit3A_316 : i32 to vector<64x8x4xi32>
    %select_n3A_318 = arith.select %eq3A_315, %add3A, %broadcast_in_dim3A_317 : vector<64x8x4xi1>, vector<64x8x4xi32>
    %reduce_min3A_319 = arith.constant dense<2147483647> : vector<64xi32>
    %reduce_min3A_320 = vector.multi_reduction <minsi>, %select_n3A_318, %reduce_min3A_319 [1, 2] : vector<64x8x4xi32> to vector<64xi32>
    %broadcast_in_dim3A_321 = vector.shape_cast %reduce_min3A_320 : vector<64xi32> to vector<64x1x1xi32>
    %eq3A_322 = vector.broadcast %broadcast_in_dim3A_321 : vector<64x1x1xi32> to vector<64x8x4xi32>
    %eq3A_323 = arith.cmpi eq, %add3A, %eq3A_322 : vector<64x8x4xi32>
    %jit3A_324 = arith.constant -1.000000e+00 : f32
    %broadcast_in_dim3A_325 = vector.broadcast %jit3A_324 : f32 to vector<64x8x4xf32>
    %select_n3A_326 = arith.select %eq3A_323, %broadcast_in_dim3A_325, %select_n3A_309 : vector<64x8x4xi1>, vector<64x8x4xf32>
    %or3A_327 = arith.ori %or3A, %eq3A_323 : vector<64x8x4xi1>
    %reshape3A_328 = vector.shape_cast %broadcast_in_dim3A_313 : vector<64x1x1xf32> to vector<64xf32>
    %reshape3A_329 = vector.shape_cast %broadcast_in_dim3A_321 : vector<64x1x1xi32> to vector<64xi32>
    %reduce_max3A_330 = arith.constant dense<0xFF800000> : vector<64xf32>
    %reduce_max3A_331 = vector.multi_reduction <maximumf>, %select_n3A_326, %reduce_max3A_330 [1, 2] : vector<64x8x4xf32> to vector<64xf32>
    %broadcast_in_dim3A_332 = vector.shape_cast %reduce_max3A_331 : vector<64xf32> to vector<64x1x1xf32>
    %eq3A_333 = vector.broadcast %broadcast_in_dim3A_332 : vector<64x1x1xf32> to vector<64x8x4xf32>
    %eq3A_334 = arith.cmpf oeq, %select_n3A_326, %eq3A_333 : vector<64x8x4xf32>
    %jit3A_335 = arith.constant 32 : i32
    %broadcast_in_dim3A_336 = vector.broadcast %jit3A_335 : i32 to vector<64x8x4xi32>
    %select_n3A_337 = arith.select %eq3A_334, %add3A, %broadcast_in_dim3A_336 : vector<64x8x4xi1>, vector<64x8x4xi32>
    %reduce_min3A_338 = arith.constant dense<2147483647> : vector<64xi32>
    %reduce_min3A_339 = vector.multi_reduction <minsi>, %select_n3A_337, %reduce_min3A_338 [1, 2] : vector<64x8x4xi32> to vector<64xi32>
    %broadcast_in_dim3A_340 = vector.shape_cast %reduce_min3A_339 : vector<64xi32> to vector<64x1x1xi32>
    %eq3A_341 = vector.broadcast %broadcast_in_dim3A_340 : vector<64x1x1xi32> to vector<64x8x4xi32>
    %eq3A_342 = arith.cmpi eq, %add3A, %eq3A_341 : vector<64x8x4xi32>
    %jit3A_343 = arith.constant -1.000000e+00 : f32
    %broadcast_in_dim3A_344 = vector.broadcast %jit3A_343 : f32 to vector<64x8x4xf32>
    %select_n3A_345 = arith.select %eq3A_342, %broadcast_in_dim3A_344, %select_n3A_326 : vector<64x8x4xi1>, vector<64x8x4xf32>
    %or3A_346 = arith.ori %or3A_327, %eq3A_342 : vector<64x8x4xi1>
    %reshape3A_347 = vector.shape_cast %broadcast_in_dim3A_332 : vector<64x1x1xf32> to vector<64xf32>
    %reshape3A_348 = vector.shape_cast %broadcast_in_dim3A_340 : vector<64x1x1xi32> to vector<64xi32>
    %reduce_max3A_349 = arith.constant dense<0xFF800000> : vector<64xf32>
    %reduce_max3A_350 = vector.multi_reduction <maximumf>, %select_n3A_345, %reduce_max3A_349 [1, 2] : vector<64x8x4xf32> to vector<64xf32>
    %broadcast_in_dim3A_351 = vector.shape_cast %reduce_max3A_350 : vector<64xf32> to vector<64x1x1xf32>
    %eq3A_352 = vector.broadcast %broadcast_in_dim3A_351 : vector<64x1x1xf32> to vector<64x8x4xf32>
    %eq3A_353 = arith.cmpf oeq, %select_n3A_345, %eq3A_352 : vector<64x8x4xf32>
    %jit3A_354 = arith.constant 32 : i32
    %broadcast_in_dim3A_355 = vector.broadcast %jit3A_354 : i32 to vector<64x8x4xi32>
    %select_n3A_356 = arith.select %eq3A_353, %add3A, %broadcast_in_dim3A_355 : vector<64x8x4xi1>, vector<64x8x4xi32>
    %reduce_min3A_357 = arith.constant dense<2147483647> : vector<64xi32>
    %reduce_min3A_358 = vector.multi_reduction <minsi>, %select_n3A_356, %reduce_min3A_357 [1, 2] : vector<64x8x4xi32> to vector<64xi32>
    %broadcast_in_dim3A_359 = vector.shape_cast %reduce_min3A_358 : vector<64xi32> to vector<64x1x1xi32>
    %eq3A_360 = vector.broadcast %broadcast_in_dim3A_359 : vector<64x1x1xi32> to vector<64x8x4xi32>
    %eq3A_361 = arith.cmpi eq, %add3A, %eq3A_360 : vector<64x8x4xi32>
    %jit3A_362 = arith.constant -1.000000e+00 : f32
    %broadcast_in_dim3A_363 = vector.broadcast %jit3A_362 : f32 to vector<64x8x4xf32>
    %select_n3A_364 = arith.select %eq3A_361, %broadcast_in_dim3A_363, %select_n3A_345 : vector<64x8x4xi1>, vector<64x8x4xf32>
    %or3A_365 = arith.ori %or3A_346, %eq3A_361 : vector<64x8x4xi1>
    %reshape3A_366 = vector.shape_cast %broadcast_in_dim3A_351 : vector<64x1x1xf32> to vector<64xf32>
    %reshape3A_367 = vector.shape_cast %broadcast_in_dim3A_359 : vector<64x1x1xi32> to vector<64xi32>
    %reduce_max3A_368 = arith.constant dense<0xFF800000> : vector<64xf32>
    %reduce_max3A_369 = vector.multi_reduction <maximumf>, %select_n3A_364, %reduce_max3A_368 [1, 2] : vector<64x8x4xf32> to vector<64xf32>
    %broadcast_in_dim3A_370 = vector.shape_cast %reduce_max3A_369 : vector<64xf32> to vector<64x1x1xf32>
    %eq3A_371 = vector.broadcast %broadcast_in_dim3A_370 : vector<64x1x1xf32> to vector<64x8x4xf32>
    %eq3A_372 = arith.cmpf oeq, %select_n3A_364, %eq3A_371 : vector<64x8x4xf32>
    %jit3A_373 = arith.constant 32 : i32
    %broadcast_in_dim3A_374 = vector.broadcast %jit3A_373 : i32 to vector<64x8x4xi32>
    %select_n3A_375 = arith.select %eq3A_372, %add3A, %broadcast_in_dim3A_374 : vector<64x8x4xi1>, vector<64x8x4xi32>
    %reduce_min3A_376 = arith.constant dense<2147483647> : vector<64xi32>
    %reduce_min3A_377 = vector.multi_reduction <minsi>, %select_n3A_375, %reduce_min3A_376 [1, 2] : vector<64x8x4xi32> to vector<64xi32>
    %broadcast_in_dim3A_378 = vector.shape_cast %reduce_min3A_377 : vector<64xi32> to vector<64x1x1xi32>
    %eq3A_379 = vector.broadcast %broadcast_in_dim3A_378 : vector<64x1x1xi32> to vector<64x8x4xi32>
    %eq3A_380 = arith.cmpi eq, %add3A, %eq3A_379 : vector<64x8x4xi32>
    %jit3A_381 = arith.constant -1.000000e+00 : f32
    %broadcast_in_dim3A_382 = vector.broadcast %jit3A_381 : f32 to vector<64x8x4xf32>
    %select_n3A_383 = arith.select %eq3A_380, %broadcast_in_dim3A_382, %select_n3A_364 : vector<64x8x4xi1>, vector<64x8x4xf32>
    %or3A_384 = arith.ori %or3A_365, %eq3A_380 : vector<64x8x4xi1>
    %reshape3A_385 = vector.shape_cast %broadcast_in_dim3A_370 : vector<64x1x1xf32> to vector<64xf32>
    %reshape3A_386 = vector.shape_cast %broadcast_in_dim3A_378 : vector<64x1x1xi32> to vector<64xi32>
    %reduce_max3A_387 = arith.constant dense<0xFF800000> : vector<64xf32>
    %reduce_max3A_388 = vector.multi_reduction <maximumf>, %select_n3A_383, %reduce_max3A_387 [1, 2] : vector<64x8x4xf32> to vector<64xf32>
    %broadcast_in_dim3A_389 = vector.shape_cast %reduce_max3A_388 : vector<64xf32> to vector<64x1x1xf32>
    %eq3A_390 = vector.broadcast %broadcast_in_dim3A_389 : vector<64x1x1xf32> to vector<64x8x4xf32>
    %eq3A_391 = arith.cmpf oeq, %select_n3A_383, %eq3A_390 : vector<64x8x4xf32>
    %jit3A_392 = arith.constant 32 : i32
    %broadcast_in_dim3A_393 = vector.broadcast %jit3A_392 : i32 to vector<64x8x4xi32>
    %select_n3A_394 = arith.select %eq3A_391, %add3A, %broadcast_in_dim3A_393 : vector<64x8x4xi1>, vector<64x8x4xi32>
    %reduce_min3A_395 = arith.constant dense<2147483647> : vector<64xi32>
    %reduce_min3A_396 = vector.multi_reduction <minsi>, %select_n3A_394, %reduce_min3A_395 [1, 2] : vector<64x8x4xi32> to vector<64xi32>
    %broadcast_in_dim3A_397 = vector.shape_cast %reduce_min3A_396 : vector<64xi32> to vector<64x1x1xi32>
    %eq3A_398 = vector.broadcast %broadcast_in_dim3A_397 : vector<64x1x1xi32> to vector<64x8x4xi32>
    %eq3A_399 = arith.cmpi eq, %add3A, %eq3A_398 : vector<64x8x4xi32>
    %jit3A_400 = arith.constant -1.000000e+00 : f32
    %broadcast_in_dim3A_401 = vector.broadcast %jit3A_400 : f32 to vector<64x8x4xf32>
    %select_n3A_402 = arith.select %eq3A_399, %broadcast_in_dim3A_401, %select_n3A_383 : vector<64x8x4xi1>, vector<64x8x4xf32>
    %or3A_403 = arith.ori %or3A_384, %eq3A_399 : vector<64x8x4xi1>
    %reshape3A_404 = vector.shape_cast %broadcast_in_dim3A_389 : vector<64x1x1xf32> to vector<64xf32>
    %reshape3A_405 = vector.shape_cast %broadcast_in_dim3A_397 : vector<64x1x1xi32> to vector<64xi32>
    %reduce_max3A_406 = arith.constant dense<0xFF800000> : vector<64xf32>
    %reduce_max3A_407 = vector.multi_reduction <maximumf>, %select_n3A_402, %reduce_max3A_406 [1, 2] : vector<64x8x4xf32> to vector<64xf32>
    %broadcast_in_dim3A_408 = vector.shape_cast %reduce_max3A_407 : vector<64xf32> to vector<64x1x1xf32>
    %eq3A_409 = vector.broadcast %broadcast_in_dim3A_408 : vector<64x1x1xf32> to vector<64x8x4xf32>
    %eq3A_410 = arith.cmpf oeq, %select_n3A_402, %eq3A_409 : vector<64x8x4xf32>
    %jit3A_411 = arith.constant 32 : i32
    %broadcast_in_dim3A_412 = vector.broadcast %jit3A_411 : i32 to vector<64x8x4xi32>
    %select_n3A_413 = arith.select %eq3A_410, %add3A, %broadcast_in_dim3A_412 : vector<64x8x4xi1>, vector<64x8x4xi32>
    %reduce_min3A_414 = arith.constant dense<2147483647> : vector<64xi32>
    %reduce_min3A_415 = vector.multi_reduction <minsi>, %select_n3A_413, %reduce_min3A_414 [1, 2] : vector<64x8x4xi32> to vector<64xi32>
    %broadcast_in_dim3A_416 = vector.shape_cast %reduce_min3A_415 : vector<64xi32> to vector<64x1x1xi32>
    %eq3A_417 = vector.broadcast %broadcast_in_dim3A_416 : vector<64x1x1xi32> to vector<64x8x4xi32>
    %eq3A_418 = arith.cmpi eq, %add3A, %eq3A_417 : vector<64x8x4xi32>
    %jit3A_419 = arith.constant -1.000000e+00 : f32
    %broadcast_in_dim3A_420 = vector.broadcast %jit3A_419 : f32 to vector<64x8x4xf32>
    %select_n3A_421 = arith.select %eq3A_418, %broadcast_in_dim3A_420, %select_n3A_402 : vector<64x8x4xi1>, vector<64x8x4xf32>
    %or3A_422 = arith.ori %or3A_403, %eq3A_418 : vector<64x8x4xi1>
    %reshape3A_423 = vector.shape_cast %broadcast_in_dim3A_408 : vector<64x1x1xf32> to vector<64xf32>
    %reshape3A_424 = vector.shape_cast %broadcast_in_dim3A_416 : vector<64x1x1xi32> to vector<64xi32>
    %reduce_max3A_425 = arith.constant dense<0xFF800000> : vector<64xf32>
    %reduce_max3A_426 = vector.multi_reduction <maximumf>, %select_n3A_421, %reduce_max3A_425 [1, 2] : vector<64x8x4xf32> to vector<64xf32>
    %broadcast_in_dim3A_427 = vector.shape_cast %reduce_max3A_426 : vector<64xf32> to vector<64x1x1xf32>
    %eq3A_428 = vector.broadcast %broadcast_in_dim3A_427 : vector<64x1x1xf32> to vector<64x8x4xf32>
    %eq3A_429 = arith.cmpf oeq, %select_n3A_421, %eq3A_428 : vector<64x8x4xf32>
    %jit3A_430 = arith.constant 32 : i32
    %broadcast_in_dim3A_431 = vector.broadcast %jit3A_430 : i32 to vector<64x8x4xi32>
    %select_n3A_432 = arith.select %eq3A_429, %add3A, %broadcast_in_dim3A_431 : vector<64x8x4xi1>, vector<64x8x4xi32>
    %reduce_min3A_433 = arith.constant dense<2147483647> : vector<64xi32>
    %reduce_min3A_434 = vector.multi_reduction <minsi>, %select_n3A_432, %reduce_min3A_433 [1, 2] : vector<64x8x4xi32> to vector<64xi32>
    %broadcast_in_dim3A_435 = vector.shape_cast %reduce_min3A_434 : vector<64xi32> to vector<64x1x1xi32>
    %eq3A_436 = vector.broadcast %broadcast_in_dim3A_435 : vector<64x1x1xi32> to vector<64x8x4xi32>
    %eq3A_437 = arith.cmpi eq, %add3A, %eq3A_436 : vector<64x8x4xi32>
    %or3A_438 = arith.ori %or3A_422, %eq3A_437 : vector<64x8x4xi1>
    %reshape3A_439 = vector.shape_cast %broadcast_in_dim3A_427 : vector<64x1x1xf32> to vector<64xf32>
    %reshape3A_440 = vector.shape_cast %broadcast_in_dim3A_435 : vector<64x1x1xi32> to vector<64xi32>
    %jit3A_441 = arith.constant 0.000000e+00 : f32
    %broadcast_in_dim3A_442 = vector.broadcast %jit3A_441 : f32 to vector<64x8x4xf32>
    %select_n3A_443 = arith.select %or3A_438, %broadcast_in_dim3A_442, %mul3A_292 : vector<64x8x4xi1>, vector<64x8x4xf32>
    %convert_element_type3A_444 = arith.truncf %select_n3A_443 : vector<64x8x4xf32> to vector<64x8x4xbf16>
    %convert_element_type3A_445 = arith.extf %convert_element_type3A_444 : vector<64x8x4xbf16> to vector<64x8x4xf32>
    %convert_element_type3A_446 = arith.truncf %slice3A_12 : vector<64x8x4x16xf32> to vector<64x8x4x16xbf16>
    %convert_element_type3A_447 = arith.extf %convert_element_type3A_446 : vector<64x8x4x16xbf16> to vector<64x8x4x16xf32>
    %broadcast_in_dim3A_448 = vector.shape_cast %convert_element_type3A_445 : vector<64x8x4xf32> to vector<64x8x4x1xf32>
    %mul3A_449 = vector.broadcast %broadcast_in_dim3A_448 : vector<64x8x4x1xf32> to vector<64x8x4x16xf32>
    %mul3A_450 = arith.mulf %mul3A_449, %convert_element_type3A_447 : vector<64x8x4x16xf32>
    %reduce_sum3A_451 = arith.constant dense<0.000000e+00> : vector<64x8x16xf32>
    %reduce_sum3A_452 = vector.multi_reduction <add>, %mul3A_450, %reduce_sum3A_451 [2] : vector<64x8x4x16xf32> to vector<64x8x16xf32>
    %reduce_sum3A_453 = arith.constant dense<0.000000e+00> : vector<64x16xf32>
    %reduce_sum3A_454 = vector.multi_reduction <add>, %reduce_sum3A_452, %reduce_sum3A_453 [1] : vector<64x8x16xf32> to vector<64x16xf32>
    %add3A_455 = arith.addf %get3A_29, %reduce_sum3A_454 : vector<64x16xf32>
    %broadcast_in_dim3A_456 = vector.shape_cast %add3A_455 : vector<64x16xf32> to vector<64x1x16xf32>
    %broadcast_in_dim3A_457 = vector.shape_cast %reshape3A : vector<64xf32> to vector<64x1xf32>
    %broadcast_in_dim3A_458 = vector.shape_cast %reshape3A_328 : vector<64xf32> to vector<64x1xf32>
    %broadcast_in_dim3A_459 = vector.shape_cast %reshape3A_347 : vector<64xf32> to vector<64x1xf32>
    %broadcast_in_dim3A_460 = vector.shape_cast %reshape3A_366 : vector<64xf32> to vector<64x1xf32>
    %broadcast_in_dim3A_461 = vector.shape_cast %reshape3A_385 : vector<64xf32> to vector<64x1xf32>
    %broadcast_in_dim3A_462 = vector.shape_cast %reshape3A_404 : vector<64xf32> to vector<64x1xf32>
    %broadcast_in_dim3A_463 = vector.shape_cast %reshape3A_423 : vector<64xf32> to vector<64x1xf32>
    %broadcast_in_dim3A_464 = vector.shape_cast %reshape3A_439 : vector<64xf32> to vector<64x1xf32>
    %concatenate3A = tpu.concatenate %broadcast_in_dim3A_457, %broadcast_in_dim3A_458, %broadcast_in_dim3A_459, %broadcast_in_dim3A_460, %broadcast_in_dim3A_461, %broadcast_in_dim3A_462, %broadcast_in_dim3A_463, %broadcast_in_dim3A_464 in 1 : vector<64x1xf32>, vector<64x1xf32>, vector<64x1xf32>, vector<64x1xf32>, vector<64x1xf32>, vector<64x1xf32>, vector<64x1xf32>, vector<64x1xf32> -> vector<64x8xf32>
    %broadcast_in_dim3A_465 = vector.shape_cast %concatenate3A : vector<64x8xf32> to vector<64x1x8xf32>
    %broadcast_in_dim3A_466 = vector.shape_cast %reshape3A_310 : vector<64xi32> to vector<64x1xi32>
    %eq3A_467 = vector.broadcast %broadcast_in_dim3A_466 : vector<64x1xi32> to vector<64x32xi32>
    %eq3A_468 = arith.cmpi eq, %iota3A_34, %eq3A_467 : vector<64x32xi32>
    %jit3A_469 = arith.constant 0 : i32
    %broadcast_in_dim3A_470 = vector.broadcast %jit3A_469 : i32 to vector<64x32xi32>
    %select_n3A_471 = arith.select %eq3A_468, %add3A_268, %broadcast_in_dim3A_470 : vector<64x32xi1>, vector<64x32xi32>
    %reduce_sum3A_472 = arith.constant dense<0> : vector<64xi32>
    %reduce_sum3A_473 = vector.multi_reduction <add>, %select_n3A_471, %reduce_sum3A_472 [1] : vector<64x32xi32> to vector<64xi32>
    %broadcast_in_dim3A_474 = vector.shape_cast %reduce_sum3A_473 : vector<64xi32> to vector<64x1xi32>
    %broadcast_in_dim3A_475 = vector.shape_cast %reshape3A_329 : vector<64xi32> to vector<64x1xi32>
    %eq3A_476 = vector.broadcast %broadcast_in_dim3A_475 : vector<64x1xi32> to vector<64x32xi32>
    %eq3A_477 = arith.cmpi eq, %iota3A_34, %eq3A_476 : vector<64x32xi32>
    %jit3A_478 = arith.constant 0 : i32
    %broadcast_in_dim3A_479 = vector.broadcast %jit3A_478 : i32 to vector<64x32xi32>
    %select_n3A_480 = arith.select %eq3A_477, %add3A_268, %broadcast_in_dim3A_479 : vector<64x32xi1>, vector<64x32xi32>
    %reduce_sum3A_481 = arith.constant dense<0> : vector<64xi32>
    %reduce_sum3A_482 = vector.multi_reduction <add>, %select_n3A_480, %reduce_sum3A_481 [1] : vector<64x32xi32> to vector<64xi32>
    %broadcast_in_dim3A_483 = vector.shape_cast %reduce_sum3A_482 : vector<64xi32> to vector<64x1xi32>
    %broadcast_in_dim3A_484 = vector.shape_cast %reshape3A_348 : vector<64xi32> to vector<64x1xi32>
    %eq3A_485 = vector.broadcast %broadcast_in_dim3A_484 : vector<64x1xi32> to vector<64x32xi32>
    %eq3A_486 = arith.cmpi eq, %iota3A_34, %eq3A_485 : vector<64x32xi32>
    %jit3A_487 = arith.constant 0 : i32
    %broadcast_in_dim3A_488 = vector.broadcast %jit3A_487 : i32 to vector<64x32xi32>
    %select_n3A_489 = arith.select %eq3A_486, %add3A_268, %broadcast_in_dim3A_488 : vector<64x32xi1>, vector<64x32xi32>
    %reduce_sum3A_490 = arith.constant dense<0> : vector<64xi32>
    %reduce_sum3A_491 = vector.multi_reduction <add>, %select_n3A_489, %reduce_sum3A_490 [1] : vector<64x32xi32> to vector<64xi32>
    %broadcast_in_dim3A_492 = vector.shape_cast %reduce_sum3A_491 : vector<64xi32> to vector<64x1xi32>
    %broadcast_in_dim3A_493 = vector.shape_cast %reshape3A_367 : vector<64xi32> to vector<64x1xi32>
    %eq3A_494 = vector.broadcast %broadcast_in_dim3A_493 : vector<64x1xi32> to vector<64x32xi32>
    %eq3A_495 = arith.cmpi eq, %iota3A_34, %eq3A_494 : vector<64x32xi32>
    %jit3A_496 = arith.constant 0 : i32
    %broadcast_in_dim3A_497 = vector.broadcast %jit3A_496 : i32 to vector<64x32xi32>
    %select_n3A_498 = arith.select %eq3A_495, %add3A_268, %broadcast_in_dim3A_497 : vector<64x32xi1>, vector<64x32xi32>
    %reduce_sum3A_499 = arith.constant dense<0> : vector<64xi32>
    %reduce_sum3A_500 = vector.multi_reduction <add>, %select_n3A_498, %reduce_sum3A_499 [1] : vector<64x32xi32> to vector<64xi32>
    %broadcast_in_dim3A_501 = vector.shape_cast %reduce_sum3A_500 : vector<64xi32> to vector<64x1xi32>
    %broadcast_in_dim3A_502 = vector.shape_cast %reshape3A_386 : vector<64xi32> to vector<64x1xi32>
    %eq3A_503 = vector.broadcast %broadcast_in_dim3A_502 : vector<64x1xi32> to vector<64x32xi32>
    %eq3A_504 = arith.cmpi eq, %iota3A_34, %eq3A_503 : vector<64x32xi32>
    %jit3A_505 = arith.constant 0 : i32
    %broadcast_in_dim3A_506 = vector.broadcast %jit3A_505 : i32 to vector<64x32xi32>
    %select_n3A_507 = arith.select %eq3A_504, %add3A_268, %broadcast_in_dim3A_506 : vector<64x32xi1>, vector<64x32xi32>
    %reduce_sum3A_508 = arith.constant dense<0> : vector<64xi32>
    %reduce_sum3A_509 = vector.multi_reduction <add>, %select_n3A_507, %reduce_sum3A_508 [1] : vector<64x32xi32> to vector<64xi32>
    %broadcast_in_dim3A_510 = vector.shape_cast %reduce_sum3A_509 : vector<64xi32> to vector<64x1xi32>
    %broadcast_in_dim3A_511 = vector.shape_cast %reshape3A_405 : vector<64xi32> to vector<64x1xi32>
    %eq3A_512 = vector.broadcast %broadcast_in_dim3A_511 : vector<64x1xi32> to vector<64x32xi32>
    %eq3A_513 = arith.cmpi eq, %iota3A_34, %eq3A_512 : vector<64x32xi32>
    %jit3A_514 = arith.constant 0 : i32
    %broadcast_in_dim3A_515 = vector.broadcast %jit3A_514 : i32 to vector<64x32xi32>
    %select_n3A_516 = arith.select %eq3A_513, %add3A_268, %broadcast_in_dim3A_515 : vector<64x32xi1>, vector<64x32xi32>
    %reduce_sum3A_517 = arith.constant dense<0> : vector<64xi32>
    %reduce_sum3A_518 = vector.multi_reduction <add>, %select_n3A_516, %reduce_sum3A_517 [1] : vector<64x32xi32> to vector<64xi32>
    %broadcast_in_dim3A_519 = vector.shape_cast %reduce_sum3A_518 : vector<64xi32> to vector<64x1xi32>
    %broadcast_in_dim3A_520 = vector.shape_cast %reshape3A_424 : vector<64xi32> to vector<64x1xi32>
    %eq3A_521 = vector.broadcast %broadcast_in_dim3A_520 : vector<64x1xi32> to vector<64x32xi32>
    %eq3A_522 = arith.cmpi eq, %iota3A_34, %eq3A_521 : vector<64x32xi32>
    %jit3A_523 = arith.constant 0 : i32
    %broadcast_in_dim3A_524 = vector.broadcast %jit3A_523 : i32 to vector<64x32xi32>
    %select_n3A_525 = arith.select %eq3A_522, %add3A_268, %broadcast_in_dim3A_524 : vector<64x32xi1>, vector<64x32xi32>
    %reduce_sum3A_526 = arith.constant dense<0> : vector<64xi32>
    %reduce_sum3A_527 = vector.multi_reduction <add>, %select_n3A_525, %reduce_sum3A_526 [1] : vector<64x32xi32> to vector<64xi32>
    %broadcast_in_dim3A_528 = vector.shape_cast %reduce_sum3A_527 : vector<64xi32> to vector<64x1xi32>
    %broadcast_in_dim3A_529 = vector.shape_cast %reshape3A_440 : vector<64xi32> to vector<64x1xi32>
    %eq3A_530 = vector.broadcast %broadcast_in_dim3A_529 : vector<64x1xi32> to vector<64x32xi32>
    %eq3A_531 = arith.cmpi eq, %iota3A_34, %eq3A_530 : vector<64x32xi32>
    %jit3A_532 = arith.constant 0 : i32
    %broadcast_in_dim3A_533 = vector.broadcast %jit3A_532 : i32 to vector<64x32xi32>
    %select_n3A_534 = arith.select %eq3A_531, %add3A_268, %broadcast_in_dim3A_533 : vector<64x32xi1>, vector<64x32xi32>
    %reduce_sum3A_535 = arith.constant dense<0> : vector<64xi32>
    %reduce_sum3A_536 = vector.multi_reduction <add>, %select_n3A_534, %reduce_sum3A_535 [1] : vector<64x32xi32> to vector<64xi32>
    %broadcast_in_dim3A_537 = vector.shape_cast %reduce_sum3A_536 : vector<64xi32> to vector<64x1xi32>
    %concatenate3A_538 = tpu.concatenate %broadcast_in_dim3A_474, %broadcast_in_dim3A_483, %broadcast_in_dim3A_492, %broadcast_in_dim3A_501, %broadcast_in_dim3A_510, %broadcast_in_dim3A_519, %broadcast_in_dim3A_528, %broadcast_in_dim3A_537 in 1 : vector<64x1xi32>, vector<64x1xi32>, vector<64x1xi32>, vector<64x1xi32>, vector<64x1xi32>, vector<64x1xi32>, vector<64x1xi32>, vector<64x1xi32> -> vector<64x8xi32>
    %mul3A_539 = arith.constant 4096 : i32
    %mul3A_540 = arith.muli %arg0, %mul3A_539 : i32
    %add3A_541 = vector.broadcast %mul3A_540 : i32 to vector<64x8xi32>
    %add3A_542 = arith.addi %concatenate3A_538, %add3A_541 : vector<64x8xi32>
    %broadcast_in_dim3A_543 = vector.shape_cast %add3A_542 : vector<64x8xi32> to vector<64x1x8xi32>
    %slice3A_544 = vector.extract_strided_slice %get3A_4 {offsets = [0, 1, 0], sizes = [64, 1, 16], strides = [1, 1, 1]} : vector<64x4x16xf32> to vector<64x1x16xf32>
    %squeeze3A_545 = vector.shape_cast %slice3A_544 : vector<64x1x16xf32> to vector<64x16xf32>
    %convert_element_type3A_546 = arith.truncf %squeeze3A_545 : vector<64x16xf32> to vector<64x16xbf16>
    %convert_element_type3A_547 = arith.extf %convert_element_type3A_546 : vector<64x16xbf16> to vector<64x16xf32>
    %convert_element_type3A_548 = arith.truncf %slice3A : vector<64x8x4x16xf32> to vector<64x8x4x16xbf16>
    %convert_element_type3A_549 = arith.extf %convert_element_type3A_548 : vector<64x8x4x16xbf16> to vector<64x8x4x16xf32>
    %broadcast_in_dim3A_550 = vector.shape_cast %convert_element_type3A_547 : vector<64x16xf32> to vector<64x1x1x16xf32>
    %mul3A_551 = vector.broadcast %broadcast_in_dim3A_550 : vector<64x1x1x16xf32> to vector<64x8x4x16xf32>
    %mul3A_552 = arith.mulf %mul3A_551, %convert_element_type3A_549 : vector<64x8x4x16xf32>
    %reduce_sum3A_553 = arith.constant dense<0.000000e+00> : vector<64x8x4xf32>
    %reduce_sum3A_554 = vector.multi_reduction <add>, %mul3A_552, %reduce_sum3A_553 [3] : vector<64x8x4x16xf32> to vector<64x8x4xf32>
    %mul3A_555 = arith.constant 2.500000e-01 : f32
    %mul3A_556 = vector.broadcast %mul3A_555 : f32 to vector<64x8x4xf32>
    %mul3A_557 = arith.mulf %reduce_sum3A_554, %mul3A_556 : vector<64x8x4xf32>
    %reduce_max3A_558 = arith.constant dense<0xFF800000> : vector<64x8xf32>
    %reduce_max3A_559 = vector.multi_reduction <maximumf>, %mul3A_557, %reduce_max3A_558 [2] : vector<64x8x4xf32> to vector<64x8xf32>
    %broadcast_in_dim3A_560 = vector.shape_cast %reduce_max3A_559 : vector<64x8xf32> to vector<64x8x1xf32>
    %sub3A_561 = vector.broadcast %broadcast_in_dim3A_560 : vector<64x8x1xf32> to vector<64x8x4xf32>
    %sub3A_562 = arith.subf %mul3A_557, %sub3A_561 : vector<64x8x4xf32>
    %exp3A_563 = math.exp %sub3A_562 : vector<64x8x4xf32>
    %reduce_sum3A_564 = arith.constant dense<0.000000e+00> : vector<64x8xf32>
    %reduce_sum3A_565 = vector.multi_reduction <add>, %exp3A_563, %reduce_sum3A_564 [2] : vector<64x8x4xf32> to vector<64x8xf32>
    %broadcast_in_dim3A_566 = vector.shape_cast %reduce_sum3A_565 : vector<64x8xf32> to vector<64x8x1xf32>
    %div3A_567 = vector.broadcast %broadcast_in_dim3A_566 : vector<64x8x1xf32> to vector<64x8x4xf32>
    %div3A_568 = arith.divf %exp3A_563, %div3A_567 : vector<64x8x4xf32>
    %broadcast_in_dim3A_569 = vector.shape_cast %get3A_17 : vector<64x8xf32> to vector<64x8x1xf32>
    %mul3A_570 = vector.broadcast %broadcast_in_dim3A_569 : vector<64x8x1xf32> to vector<64x8x4xf32>
    %mul3A_571 = arith.mulf %div3A_568, %mul3A_570 : vector<64x8x4xf32>
    %broadcast_in_dim3A_572 = arith.constant false
    %broadcast_in_dim3A_573 = vector.broadcast %broadcast_in_dim3A_572 : i1 to vector<64x8x4xi1>
    %reduce_max3A_574 = arith.constant dense<0xFF800000> : vector<64xf32>
    %reduce_max3A_575 = vector.multi_reduction <maximumf>, %mul3A_571, %reduce_max3A_574 [1, 2] : vector<64x8x4xf32> to vector<64xf32>
    %broadcast_in_dim3A_576 = vector.shape_cast %reduce_max3A_575 : vector<64xf32> to vector<64x1x1xf32>
    %eq3A_577 = vector.broadcast %broadcast_in_dim3A_576 : vector<64x1x1xf32> to vector<64x8x4xf32>
    %eq3A_578 = arith.cmpf oeq, %mul3A_571, %eq3A_577 : vector<64x8x4xf32>
    %jit3A_579 = arith.constant 32 : i32
    %broadcast_in_dim3A_580 = vector.broadcast %jit3A_579 : i32 to vector<64x8x4xi32>
    %select_n3A_581 = arith.select %eq3A_578, %add3A, %broadcast_in_dim3A_580 : vector<64x8x4xi1>, vector<64x8x4xi32>
    %reduce_min3A_582 = arith.constant dense<2147483647> : vector<64xi32>
    %reduce_min3A_583 = vector.multi_reduction <minsi>, %select_n3A_581, %reduce_min3A_582 [1, 2] : vector<64x8x4xi32> to vector<64xi32>
    %broadcast_in_dim3A_584 = vector.shape_cast %reduce_min3A_583 : vector<64xi32> to vector<64x1x1xi32>
    %eq3A_585 = vector.broadcast %broadcast_in_dim3A_584 : vector<64x1x1xi32> to vector<64x8x4xi32>
    %eq3A_586 = arith.cmpi eq, %add3A, %eq3A_585 : vector<64x8x4xi32>
    %jit3A_587 = arith.constant -1.000000e+00 : f32
    %broadcast_in_dim3A_588 = vector.broadcast %jit3A_587 : f32 to vector<64x8x4xf32>
    %select_n3A_589 = arith.select %eq3A_586, %broadcast_in_dim3A_588, %mul3A_571 : vector<64x8x4xi1>, vector<64x8x4xf32>
    %or3A_590 = arith.ori %broadcast_in_dim3A_573, %eq3A_586 : vector<64x8x4xi1>
    %reshape3A_591 = vector.shape_cast %broadcast_in_dim3A_576 : vector<64x1x1xf32> to vector<64xf32>
    %reshape3A_592 = vector.shape_cast %broadcast_in_dim3A_584 : vector<64x1x1xi32> to vector<64xi32>
    %reduce_max3A_593 = arith.constant dense<0xFF800000> : vector<64xf32>
    %reduce_max3A_594 = vector.multi_reduction <maximumf>, %select_n3A_589, %reduce_max3A_593 [1, 2] : vector<64x8x4xf32> to vector<64xf32>
    %broadcast_in_dim3A_595 = vector.shape_cast %reduce_max3A_594 : vector<64xf32> to vector<64x1x1xf32>
    %eq3A_596 = vector.broadcast %broadcast_in_dim3A_595 : vector<64x1x1xf32> to vector<64x8x4xf32>
    %eq3A_597 = arith.cmpf oeq, %select_n3A_589, %eq3A_596 : vector<64x8x4xf32>
    %jit3A_598 = arith.constant 32 : i32
    %broadcast_in_dim3A_599 = vector.broadcast %jit3A_598 : i32 to vector<64x8x4xi32>
    %select_n3A_600 = arith.select %eq3A_597, %add3A, %broadcast_in_dim3A_599 : vector<64x8x4xi1>, vector<64x8x4xi32>
    %reduce_min3A_601 = arith.constant dense<2147483647> : vector<64xi32>
    %reduce_min3A_602 = vector.multi_reduction <minsi>, %select_n3A_600, %reduce_min3A_601 [1, 2] : vector<64x8x4xi32> to vector<64xi32>
    %broadcast_in_dim3A_603 = vector.shape_cast %reduce_min3A_602 : vector<64xi32> to vector<64x1x1xi32>
    %eq3A_604 = vector.broadcast %broadcast_in_dim3A_603 : vector<64x1x1xi32> to vector<64x8x4xi32>
    %eq3A_605 = arith.cmpi eq, %add3A, %eq3A_604 : vector<64x8x4xi32>
    %jit3A_606 = arith.constant -1.000000e+00 : f32
    %broadcast_in_dim3A_607 = vector.broadcast %jit3A_606 : f32 to vector<64x8x4xf32>
    %select_n3A_608 = arith.select %eq3A_605, %broadcast_in_dim3A_607, %select_n3A_589 : vector<64x8x4xi1>, vector<64x8x4xf32>
    %or3A_609 = arith.ori %or3A_590, %eq3A_605 : vector<64x8x4xi1>
    %reshape3A_610 = vector.shape_cast %broadcast_in_dim3A_595 : vector<64x1x1xf32> to vector<64xf32>
    %reshape3A_611 = vector.shape_cast %broadcast_in_dim3A_603 : vector<64x1x1xi32> to vector<64xi32>
    %reduce_max3A_612 = arith.constant dense<0xFF800000> : vector<64xf32>
    %reduce_max3A_613 = vector.multi_reduction <maximumf>, %select_n3A_608, %reduce_max3A_612 [1, 2] : vector<64x8x4xf32> to vector<64xf32>
    %broadcast_in_dim3A_614 = vector.shape_cast %reduce_max3A_613 : vector<64xf32> to vector<64x1x1xf32>
    %eq3A_615 = vector.broadcast %broadcast_in_dim3A_614 : vector<64x1x1xf32> to vector<64x8x4xf32>
    %eq3A_616 = arith.cmpf oeq, %select_n3A_608, %eq3A_615 : vector<64x8x4xf32>
    %jit3A_617 = arith.constant 32 : i32
    %broadcast_in_dim3A_618 = vector.broadcast %jit3A_617 : i32 to vector<64x8x4xi32>
    %select_n3A_619 = arith.select %eq3A_616, %add3A, %broadcast_in_dim3A_618 : vector<64x8x4xi1>, vector<64x8x4xi32>
    %reduce_min3A_620 = arith.constant dense<2147483647> : vector<64xi32>
    %reduce_min3A_621 = vector.multi_reduction <minsi>, %select_n3A_619, %reduce_min3A_620 [1, 2] : vector<64x8x4xi32> to vector<64xi32>
    %broadcast_in_dim3A_622 = vector.shape_cast %reduce_min3A_621 : vector<64xi32> to vector<64x1x1xi32>
    %eq3A_623 = vector.broadcast %broadcast_in_dim3A_622 : vector<64x1x1xi32> to vector<64x8x4xi32>
    %eq3A_624 = arith.cmpi eq, %add3A, %eq3A_623 : vector<64x8x4xi32>
    %jit3A_625 = arith.constant -1.000000e+00 : f32
    %broadcast_in_dim3A_626 = vector.broadcast %jit3A_625 : f32 to vector<64x8x4xf32>
    %select_n3A_627 = arith.select %eq3A_624, %broadcast_in_dim3A_626, %select_n3A_608 : vector<64x8x4xi1>, vector<64x8x4xf32>
    %or3A_628 = arith.ori %or3A_609, %eq3A_624 : vector<64x8x4xi1>
    %reshape3A_629 = vector.shape_cast %broadcast_in_dim3A_614 : vector<64x1x1xf32> to vector<64xf32>
    %reshape3A_630 = vector.shape_cast %broadcast_in_dim3A_622 : vector<64x1x1xi32> to vector<64xi32>
    %reduce_max3A_631 = arith.constant dense<0xFF800000> : vector<64xf32>
    %reduce_max3A_632 = vector.multi_reduction <maximumf>, %select_n3A_627, %reduce_max3A_631 [1, 2] : vector<64x8x4xf32> to vector<64xf32>
    %broadcast_in_dim3A_633 = vector.shape_cast %reduce_max3A_632 : vector<64xf32> to vector<64x1x1xf32>
    %eq3A_634 = vector.broadcast %broadcast_in_dim3A_633 : vector<64x1x1xf32> to vector<64x8x4xf32>
    %eq3A_635 = arith.cmpf oeq, %select_n3A_627, %eq3A_634 : vector<64x8x4xf32>
    %jit3A_636 = arith.constant 32 : i32
    %broadcast_in_dim3A_637 = vector.broadcast %jit3A_636 : i32 to vector<64x8x4xi32>
    %select_n3A_638 = arith.select %eq3A_635, %add3A, %broadcast_in_dim3A_637 : vector<64x8x4xi1>, vector<64x8x4xi32>
    %reduce_min3A_639 = arith.constant dense<2147483647> : vector<64xi32>
    %reduce_min3A_640 = vector.multi_reduction <minsi>, %select_n3A_638, %reduce_min3A_639 [1, 2] : vector<64x8x4xi32> to vector<64xi32>
    %broadcast_in_dim3A_641 = vector.shape_cast %reduce_min3A_640 : vector<64xi32> to vector<64x1x1xi32>
    %eq3A_642 = vector.broadcast %broadcast_in_dim3A_641 : vector<64x1x1xi32> to vector<64x8x4xi32>
    %eq3A_643 = arith.cmpi eq, %add3A, %eq3A_642 : vector<64x8x4xi32>
    %jit3A_644 = arith.constant -1.000000e+00 : f32
    %broadcast_in_dim3A_645 = vector.broadcast %jit3A_644 : f32 to vector<64x8x4xf32>
    %select_n3A_646 = arith.select %eq3A_643, %broadcast_in_dim3A_645, %select_n3A_627 : vector<64x8x4xi1>, vector<64x8x4xf32>
    %or3A_647 = arith.ori %or3A_628, %eq3A_643 : vector<64x8x4xi1>
    %reshape3A_648 = vector.shape_cast %broadcast_in_dim3A_633 : vector<64x1x1xf32> to vector<64xf32>
    %reshape3A_649 = vector.shape_cast %broadcast_in_dim3A_641 : vector<64x1x1xi32> to vector<64xi32>
    %reduce_max3A_650 = arith.constant dense<0xFF800000> : vector<64xf32>
    %reduce_max3A_651 = vector.multi_reduction <maximumf>, %select_n3A_646, %reduce_max3A_650 [1, 2] : vector<64x8x4xf32> to vector<64xf32>
    %broadcast_in_dim3A_652 = vector.shape_cast %reduce_max3A_651 : vector<64xf32> to vector<64x1x1xf32>
    %eq3A_653 = vector.broadcast %broadcast_in_dim3A_652 : vector<64x1x1xf32> to vector<64x8x4xf32>
    %eq3A_654 = arith.cmpf oeq, %select_n3A_646, %eq3A_653 : vector<64x8x4xf32>
    %jit3A_655 = arith.constant 32 : i32
    %broadcast_in_dim3A_656 = vector.broadcast %jit3A_655 : i32 to vector<64x8x4xi32>
    %select_n3A_657 = arith.select %eq3A_654, %add3A, %broadcast_in_dim3A_656 : vector<64x8x4xi1>, vector<64x8x4xi32>
    %reduce_min3A_658 = arith.constant dense<2147483647> : vector<64xi32>
    %reduce_min3A_659 = vector.multi_reduction <minsi>, %select_n3A_657, %reduce_min3A_658 [1, 2] : vector<64x8x4xi32> to vector<64xi32>
    %broadcast_in_dim3A_660 = vector.shape_cast %reduce_min3A_659 : vector<64xi32> to vector<64x1x1xi32>
    %eq3A_661 = vector.broadcast %broadcast_in_dim3A_660 : vector<64x1x1xi32> to vector<64x8x4xi32>
    %eq3A_662 = arith.cmpi eq, %add3A, %eq3A_661 : vector<64x8x4xi32>
    %jit3A_663 = arith.constant -1.000000e+00 : f32
    %broadcast_in_dim3A_664 = vector.broadcast %jit3A_663 : f32 to vector<64x8x4xf32>
    %select_n3A_665 = arith.select %eq3A_662, %broadcast_in_dim3A_664, %select_n3A_646 : vector<64x8x4xi1>, vector<64x8x4xf32>
    %or3A_666 = arith.ori %or3A_647, %eq3A_662 : vector<64x8x4xi1>
    %reshape3A_667 = vector.shape_cast %broadcast_in_dim3A_652 : vector<64x1x1xf32> to vector<64xf32>
    %reshape3A_668 = vector.shape_cast %broadcast_in_dim3A_660 : vector<64x1x1xi32> to vector<64xi32>
    %reduce_max3A_669 = arith.constant dense<0xFF800000> : vector<64xf32>
    %reduce_max3A_670 = vector.multi_reduction <maximumf>, %select_n3A_665, %reduce_max3A_669 [1, 2] : vector<64x8x4xf32> to vector<64xf32>
    %broadcast_in_dim3A_671 = vector.shape_cast %reduce_max3A_670 : vector<64xf32> to vector<64x1x1xf32>
    %eq3A_672 = vector.broadcast %broadcast_in_dim3A_671 : vector<64x1x1xf32> to vector<64x8x4xf32>
    %eq3A_673 = arith.cmpf oeq, %select_n3A_665, %eq3A_672 : vector<64x8x4xf32>
    %jit3A_674 = arith.constant 32 : i32
    %broadcast_in_dim3A_675 = vector.broadcast %jit3A_674 : i32 to vector<64x8x4xi32>
    %select_n3A_676 = arith.select %eq3A_673, %add3A, %broadcast_in_dim3A_675 : vector<64x8x4xi1>, vector<64x8x4xi32>
    %reduce_min3A_677 = arith.constant dense<2147483647> : vector<64xi32>
    %reduce_min3A_678 = vector.multi_reduction <minsi>, %select_n3A_676, %reduce_min3A_677 [1, 2] : vector<64x8x4xi32> to vector<64xi32>
    %broadcast_in_dim3A_679 = vector.shape_cast %reduce_min3A_678 : vector<64xi32> to vector<64x1x1xi32>
    %eq3A_680 = vector.broadcast %broadcast_in_dim3A_679 : vector<64x1x1xi32> to vector<64x8x4xi32>
    %eq3A_681 = arith.cmpi eq, %add3A, %eq3A_680 : vector<64x8x4xi32>
    %jit3A_682 = arith.constant -1.000000e+00 : f32
    %broadcast_in_dim3A_683 = vector.broadcast %jit3A_682 : f32 to vector<64x8x4xf32>
    %select_n3A_684 = arith.select %eq3A_681, %broadcast_in_dim3A_683, %select_n3A_665 : vector<64x8x4xi1>, vector<64x8x4xf32>
    %or3A_685 = arith.ori %or3A_666, %eq3A_681 : vector<64x8x4xi1>
    %reshape3A_686 = vector.shape_cast %broadcast_in_dim3A_671 : vector<64x1x1xf32> to vector<64xf32>
    %reshape3A_687 = vector.shape_cast %broadcast_in_dim3A_679 : vector<64x1x1xi32> to vector<64xi32>
    %reduce_max3A_688 = arith.constant dense<0xFF800000> : vector<64xf32>
    %reduce_max3A_689 = vector.multi_reduction <maximumf>, %select_n3A_684, %reduce_max3A_688 [1, 2] : vector<64x8x4xf32> to vector<64xf32>
    %broadcast_in_dim3A_690 = vector.shape_cast %reduce_max3A_689 : vector<64xf32> to vector<64x1x1xf32>
    %eq3A_691 = vector.broadcast %broadcast_in_dim3A_690 : vector<64x1x1xf32> to vector<64x8x4xf32>
    %eq3A_692 = arith.cmpf oeq, %select_n3A_684, %eq3A_691 : vector<64x8x4xf32>
    %jit3A_693 = arith.constant 32 : i32
    %broadcast_in_dim3A_694 = vector.broadcast %jit3A_693 : i32 to vector<64x8x4xi32>
    %select_n3A_695 = arith.select %eq3A_692, %add3A, %broadcast_in_dim3A_694 : vector<64x8x4xi1>, vector<64x8x4xi32>
    %reduce_min3A_696 = arith.constant dense<2147483647> : vector<64xi32>
    %reduce_min3A_697 = vector.multi_reduction <minsi>, %select_n3A_695, %reduce_min3A_696 [1, 2] : vector<64x8x4xi32> to vector<64xi32>
    %broadcast_in_dim3A_698 = vector.shape_cast %reduce_min3A_697 : vector<64xi32> to vector<64x1x1xi32>
    %eq3A_699 = vector.broadcast %broadcast_in_dim3A_698 : vector<64x1x1xi32> to vector<64x8x4xi32>
    %eq3A_700 = arith.cmpi eq, %add3A, %eq3A_699 : vector<64x8x4xi32>
    %jit3A_701 = arith.constant -1.000000e+00 : f32
    %broadcast_in_dim3A_702 = vector.broadcast %jit3A_701 : f32 to vector<64x8x4xf32>
    %select_n3A_703 = arith.select %eq3A_700, %broadcast_in_dim3A_702, %select_n3A_684 : vector<64x8x4xi1>, vector<64x8x4xf32>
    %or3A_704 = arith.ori %or3A_685, %eq3A_700 : vector<64x8x4xi1>
    %reshape3A_705 = vector.shape_cast %broadcast_in_dim3A_690 : vector<64x1x1xf32> to vector<64xf32>
    %reshape3A_706 = vector.shape_cast %broadcast_in_dim3A_698 : vector<64x1x1xi32> to vector<64xi32>
    %reduce_max3A_707 = arith.constant dense<0xFF800000> : vector<64xf32>
    %reduce_max3A_708 = vector.multi_reduction <maximumf>, %select_n3A_703, %reduce_max3A_707 [1, 2] : vector<64x8x4xf32> to vector<64xf32>
    %broadcast_in_dim3A_709 = vector.shape_cast %reduce_max3A_708 : vector<64xf32> to vector<64x1x1xf32>
    %eq3A_710 = vector.broadcast %broadcast_in_dim3A_709 : vector<64x1x1xf32> to vector<64x8x4xf32>
    %eq3A_711 = arith.cmpf oeq, %select_n3A_703, %eq3A_710 : vector<64x8x4xf32>
    %jit3A_712 = arith.constant 32 : i32
    %broadcast_in_dim3A_713 = vector.broadcast %jit3A_712 : i32 to vector<64x8x4xi32>
    %select_n3A_714 = arith.select %eq3A_711, %add3A, %broadcast_in_dim3A_713 : vector<64x8x4xi1>, vector<64x8x4xi32>
    %reduce_min3A_715 = arith.constant dense<2147483647> : vector<64xi32>
    %reduce_min3A_716 = vector.multi_reduction <minsi>, %select_n3A_714, %reduce_min3A_715 [1, 2] : vector<64x8x4xi32> to vector<64xi32>
    %broadcast_in_dim3A_717 = vector.shape_cast %reduce_min3A_716 : vector<64xi32> to vector<64x1x1xi32>
    %eq3A_718 = vector.broadcast %broadcast_in_dim3A_717 : vector<64x1x1xi32> to vector<64x8x4xi32>
    %eq3A_719 = arith.cmpi eq, %add3A, %eq3A_718 : vector<64x8x4xi32>
    %or3A_720 = arith.ori %or3A_704, %eq3A_719 : vector<64x8x4xi1>
    %reshape3A_721 = vector.shape_cast %broadcast_in_dim3A_709 : vector<64x1x1xf32> to vector<64xf32>
    %reshape3A_722 = vector.shape_cast %broadcast_in_dim3A_717 : vector<64x1x1xi32> to vector<64xi32>
    %jit3A_723 = arith.constant 0.000000e+00 : f32
    %broadcast_in_dim3A_724 = vector.broadcast %jit3A_723 : f32 to vector<64x8x4xf32>
    %select_n3A_725 = arith.select %or3A_720, %broadcast_in_dim3A_724, %mul3A_571 : vector<64x8x4xi1>, vector<64x8x4xf32>
    %convert_element_type3A_726 = arith.truncf %select_n3A_725 : vector<64x8x4xf32> to vector<64x8x4xbf16>
    %convert_element_type3A_727 = arith.extf %convert_element_type3A_726 : vector<64x8x4xbf16> to vector<64x8x4xf32>
    %convert_element_type3A_728 = arith.truncf %slice3A_12 : vector<64x8x4x16xf32> to vector<64x8x4x16xbf16>
    %convert_element_type3A_729 = arith.extf %convert_element_type3A_728 : vector<64x8x4x16xbf16> to vector<64x8x4x16xf32>
    %broadcast_in_dim3A_730 = vector.shape_cast %convert_element_type3A_727 : vector<64x8x4xf32> to vector<64x8x4x1xf32>
    %mul3A_731 = vector.broadcast %broadcast_in_dim3A_730 : vector<64x8x4x1xf32> to vector<64x8x4x16xf32>
    %mul3A_732 = arith.mulf %mul3A_731, %convert_element_type3A_729 : vector<64x8x4x16xf32>
    %reduce_sum3A_733 = arith.constant dense<0.000000e+00> : vector<64x8x16xf32>
    %reduce_sum3A_734 = vector.multi_reduction <add>, %mul3A_732, %reduce_sum3A_733 [2] : vector<64x8x4x16xf32> to vector<64x8x16xf32>
    %reduce_sum3A_735 = arith.constant dense<0.000000e+00> : vector<64x16xf32>
    %reduce_sum3A_736 = vector.multi_reduction <add>, %reduce_sum3A_734, %reduce_sum3A_735 [1] : vector<64x8x16xf32> to vector<64x16xf32>
    %add3A_737 = arith.addf %get3A_29, %reduce_sum3A_736 : vector<64x16xf32>
    %broadcast_in_dim3A_738 = vector.shape_cast %add3A_737 : vector<64x16xf32> to vector<64x1x16xf32>
    %broadcast_in_dim3A_739 = vector.shape_cast %reshape3A_591 : vector<64xf32> to vector<64x1xf32>
    %broadcast_in_dim3A_740 = vector.shape_cast %reshape3A_610 : vector<64xf32> to vector<64x1xf32>
    %broadcast_in_dim3A_741 = vector.shape_cast %reshape3A_629 : vector<64xf32> to vector<64x1xf32>
    %broadcast_in_dim3A_742 = vector.shape_cast %reshape3A_648 : vector<64xf32> to vector<64x1xf32>
    %broadcast_in_dim3A_743 = vector.shape_cast %reshape3A_667 : vector<64xf32> to vector<64x1xf32>
    %broadcast_in_dim3A_744 = vector.shape_cast %reshape3A_686 : vector<64xf32> to vector<64x1xf32>
    %broadcast_in_dim3A_745 = vector.shape_cast %reshape3A_705 : vector<64xf32> to vector<64x1xf32>
    %broadcast_in_dim3A_746 = vector.shape_cast %reshape3A_721 : vector<64xf32> to vector<64x1xf32>
    %concatenate3A_747 = tpu.concatenate %broadcast_in_dim3A_739, %broadcast_in_dim3A_740, %broadcast_in_dim3A_741, %broadcast_in_dim3A_742, %broadcast_in_dim3A_743, %broadcast_in_dim3A_744, %broadcast_in_dim3A_745, %broadcast_in_dim3A_746 in 1 : vector<64x1xf32>, vector<64x1xf32>, vector<64x1xf32>, vector<64x1xf32>, vector<64x1xf32>, vector<64x1xf32>, vector<64x1xf32>, vector<64x1xf32> -> vector<64x8xf32>
    %broadcast_in_dim3A_748 = vector.shape_cast %concatenate3A_747 : vector<64x8xf32> to vector<64x1x8xf32>
    %broadcast_in_dim3A_749 = vector.shape_cast %reshape3A_592 : vector<64xi32> to vector<64x1xi32>
    %eq3A_750 = vector.broadcast %broadcast_in_dim3A_749 : vector<64x1xi32> to vector<64x32xi32>
    %eq3A_751 = arith.cmpi eq, %iota3A_34, %eq3A_750 : vector<64x32xi32>
    %jit3A_752 = arith.constant 0 : i32
    %broadcast_in_dim3A_753 = vector.broadcast %jit3A_752 : i32 to vector<64x32xi32>
    %select_n3A_754 = arith.select %eq3A_751, %add3A_268, %broadcast_in_dim3A_753 : vector<64x32xi1>, vector<64x32xi32>
    %reduce_sum3A_755 = arith.constant dense<0> : vector<64xi32>
    %reduce_sum3A_756 = vector.multi_reduction <add>, %select_n3A_754, %reduce_sum3A_755 [1] : vector<64x32xi32> to vector<64xi32>
    %broadcast_in_dim3A_757 = vector.shape_cast %reduce_sum3A_756 : vector<64xi32> to vector<64x1xi32>
    %broadcast_in_dim3A_758 = vector.shape_cast %reshape3A_611 : vector<64xi32> to vector<64x1xi32>
    %eq3A_759 = vector.broadcast %broadcast_in_dim3A_758 : vector<64x1xi32> to vector<64x32xi32>
    %eq3A_760 = arith.cmpi eq, %iota3A_34, %eq3A_759 : vector<64x32xi32>
    %jit3A_761 = arith.constant 0 : i32
    %broadcast_in_dim3A_762 = vector.broadcast %jit3A_761 : i32 to vector<64x32xi32>
    %select_n3A_763 = arith.select %eq3A_760, %add3A_268, %broadcast_in_dim3A_762 : vector<64x32xi1>, vector<64x32xi32>
    %reduce_sum3A_764 = arith.constant dense<0> : vector<64xi32>
    %reduce_sum3A_765 = vector.multi_reduction <add>, %select_n3A_763, %reduce_sum3A_764 [1] : vector<64x32xi32> to vector<64xi32>
    %broadcast_in_dim3A_766 = vector.shape_cast %reduce_sum3A_765 : vector<64xi32> to vector<64x1xi32>
    %broadcast_in_dim3A_767 = vector.shape_cast %reshape3A_630 : vector<64xi32> to vector<64x1xi32>
    %eq3A_768 = vector.broadcast %broadcast_in_dim3A_767 : vector<64x1xi32> to vector<64x32xi32>
    %eq3A_769 = arith.cmpi eq, %iota3A_34, %eq3A_768 : vector<64x32xi32>
    %jit3A_770 = arith.constant 0 : i32
    %broadcast_in_dim3A_771 = vector.broadcast %jit3A_770 : i32 to vector<64x32xi32>
    %select_n3A_772 = arith.select %eq3A_769, %add3A_268, %broadcast_in_dim3A_771 : vector<64x32xi1>, vector<64x32xi32>
    %reduce_sum3A_773 = arith.constant dense<0> : vector<64xi32>
    %reduce_sum3A_774 = vector.multi_reduction <add>, %select_n3A_772, %reduce_sum3A_773 [1] : vector<64x32xi32> to vector<64xi32>
    %broadcast_in_dim3A_775 = vector.shape_cast %reduce_sum3A_774 : vector<64xi32> to vector<64x1xi32>
    %broadcast_in_dim3A_776 = vector.shape_cast %reshape3A_649 : vector<64xi32> to vector<64x1xi32>
    %eq3A_777 = vector.broadcast %broadcast_in_dim3A_776 : vector<64x1xi32> to vector<64x32xi32>
    %eq3A_778 = arith.cmpi eq, %iota3A_34, %eq3A_777 : vector<64x32xi32>
    %jit3A_779 = arith.constant 0 : i32
    %broadcast_in_dim3A_780 = vector.broadcast %jit3A_779 : i32 to vector<64x32xi32>
    %select_n3A_781 = arith.select %eq3A_778, %add3A_268, %broadcast_in_dim3A_780 : vector<64x32xi1>, vector<64x32xi32>
    %reduce_sum3A_782 = arith.constant dense<0> : vector<64xi32>
    %reduce_sum3A_783 = vector.multi_reduction <add>, %select_n3A_781, %reduce_sum3A_782 [1] : vector<64x32xi32> to vector<64xi32>
    %broadcast_in_dim3A_784 = vector.shape_cast %reduce_sum3A_783 : vector<64xi32> to vector<64x1xi32>
    %broadcast_in_dim3A_785 = vector.shape_cast %reshape3A_668 : vector<64xi32> to vector<64x1xi32>
    %eq3A_786 = vector.broadcast %broadcast_in_dim3A_785 : vector<64x1xi32> to vector<64x32xi32>
    %eq3A_787 = arith.cmpi eq, %iota3A_34, %eq3A_786 : vector<64x32xi32>
    %jit3A_788 = arith.constant 0 : i32
    %broadcast_in_dim3A_789 = vector.broadcast %jit3A_788 : i32 to vector<64x32xi32>
    %select_n3A_790 = arith.select %eq3A_787, %add3A_268, %broadcast_in_dim3A_789 : vector<64x32xi1>, vector<64x32xi32>
    %reduce_sum3A_791 = arith.constant dense<0> : vector<64xi32>
    %reduce_sum3A_792 = vector.multi_reduction <add>, %select_n3A_790, %reduce_sum3A_791 [1] : vector<64x32xi32> to vector<64xi32>
    %broadcast_in_dim3A_793 = vector.shape_cast %reduce_sum3A_792 : vector<64xi32> to vector<64x1xi32>
    %broadcast_in_dim3A_794 = vector.shape_cast %reshape3A_687 : vector<64xi32> to vector<64x1xi32>
    %eq3A_795 = vector.broadcast %broadcast_in_dim3A_794 : vector<64x1xi32> to vector<64x32xi32>
    %eq3A_796 = arith.cmpi eq, %iota3A_34, %eq3A_795 : vector<64x32xi32>
    %jit3A_797 = arith.constant 0 : i32
    %broadcast_in_dim3A_798 = vector.broadcast %jit3A_797 : i32 to vector<64x32xi32>
    %select_n3A_799 = arith.select %eq3A_796, %add3A_268, %broadcast_in_dim3A_798 : vector<64x32xi1>, vector<64x32xi32>
    %reduce_sum3A_800 = arith.constant dense<0> : vector<64xi32>
    %reduce_sum3A_801 = vector.multi_reduction <add>, %select_n3A_799, %reduce_sum3A_800 [1] : vector<64x32xi32> to vector<64xi32>
    %broadcast_in_dim3A_802 = vector.shape_cast %reduce_sum3A_801 : vector<64xi32> to vector<64x1xi32>
    %broadcast_in_dim3A_803 = vector.shape_cast %reshape3A_706 : vector<64xi32> to vector<64x1xi32>
    %eq3A_804 = vector.broadcast %broadcast_in_dim3A_803 : vector<64x1xi32> to vector<64x32xi32>
    %eq3A_805 = arith.cmpi eq, %iota3A_34, %eq3A_804 : vector<64x32xi32>
    %jit3A_806 = arith.constant 0 : i32
    %broadcast_in_dim3A_807 = vector.broadcast %jit3A_806 : i32 to vector<64x32xi32>
    %select_n3A_808 = arith.select %eq3A_805, %add3A_268, %broadcast_in_dim3A_807 : vector<64x32xi1>, vector<64x32xi32>
    %reduce_sum3A_809 = arith.constant dense<0> : vector<64xi32>
    %reduce_sum3A_810 = vector.multi_reduction <add>, %select_n3A_808, %reduce_sum3A_809 [1] : vector<64x32xi32> to vector<64xi32>
    %broadcast_in_dim3A_811 = vector.shape_cast %reduce_sum3A_810 : vector<64xi32> to vector<64x1xi32>
    %broadcast_in_dim3A_812 = vector.shape_cast %reshape3A_722 : vector<64xi32> to vector<64x1xi32>
    %eq3A_813 = vector.broadcast %broadcast_in_dim3A_812 : vector<64x1xi32> to vector<64x32xi32>
    %eq3A_814 = arith.cmpi eq, %iota3A_34, %eq3A_813 : vector<64x32xi32>
    %jit3A_815 = arith.constant 0 : i32
    %broadcast_in_dim3A_816 = vector.broadcast %jit3A_815 : i32 to vector<64x32xi32>
    %select_n3A_817 = arith.select %eq3A_814, %add3A_268, %broadcast_in_dim3A_816 : vector<64x32xi1>, vector<64x32xi32>
    %reduce_sum3A_818 = arith.constant dense<0> : vector<64xi32>
    %reduce_sum3A_819 = vector.multi_reduction <add>, %select_n3A_817, %reduce_sum3A_818 [1] : vector<64x32xi32> to vector<64xi32>
    %broadcast_in_dim3A_820 = vector.shape_cast %reduce_sum3A_819 : vector<64xi32> to vector<64x1xi32>
    %concatenate3A_821 = tpu.concatenate %broadcast_in_dim3A_757, %broadcast_in_dim3A_766, %broadcast_in_dim3A_775, %broadcast_in_dim3A_784, %broadcast_in_dim3A_793, %broadcast_in_dim3A_802, %broadcast_in_dim3A_811, %broadcast_in_dim3A_820 in 1 : vector<64x1xi32>, vector<64x1xi32>, vector<64x1xi32>, vector<64x1xi32>, vector<64x1xi32>, vector<64x1xi32>, vector<64x1xi32>, vector<64x1xi32> -> vector<64x8xi32>
    %mul3A_822 = arith.constant 4096 : i32
    %mul3A_823 = arith.muli %arg0, %mul3A_822 : i32
    %add3A_824 = vector.broadcast %mul3A_823 : i32 to vector<64x8xi32>
    %add3A_825 = arith.addi %concatenate3A_821, %add3A_824 : vector<64x8xi32>
    %broadcast_in_dim3A_826 = vector.shape_cast %add3A_825 : vector<64x8xi32> to vector<64x1x8xi32>
    %slice3A_827 = vector.extract_strided_slice %get3A_4 {offsets = [0, 2, 0], sizes = [64, 1, 16], strides = [1, 1, 1]} : vector<64x4x16xf32> to vector<64x1x16xf32>
    %squeeze3A_828 = vector.shape_cast %slice3A_827 : vector<64x1x16xf32> to vector<64x16xf32>
    %convert_element_type3A_829 = arith.truncf %squeeze3A_828 : vector<64x16xf32> to vector<64x16xbf16>
    %convert_element_type3A_830 = arith.extf %convert_element_type3A_829 : vector<64x16xbf16> to vector<64x16xf32>
    %convert_element_type3A_831 = arith.truncf %slice3A : vector<64x8x4x16xf32> to vector<64x8x4x16xbf16>
    %convert_element_type3A_832 = arith.extf %convert_element_type3A_831 : vector<64x8x4x16xbf16> to vector<64x8x4x16xf32>
    %broadcast_in_dim3A_833 = vector.shape_cast %convert_element_type3A_830 : vector<64x16xf32> to vector<64x1x1x16xf32>
    %mul3A_834 = vector.broadcast %broadcast_in_dim3A_833 : vector<64x1x1x16xf32> to vector<64x8x4x16xf32>
    %mul3A_835 = arith.mulf %mul3A_834, %convert_element_type3A_832 : vector<64x8x4x16xf32>
    %reduce_sum3A_836 = arith.constant dense<0.000000e+00> : vector<64x8x4xf32>
    %reduce_sum3A_837 = vector.multi_reduction <add>, %mul3A_835, %reduce_sum3A_836 [3] : vector<64x8x4x16xf32> to vector<64x8x4xf32>
    %mul3A_838 = arith.constant 2.500000e-01 : f32
    %mul3A_839 = vector.broadcast %mul3A_838 : f32 to vector<64x8x4xf32>
    %mul3A_840 = arith.mulf %reduce_sum3A_837, %mul3A_839 : vector<64x8x4xf32>
    %reduce_max3A_841 = arith.constant dense<0xFF800000> : vector<64x8xf32>
    %reduce_max3A_842 = vector.multi_reduction <maximumf>, %mul3A_840, %reduce_max3A_841 [2] : vector<64x8x4xf32> to vector<64x8xf32>
    %broadcast_in_dim3A_843 = vector.shape_cast %reduce_max3A_842 : vector<64x8xf32> to vector<64x8x1xf32>
    %sub3A_844 = vector.broadcast %broadcast_in_dim3A_843 : vector<64x8x1xf32> to vector<64x8x4xf32>
    %sub3A_845 = arith.subf %mul3A_840, %sub3A_844 : vector<64x8x4xf32>
    %exp3A_846 = math.exp %sub3A_845 : vector<64x8x4xf32>
    %reduce_sum3A_847 = arith.constant dense<0.000000e+00> : vector<64x8xf32>
    %reduce_sum3A_848 = vector.multi_reduction <add>, %exp3A_846, %reduce_sum3A_847 [2] : vector<64x8x4xf32> to vector<64x8xf32>
    %broadcast_in_dim3A_849 = vector.shape_cast %reduce_sum3A_848 : vector<64x8xf32> to vector<64x8x1xf32>
    %div3A_850 = vector.broadcast %broadcast_in_dim3A_849 : vector<64x8x1xf32> to vector<64x8x4xf32>
    %div3A_851 = arith.divf %exp3A_846, %div3A_850 : vector<64x8x4xf32>
    %broadcast_in_dim3A_852 = vector.shape_cast %get3A_17 : vector<64x8xf32> to vector<64x8x1xf32>
    %mul3A_853 = vector.broadcast %broadcast_in_dim3A_852 : vector<64x8x1xf32> to vector<64x8x4xf32>
    %mul3A_854 = arith.mulf %div3A_851, %mul3A_853 : vector<64x8x4xf32>
    %broadcast_in_dim3A_855 = arith.constant false
    %broadcast_in_dim3A_856 = vector.broadcast %broadcast_in_dim3A_855 : i1 to vector<64x8x4xi1>
    %reduce_max3A_857 = arith.constant dense<0xFF800000> : vector<64xf32>
    %reduce_max3A_858 = vector.multi_reduction <maximumf>, %mul3A_854, %reduce_max3A_857 [1, 2] : vector<64x8x4xf32> to vector<64xf32>
    %broadcast_in_dim3A_859 = vector.shape_cast %reduce_max3A_858 : vector<64xf32> to vector<64x1x1xf32>
    %eq3A_860 = vector.broadcast %broadcast_in_dim3A_859 : vector<64x1x1xf32> to vector<64x8x4xf32>
    %eq3A_861 = arith.cmpf oeq, %mul3A_854, %eq3A_860 : vector<64x8x4xf32>
    %jit3A_862 = arith.constant 32 : i32
    %broadcast_in_dim3A_863 = vector.broadcast %jit3A_862 : i32 to vector<64x8x4xi32>
    %select_n3A_864 = arith.select %eq3A_861, %add3A, %broadcast_in_dim3A_863 : vector<64x8x4xi1>, vector<64x8x4xi32>
    %reduce_min3A_865 = arith.constant dense<2147483647> : vector<64xi32>
    %reduce_min3A_866 = vector.multi_reduction <minsi>, %select_n3A_864, %reduce_min3A_865 [1, 2] : vector<64x8x4xi32> to vector<64xi32>
    %broadcast_in_dim3A_867 = vector.shape_cast %reduce_min3A_866 : vector<64xi32> to vector<64x1x1xi32>
    %eq3A_868 = vector.broadcast %broadcast_in_dim3A_867 : vector<64x1x1xi32> to vector<64x8x4xi32>
    %eq3A_869 = arith.cmpi eq, %add3A, %eq3A_868 : vector<64x8x4xi32>
    %jit3A_870 = arith.constant -1.000000e+00 : f32
    %broadcast_in_dim3A_871 = vector.broadcast %jit3A_870 : f32 to vector<64x8x4xf32>
    %select_n3A_872 = arith.select %eq3A_869, %broadcast_in_dim3A_871, %mul3A_854 : vector<64x8x4xi1>, vector<64x8x4xf32>
    %or3A_873 = arith.ori %broadcast_in_dim3A_856, %eq3A_869 : vector<64x8x4xi1>
    %reshape3A_874 = vector.shape_cast %broadcast_in_dim3A_859 : vector<64x1x1xf32> to vector<64xf32>
    %reshape3A_875 = vector.shape_cast %broadcast_in_dim3A_867 : vector<64x1x1xi32> to vector<64xi32>
    %reduce_max3A_876 = arith.constant dense<0xFF800000> : vector<64xf32>
    %reduce_max3A_877 = vector.multi_reduction <maximumf>, %select_n3A_872, %reduce_max3A_876 [1, 2] : vector<64x8x4xf32> to vector<64xf32>
    %broadcast_in_dim3A_878 = vector.shape_cast %reduce_max3A_877 : vector<64xf32> to vector<64x1x1xf32>
    %eq3A_879 = vector.broadcast %broadcast_in_dim3A_878 : vector<64x1x1xf32> to vector<64x8x4xf32>
    %eq3A_880 = arith.cmpf oeq, %select_n3A_872, %eq3A_879 : vector<64x8x4xf32>
    %jit3A_881 = arith.constant 32 : i32
    %broadcast_in_dim3A_882 = vector.broadcast %jit3A_881 : i32 to vector<64x8x4xi32>
    %select_n3A_883 = arith.select %eq3A_880, %add3A, %broadcast_in_dim3A_882 : vector<64x8x4xi1>, vector<64x8x4xi32>
    %reduce_min3A_884 = arith.constant dense<2147483647> : vector<64xi32>
    %reduce_min3A_885 = vector.multi_reduction <minsi>, %select_n3A_883, %reduce_min3A_884 [1, 2] : vector<64x8x4xi32> to vector<64xi32>
    %broadcast_in_dim3A_886 = vector.shape_cast %reduce_min3A_885 : vector<64xi32> to vector<64x1x1xi32>
    %eq3A_887 = vector.broadcast %broadcast_in_dim3A_886 : vector<64x1x1xi32> to vector<64x8x4xi32>
    %eq3A_888 = arith.cmpi eq, %add3A, %eq3A_887 : vector<64x8x4xi32>
    %jit3A_889 = arith.constant -1.000000e+00 : f32
    %broadcast_in_dim3A_890 = vector.broadcast %jit3A_889 : f32 to vector<64x8x4xf32>
    %select_n3A_891 = arith.select %eq3A_888, %broadcast_in_dim3A_890, %select_n3A_872 : vector<64x8x4xi1>, vector<64x8x4xf32>
    %or3A_892 = arith.ori %or3A_873, %eq3A_888 : vector<64x8x4xi1>
    %reshape3A_893 = vector.shape_cast %broadcast_in_dim3A_878 : vector<64x1x1xf32> to vector<64xf32>
    %reshape3A_894 = vector.shape_cast %broadcast_in_dim3A_886 : vector<64x1x1xi32> to vector<64xi32>
    %reduce_max3A_895 = arith.constant dense<0xFF800000> : vector<64xf32>
    %reduce_max3A_896 = vector.multi_reduction <maximumf>, %select_n3A_891, %reduce_max3A_895 [1, 2] : vector<64x8x4xf32> to vector<64xf32>
    %broadcast_in_dim3A_897 = vector.shape_cast %reduce_max3A_896 : vector<64xf32> to vector<64x1x1xf32>
    %eq3A_898 = vector.broadcast %broadcast_in_dim3A_897 : vector<64x1x1xf32> to vector<64x8x4xf32>
    %eq3A_899 = arith.cmpf oeq, %select_n3A_891, %eq3A_898 : vector<64x8x4xf32>
    %jit3A_900 = arith.constant 32 : i32
    %broadcast_in_dim3A_901 = vector.broadcast %jit3A_900 : i32 to vector<64x8x4xi32>
    %select_n3A_902 = arith.select %eq3A_899, %add3A, %broadcast_in_dim3A_901 : vector<64x8x4xi1>, vector<64x8x4xi32>
    %reduce_min3A_903 = arith.constant dense<2147483647> : vector<64xi32>
    %reduce_min3A_904 = vector.multi_reduction <minsi>, %select_n3A_902, %reduce_min3A_903 [1, 2] : vector<64x8x4xi32> to vector<64xi32>
    %broadcast_in_dim3A_905 = vector.shape_cast %reduce_min3A_904 : vector<64xi32> to vector<64x1x1xi32>
    %eq3A_906 = vector.broadcast %broadcast_in_dim3A_905 : vector<64x1x1xi32> to vector<64x8x4xi32>
    %eq3A_907 = arith.cmpi eq, %add3A, %eq3A_906 : vector<64x8x4xi32>
    %jit3A_908 = arith.constant -1.000000e+00 : f32
    %broadcast_in_dim3A_909 = vector.broadcast %jit3A_908 : f32 to vector<64x8x4xf32>
    %select_n3A_910 = arith.select %eq3A_907, %broadcast_in_dim3A_909, %select_n3A_891 : vector<64x8x4xi1>, vector<64x8x4xf32>
    %or3A_911 = arith.ori %or3A_892, %eq3A_907 : vector<64x8x4xi1>
    %reshape3A_912 = vector.shape_cast %broadcast_in_dim3A_897 : vector<64x1x1xf32> to vector<64xf32>
    %reshape3A_913 = vector.shape_cast %broadcast_in_dim3A_905 : vector<64x1x1xi32> to vector<64xi32>
    %reduce_max3A_914 = arith.constant dense<0xFF800000> : vector<64xf32>
    %reduce_max3A_915 = vector.multi_reduction <maximumf>, %select_n3A_910, %reduce_max3A_914 [1, 2] : vector<64x8x4xf32> to vector<64xf32>
    %broadcast_in_dim3A_916 = vector.shape_cast %reduce_max3A_915 : vector<64xf32> to vector<64x1x1xf32>
    %eq3A_917 = vector.broadcast %broadcast_in_dim3A_916 : vector<64x1x1xf32> to vector<64x8x4xf32>
    %eq3A_918 = arith.cmpf oeq, %select_n3A_910, %eq3A_917 : vector<64x8x4xf32>
    %jit3A_919 = arith.constant 32 : i32
    %broadcast_in_dim3A_920 = vector.broadcast %jit3A_919 : i32 to vector<64x8x4xi32>
    %select_n3A_921 = arith.select %eq3A_918, %add3A, %broadcast_in_dim3A_920 : vector<64x8x4xi1>, vector<64x8x4xi32>
    %reduce_min3A_922 = arith.constant dense<2147483647> : vector<64xi32>
    %reduce_min3A_923 = vector.multi_reduction <minsi>, %select_n3A_921, %reduce_min3A_922 [1, 2] : vector<64x8x4xi32> to vector<64xi32>
    %broadcast_in_dim3A_924 = vector.shape_cast %reduce_min3A_923 : vector<64xi32> to vector<64x1x1xi32>
    %eq3A_925 = vector.broadcast %broadcast_in_dim3A_924 : vector<64x1x1xi32> to vector<64x8x4xi32>
    %eq3A_926 = arith.cmpi eq, %add3A, %eq3A_925 : vector<64x8x4xi32>
    %jit3A_927 = arith.constant -1.000000e+00 : f32
    %broadcast_in_dim3A_928 = vector.broadcast %jit3A_927 : f32 to vector<64x8x4xf32>
    %select_n3A_929 = arith.select %eq3A_926, %broadcast_in_dim3A_928, %select_n3A_910 : vector<64x8x4xi1>, vector<64x8x4xf32>
    %or3A_930 = arith.ori %or3A_911, %eq3A_926 : vector<64x8x4xi1>
    %reshape3A_931 = vector.shape_cast %broadcast_in_dim3A_916 : vector<64x1x1xf32> to vector<64xf32>
    %reshape3A_932 = vector.shape_cast %broadcast_in_dim3A_924 : vector<64x1x1xi32> to vector<64xi32>
    %reduce_max3A_933 = arith.constant dense<0xFF800000> : vector<64xf32>
    %reduce_max3A_934 = vector.multi_reduction <maximumf>, %select_n3A_929, %reduce_max3A_933 [1, 2] : vector<64x8x4xf32> to vector<64xf32>
    %broadcast_in_dim3A_935 = vector.shape_cast %reduce_max3A_934 : vector<64xf32> to vector<64x1x1xf32>
    %eq3A_936 = vector.broadcast %broadcast_in_dim3A_935 : vector<64x1x1xf32> to vector<64x8x4xf32>
    %eq3A_937 = arith.cmpf oeq, %select_n3A_929, %eq3A_936 : vector<64x8x4xf32>
    %jit3A_938 = arith.constant 32 : i32
    %broadcast_in_dim3A_939 = vector.broadcast %jit3A_938 : i32 to vector<64x8x4xi32>
    %select_n3A_940 = arith.select %eq3A_937, %add3A, %broadcast_in_dim3A_939 : vector<64x8x4xi1>, vector<64x8x4xi32>
    %reduce_min3A_941 = arith.constant dense<2147483647> : vector<64xi32>
    %reduce_min3A_942 = vector.multi_reduction <minsi>, %select_n3A_940, %reduce_min3A_941 [1, 2] : vector<64x8x4xi32> to vector<64xi32>
    %broadcast_in_dim3A_943 = vector.shape_cast %reduce_min3A_942 : vector<64xi32> to vector<64x1x1xi32>
    %eq3A_944 = vector.broadcast %broadcast_in_dim3A_943 : vector<64x1x1xi32> to vector<64x8x4xi32>
    %eq3A_945 = arith.cmpi eq, %add3A, %eq3A_944 : vector<64x8x4xi32>
    %jit3A_946 = arith.constant -1.000000e+00 : f32
    %broadcast_in_dim3A_947 = vector.broadcast %jit3A_946 : f32 to vector<64x8x4xf32>
    %select_n3A_948 = arith.select %eq3A_945, %broadcast_in_dim3A_947, %select_n3A_929 : vector<64x8x4xi1>, vector<64x8x4xf32>
    %or3A_949 = arith.ori %or3A_930, %eq3A_945 : vector<64x8x4xi1>
    %reshape3A_950 = vector.shape_cast %broadcast_in_dim3A_935 : vector<64x1x1xf32> to vector<64xf32>
    %reshape3A_951 = vector.shape_cast %broadcast_in_dim3A_943 : vector<64x1x1xi32> to vector<64xi32>
    %reduce_max3A_952 = arith.constant dense<0xFF800000> : vector<64xf32>
    %reduce_max3A_953 = vector.multi_reduction <maximumf>, %select_n3A_948, %reduce_max3A_952 [1, 2] : vector<64x8x4xf32> to vector<64xf32>
    %broadcast_in_dim3A_954 = vector.shape_cast %reduce_max3A_953 : vector<64xf32> to vector<64x1x1xf32>
    %eq3A_955 = vector.broadcast %broadcast_in_dim3A_954 : vector<64x1x1xf32> to vector<64x8x4xf32>
    %eq3A_956 = arith.cmpf oeq, %select_n3A_948, %eq3A_955 : vector<64x8x4xf32>
    %jit3A_957 = arith.constant 32 : i32
    %broadcast_in_dim3A_958 = vector.broadcast %jit3A_957 : i32 to vector<64x8x4xi32>
    %select_n3A_959 = arith.select %eq3A_956, %add3A, %broadcast_in_dim3A_958 : vector<64x8x4xi1>, vector<64x8x4xi32>
    %reduce_min3A_960 = arith.constant dense<2147483647> : vector<64xi32>
    %reduce_min3A_961 = vector.multi_reduction <minsi>, %select_n3A_959, %reduce_min3A_960 [1, 2] : vector<64x8x4xi32> to vector<64xi32>
    %broadcast_in_dim3A_962 = vector.shape_cast %reduce_min3A_961 : vector<64xi32> to vector<64x1x1xi32>
    %eq3A_963 = vector.broadcast %broadcast_in_dim3A_962 : vector<64x1x1xi32> to vector<64x8x4xi32>
    %eq3A_964 = arith.cmpi eq, %add3A, %eq3A_963 : vector<64x8x4xi32>
    %jit3A_965 = arith.constant -1.000000e+00 : f32
    %broadcast_in_dim3A_966 = vector.broadcast %jit3A_965 : f32 to vector<64x8x4xf32>
    %select_n3A_967 = arith.select %eq3A_964, %broadcast_in_dim3A_966, %select_n3A_948 : vector<64x8x4xi1>, vector<64x8x4xf32>
    %or3A_968 = arith.ori %or3A_949, %eq3A_964 : vector<64x8x4xi1>
    %reshape3A_969 = vector.shape_cast %broadcast_in_dim3A_954 : vector<64x1x1xf32> to vector<64xf32>
    %reshape3A_970 = vector.shape_cast %broadcast_in_dim3A_962 : vector<64x1x1xi32> to vector<64xi32>
    %reduce_max3A_971 = arith.constant dense<0xFF800000> : vector<64xf32>
    %reduce_max3A_972 = vector.multi_reduction <maximumf>, %select_n3A_967, %reduce_max3A_971 [1, 2] : vector<64x8x4xf32> to vector<64xf32>
    %broadcast_in_dim3A_973 = vector.shape_cast %reduce_max3A_972 : vector<64xf32> to vector<64x1x1xf32>
    %eq3A_974 = vector.broadcast %broadcast_in_dim3A_973 : vector<64x1x1xf32> to vector<64x8x4xf32>
    %eq3A_975 = arith.cmpf oeq, %select_n3A_967, %eq3A_974 : vector<64x8x4xf32>
    %jit3A_976 = arith.constant 32 : i32
    %broadcast_in_dim3A_977 = vector.broadcast %jit3A_976 : i32 to vector<64x8x4xi32>
    %select_n3A_978 = arith.select %eq3A_975, %add3A, %broadcast_in_dim3A_977 : vector<64x8x4xi1>, vector<64x8x4xi32>
    %reduce_min3A_979 = arith.constant dense<2147483647> : vector<64xi32>
    %reduce_min3A_980 = vector.multi_reduction <minsi>, %select_n3A_978, %reduce_min3A_979 [1, 2] : vector<64x8x4xi32> to vector<64xi32>
    %broadcast_in_dim3A_981 = vector.shape_cast %reduce_min3A_980 : vector<64xi32> to vector<64x1x1xi32>
    %eq3A_982 = vector.broadcast %broadcast_in_dim3A_981 : vector<64x1x1xi32> to vector<64x8x4xi32>
    %eq3A_983 = arith.cmpi eq, %add3A, %eq3A_982 : vector<64x8x4xi32>
    %jit3A_984 = arith.constant -1.000000e+00 : f32
    %broadcast_in_dim3A_985 = vector.broadcast %jit3A_984 : f32 to vector<64x8x4xf32>
    %select_n3A_986 = arith.select %eq3A_983, %broadcast_in_dim3A_985, %select_n3A_967 : vector<64x8x4xi1>, vector<64x8x4xf32>
    %or3A_987 = arith.ori %or3A_968, %eq3A_983 : vector<64x8x4xi1>
    %reshape3A_988 = vector.shape_cast %broadcast_in_dim3A_973 : vector<64x1x1xf32> to vector<64xf32>
    %reshape3A_989 = vector.shape_cast %broadcast_in_dim3A_981 : vector<64x1x1xi32> to vector<64xi32>
    %reduce_max3A_990 = arith.constant dense<0xFF800000> : vector<64xf32>
    %reduce_max3A_991 = vector.multi_reduction <maximumf>, %select_n3A_986, %reduce_max3A_990 [1, 2] : vector<64x8x4xf32> to vector<64xf32>
    %broadcast_in_dim3A_992 = vector.shape_cast %reduce_max3A_991 : vector<64xf32> to vector<64x1x1xf32>
    %eq3A_993 = vector.broadcast %broadcast_in_dim3A_992 : vector<64x1x1xf32> to vector<64x8x4xf32>
    %eq3A_994 = arith.cmpf oeq, %select_n3A_986, %eq3A_993 : vector<64x8x4xf32>
    %jit3A_995 = arith.constant 32 : i32
    %broadcast_in_dim3A_996 = vector.broadcast %jit3A_995 : i32 to vector<64x8x4xi32>
    %select_n3A_997 = arith.select %eq3A_994, %add3A, %broadcast_in_dim3A_996 : vector<64x8x4xi1>, vector<64x8x4xi32>
    %reduce_min3A_998 = arith.constant dense<2147483647> : vector<64xi32>
    %reduce_min3A_999 = vector.multi_reduction <minsi>, %select_n3A_997, %reduce_min3A_998 [1, 2] : vector<64x8x4xi32> to vector<64xi32>
    %broadcast_in_dim3A_1000 = vector.shape_cast %reduce_min3A_999 : vector<64xi32> to vector<64x1x1xi32>
    %eq3A_1001 = vector.broadcast %broadcast_in_dim3A_1000 : vector<64x1x1xi32> to vector<64x8x4xi32>
    %eq3A_1002 = arith.cmpi eq, %add3A, %eq3A_1001 : vector<64x8x4xi32>
    %or3A_1003 = arith.ori %or3A_987, %eq3A_1002 : vector<64x8x4xi1>
    %reshape3A_1004 = vector.shape_cast %broadcast_in_dim3A_992 : vector<64x1x1xf32> to vector<64xf32>
    %reshape3A_1005 = vector.shape_cast %broadcast_in_dim3A_1000 : vector<64x1x1xi32> to vector<64xi32>
    %jit3A_1006 = arith.constant 0.000000e+00 : f32
    %broadcast_in_dim3A_1007 = vector.broadcast %jit3A_1006 : f32 to vector<64x8x4xf32>
    %select_n3A_1008 = arith.select %or3A_1003, %broadcast_in_dim3A_1007, %mul3A_854 : vector<64x8x4xi1>, vector<64x8x4xf32>
    %convert_element_type3A_1009 = arith.truncf %select_n3A_1008 : vector<64x8x4xf32> to vector<64x8x4xbf16>
    %convert_element_type3A_1010 = arith.extf %convert_element_type3A_1009 : vector<64x8x4xbf16> to vector<64x8x4xf32>
    %convert_element_type3A_1011 = arith.truncf %slice3A_12 : vector<64x8x4x16xf32> to vector<64x8x4x16xbf16>
    %convert_element_type3A_1012 = arith.extf %convert_element_type3A_1011 : vector<64x8x4x16xbf16> to vector<64x8x4x16xf32>
    %broadcast_in_dim3A_1013 = vector.shape_cast %convert_element_type3A_1010 : vector<64x8x4xf32> to vector<64x8x4x1xf32>
    %mul3A_1014 = vector.broadcast %broadcast_in_dim3A_1013 : vector<64x8x4x1xf32> to vector<64x8x4x16xf32>
    %mul3A_1015 = arith.mulf %mul3A_1014, %convert_element_type3A_1012 : vector<64x8x4x16xf32>
    %reduce_sum3A_1016 = arith.constant dense<0.000000e+00> : vector<64x8x16xf32>
    %reduce_sum3A_1017 = vector.multi_reduction <add>, %mul3A_1015, %reduce_sum3A_1016 [2] : vector<64x8x4x16xf32> to vector<64x8x16xf32>
    %reduce_sum3A_1018 = arith.constant dense<0.000000e+00> : vector<64x16xf32>
    %reduce_sum3A_1019 = vector.multi_reduction <add>, %reduce_sum3A_1017, %reduce_sum3A_1018 [1] : vector<64x8x16xf32> to vector<64x16xf32>
    %add3A_1020 = arith.addf %get3A_29, %reduce_sum3A_1019 : vector<64x16xf32>
    %broadcast_in_dim3A_1021 = vector.shape_cast %add3A_1020 : vector<64x16xf32> to vector<64x1x16xf32>
    %broadcast_in_dim3A_1022 = vector.shape_cast %reshape3A_874 : vector<64xf32> to vector<64x1xf32>
    %broadcast_in_dim3A_1023 = vector.shape_cast %reshape3A_893 : vector<64xf32> to vector<64x1xf32>
    %broadcast_in_dim3A_1024 = vector.shape_cast %reshape3A_912 : vector<64xf32> to vector<64x1xf32>
    %broadcast_in_dim3A_1025 = vector.shape_cast %reshape3A_931 : vector<64xf32> to vector<64x1xf32>
    %broadcast_in_dim3A_1026 = vector.shape_cast %reshape3A_950 : vector<64xf32> to vector<64x1xf32>
    %broadcast_in_dim3A_1027 = vector.shape_cast %reshape3A_969 : vector<64xf32> to vector<64x1xf32>
    %broadcast_in_dim3A_1028 = vector.shape_cast %reshape3A_988 : vector<64xf32> to vector<64x1xf32>
    %broadcast_in_dim3A_1029 = vector.shape_cast %reshape3A_1004 : vector<64xf32> to vector<64x1xf32>
    %concatenate3A_1030 = tpu.concatenate %broadcast_in_dim3A_1022, %broadcast_in_dim3A_1023, %broadcast_in_dim3A_1024, %broadcast_in_dim3A_1025, %broadcast_in_dim3A_1026, %broadcast_in_dim3A_1027, %broadcast_in_dim3A_1028, %broadcast_in_dim3A_1029 in 1 : vector<64x1xf32>, vector<64x1xf32>, vector<64x1xf32>, vector<64x1xf32>, vector<64x1xf32>, vector<64x1xf32>, vector<64x1xf32>, vector<64x1xf32> -> vector<64x8xf32>
    %broadcast_in_dim3A_1031 = vector.shape_cast %concatenate3A_1030 : vector<64x8xf32> to vector<64x1x8xf32>
    %broadcast_in_dim3A_1032 = vector.shape_cast %reshape3A_875 : vector<64xi32> to vector<64x1xi32>
    %eq3A_1033 = vector.broadcast %broadcast_in_dim3A_1032 : vector<64x1xi32> to vector<64x32xi32>
    %eq3A_1034 = arith.cmpi eq, %iota3A_34, %eq3A_1033 : vector<64x32xi32>
    %jit3A_1035 = arith.constant 0 : i32
    %broadcast_in_dim3A_1036 = vector.broadcast %jit3A_1035 : i32 to vector<64x32xi32>
    %select_n3A_1037 = arith.select %eq3A_1034, %add3A_268, %broadcast_in_dim3A_1036 : vector<64x32xi1>, vector<64x32xi32>
    %reduce_sum3A_1038 = arith.constant dense<0> : vector<64xi32>
    %reduce_sum3A_1039 = vector.multi_reduction <add>, %select_n3A_1037, %reduce_sum3A_1038 [1] : vector<64x32xi32> to vector<64xi32>
    %broadcast_in_dim3A_1040 = vector.shape_cast %reduce_sum3A_1039 : vector<64xi32> to vector<64x1xi32>
    %broadcast_in_dim3A_1041 = vector.shape_cast %reshape3A_894 : vector<64xi32> to vector<64x1xi32>
    %eq3A_1042 = vector.broadcast %broadcast_in_dim3A_1041 : vector<64x1xi32> to vector<64x32xi32>
    %eq3A_1043 = arith.cmpi eq, %iota3A_34, %eq3A_1042 : vector<64x32xi32>
    %jit3A_1044 = arith.constant 0 : i32
    %broadcast_in_dim3A_1045 = vector.broadcast %jit3A_1044 : i32 to vector<64x32xi32>
    %select_n3A_1046 = arith.select %eq3A_1043, %add3A_268, %broadcast_in_dim3A_1045 : vector<64x32xi1>, vector<64x32xi32>
    %reduce_sum3A_1047 = arith.constant dense<0> : vector<64xi32>
    %reduce_sum3A_1048 = vector.multi_reduction <add>, %select_n3A_1046, %reduce_sum3A_1047 [1] : vector<64x32xi32> to vector<64xi32>
    %broadcast_in_dim3A_1049 = vector.shape_cast %reduce_sum3A_1048 : vector<64xi32> to vector<64x1xi32>
    %broadcast_in_dim3A_1050 = vector.shape_cast %reshape3A_913 : vector<64xi32> to vector<64x1xi32>
    %eq3A_1051 = vector.broadcast %broadcast_in_dim3A_1050 : vector<64x1xi32> to vector<64x32xi32>
    %eq3A_1052 = arith.cmpi eq, %iota3A_34, %eq3A_1051 : vector<64x32xi32>
    %jit3A_1053 = arith.constant 0 : i32
    %broadcast_in_dim3A_1054 = vector.broadcast %jit3A_1053 : i32 to vector<64x32xi32>
    %select_n3A_1055 = arith.select %eq3A_1052, %add3A_268, %broadcast_in_dim3A_1054 : vector<64x32xi1>, vector<64x32xi32>
    %reduce_sum3A_1056 = arith.constant dense<0> : vector<64xi32>
    %reduce_sum3A_1057 = vector.multi_reduction <add>, %select_n3A_1055, %reduce_sum3A_1056 [1] : vector<64x32xi32> to vector<64xi32>
    %broadcast_in_dim3A_1058 = vector.shape_cast %reduce_sum3A_1057 : vector<64xi32> to vector<64x1xi32>
    %broadcast_in_dim3A_1059 = vector.shape_cast %reshape3A_932 : vector<64xi32> to vector<64x1xi32>
    %eq3A_1060 = vector.broadcast %broadcast_in_dim3A_1059 : vector<64x1xi32> to vector<64x32xi32>
    %eq3A_1061 = arith.cmpi eq, %iota3A_34, %eq3A_1060 : vector<64x32xi32>
    %jit3A_1062 = arith.constant 0 : i32
    %broadcast_in_dim3A_1063 = vector.broadcast %jit3A_1062 : i32 to vector<64x32xi32>
    %select_n3A_1064 = arith.select %eq3A_1061, %add3A_268, %broadcast_in_dim3A_1063 : vector<64x32xi1>, vector<64x32xi32>
    %reduce_sum3A_1065 = arith.constant dense<0> : vector<64xi32>
    %reduce_sum3A_1066 = vector.multi_reduction <add>, %select_n3A_1064, %reduce_sum3A_1065 [1] : vector<64x32xi32> to vector<64xi32>
    %broadcast_in_dim3A_1067 = vector.shape_cast %reduce_sum3A_1066 : vector<64xi32> to vector<64x1xi32>
    %broadcast_in_dim3A_1068 = vector.shape_cast %reshape3A_951 : vector<64xi32> to vector<64x1xi32>
    %eq3A_1069 = vector.broadcast %broadcast_in_dim3A_1068 : vector<64x1xi32> to vector<64x32xi32>
    %eq3A_1070 = arith.cmpi eq, %iota3A_34, %eq3A_1069 : vector<64x32xi32>
    %jit3A_1071 = arith.constant 0 : i32
    %broadcast_in_dim3A_1072 = vector.broadcast %jit3A_1071 : i32 to vector<64x32xi32>
    %select_n3A_1073 = arith.select %eq3A_1070, %add3A_268, %broadcast_in_dim3A_1072 : vector<64x32xi1>, vector<64x32xi32>
    %reduce_sum3A_1074 = arith.constant dense<0> : vector<64xi32>
    %reduce_sum3A_1075 = vector.multi_reduction <add>, %select_n3A_1073, %reduce_sum3A_1074 [1] : vector<64x32xi32> to vector<64xi32>
    %broadcast_in_dim3A_1076 = vector.shape_cast %reduce_sum3A_1075 : vector<64xi32> to vector<64x1xi32>
    %broadcast_in_dim3A_1077 = vector.shape_cast %reshape3A_970 : vector<64xi32> to vector<64x1xi32>
    %eq3A_1078 = vector.broadcast %broadcast_in_dim3A_1077 : vector<64x1xi32> to vector<64x32xi32>
    %eq3A_1079 = arith.cmpi eq, %iota3A_34, %eq3A_1078 : vector<64x32xi32>
    %jit3A_1080 = arith.constant 0 : i32
    %broadcast_in_dim3A_1081 = vector.broadcast %jit3A_1080 : i32 to vector<64x32xi32>
    %select_n3A_1082 = arith.select %eq3A_1079, %add3A_268, %broadcast_in_dim3A_1081 : vector<64x32xi1>, vector<64x32xi32>
    %reduce_sum3A_1083 = arith.constant dense<0> : vector<64xi32>
    %reduce_sum3A_1084 = vector.multi_reduction <add>, %select_n3A_1082, %reduce_sum3A_1083 [1] : vector<64x32xi32> to vector<64xi32>
    %broadcast_in_dim3A_1085 = vector.shape_cast %reduce_sum3A_1084 : vector<64xi32> to vector<64x1xi32>
    %broadcast_in_dim3A_1086 = vector.shape_cast %reshape3A_989 : vector<64xi32> to vector<64x1xi32>
    %eq3A_1087 = vector.broadcast %broadcast_in_dim3A_1086 : vector<64x1xi32> to vector<64x32xi32>
    %eq3A_1088 = arith.cmpi eq, %iota3A_34, %eq3A_1087 : vector<64x32xi32>
    %jit3A_1089 = arith.constant 0 : i32
    %broadcast_in_dim3A_1090 = vector.broadcast %jit3A_1089 : i32 to vector<64x32xi32>
    %select_n3A_1091 = arith.select %eq3A_1088, %add3A_268, %broadcast_in_dim3A_1090 : vector<64x32xi1>, vector<64x32xi32>
    %reduce_sum3A_1092 = arith.constant dense<0> : vector<64xi32>
    %reduce_sum3A_1093 = vector.multi_reduction <add>, %select_n3A_1091, %reduce_sum3A_1092 [1] : vector<64x32xi32> to vector<64xi32>
    %broadcast_in_dim3A_1094 = vector.shape_cast %reduce_sum3A_1093 : vector<64xi32> to vector<64x1xi32>
    %broadcast_in_dim3A_1095 = vector.shape_cast %reshape3A_1005 : vector<64xi32> to vector<64x1xi32>
    %eq3A_1096 = vector.broadcast %broadcast_in_dim3A_1095 : vector<64x1xi32> to vector<64x32xi32>
    %eq3A_1097 = arith.cmpi eq, %iota3A_34, %eq3A_1096 : vector<64x32xi32>
    %jit3A_1098 = arith.constant 0 : i32
    %broadcast_in_dim3A_1099 = vector.broadcast %jit3A_1098 : i32 to vector<64x32xi32>
    %select_n3A_1100 = arith.select %eq3A_1097, %add3A_268, %broadcast_in_dim3A_1099 : vector<64x32xi1>, vector<64x32xi32>
    %reduce_sum3A_1101 = arith.constant dense<0> : vector<64xi32>
    %reduce_sum3A_1102 = vector.multi_reduction <add>, %select_n3A_1100, %reduce_sum3A_1101 [1] : vector<64x32xi32> to vector<64xi32>
    %broadcast_in_dim3A_1103 = vector.shape_cast %reduce_sum3A_1102 : vector<64xi32> to vector<64x1xi32>
    %concatenate3A_1104 = tpu.concatenate %broadcast_in_dim3A_1040, %broadcast_in_dim3A_1049, %broadcast_in_dim3A_1058, %broadcast_in_dim3A_1067, %broadcast_in_dim3A_1076, %broadcast_in_dim3A_1085, %broadcast_in_dim3A_1094, %broadcast_in_dim3A_1103 in 1 : vector<64x1xi32>, vector<64x1xi32>, vector<64x1xi32>, vector<64x1xi32>, vector<64x1xi32>, vector<64x1xi32>, vector<64x1xi32>, vector<64x1xi32> -> vector<64x8xi32>
    %mul3A_1105 = arith.constant 4096 : i32
    %mul3A_1106 = arith.muli %arg0, %mul3A_1105 : i32
    %add3A_1107 = vector.broadcast %mul3A_1106 : i32 to vector<64x8xi32>
    %add3A_1108 = arith.addi %concatenate3A_1104, %add3A_1107 : vector<64x8xi32>
    %broadcast_in_dim3A_1109 = vector.shape_cast %add3A_1108 : vector<64x8xi32> to vector<64x1x8xi32>
    %slice3A_1110 = vector.extract_strided_slice %get3A_4 {offsets = [0, 3, 0], sizes = [64, 1, 16], strides = [1, 1, 1]} : vector<64x4x16xf32> to vector<64x1x16xf32>
    %squeeze3A_1111 = vector.shape_cast %slice3A_1110 : vector<64x1x16xf32> to vector<64x16xf32>
    %convert_element_type3A_1112 = arith.truncf %squeeze3A_1111 : vector<64x16xf32> to vector<64x16xbf16>
    %convert_element_type3A_1113 = arith.extf %convert_element_type3A_1112 : vector<64x16xbf16> to vector<64x16xf32>
    %convert_element_type3A_1114 = arith.truncf %slice3A : vector<64x8x4x16xf32> to vector<64x8x4x16xbf16>
    %convert_element_type3A_1115 = arith.extf %convert_element_type3A_1114 : vector<64x8x4x16xbf16> to vector<64x8x4x16xf32>
    %broadcast_in_dim3A_1116 = vector.shape_cast %convert_element_type3A_1113 : vector<64x16xf32> to vector<64x1x1x16xf32>
    %mul3A_1117 = vector.broadcast %broadcast_in_dim3A_1116 : vector<64x1x1x16xf32> to vector<64x8x4x16xf32>
    %mul3A_1118 = arith.mulf %mul3A_1117, %convert_element_type3A_1115 : vector<64x8x4x16xf32>
    %reduce_sum3A_1119 = arith.constant dense<0.000000e+00> : vector<64x8x4xf32>
    %reduce_sum3A_1120 = vector.multi_reduction <add>, %mul3A_1118, %reduce_sum3A_1119 [3] : vector<64x8x4x16xf32> to vector<64x8x4xf32>
    %mul3A_1121 = arith.constant 2.500000e-01 : f32
    %mul3A_1122 = vector.broadcast %mul3A_1121 : f32 to vector<64x8x4xf32>
    %mul3A_1123 = arith.mulf %reduce_sum3A_1120, %mul3A_1122 : vector<64x8x4xf32>
    %reduce_max3A_1124 = arith.constant dense<0xFF800000> : vector<64x8xf32>
    %reduce_max3A_1125 = vector.multi_reduction <maximumf>, %mul3A_1123, %reduce_max3A_1124 [2] : vector<64x8x4xf32> to vector<64x8xf32>
    %broadcast_in_dim3A_1126 = vector.shape_cast %reduce_max3A_1125 : vector<64x8xf32> to vector<64x8x1xf32>
    %sub3A_1127 = vector.broadcast %broadcast_in_dim3A_1126 : vector<64x8x1xf32> to vector<64x8x4xf32>
    %sub3A_1128 = arith.subf %mul3A_1123, %sub3A_1127 : vector<64x8x4xf32>
    %exp3A_1129 = math.exp %sub3A_1128 : vector<64x8x4xf32>
    %reduce_sum3A_1130 = arith.constant dense<0.000000e+00> : vector<64x8xf32>
    %reduce_sum3A_1131 = vector.multi_reduction <add>, %exp3A_1129, %reduce_sum3A_1130 [2] : vector<64x8x4xf32> to vector<64x8xf32>
    %broadcast_in_dim3A_1132 = vector.shape_cast %reduce_sum3A_1131 : vector<64x8xf32> to vector<64x8x1xf32>
    %div3A_1133 = vector.broadcast %broadcast_in_dim3A_1132 : vector<64x8x1xf32> to vector<64x8x4xf32>
    %div3A_1134 = arith.divf %exp3A_1129, %div3A_1133 : vector<64x8x4xf32>
    %broadcast_in_dim3A_1135 = vector.shape_cast %get3A_17 : vector<64x8xf32> to vector<64x8x1xf32>
    %mul3A_1136 = vector.broadcast %broadcast_in_dim3A_1135 : vector<64x8x1xf32> to vector<64x8x4xf32>
    %mul3A_1137 = arith.mulf %div3A_1134, %mul3A_1136 : vector<64x8x4xf32>
    %broadcast_in_dim3A_1138 = arith.constant false
    %broadcast_in_dim3A_1139 = vector.broadcast %broadcast_in_dim3A_1138 : i1 to vector<64x8x4xi1>
    %reduce_max3A_1140 = arith.constant dense<0xFF800000> : vector<64xf32>
    %reduce_max3A_1141 = vector.multi_reduction <maximumf>, %mul3A_1137, %reduce_max3A_1140 [1, 2] : vector<64x8x4xf32> to vector<64xf32>
    %broadcast_in_dim3A_1142 = vector.shape_cast %reduce_max3A_1141 : vector<64xf32> to vector<64x1x1xf32>
    %eq3A_1143 = vector.broadcast %broadcast_in_dim3A_1142 : vector<64x1x1xf32> to vector<64x8x4xf32>
    %eq3A_1144 = arith.cmpf oeq, %mul3A_1137, %eq3A_1143 : vector<64x8x4xf32>
    %jit3A_1145 = arith.constant 32 : i32
    %broadcast_in_dim3A_1146 = vector.broadcast %jit3A_1145 : i32 to vector<64x8x4xi32>
    %select_n3A_1147 = arith.select %eq3A_1144, %add3A, %broadcast_in_dim3A_1146 : vector<64x8x4xi1>, vector<64x8x4xi32>
    %reduce_min3A_1148 = arith.constant dense<2147483647> : vector<64xi32>
    %reduce_min3A_1149 = vector.multi_reduction <minsi>, %select_n3A_1147, %reduce_min3A_1148 [1, 2] : vector<64x8x4xi32> to vector<64xi32>
    %broadcast_in_dim3A_1150 = vector.shape_cast %reduce_min3A_1149 : vector<64xi32> to vector<64x1x1xi32>
    %eq3A_1151 = vector.broadcast %broadcast_in_dim3A_1150 : vector<64x1x1xi32> to vector<64x8x4xi32>
    %eq3A_1152 = arith.cmpi eq, %add3A, %eq3A_1151 : vector<64x8x4xi32>
    %jit3A_1153 = arith.constant -1.000000e+00 : f32
    %broadcast_in_dim3A_1154 = vector.broadcast %jit3A_1153 : f32 to vector<64x8x4xf32>
    %select_n3A_1155 = arith.select %eq3A_1152, %broadcast_in_dim3A_1154, %mul3A_1137 : vector<64x8x4xi1>, vector<64x8x4xf32>
    %or3A_1156 = arith.ori %broadcast_in_dim3A_1139, %eq3A_1152 : vector<64x8x4xi1>
    %reshape3A_1157 = vector.shape_cast %broadcast_in_dim3A_1142 : vector<64x1x1xf32> to vector<64xf32>
    %reshape3A_1158 = vector.shape_cast %broadcast_in_dim3A_1150 : vector<64x1x1xi32> to vector<64xi32>
    %reduce_max3A_1159 = arith.constant dense<0xFF800000> : vector<64xf32>
    %reduce_max3A_1160 = vector.multi_reduction <maximumf>, %select_n3A_1155, %reduce_max3A_1159 [1, 2] : vector<64x8x4xf32> to vector<64xf32>
    %broadcast_in_dim3A_1161 = vector.shape_cast %reduce_max3A_1160 : vector<64xf32> to vector<64x1x1xf32>
    %eq3A_1162 = vector.broadcast %broadcast_in_dim3A_1161 : vector<64x1x1xf32> to vector<64x8x4xf32>
    %eq3A_1163 = arith.cmpf oeq, %select_n3A_1155, %eq3A_1162 : vector<64x8x4xf32>
    %jit3A_1164 = arith.constant 32 : i32
    %broadcast_in_dim3A_1165 = vector.broadcast %jit3A_1164 : i32 to vector<64x8x4xi32>
    %select_n3A_1166 = arith.select %eq3A_1163, %add3A, %broadcast_in_dim3A_1165 : vector<64x8x4xi1>, vector<64x8x4xi32>
    %reduce_min3A_1167 = arith.constant dense<2147483647> : vector<64xi32>
    %reduce_min3A_1168 = vector.multi_reduction <minsi>, %select_n3A_1166, %reduce_min3A_1167 [1, 2] : vector<64x8x4xi32> to vector<64xi32>
    %broadcast_in_dim3A_1169 = vector.shape_cast %reduce_min3A_1168 : vector<64xi32> to vector<64x1x1xi32>
    %eq3A_1170 = vector.broadcast %broadcast_in_dim3A_1169 : vector<64x1x1xi32> to vector<64x8x4xi32>
    %eq3A_1171 = arith.cmpi eq, %add3A, %eq3A_1170 : vector<64x8x4xi32>
    %jit3A_1172 = arith.constant -1.000000e+00 : f32
    %broadcast_in_dim3A_1173 = vector.broadcast %jit3A_1172 : f32 to vector<64x8x4xf32>
    %select_n3A_1174 = arith.select %eq3A_1171, %broadcast_in_dim3A_1173, %select_n3A_1155 : vector<64x8x4xi1>, vector<64x8x4xf32>
    %or3A_1175 = arith.ori %or3A_1156, %eq3A_1171 : vector<64x8x4xi1>
    %reshape3A_1176 = vector.shape_cast %broadcast_in_dim3A_1161 : vector<64x1x1xf32> to vector<64xf32>
    %reshape3A_1177 = vector.shape_cast %broadcast_in_dim3A_1169 : vector<64x1x1xi32> to vector<64xi32>
    %reduce_max3A_1178 = arith.constant dense<0xFF800000> : vector<64xf32>
    %reduce_max3A_1179 = vector.multi_reduction <maximumf>, %select_n3A_1174, %reduce_max3A_1178 [1, 2] : vector<64x8x4xf32> to vector<64xf32>
    %broadcast_in_dim3A_1180 = vector.shape_cast %reduce_max3A_1179 : vector<64xf32> to vector<64x1x1xf32>
    %eq3A_1181 = vector.broadcast %broadcast_in_dim3A_1180 : vector<64x1x1xf32> to vector<64x8x4xf32>
    %eq3A_1182 = arith.cmpf oeq, %select_n3A_1174, %eq3A_1181 : vector<64x8x4xf32>
    %jit3A_1183 = arith.constant 32 : i32
    %broadcast_in_dim3A_1184 = vector.broadcast %jit3A_1183 : i32 to vector<64x8x4xi32>
    %select_n3A_1185 = arith.select %eq3A_1182, %add3A, %broadcast_in_dim3A_1184 : vector<64x8x4xi1>, vector<64x8x4xi32>
    %reduce_min3A_1186 = arith.constant dense<2147483647> : vector<64xi32>
    %reduce_min3A_1187 = vector.multi_reduction <minsi>, %select_n3A_1185, %reduce_min3A_1186 [1, 2] : vector<64x8x4xi32> to vector<64xi32>
    %broadcast_in_dim3A_1188 = vector.shape_cast %reduce_min3A_1187 : vector<64xi32> to vector<64x1x1xi32>
    %eq3A_1189 = vector.broadcast %broadcast_in_dim3A_1188 : vector<64x1x1xi32> to vector<64x8x4xi32>
    %eq3A_1190 = arith.cmpi eq, %add3A, %eq3A_1189 : vector<64x8x4xi32>
    %jit3A_1191 = arith.constant -1.000000e+00 : f32
    %broadcast_in_dim3A_1192 = vector.broadcast %jit3A_1191 : f32 to vector<64x8x4xf32>
    %select_n3A_1193 = arith.select %eq3A_1190, %broadcast_in_dim3A_1192, %select_n3A_1174 : vector<64x8x4xi1>, vector<64x8x4xf32>
    %or3A_1194 = arith.ori %or3A_1175, %eq3A_1190 : vector<64x8x4xi1>
    %reshape3A_1195 = vector.shape_cast %broadcast_in_dim3A_1180 : vector<64x1x1xf32> to vector<64xf32>
    %reshape3A_1196 = vector.shape_cast %broadcast_in_dim3A_1188 : vector<64x1x1xi32> to vector<64xi32>
    %reduce_max3A_1197 = arith.constant dense<0xFF800000> : vector<64xf32>
    %reduce_max3A_1198 = vector.multi_reduction <maximumf>, %select_n3A_1193, %reduce_max3A_1197 [1, 2] : vector<64x8x4xf32> to vector<64xf32>
    %broadcast_in_dim3A_1199 = vector.shape_cast %reduce_max3A_1198 : vector<64xf32> to vector<64x1x1xf32>
    %eq3A_1200 = vector.broadcast %broadcast_in_dim3A_1199 : vector<64x1x1xf32> to vector<64x8x4xf32>
    %eq3A_1201 = arith.cmpf oeq, %select_n3A_1193, %eq3A_1200 : vector<64x8x4xf32>
    %jit3A_1202 = arith.constant 32 : i32
    %broadcast_in_dim3A_1203 = vector.broadcast %jit3A_1202 : i32 to vector<64x8x4xi32>
    %select_n3A_1204 = arith.select %eq3A_1201, %add3A, %broadcast_in_dim3A_1203 : vector<64x8x4xi1>, vector<64x8x4xi32>
    %reduce_min3A_1205 = arith.constant dense<2147483647> : vector<64xi32>
    %reduce_min3A_1206 = vector.multi_reduction <minsi>, %select_n3A_1204, %reduce_min3A_1205 [1, 2] : vector<64x8x4xi32> to vector<64xi32>
    %broadcast_in_dim3A_1207 = vector.shape_cast %reduce_min3A_1206 : vector<64xi32> to vector<64x1x1xi32>
    %eq3A_1208 = vector.broadcast %broadcast_in_dim3A_1207 : vector<64x1x1xi32> to vector<64x8x4xi32>
    %eq3A_1209 = arith.cmpi eq, %add3A, %eq3A_1208 : vector<64x8x4xi32>
    %jit3A_1210 = arith.constant -1.000000e+00 : f32
    %broadcast_in_dim3A_1211 = vector.broadcast %jit3A_1210 : f32 to vector<64x8x4xf32>
    %select_n3A_1212 = arith.select %eq3A_1209, %broadcast_in_dim3A_1211, %select_n3A_1193 : vector<64x8x4xi1>, vector<64x8x4xf32>
    %or3A_1213 = arith.ori %or3A_1194, %eq3A_1209 : vector<64x8x4xi1>
    %reshape3A_1214 = vector.shape_cast %broadcast_in_dim3A_1199 : vector<64x1x1xf32> to vector<64xf32>
    %reshape3A_1215 = vector.shape_cast %broadcast_in_dim3A_1207 : vector<64x1x1xi32> to vector<64xi32>
    %reduce_max3A_1216 = arith.constant dense<0xFF800000> : vector<64xf32>
    %reduce_max3A_1217 = vector.multi_reduction <maximumf>, %select_n3A_1212, %reduce_max3A_1216 [1, 2] : vector<64x8x4xf32> to vector<64xf32>
    %broadcast_in_dim3A_1218 = vector.shape_cast %reduce_max3A_1217 : vector<64xf32> to vector<64x1x1xf32>
    %eq3A_1219 = vector.broadcast %broadcast_in_dim3A_1218 : vector<64x1x1xf32> to vector<64x8x4xf32>
    %eq3A_1220 = arith.cmpf oeq, %select_n3A_1212, %eq3A_1219 : vector<64x8x4xf32>
    %jit3A_1221 = arith.constant 32 : i32
    %broadcast_in_dim3A_1222 = vector.broadcast %jit3A_1221 : i32 to vector<64x8x4xi32>
    %select_n3A_1223 = arith.select %eq3A_1220, %add3A, %broadcast_in_dim3A_1222 : vector<64x8x4xi1>, vector<64x8x4xi32>
    %reduce_min3A_1224 = arith.constant dense<2147483647> : vector<64xi32>
    %reduce_min3A_1225 = vector.multi_reduction <minsi>, %select_n3A_1223, %reduce_min3A_1224 [1, 2] : vector<64x8x4xi32> to vector<64xi32>
    %broadcast_in_dim3A_1226 = vector.shape_cast %reduce_min3A_1225 : vector<64xi32> to vector<64x1x1xi32>
    %eq3A_1227 = vector.broadcast %broadcast_in_dim3A_1226 : vector<64x1x1xi32> to vector<64x8x4xi32>
    %eq3A_1228 = arith.cmpi eq, %add3A, %eq3A_1227 : vector<64x8x4xi32>
    %jit3A_1229 = arith.constant -1.000000e+00 : f32
    %broadcast_in_dim3A_1230 = vector.broadcast %jit3A_1229 : f32 to vector<64x8x4xf32>
    %select_n3A_1231 = arith.select %eq3A_1228, %broadcast_in_dim3A_1230, %select_n3A_1212 : vector<64x8x4xi1>, vector<64x8x4xf32>
    %or3A_1232 = arith.ori %or3A_1213, %eq3A_1228 : vector<64x8x4xi1>
    %reshape3A_1233 = vector.shape_cast %broadcast_in_dim3A_1218 : vector<64x1x1xf32> to vector<64xf32>
    %reshape3A_1234 = vector.shape_cast %broadcast_in_dim3A_1226 : vector<64x1x1xi32> to vector<64xi32>
    %reduce_max3A_1235 = arith.constant dense<0xFF800000> : vector<64xf32>
    %reduce_max3A_1236 = vector.multi_reduction <maximumf>, %select_n3A_1231, %reduce_max3A_1235 [1, 2] : vector<64x8x4xf32> to vector<64xf32>
    %broadcast_in_dim3A_1237 = vector.shape_cast %reduce_max3A_1236 : vector<64xf32> to vector<64x1x1xf32>
    %eq3A_1238 = vector.broadcast %broadcast_in_dim3A_1237 : vector<64x1x1xf32> to vector<64x8x4xf32>
    %eq3A_1239 = arith.cmpf oeq, %select_n3A_1231, %eq3A_1238 : vector<64x8x4xf32>
    %jit3A_1240 = arith.constant 32 : i32
    %broadcast_in_dim3A_1241 = vector.broadcast %jit3A_1240 : i32 to vector<64x8x4xi32>
    %select_n3A_1242 = arith.select %eq3A_1239, %add3A, %broadcast_in_dim3A_1241 : vector<64x8x4xi1>, vector<64x8x4xi32>
    %reduce_min3A_1243 = arith.constant dense<2147483647> : vector<64xi32>
    %reduce_min3A_1244 = vector.multi_reduction <minsi>, %select_n3A_1242, %reduce_min3A_1243 [1, 2] : vector<64x8x4xi32> to vector<64xi32>
    %broadcast_in_dim3A_1245 = vector.shape_cast %reduce_min3A_1244 : vector<64xi32> to vector<64x1x1xi32>
    %eq3A_1246 = vector.broadcast %broadcast_in_dim3A_1245 : vector<64x1x1xi32> to vector<64x8x4xi32>
    %eq3A_1247 = arith.cmpi eq, %add3A, %eq3A_1246 : vector<64x8x4xi32>
    %jit3A_1248 = arith.constant -1.000000e+00 : f32
    %broadcast_in_dim3A_1249 = vector.broadcast %jit3A_1248 : f32 to vector<64x8x4xf32>
    %select_n3A_1250 = arith.select %eq3A_1247, %broadcast_in_dim3A_1249, %select_n3A_1231 : vector<64x8x4xi1>, vector<64x8x4xf32>
    %or3A_1251 = arith.ori %or3A_1232, %eq3A_1247 : vector<64x8x4xi1>
    %reshape3A_1252 = vector.shape_cast %broadcast_in_dim3A_1237 : vector<64x1x1xf32> to vector<64xf32>
    %reshape3A_1253 = vector.shape_cast %broadcast_in_dim3A_1245 : vector<64x1x1xi32> to vector<64xi32>
    %reduce_max3A_1254 = arith.constant dense<0xFF800000> : vector<64xf32>
    %reduce_max3A_1255 = vector.multi_reduction <maximumf>, %select_n3A_1250, %reduce_max3A_1254 [1, 2] : vector<64x8x4xf32> to vector<64xf32>
    %broadcast_in_dim3A_1256 = vector.shape_cast %reduce_max3A_1255 : vector<64xf32> to vector<64x1x1xf32>
    %eq3A_1257 = vector.broadcast %broadcast_in_dim3A_1256 : vector<64x1x1xf32> to vector<64x8x4xf32>
    %eq3A_1258 = arith.cmpf oeq, %select_n3A_1250, %eq3A_1257 : vector<64x8x4xf32>
    %jit3A_1259 = arith.constant 32 : i32
    %broadcast_in_dim3A_1260 = vector.broadcast %jit3A_1259 : i32 to vector<64x8x4xi32>
    %select_n3A_1261 = arith.select %eq3A_1258, %add3A, %broadcast_in_dim3A_1260 : vector<64x8x4xi1>, vector<64x8x4xi32>
    %reduce_min3A_1262 = arith.constant dense<2147483647> : vector<64xi32>
    %reduce_min3A_1263 = vector.multi_reduction <minsi>, %select_n3A_1261, %reduce_min3A_1262 [1, 2] : vector<64x8x4xi32> to vector<64xi32>
    %broadcast_in_dim3A_1264 = vector.shape_cast %reduce_min3A_1263 : vector<64xi32> to vector<64x1x1xi32>
    %eq3A_1265 = vector.broadcast %broadcast_in_dim3A_1264 : vector<64x1x1xi32> to vector<64x8x4xi32>
    %eq3A_1266 = arith.cmpi eq, %add3A, %eq3A_1265 : vector<64x8x4xi32>
    %jit3A_1267 = arith.constant -1.000000e+00 : f32
    %broadcast_in_dim3A_1268 = vector.broadcast %jit3A_1267 : f32 to vector<64x8x4xf32>
    %select_n3A_1269 = arith.select %eq3A_1266, %broadcast_in_dim3A_1268, %select_n3A_1250 : vector<64x8x4xi1>, vector<64x8x4xf32>
    %or3A_1270 = arith.ori %or3A_1251, %eq3A_1266 : vector<64x8x4xi1>
    %reshape3A_1271 = vector.shape_cast %broadcast_in_dim3A_1256 : vector<64x1x1xf32> to vector<64xf32>
    %reshape3A_1272 = vector.shape_cast %broadcast_in_dim3A_1264 : vector<64x1x1xi32> to vector<64xi32>
    %reduce_max3A_1273 = arith.constant dense<0xFF800000> : vector<64xf32>
    %reduce_max3A_1274 = vector.multi_reduction <maximumf>, %select_n3A_1269, %reduce_max3A_1273 [1, 2] : vector<64x8x4xf32> to vector<64xf32>
    %broadcast_in_dim3A_1275 = vector.shape_cast %reduce_max3A_1274 : vector<64xf32> to vector<64x1x1xf32>
    %eq3A_1276 = vector.broadcast %broadcast_in_dim3A_1275 : vector<64x1x1xf32> to vector<64x8x4xf32>
    %eq3A_1277 = arith.cmpf oeq, %select_n3A_1269, %eq3A_1276 : vector<64x8x4xf32>
    %jit3A_1278 = arith.constant 32 : i32
    %broadcast_in_dim3A_1279 = vector.broadcast %jit3A_1278 : i32 to vector<64x8x4xi32>
    %select_n3A_1280 = arith.select %eq3A_1277, %add3A, %broadcast_in_dim3A_1279 : vector<64x8x4xi1>, vector<64x8x4xi32>
    %reduce_min3A_1281 = arith.constant dense<2147483647> : vector<64xi32>
    %reduce_min3A_1282 = vector.multi_reduction <minsi>, %select_n3A_1280, %reduce_min3A_1281 [1, 2] : vector<64x8x4xi32> to vector<64xi32>
    %broadcast_in_dim3A_1283 = vector.shape_cast %reduce_min3A_1282 : vector<64xi32> to vector<64x1x1xi32>
    %eq3A_1284 = vector.broadcast %broadcast_in_dim3A_1283 : vector<64x1x1xi32> to vector<64x8x4xi32>
    %eq3A_1285 = arith.cmpi eq, %add3A, %eq3A_1284 : vector<64x8x4xi32>
    %or3A_1286 = arith.ori %or3A_1270, %eq3A_1285 : vector<64x8x4xi1>
    %reshape3A_1287 = vector.shape_cast %broadcast_in_dim3A_1275 : vector<64x1x1xf32> to vector<64xf32>
    %reshape3A_1288 = vector.shape_cast %broadcast_in_dim3A_1283 : vector<64x1x1xi32> to vector<64xi32>
    %jit3A_1289 = arith.constant 0.000000e+00 : f32
    %broadcast_in_dim3A_1290 = vector.broadcast %jit3A_1289 : f32 to vector<64x8x4xf32>
    %select_n3A_1291 = arith.select %or3A_1286, %broadcast_in_dim3A_1290, %mul3A_1137 : vector<64x8x4xi1>, vector<64x8x4xf32>
    %convert_element_type3A_1292 = arith.truncf %select_n3A_1291 : vector<64x8x4xf32> to vector<64x8x4xbf16>
    %convert_element_type3A_1293 = arith.extf %convert_element_type3A_1292 : vector<64x8x4xbf16> to vector<64x8x4xf32>
    %convert_element_type3A_1294 = arith.truncf %slice3A_12 : vector<64x8x4x16xf32> to vector<64x8x4x16xbf16>
    %convert_element_type3A_1295 = arith.extf %convert_element_type3A_1294 : vector<64x8x4x16xbf16> to vector<64x8x4x16xf32>
    %broadcast_in_dim3A_1296 = vector.shape_cast %convert_element_type3A_1293 : vector<64x8x4xf32> to vector<64x8x4x1xf32>
    %mul3A_1297 = vector.broadcast %broadcast_in_dim3A_1296 : vector<64x8x4x1xf32> to vector<64x8x4x16xf32>
    %mul3A_1298 = arith.mulf %mul3A_1297, %convert_element_type3A_1295 : vector<64x8x4x16xf32>
    %reduce_sum3A_1299 = arith.constant dense<0.000000e+00> : vector<64x8x16xf32>
    %reduce_sum3A_1300 = vector.multi_reduction <add>, %mul3A_1298, %reduce_sum3A_1299 [2] : vector<64x8x4x16xf32> to vector<64x8x16xf32>
    %reduce_sum3A_1301 = arith.constant dense<0.000000e+00> : vector<64x16xf32>
    %reduce_sum3A_1302 = vector.multi_reduction <add>, %reduce_sum3A_1300, %reduce_sum3A_1301 [1] : vector<64x8x16xf32> to vector<64x16xf32>
    %add3A_1303 = arith.addf %get3A_29, %reduce_sum3A_1302 : vector<64x16xf32>
    %broadcast_in_dim3A_1304 = vector.shape_cast %add3A_1303 : vector<64x16xf32> to vector<64x1x16xf32>
    %broadcast_in_dim3A_1305 = vector.shape_cast %reshape3A_1157 : vector<64xf32> to vector<64x1xf32>
    %broadcast_in_dim3A_1306 = vector.shape_cast %reshape3A_1176 : vector<64xf32> to vector<64x1xf32>
    %broadcast_in_dim3A_1307 = vector.shape_cast %reshape3A_1195 : vector<64xf32> to vector<64x1xf32>
    %broadcast_in_dim3A_1308 = vector.shape_cast %reshape3A_1214 : vector<64xf32> to vector<64x1xf32>
    %broadcast_in_dim3A_1309 = vector.shape_cast %reshape3A_1233 : vector<64xf32> to vector<64x1xf32>
    %broadcast_in_dim3A_1310 = vector.shape_cast %reshape3A_1252 : vector<64xf32> to vector<64x1xf32>
    %broadcast_in_dim3A_1311 = vector.shape_cast %reshape3A_1271 : vector<64xf32> to vector<64x1xf32>
    %broadcast_in_dim3A_1312 = vector.shape_cast %reshape3A_1287 : vector<64xf32> to vector<64x1xf32>
    %concatenate3A_1313 = tpu.concatenate %broadcast_in_dim3A_1305, %broadcast_in_dim3A_1306, %broadcast_in_dim3A_1307, %broadcast_in_dim3A_1308, %broadcast_in_dim3A_1309, %broadcast_in_dim3A_1310, %broadcast_in_dim3A_1311, %broadcast_in_dim3A_1312 in 1 : vector<64x1xf32>, vector<64x1xf32>, vector<64x1xf32>, vector<64x1xf32>, vector<64x1xf32>, vector<64x1xf32>, vector<64x1xf32>, vector<64x1xf32> -> vector<64x8xf32>
    %broadcast_in_dim3A_1314 = vector.shape_cast %concatenate3A_1313 : vector<64x8xf32> to vector<64x1x8xf32>
    %broadcast_in_dim3A_1315 = vector.shape_cast %reshape3A_1158 : vector<64xi32> to vector<64x1xi32>
    %eq3A_1316 = vector.broadcast %broadcast_in_dim3A_1315 : vector<64x1xi32> to vector<64x32xi32>
    %eq3A_1317 = arith.cmpi eq, %iota3A_34, %eq3A_1316 : vector<64x32xi32>
    %jit3A_1318 = arith.constant 0 : i32
    %broadcast_in_dim3A_1319 = vector.broadcast %jit3A_1318 : i32 to vector<64x32xi32>
    %select_n3A_1320 = arith.select %eq3A_1317, %add3A_268, %broadcast_in_dim3A_1319 : vector<64x32xi1>, vector<64x32xi32>
    %reduce_sum3A_1321 = arith.constant dense<0> : vector<64xi32>
    %reduce_sum3A_1322 = vector.multi_reduction <add>, %select_n3A_1320, %reduce_sum3A_1321 [1] : vector<64x32xi32> to vector<64xi32>
    %broadcast_in_dim3A_1323 = vector.shape_cast %reduce_sum3A_1322 : vector<64xi32> to vector<64x1xi32>
    %broadcast_in_dim3A_1324 = vector.shape_cast %reshape3A_1177 : vector<64xi32> to vector<64x1xi32>
    %eq3A_1325 = vector.broadcast %broadcast_in_dim3A_1324 : vector<64x1xi32> to vector<64x32xi32>
    %eq3A_1326 = arith.cmpi eq, %iota3A_34, %eq3A_1325 : vector<64x32xi32>
    %jit3A_1327 = arith.constant 0 : i32
    %broadcast_in_dim3A_1328 = vector.broadcast %jit3A_1327 : i32 to vector<64x32xi32>
    %select_n3A_1329 = arith.select %eq3A_1326, %add3A_268, %broadcast_in_dim3A_1328 : vector<64x32xi1>, vector<64x32xi32>
    %reduce_sum3A_1330 = arith.constant dense<0> : vector<64xi32>
    %reduce_sum3A_1331 = vector.multi_reduction <add>, %select_n3A_1329, %reduce_sum3A_1330 [1] : vector<64x32xi32> to vector<64xi32>
    %broadcast_in_dim3A_1332 = vector.shape_cast %reduce_sum3A_1331 : vector<64xi32> to vector<64x1xi32>
    %broadcast_in_dim3A_1333 = vector.shape_cast %reshape3A_1196 : vector<64xi32> to vector<64x1xi32>
    %eq3A_1334 = vector.broadcast %broadcast_in_dim3A_1333 : vector<64x1xi32> to vector<64x32xi32>
    %eq3A_1335 = arith.cmpi eq, %iota3A_34, %eq3A_1334 : vector<64x32xi32>
    %jit3A_1336 = arith.constant 0 : i32
    %broadcast_in_dim3A_1337 = vector.broadcast %jit3A_1336 : i32 to vector<64x32xi32>
    %select_n3A_1338 = arith.select %eq3A_1335, %add3A_268, %broadcast_in_dim3A_1337 : vector<64x32xi1>, vector<64x32xi32>
    %reduce_sum3A_1339 = arith.constant dense<0> : vector<64xi32>
    %reduce_sum3A_1340 = vector.multi_reduction <add>, %select_n3A_1338, %reduce_sum3A_1339 [1] : vector<64x32xi32> to vector<64xi32>
    %broadcast_in_dim3A_1341 = vector.shape_cast %reduce_sum3A_1340 : vector<64xi32> to vector<64x1xi32>
    %broadcast_in_dim3A_1342 = vector.shape_cast %reshape3A_1215 : vector<64xi32> to vector<64x1xi32>
    %eq3A_1343 = vector.broadcast %broadcast_in_dim3A_1342 : vector<64x1xi32> to vector<64x32xi32>
    %eq3A_1344 = arith.cmpi eq, %iota3A_34, %eq3A_1343 : vector<64x32xi32>
    %jit3A_1345 = arith.constant 0 : i32
    %broadcast_in_dim3A_1346 = vector.broadcast %jit3A_1345 : i32 to vector<64x32xi32>
    %select_n3A_1347 = arith.select %eq3A_1344, %add3A_268, %broadcast_in_dim3A_1346 : vector<64x32xi1>, vector<64x32xi32>
    %reduce_sum3A_1348 = arith.constant dense<0> : vector<64xi32>
    %reduce_sum3A_1349 = vector.multi_reduction <add>, %select_n3A_1347, %reduce_sum3A_1348 [1] : vector<64x32xi32> to vector<64xi32>
    %broadcast_in_dim3A_1350 = vector.shape_cast %reduce_sum3A_1349 : vector<64xi32> to vector<64x1xi32>
    %broadcast_in_dim3A_1351 = vector.shape_cast %reshape3A_1234 : vector<64xi32> to vector<64x1xi32>
    %eq3A_1352 = vector.broadcast %broadcast_in_dim3A_1351 : vector<64x1xi32> to vector<64x32xi32>
    %eq3A_1353 = arith.cmpi eq, %iota3A_34, %eq3A_1352 : vector<64x32xi32>
    %jit3A_1354 = arith.constant 0 : i32
    %broadcast_in_dim3A_1355 = vector.broadcast %jit3A_1354 : i32 to vector<64x32xi32>
    %select_n3A_1356 = arith.select %eq3A_1353, %add3A_268, %broadcast_in_dim3A_1355 : vector<64x32xi1>, vector<64x32xi32>
    %reduce_sum3A_1357 = arith.constant dense<0> : vector<64xi32>
    %reduce_sum3A_1358 = vector.multi_reduction <add>, %select_n3A_1356, %reduce_sum3A_1357 [1] : vector<64x32xi32> to vector<64xi32>
    %broadcast_in_dim3A_1359 = vector.shape_cast %reduce_sum3A_1358 : vector<64xi32> to vector<64x1xi32>
    %broadcast_in_dim3A_1360 = vector.shape_cast %reshape3A_1253 : vector<64xi32> to vector<64x1xi32>
    %eq3A_1361 = vector.broadcast %broadcast_in_dim3A_1360 : vector<64x1xi32> to vector<64x32xi32>
    %eq3A_1362 = arith.cmpi eq, %iota3A_34, %eq3A_1361 : vector<64x32xi32>
    %jit3A_1363 = arith.constant 0 : i32
    %broadcast_in_dim3A_1364 = vector.broadcast %jit3A_1363 : i32 to vector<64x32xi32>
    %select_n3A_1365 = arith.select %eq3A_1362, %add3A_268, %broadcast_in_dim3A_1364 : vector<64x32xi1>, vector<64x32xi32>
    %reduce_sum3A_1366 = arith.constant dense<0> : vector<64xi32>
    %reduce_sum3A_1367 = vector.multi_reduction <add>, %select_n3A_1365, %reduce_sum3A_1366 [1] : vector<64x32xi32> to vector<64xi32>
    %broadcast_in_dim3A_1368 = vector.shape_cast %reduce_sum3A_1367 : vector<64xi32> to vector<64x1xi32>
    %broadcast_in_dim3A_1369 = vector.shape_cast %reshape3A_1272 : vector<64xi32> to vector<64x1xi32>
    %eq3A_1370 = vector.broadcast %broadcast_in_dim3A_1369 : vector<64x1xi32> to vector<64x32xi32>
    %eq3A_1371 = arith.cmpi eq, %iota3A_34, %eq3A_1370 : vector<64x32xi32>
    %jit3A_1372 = arith.constant 0 : i32
    %broadcast_in_dim3A_1373 = vector.broadcast %jit3A_1372 : i32 to vector<64x32xi32>
    %select_n3A_1374 = arith.select %eq3A_1371, %add3A_268, %broadcast_in_dim3A_1373 : vector<64x32xi1>, vector<64x32xi32>
    %reduce_sum3A_1375 = arith.constant dense<0> : vector<64xi32>
    %reduce_sum3A_1376 = vector.multi_reduction <add>, %select_n3A_1374, %reduce_sum3A_1375 [1] : vector<64x32xi32> to vector<64xi32>
    %broadcast_in_dim3A_1377 = vector.shape_cast %reduce_sum3A_1376 : vector<64xi32> to vector<64x1xi32>
    %broadcast_in_dim3A_1378 = vector.shape_cast %reshape3A_1288 : vector<64xi32> to vector<64x1xi32>
    %eq3A_1379 = vector.broadcast %broadcast_in_dim3A_1378 : vector<64x1xi32> to vector<64x32xi32>
    %eq3A_1380 = arith.cmpi eq, %iota3A_34, %eq3A_1379 : vector<64x32xi32>
    %jit3A_1381 = arith.constant 0 : i32
    %broadcast_in_dim3A_1382 = vector.broadcast %jit3A_1381 : i32 to vector<64x32xi32>
    %select_n3A_1383 = arith.select %eq3A_1380, %add3A_268, %broadcast_in_dim3A_1382 : vector<64x32xi1>, vector<64x32xi32>
    %reduce_sum3A_1384 = arith.constant dense<0> : vector<64xi32>
    %reduce_sum3A_1385 = vector.multi_reduction <add>, %select_n3A_1383, %reduce_sum3A_1384 [1] : vector<64x32xi32> to vector<64xi32>
    %broadcast_in_dim3A_1386 = vector.shape_cast %reduce_sum3A_1385 : vector<64xi32> to vector<64x1xi32>
    %concatenate3A_1387 = tpu.concatenate %broadcast_in_dim3A_1323, %broadcast_in_dim3A_1332, %broadcast_in_dim3A_1341, %broadcast_in_dim3A_1350, %broadcast_in_dim3A_1359, %broadcast_in_dim3A_1368, %broadcast_in_dim3A_1377, %broadcast_in_dim3A_1386 in 1 : vector<64x1xi32>, vector<64x1xi32>, vector<64x1xi32>, vector<64x1xi32>, vector<64x1xi32>, vector<64x1xi32>, vector<64x1xi32>, vector<64x1xi32> -> vector<64x8xi32>
    %mul3A_1388 = arith.constant 4096 : i32
    %mul3A_1389 = arith.muli %arg0, %mul3A_1388 : i32
    %add3A_1390 = vector.broadcast %mul3A_1389 : i32 to vector<64x8xi32>
    %add3A_1391 = arith.addi %concatenate3A_1387, %add3A_1390 : vector<64x8xi32>
    %broadcast_in_dim3A_1392 = vector.shape_cast %add3A_1391 : vector<64x8xi32> to vector<64x1x8xi32>
    %concatenate3A_1393 = tpu.concatenate %broadcast_in_dim3A_456, %broadcast_in_dim3A_738, %broadcast_in_dim3A_1021, %broadcast_in_dim3A_1304 in 1 : vector<64x1x16xf32>, vector<64x1x16xf32>, vector<64x1x16xf32>, vector<64x1x16xf32> -> vector<64x4x16xf32>
    %swap3A = arith.constant 0 : index
    %swap3A_1394 = arith.constant 0 : index
    %swap3A_1395 = arith.constant 0 : index
    %swap3A_1396 = arith.constant 0 : index
    %swap3A_1397 = vector.load %arg7[%swap3A, %swap3A_1394, %swap3A_1395, %swap3A_1396] : memref<1x64x4x16xf32, #tpu.memory_space<vmem>>, vector<1x64x4x16xf32>
    %swap3A_1398 = vector.shape_cast %swap3A_1397 : vector<1x64x4x16xf32> to vector<64x4x16xf32>
    %swap3A_1399 = vector.shape_cast %concatenate3A_1393 : vector<64x4x16xf32> to vector<1x64x4x16xf32>
    tpu.vector_store %arg7[%swap3A, %swap3A_1394, %swap3A_1395, %swap3A_1396], %swap3A_1399 {strides = array<i32>} : memref<1x64x4x16xf32, #tpu.memory_space<vmem>>, vector<1x64x4x16xf32>,
    %concatenate3A_1400 = tpu.concatenate %broadcast_in_dim3A_465, %broadcast_in_dim3A_748, %broadcast_in_dim3A_1031, %broadcast_in_dim3A_1314 in 1 : vector<64x1x8xf32>, vector<64x1x8xf32>, vector<64x1x8xf32>, vector<64x1x8xf32> -> vector<64x4x8xf32>
    %swap3A_1401 = arith.constant 0 : index
    %swap3A_1402 = arith.constant 0 : index
    %swap3A_1403 = arith.constant 0 : index
    %swap3A_1404 = arith.constant 0 : index
    %swap3A_1405 = vector.load %arg8[%swap3A_1401, %swap3A_1402, %swap3A_1403, %swap3A_1404] : memref<1x64x4x8xf32, #tpu.memory_space<vmem>>, vector<1x64x4x8xf32>
    %swap3A_1406 = vector.shape_cast %swap3A_1405 : vector<1x64x4x8xf32> to vector<64x4x8xf32>
    %swap3A_1407 = vector.shape_cast %concatenate3A_1400 : vector<64x4x8xf32> to vector<1x64x4x8xf32>
    tpu.vector_store %arg8[%swap3A_1401, %swap3A_1402, %swap3A_1403, %swap3A_1404], %swap3A_1407 {strides = array<i32>} : memref<1x64x4x8xf32, #tpu.memory_space<vmem>>, vector<1x64x4x8xf32>,
    %concatenate3A_1408 = tpu.concatenate %broadcast_in_dim3A_543, %broadcast_in_dim3A_826, %broadcast_in_dim3A_1109, %broadcast_in_dim3A_1392 in 1 : vector<64x1x8xi32>, vector<64x1x8xi32>, vector<64x1x8xi32>, vector<64x1x8xi32> -> vector<64x4x8xi32>
    %swap3A_1409 = arith.constant 0 : index
    %swap3A_1410 = arith.constant 0 : index
    %swap3A_1411 = arith.constant 0 : index
    %swap3A_1412 = arith.constant 0 : index
    %swap3A_1413 = vector.load %arg9[%swap3A_1409, %swap3A_1410, %swap3A_1411, %swap3A_1412] : memref<1x64x4x8xi32, #tpu.memory_space<vmem>>, vector<1x64x4x8xi32>
    %swap3A_1414 = vector.shape_cast %swap3A_1413 : vector<1x64x4x8xi32> to vector<64x4x8xi32>
    %swap3A_1415 = vector.shape_cast %concatenate3A_1408 : vector<64x4x8xi32> to vector<1x64x4x8xi32>
    tpu.vector_store %arg9[%swap3A_1409, %swap3A_1410, %swap3A_1411, %swap3A_1412], %swap3A_1415 {strides = array<i32>} : memref<1x64x4x8xi32, #tpu.memory_space<vmem>>, vector<1x64x4x8xi32>,
    return
  }
  func.func @transform_0(%arg0: i32, %arg1: i32) -> (i32, i32, i32, i32) {
    %c0_i32 = arith.constant 0 : i32
    %c0_i32_0 = arith.constant 0 : i32
    %c0_i32_1 = arith.constant 0 : i32
    return %arg0, %arg1, %c0_i32, %c0_i32_0 : i32, i32, i32, i32
  }
  func.func @transform_1(%arg0: i32, %arg1: i32) -> (i32, i32, i32, i32, i32) {
    %c0_i32 = arith.constant 0 : i32
    %c0_i32_0 = arith.constant 0 : i32
    %c0_i32_1 = arith.constant 0 : i32
    %c0_i32_2 = arith.constant 0 : i32
    return %arg0, %arg1, %c0_i32, %c0_i32_0, %c0_i32_1 : i32, i32, i32, i32, i32
  }
  func.func @transform_2(%arg0: i32, %arg1: i32) -> (i32, i32, i32) {
    %c0_i32 = arith.constant 0 : i32
    %c0_i32_0 = arith.constant 0 : i32
    return %arg0, %arg1, %c0_i32 : i32, i32, i32
  }
  func.func @transform_3(%arg0: i32, %arg1: i32) -> (i32, i32, i32) {
    %c0_i32 = arith.constant 0 : i32
    %c0_i32_0 = arith.constant 0 : i32
    return %arg0, %arg1, %c0_i32 : i32, i32, i32
  }
  func.func @transform_4(%arg0: i32, %arg1: i32) -> (i32, i32, i32) {
    %c0_i32 = arith.constant 0 : i32
    %c0_i32_0 = arith.constant 0 : i32
    return %arg0, %arg1, %c0_i32 : i32, i32, i32
  }
  func.func @transform_5(%arg0: i32, %arg1: i32) -> (i32, i32, i32, i32) {
    %c0_i32 = arith.constant 0 : i32
    %c0_i32_0 = arith.constant 0 : i32
    %c0_i32_1 = arith.constant 0 : i32
    return %arg0, %arg1, %c0_i32, %c0_i32_0 : i32, i32, i32, i32
  }
  func.func @transform_6(%arg0: i32, %arg1: i32) -> (i32, i32, i32, i32) {
    %c0_i32 = arith.constant 0 : i32
    %c0_i32_0 = arith.constant 0 : i32
    %c0_i32_1 = arith.constant 0 : i32
    return %arg0, %arg1, %c0_i32, %c0_i32_0 : i32, i32, i32, i32
  }
  func.func @transform_7(%arg0: i32, %arg1: i32) -> (i32, i32, i32, i32) {
    %c0_i32 = arith.constant 0 : i32
    %c0_i32_0 = arith.constant 0 : i32
    %c0_i32_1 = arith.constant 0 : i32
    return %arg0, %arg1, %c0_i32, %c0_i32_0 : i32, i32, i32, i32
  }
}

module attributes {stable_mosaic.version = 14 : i64} {
  func.func @_fine_body(%arg0: i32, %arg1: i32, %arg2: memref<1x64x4x16xf32, #tpu.memory_space<vmem>>, %arg3: memref<1x64x8x8x16xf32, #tpu.memory_space<vmem>>, %arg4: memref<1x64x8xf32, #tpu.memory_space<vmem>>, %arg5: memref<1x64x8xi32, #tpu.memory_space<vmem>>, %arg6: memref<1x64x16xf32, #tpu.memory_space<vmem>>, %arg7: memref<1x64x4x16xf32, #tpu.memory_space<vmem>>) attributes {dimension_semantics = [#tpu.dimension_semantics<arbitrary>, #tpu.dimension_semantics<arbitrary>], iteration_bounds = array<i64: 8, 64>, scalar_prefetch = 0 : i64, scratch_operands = 0 : i64, tpu.core_type = #tpu.core_type<tc>, window_params = [{transform_indices = @transform_0, window_bounds = array<i64: 1, 64, 4, 16>}, {transform_indices = @transform_1, window_bounds = array<i64: 1, 64, 8, 8, 16>}, {transform_indices = @transform_2, window_bounds = array<i64: 1, 64, 8>}, {transform_indices = @transform_3, window_bounds = array<i64: 1, 64, 8>}, {transform_indices = @transform_4, window_bounds = array<i64: 1, 64, 16>}, {transform_indices = @transform_5, window_bounds = array<i64: 1, 64, 4, 16>}]} {
    %get3A = arith.constant 0 : index
    %get3A_0 = arith.constant 0 : index
    %get3A_1 = arith.constant 0 : index
    %get3A_2 = arith.constant 0 : index
    %get3A_3 = vector.load %arg2[%get3A, %get3A_0, %get3A_1, %get3A_2] : memref<1x64x4x16xf32, #tpu.memory_space<vmem>>, vector<1x64x4x16xf32>
    %get3A_4 = vector.shape_cast %get3A_3 : vector<1x64x4x16xf32> to vector<64x4x16xf32>
    %get3A_5 = arith.constant 0 : index
    %get3A_6 = arith.constant 0 : index
    %get3A_7 = arith.constant 0 : index
    %get3A_8 = arith.constant 0 : index
    %get3A_9 = arith.constant 0 : index
    %get3A_10 = vector.load %arg3[%get3A_5, %get3A_6, %get3A_7, %get3A_8, %get3A_9] : memref<1x64x8x8x16xf32, #tpu.memory_space<vmem>>, vector<1x64x8x8x16xf32>
    %get3A_11 = vector.shape_cast %get3A_10 : vector<1x64x8x8x16xf32> to vector<64x8x8x16xf32>
    %slice3A = vector.extract_strided_slice %get3A_11 {offsets = [0, 0, 0, 0], sizes = [64, 8, 4, 16], strides = [1, 1, 1, 1]} : vector<64x8x8x16xf32> to vector<64x8x4x16xf32>
    %slice3A_12 = vector.extract_strided_slice %get3A_11 {offsets = [0, 0, 4, 0], sizes = [64, 8, 4, 16], strides = [1, 1, 1, 1]} : vector<64x8x8x16xf32> to vector<64x8x4x16xf32>
    %get3A_13 = arith.constant 0 : index
    %get3A_14 = arith.constant 0 : index
    %get3A_15 = arith.constant 0 : index
    %get3A_16 = vector.load %arg4[%get3A_13, %get3A_14, %get3A_15] : memref<1x64x8xf32, #tpu.memory_space<vmem>>, vector<1x64x8xf32>
    %get3A_17 = vector.shape_cast %get3A_16 : vector<1x64x8xf32> to vector<64x8xf32>
    %get3A_18 = arith.constant 0 : index
    %get3A_19 = arith.constant 0 : index
    %get3A_20 = arith.constant 0 : index
    %get3A_21 = vector.load %arg6[%get3A_18, %get3A_19, %get3A_20] : memref<1x64x16xf32, #tpu.memory_space<vmem>>, vector<1x64x16xf32>
    %get3A_22 = vector.shape_cast %get3A_21 : vector<1x64x16xf32> to vector<64x16xf32>
    %slice3A_23 = vector.extract_strided_slice %get3A_4 {offsets = [0, 0, 0], sizes = [64, 1, 16], strides = [1, 1, 1]} : vector<64x4x16xf32> to vector<64x1x16xf32>
    %squeeze3A = vector.shape_cast %slice3A_23 : vector<64x1x16xf32> to vector<64x16xf32>
    %convert_element_type3A = arith.truncf %squeeze3A : vector<64x16xf32> to vector<64x16xbf16>
    %convert_element_type3A_24 = arith.extf %convert_element_type3A : vector<64x16xbf16> to vector<64x16xf32>
    %convert_element_type3A_25 = arith.truncf %slice3A : vector<64x8x4x16xf32> to vector<64x8x4x16xbf16>
    %convert_element_type3A_26 = arith.extf %convert_element_type3A_25 : vector<64x8x4x16xbf16> to vector<64x8x4x16xf32>
    %broadcast_in_dim3A = vector.shape_cast %convert_element_type3A_24 : vector<64x16xf32> to vector<64x1x1x16xf32>
    %mul3A = vector.broadcast %broadcast_in_dim3A : vector<64x1x1x16xf32> to vector<64x8x4x16xf32>
    %mul3A_27 = arith.mulf %mul3A, %convert_element_type3A_26 : vector<64x8x4x16xf32>
    %reduce_sum3A = arith.constant dense<0.000000e+00> : vector<64x8x4xf32>
    %reduce_sum3A_28 = vector.multi_reduction <add>, %mul3A_27, %reduce_sum3A [3] : vector<64x8x4x16xf32> to vector<64x8x4xf32>
    %mul3A_29 = arith.constant 2.500000e-01 : f32
    %mul3A_30 = vector.broadcast %mul3A_29 : f32 to vector<64x8x4xf32>
    %mul3A_31 = arith.mulf %reduce_sum3A_28, %mul3A_30 : vector<64x8x4xf32>
    %reduce_max3A = arith.constant dense<0xFF800000> : vector<64x8xf32>
    %reduce_max3A_32 = vector.multi_reduction <maximumf>, %mul3A_31, %reduce_max3A [2] : vector<64x8x4xf32> to vector<64x8xf32>
    %broadcast_in_dim3A_33 = vector.shape_cast %reduce_max3A_32 : vector<64x8xf32> to vector<64x8x1xf32>
    %sub3A = vector.broadcast %broadcast_in_dim3A_33 : vector<64x8x1xf32> to vector<64x8x4xf32>
    %sub3A_34 = arith.subf %mul3A_31, %sub3A : vector<64x8x4xf32>
    %exp3A = math.exp %sub3A_34 : vector<64x8x4xf32>
    %reduce_sum3A_35 = arith.constant dense<0.000000e+00> : vector<64x8xf32>
    %reduce_sum3A_36 = vector.multi_reduction <add>, %exp3A, %reduce_sum3A_35 [2] : vector<64x8x4xf32> to vector<64x8xf32>
    %broadcast_in_dim3A_37 = vector.shape_cast %reduce_sum3A_36 : vector<64x8xf32> to vector<64x8x1xf32>
    %div3A = vector.broadcast %broadcast_in_dim3A_37 : vector<64x8x1xf32> to vector<64x8x4xf32>
    %div3A_38 = arith.divf %exp3A, %div3A : vector<64x8x4xf32>
    %broadcast_in_dim3A_39 = vector.shape_cast %get3A_17 : vector<64x8xf32> to vector<64x8x1xf32>
    %mul3A_40 = vector.broadcast %broadcast_in_dim3A_39 : vector<64x8x1xf32> to vector<64x8x4xf32>
    %mul3A_41 = arith.mulf %div3A_38, %mul3A_40 : vector<64x8x4xf32>
    %convert_element_type3A_42 = arith.truncf %mul3A_41 : vector<64x8x4xf32> to vector<64x8x4xbf16>
    %convert_element_type3A_43 = arith.extf %convert_element_type3A_42 : vector<64x8x4xbf16> to vector<64x8x4xf32>
    %convert_element_type3A_44 = arith.truncf %slice3A_12 : vector<64x8x4x16xf32> to vector<64x8x4x16xbf16>
    %convert_element_type3A_45 = arith.extf %convert_element_type3A_44 : vector<64x8x4x16xbf16> to vector<64x8x4x16xf32>
    %broadcast_in_dim3A_46 = vector.shape_cast %convert_element_type3A_43 : vector<64x8x4xf32> to vector<64x8x4x1xf32>
    %mul3A_47 = vector.broadcast %broadcast_in_dim3A_46 : vector<64x8x4x1xf32> to vector<64x8x4x16xf32>
    %mul3A_48 = arith.mulf %mul3A_47, %convert_element_type3A_45 : vector<64x8x4x16xf32>
    %reduce_sum3A_49 = arith.constant dense<0.000000e+00> : vector<64x8x16xf32>
    %reduce_sum3A_50 = vector.multi_reduction <add>, %mul3A_48, %reduce_sum3A_49 [2] : vector<64x8x4x16xf32> to vector<64x8x16xf32>
    %reduce_sum3A_51 = arith.constant dense<0.000000e+00> : vector<64x16xf32>
    %reduce_sum3A_52 = vector.multi_reduction <add>, %reduce_sum3A_50, %reduce_sum3A_51 [1] : vector<64x8x16xf32> to vector<64x16xf32>
    %add3A = arith.addf %get3A_22, %reduce_sum3A_52 : vector<64x16xf32>
    %broadcast_in_dim3A_53 = vector.shape_cast %add3A : vector<64x16xf32> to vector<64x1x16xf32>
    %slice3A_54 = vector.extract_strided_slice %get3A_4 {offsets = [0, 1, 0], sizes = [64, 1, 16], strides = [1, 1, 1]} : vector<64x4x16xf32> to vector<64x1x16xf32>
    %squeeze3A_55 = vector.shape_cast %slice3A_54 : vector<64x1x16xf32> to vector<64x16xf32>
    %convert_element_type3A_56 = arith.truncf %squeeze3A_55 : vector<64x16xf32> to vector<64x16xbf16>
    %convert_element_type3A_57 = arith.extf %convert_element_type3A_56 : vector<64x16xbf16> to vector<64x16xf32>
    %convert_element_type3A_58 = arith.truncf %slice3A : vector<64x8x4x16xf32> to vector<64x8x4x16xbf16>
    %convert_element_type3A_59 = arith.extf %convert_element_type3A_58 : vector<64x8x4x16xbf16> to vector<64x8x4x16xf32>
    %broadcast_in_dim3A_60 = vector.shape_cast %convert_element_type3A_57 : vector<64x16xf32> to vector<64x1x1x16xf32>
    %mul3A_61 = vector.broadcast %broadcast_in_dim3A_60 : vector<64x1x1x16xf32> to vector<64x8x4x16xf32>
    %mul3A_62 = arith.mulf %mul3A_61, %convert_element_type3A_59 : vector<64x8x4x16xf32>
    %reduce_sum3A_63 = arith.constant dense<0.000000e+00> : vector<64x8x4xf32>
    %reduce_sum3A_64 = vector.multi_reduction <add>, %mul3A_62, %reduce_sum3A_63 [3] : vector<64x8x4x16xf32> to vector<64x8x4xf32>
    %mul3A_65 = arith.constant 2.500000e-01 : f32
    %mul3A_66 = vector.broadcast %mul3A_65 : f32 to vector<64x8x4xf32>
    %mul3A_67 = arith.mulf %reduce_sum3A_64, %mul3A_66 : vector<64x8x4xf32>
    %reduce_max3A_68 = arith.constant dense<0xFF800000> : vector<64x8xf32>
    %reduce_max3A_69 = vector.multi_reduction <maximumf>, %mul3A_67, %reduce_max3A_68 [2] : vector<64x8x4xf32> to vector<64x8xf32>
    %broadcast_in_dim3A_70 = vector.shape_cast %reduce_max3A_69 : vector<64x8xf32> to vector<64x8x1xf32>
    %sub3A_71 = vector.broadcast %broadcast_in_dim3A_70 : vector<64x8x1xf32> to vector<64x8x4xf32>
    %sub3A_72 = arith.subf %mul3A_67, %sub3A_71 : vector<64x8x4xf32>
    %exp3A_73 = math.exp %sub3A_72 : vector<64x8x4xf32>
    %reduce_sum3A_74 = arith.constant dense<0.000000e+00> : vector<64x8xf32>
    %reduce_sum3A_75 = vector.multi_reduction <add>, %exp3A_73, %reduce_sum3A_74 [2] : vector<64x8x4xf32> to vector<64x8xf32>
    %broadcast_in_dim3A_76 = vector.shape_cast %reduce_sum3A_75 : vector<64x8xf32> to vector<64x8x1xf32>
    %div3A_77 = vector.broadcast %broadcast_in_dim3A_76 : vector<64x8x1xf32> to vector<64x8x4xf32>
    %div3A_78 = arith.divf %exp3A_73, %div3A_77 : vector<64x8x4xf32>
    %broadcast_in_dim3A_79 = vector.shape_cast %get3A_17 : vector<64x8xf32> to vector<64x8x1xf32>
    %mul3A_80 = vector.broadcast %broadcast_in_dim3A_79 : vector<64x8x1xf32> to vector<64x8x4xf32>
    %mul3A_81 = arith.mulf %div3A_78, %mul3A_80 : vector<64x8x4xf32>
    %convert_element_type3A_82 = arith.truncf %mul3A_81 : vector<64x8x4xf32> to vector<64x8x4xbf16>
    %convert_element_type3A_83 = arith.extf %convert_element_type3A_82 : vector<64x8x4xbf16> to vector<64x8x4xf32>
    %convert_element_type3A_84 = arith.truncf %slice3A_12 : vector<64x8x4x16xf32> to vector<64x8x4x16xbf16>
    %convert_element_type3A_85 = arith.extf %convert_element_type3A_84 : vector<64x8x4x16xbf16> to vector<64x8x4x16xf32>
    %broadcast_in_dim3A_86 = vector.shape_cast %convert_element_type3A_83 : vector<64x8x4xf32> to vector<64x8x4x1xf32>
    %mul3A_87 = vector.broadcast %broadcast_in_dim3A_86 : vector<64x8x4x1xf32> to vector<64x8x4x16xf32>
    %mul3A_88 = arith.mulf %mul3A_87, %convert_element_type3A_85 : vector<64x8x4x16xf32>
    %reduce_sum3A_89 = arith.constant dense<0.000000e+00> : vector<64x8x16xf32>
    %reduce_sum3A_90 = vector.multi_reduction <add>, %mul3A_88, %reduce_sum3A_89 [2] : vector<64x8x4x16xf32> to vector<64x8x16xf32>
    %reduce_sum3A_91 = arith.constant dense<0.000000e+00> : vector<64x16xf32>
    %reduce_sum3A_92 = vector.multi_reduction <add>, %reduce_sum3A_90, %reduce_sum3A_91 [1] : vector<64x8x16xf32> to vector<64x16xf32>
    %add3A_93 = arith.addf %get3A_22, %reduce_sum3A_92 : vector<64x16xf32>
    %broadcast_in_dim3A_94 = vector.shape_cast %add3A_93 : vector<64x16xf32> to vector<64x1x16xf32>
    %slice3A_95 = vector.extract_strided_slice %get3A_4 {offsets = [0, 2, 0], sizes = [64, 1, 16], strides = [1, 1, 1]} : vector<64x4x16xf32> to vector<64x1x16xf32>
    %squeeze3A_96 = vector.shape_cast %slice3A_95 : vector<64x1x16xf32> to vector<64x16xf32>
    %convert_element_type3A_97 = arith.truncf %squeeze3A_96 : vector<64x16xf32> to vector<64x16xbf16>
    %convert_element_type3A_98 = arith.extf %convert_element_type3A_97 : vector<64x16xbf16> to vector<64x16xf32>
    %convert_element_type3A_99 = arith.truncf %slice3A : vector<64x8x4x16xf32> to vector<64x8x4x16xbf16>
    %convert_element_type3A_100 = arith.extf %convert_element_type3A_99 : vector<64x8x4x16xbf16> to vector<64x8x4x16xf32>
    %broadcast_in_dim3A_101 = vector.shape_cast %convert_element_type3A_98 : vector<64x16xf32> to vector<64x1x1x16xf32>
    %mul3A_102 = vector.broadcast %broadcast_in_dim3A_101 : vector<64x1x1x16xf32> to vector<64x8x4x16xf32>
    %mul3A_103 = arith.mulf %mul3A_102, %convert_element_type3A_100 : vector<64x8x4x16xf32>
    %reduce_sum3A_104 = arith.constant dense<0.000000e+00> : vector<64x8x4xf32>
    %reduce_sum3A_105 = vector.multi_reduction <add>, %mul3A_103, %reduce_sum3A_104 [3] : vector<64x8x4x16xf32> to vector<64x8x4xf32>
    %mul3A_106 = arith.constant 2.500000e-01 : f32
    %mul3A_107 = vector.broadcast %mul3A_106 : f32 to vector<64x8x4xf32>
    %mul3A_108 = arith.mulf %reduce_sum3A_105, %mul3A_107 : vector<64x8x4xf32>
    %reduce_max3A_109 = arith.constant dense<0xFF800000> : vector<64x8xf32>
    %reduce_max3A_110 = vector.multi_reduction <maximumf>, %mul3A_108, %reduce_max3A_109 [2] : vector<64x8x4xf32> to vector<64x8xf32>
    %broadcast_in_dim3A_111 = vector.shape_cast %reduce_max3A_110 : vector<64x8xf32> to vector<64x8x1xf32>
    %sub3A_112 = vector.broadcast %broadcast_in_dim3A_111 : vector<64x8x1xf32> to vector<64x8x4xf32>
    %sub3A_113 = arith.subf %mul3A_108, %sub3A_112 : vector<64x8x4xf32>
    %exp3A_114 = math.exp %sub3A_113 : vector<64x8x4xf32>
    %reduce_sum3A_115 = arith.constant dense<0.000000e+00> : vector<64x8xf32>
    %reduce_sum3A_116 = vector.multi_reduction <add>, %exp3A_114, %reduce_sum3A_115 [2] : vector<64x8x4xf32> to vector<64x8xf32>
    %broadcast_in_dim3A_117 = vector.shape_cast %reduce_sum3A_116 : vector<64x8xf32> to vector<64x8x1xf32>
    %div3A_118 = vector.broadcast %broadcast_in_dim3A_117 : vector<64x8x1xf32> to vector<64x8x4xf32>
    %div3A_119 = arith.divf %exp3A_114, %div3A_118 : vector<64x8x4xf32>
    %broadcast_in_dim3A_120 = vector.shape_cast %get3A_17 : vector<64x8xf32> to vector<64x8x1xf32>
    %mul3A_121 = vector.broadcast %broadcast_in_dim3A_120 : vector<64x8x1xf32> to vector<64x8x4xf32>
    %mul3A_122 = arith.mulf %div3A_119, %mul3A_121 : vector<64x8x4xf32>
    %convert_element_type3A_123 = arith.truncf %mul3A_122 : vector<64x8x4xf32> to vector<64x8x4xbf16>
    %convert_element_type3A_124 = arith.extf %convert_element_type3A_123 : vector<64x8x4xbf16> to vector<64x8x4xf32>
    %convert_element_type3A_125 = arith.truncf %slice3A_12 : vector<64x8x4x16xf32> to vector<64x8x4x16xbf16>
    %convert_element_type3A_126 = arith.extf %convert_element_type3A_125 : vector<64x8x4x16xbf16> to vector<64x8x4x16xf32>
    %broadcast_in_dim3A_127 = vector.shape_cast %convert_element_type3A_124 : vector<64x8x4xf32> to vector<64x8x4x1xf32>
    %mul3A_128 = vector.broadcast %broadcast_in_dim3A_127 : vector<64x8x4x1xf32> to vector<64x8x4x16xf32>
    %mul3A_129 = arith.mulf %mul3A_128, %convert_element_type3A_126 : vector<64x8x4x16xf32>
    %reduce_sum3A_130 = arith.constant dense<0.000000e+00> : vector<64x8x16xf32>
    %reduce_sum3A_131 = vector.multi_reduction <add>, %mul3A_129, %reduce_sum3A_130 [2] : vector<64x8x4x16xf32> to vector<64x8x16xf32>
    %reduce_sum3A_132 = arith.constant dense<0.000000e+00> : vector<64x16xf32>
    %reduce_sum3A_133 = vector.multi_reduction <add>, %reduce_sum3A_131, %reduce_sum3A_132 [1] : vector<64x8x16xf32> to vector<64x16xf32>
    %add3A_134 = arith.addf %get3A_22, %reduce_sum3A_133 : vector<64x16xf32>
    %broadcast_in_dim3A_135 = vector.shape_cast %add3A_134 : vector<64x16xf32> to vector<64x1x16xf32>
    %slice3A_136 = vector.extract_strided_slice %get3A_4 {offsets = [0, 3, 0], sizes = [64, 1, 16], strides = [1, 1, 1]} : vector<64x4x16xf32> to vector<64x1x16xf32>
    %squeeze3A_137 = vector.shape_cast %slice3A_136 : vector<64x1x16xf32> to vector<64x16xf32>
    %convert_element_type3A_138 = arith.truncf %squeeze3A_137 : vector<64x16xf32> to vector<64x16xbf16>
    %convert_element_type3A_139 = arith.extf %convert_element_type3A_138 : vector<64x16xbf16> to vector<64x16xf32>
    %convert_element_type3A_140 = arith.truncf %slice3A : vector<64x8x4x16xf32> to vector<64x8x4x16xbf16>
    %convert_element_type3A_141 = arith.extf %convert_element_type3A_140 : vector<64x8x4x16xbf16> to vector<64x8x4x16xf32>
    %broadcast_in_dim3A_142 = vector.shape_cast %convert_element_type3A_139 : vector<64x16xf32> to vector<64x1x1x16xf32>
    %mul3A_143 = vector.broadcast %broadcast_in_dim3A_142 : vector<64x1x1x16xf32> to vector<64x8x4x16xf32>
    %mul3A_144 = arith.mulf %mul3A_143, %convert_element_type3A_141 : vector<64x8x4x16xf32>
    %reduce_sum3A_145 = arith.constant dense<0.000000e+00> : vector<64x8x4xf32>
    %reduce_sum3A_146 = vector.multi_reduction <add>, %mul3A_144, %reduce_sum3A_145 [3] : vector<64x8x4x16xf32> to vector<64x8x4xf32>
    %mul3A_147 = arith.constant 2.500000e-01 : f32
    %mul3A_148 = vector.broadcast %mul3A_147 : f32 to vector<64x8x4xf32>
    %mul3A_149 = arith.mulf %reduce_sum3A_146, %mul3A_148 : vector<64x8x4xf32>
    %reduce_max3A_150 = arith.constant dense<0xFF800000> : vector<64x8xf32>
    %reduce_max3A_151 = vector.multi_reduction <maximumf>, %mul3A_149, %reduce_max3A_150 [2] : vector<64x8x4xf32> to vector<64x8xf32>
    %broadcast_in_dim3A_152 = vector.shape_cast %reduce_max3A_151 : vector<64x8xf32> to vector<64x8x1xf32>
    %sub3A_153 = vector.broadcast %broadcast_in_dim3A_152 : vector<64x8x1xf32> to vector<64x8x4xf32>
    %sub3A_154 = arith.subf %mul3A_149, %sub3A_153 : vector<64x8x4xf32>
    %exp3A_155 = math.exp %sub3A_154 : vector<64x8x4xf32>
    %reduce_sum3A_156 = arith.constant dense<0.000000e+00> : vector<64x8xf32>
    %reduce_sum3A_157 = vector.multi_reduction <add>, %exp3A_155, %reduce_sum3A_156 [2] : vector<64x8x4xf32> to vector<64x8xf32>
    %broadcast_in_dim3A_158 = vector.shape_cast %reduce_sum3A_157 : vector<64x8xf32> to vector<64x8x1xf32>
    %div3A_159 = vector.broadcast %broadcast_in_dim3A_158 : vector<64x8x1xf32> to vector<64x8x4xf32>
    %div3A_160 = arith.divf %exp3A_155, %div3A_159 : vector<64x8x4xf32>
    %broadcast_in_dim3A_161 = vector.shape_cast %get3A_17 : vector<64x8xf32> to vector<64x8x1xf32>
    %mul3A_162 = vector.broadcast %broadcast_in_dim3A_161 : vector<64x8x1xf32> to vector<64x8x4xf32>
    %mul3A_163 = arith.mulf %div3A_160, %mul3A_162 : vector<64x8x4xf32>
    %convert_element_type3A_164 = arith.truncf %mul3A_163 : vector<64x8x4xf32> to vector<64x8x4xbf16>
    %convert_element_type3A_165 = arith.extf %convert_element_type3A_164 : vector<64x8x4xbf16> to vector<64x8x4xf32>
    %convert_element_type3A_166 = arith.truncf %slice3A_12 : vector<64x8x4x16xf32> to vector<64x8x4x16xbf16>
    %convert_element_type3A_167 = arith.extf %convert_element_type3A_166 : vector<64x8x4x16xbf16> to vector<64x8x4x16xf32>
    %broadcast_in_dim3A_168 = vector.shape_cast %convert_element_type3A_165 : vector<64x8x4xf32> to vector<64x8x4x1xf32>
    %mul3A_169 = vector.broadcast %broadcast_in_dim3A_168 : vector<64x8x4x1xf32> to vector<64x8x4x16xf32>
    %mul3A_170 = arith.mulf %mul3A_169, %convert_element_type3A_167 : vector<64x8x4x16xf32>
    %reduce_sum3A_171 = arith.constant dense<0.000000e+00> : vector<64x8x16xf32>
    %reduce_sum3A_172 = vector.multi_reduction <add>, %mul3A_170, %reduce_sum3A_171 [2] : vector<64x8x4x16xf32> to vector<64x8x16xf32>
    %reduce_sum3A_173 = arith.constant dense<0.000000e+00> : vector<64x16xf32>
    %reduce_sum3A_174 = vector.multi_reduction <add>, %reduce_sum3A_172, %reduce_sum3A_173 [1] : vector<64x8x16xf32> to vector<64x16xf32>
    %add3A_175 = arith.addf %get3A_22, %reduce_sum3A_174 : vector<64x16xf32>
    %broadcast_in_dim3A_176 = vector.shape_cast %add3A_175 : vector<64x16xf32> to vector<64x1x16xf32>
    %concatenate3A = tpu.concatenate %broadcast_in_dim3A_53, %broadcast_in_dim3A_94, %broadcast_in_dim3A_135, %broadcast_in_dim3A_176 in 1 : vector<64x1x16xf32>, vector<64x1x16xf32>, vector<64x1x16xf32>, vector<64x1x16xf32> -> vector<64x4x16xf32>
    %swap3A = arith.constant 0 : index
    %swap3A_177 = arith.constant 0 : index
    %swap3A_178 = arith.constant 0 : index
    %swap3A_179 = arith.constant 0 : index
    %swap3A_180 = vector.load %arg7[%swap3A, %swap3A_177, %swap3A_178, %swap3A_179] : memref<1x64x4x16xf32, #tpu.memory_space<vmem>>, vector<1x64x4x16xf32>
    %swap3A_181 = vector.shape_cast %swap3A_180 : vector<1x64x4x16xf32> to vector<64x4x16xf32>
    %swap3A_182 = vector.shape_cast %concatenate3A : vector<64x4x16xf32> to vector<1x64x4x16xf32>
    tpu.vector_store %arg7[%swap3A, %swap3A_177, %swap3A_178, %swap3A_179], %swap3A_182 {strides = array<i32>} : memref<1x64x4x16xf32, #tpu.memory_space<vmem>>, vector<1x64x4x16xf32>,
    return
  }
  func.func @transform_0(%arg0: i32, %arg1: i32) -> (i32, i32, i32, i32) {
    %c0_i32 = arith.constant 0 : i32
    %c0_i32_0 = arith.constant 0 : i32
    %c0_i32_1 = arith.constant 0 : i32
    return %arg0, %arg1, %c0_i32, %c0_i32_0 : i32, i32, i32, i32
  }
  func.func @transform_1(%arg0: i32, %arg1: i32) -> (i32, i32, i32, i32, i32) {
    %c0_i32 = arith.constant 0 : i32
    %c0_i32_0 = arith.constant 0 : i32
    %c0_i32_1 = arith.constant 0 : i32
    %c0_i32_2 = arith.constant 0 : i32
    return %arg0, %arg1, %c0_i32, %c0_i32_0, %c0_i32_1 : i32, i32, i32, i32, i32
  }
  func.func @transform_2(%arg0: i32, %arg1: i32) -> (i32, i32, i32) {
    %c0_i32 = arith.constant 0 : i32
    %c0_i32_0 = arith.constant 0 : i32
    return %arg0, %arg1, %c0_i32 : i32, i32, i32
  }
  func.func @transform_3(%arg0: i32, %arg1: i32) -> (i32, i32, i32) {
    %c0_i32 = arith.constant 0 : i32
    %c0_i32_0 = arith.constant 0 : i32
    return %arg0, %arg1, %c0_i32 : i32, i32, i32
  }
  func.func @transform_4(%arg0: i32, %arg1: i32) -> (i32, i32, i32) {
    %c0_i32 = arith.constant 0 : i32
    %c0_i32_0 = arith.constant 0 : i32
    return %arg0, %arg1, %c0_i32 : i32, i32, i32
  }
  func.func @transform_5(%arg0: i32, %arg1: i32) -> (i32, i32, i32, i32) {
    %c0_i32 = arith.constant 0 : i32
    %c0_i32_0 = arith.constant 0 : i32
    %c0_i32_1 = arith.constant 0 : i32
    return %arg0, %arg1, %c0_i32, %c0_i32_0 : i32, i32, i32, i32
  }
}

</mosaic_0001>

<sc_bundles>
// kernel: kernel.10.cloned.1.call-start
scs
__scs_entry_jumppad:
0x0: {  	(pc) =	sbr.rel $0x88, $3  }
0x1: {  	(tag) =	ssettag $0x0;
	lr =	simm.s32 $0x1  }
0x2: {  	[smem:$0x3F98] =	sst lr;
	_ =	strace $0xD0000000  }
0x3: {  	_ = 	snop  }
0x4: {  	_ = 	snop  }
0x5: {  	_ = 	snop  }
0x6: {  	_ = 	snop  }
0x7: {  	_ = 	snop  }
__scs_overlays_trampoline_lowered:
0x8: {  	[smem:$0x3FA7] =	sst s0  }
0x9: {  	[smem:$0x3FA8] =	sst s1  }
0xa: {  	[smem:$0x3FA9] =	sst s2  }
0xb: {  	[smem:$0x3FAA] =	sst s3  }
0xc: {  	[smem:$0x3FAB] =	sst s4  }
0xd: {  	[smem:$0x3FAC] =	sst s5  }
0xe: {  	[smem:$0x3FAD] =	sst s6  }
0xf: {  	[smem:$0x3FAE] =	sst s7  }
0x10: {  	[smem:$0x3FAF] =	sst s8  }
0x11: {  	[smem:$0x3FB0] =	sst s9;
	s0 =	simm.s32 @!p0 $0x0  }
0x12: {  	s1 =	sld [smem:$0x3F96];
	s0 =	simm.s32 @p0 $0x1  }
0x13: {  	[smem:$0x3FB1] =	sst s0;
	s0 =	simm.s32 @!p1 $0x0  }
0x14: {  	s2 =	sld [smem:$0x3F95];
	s0 =	simm.s32 @p1 $0x1  }
0x15: {  	[smem:$0x3FB2] =	sst s0;
	s0 =	simm.s32 @!p2 $0x0  }
0x16: {  	s3 =	sld [smem:$0x3FDB];
	s0 =	simm.s32 @p2 $0x1  }
0x17: {  	s4 =	simm.s32 $0x1BF5;
	[smem:$0x3FB4] =	sst s0  }
0x18: {  	s0 =	sld [smem:$0x3F97];
	_ =	swait.ge [sflag:s4], $0x0  }
0x19: {  	s7 =	sld [smem:$0x3F98]  }
0x1a: {  	s8 =	sadd.s32 $0xFFFFE003, lr  }
0x1b: {  	s9 =	sadd.s32 $0xFFFFFEF7, lr;
	s5 =	simm.s32 $0xFFFFFFFF;
	p2 =	slt.u32 s8, $0xFFFFF086  }
0x1c: {  	p1 =	slt.u32 s9, $0xF7A;
	s5 =	simm.s32 @!p2 $0x0  }
0x1d: {  	s5 =	simm.s32 @p1 $0x1;
	p0 =	seq.s32 s7, s2  }
0x1e: {  	s7 =	smul.u32 @!p0 $0xF7A, s2;
	p2 =	seq.s32 @!p0 s5, $0x0  }
0x1f: {  	s9 =	smul.u32 $0xF7A, s1;
	s8 =	simm.s32 @!p0 $0x1BF5;
	p2 =	por !p2, p0  }
0x20: {  	[sflag:s8] =	ssyncset.s32 @!p0 $0xFFFFF086;
	s6 =	sadd.s32 @!p0 s3, s7;
	s7 =	simm.s32 @!p0 $0x108  }
0x21: {  	s3 =	sadd.s32 s3, s9;
	s6 =	sadd.s32 @!p0 $0x88, s6;
	s7 =	simm.s32 @p2 $0x1082  }
0x22: {  	[simem:s7], [sflag:s8] =	dma.local @!p0 [hbm:s6], $0xF7A  }
0x23: {  	s9 =	sor.u32 $0xD0000000, s2;
	s6 =	simm.s32 $0x108;
	_ =	swait.ge @!p0 [sflag:s8], $0x0  }
0x24: {  	s3 =	sadd.s32 $0x88, s3;
	s6 =	simm.s32 @!p1 $0x1082;
	[sflag:s4] =	ssyncset.s32 $0xFFFFF086  }
0x25: {  	[simem:s6], [sflag:s4] =	dma.local [hbm:s3], $0xF7A  }
0x26: {  	[smem:$0x3F98] =	sst s1;
	(tag) =	ssettag s2;
	_ =	strace s9  }
0x27: {  	s1 =	sld [smem:$0x3FA8]  }
0x28: {  	s2 =	sld [smem:$0x3FA9]  }
0x29: {  	s4 =	sld [smem:$0x3FAB]  }
0x2a: {  	p0 =	seq.s32 s5, $0x0;
	s5 =	sld [smem:$0x3FAC]  }
0x2b: {  	s6 =	sld [smem:$0x3FAD]  }
0x2c: {  	s7 =	sld [smem:$0x3FAE]  }
0x2d: {  	s3 =	simm.s32 $0x108;
	s8 =	sld [smem:$0x3FAF]  }
0x2e: {  	s3 =	simm.s32 @!p0 $0x1082;
	s9 =	sld [smem:$0x3FB0]  }
0x2f: {  	lr =	sadd.s32 s0, s3;
	s0 =	sld [smem:$0x3FA7]  }
0x30: {  	s3 =	sld [smem:$0x3FAA]  }
0x31: {  	[smem:$0x3FB3] =	sst s10  }
0x32: {  	s10 =	sld [smem:$0x3FB1];
	_ =	sdelay $0x3  }
0x33: {  	p0 =	seq.s32 s10, $0x1;
	s10 =	sld [smem:$0x3FB3];
	_ =	sdelay $0x3  }
0x34: {  	[smem:$0x3FB3] =	sst s10  }
0x35: {  	s10 =	sld [smem:$0x3FB2];
	_ =	sdelay $0x3  }
0x36: {  	p1 =	seq.s32 s10, $0x1;
	s10 =	sld [smem:$0x3FB3];
	_ =	sdelay $0x3  }
0x37: {  	[smem:$0x3FB3] =	sst s10  }
0x38: {  	s10 =	sld [smem:$0x3FB4]  }
0x39: {  	_ = 	snop;
	(pc) =	sbr.ind lr, $3  }
0x3a: {  	_ = 	snop  }
0x3b: {  	_ = 	snop  }
0x3c: {  	p2 =	seq.s32 s10, $0x1;
	s10 =	sld [smem:$0x3FB3]  }
0x3d: {  	_ =	shalt  }
0x3e: {  	_ =	shalt  }
0x3f: {  	_ =	shalt  }
0x40: {  	_ =	shalt  }
0x41: {  	_ =	shalt  }
0x42: {  	_ =	shalt  }
0x43: {  	_ =	shalt  }
0x44: {  	_ =	shalt  }
0x45: {  	_ =	shalt  }
0x46: {  	_ =	shalt  }
0x47: {  	_ =	shalt  }
0x48: {  	_ =	shalt  }
0x49: {  	_ =	shalt  }
0x4a: {  	_ =	shalt  }
0x4b: {  	_ =	shalt  }
0x4c: {  	_ =	shalt  }
0x4d: {  	_ =	shalt  }
0x4e: {  	_ =	shalt  }
0x4f: {  	_ =	shalt  }
0x50: {  	_ =	shalt  }
0x51: {  	_ =	shalt  }
0x52: {  	_ =	shalt  }
0x53: {  	_ =	shalt  }
0x54: {  	_ =	shalt  }
0x55: {  	_ =	shalt  }
0x56: {  	_ =	shalt  }
0x57: {  	_ =	shalt  }
0x58: {  	_ =	shalt  }
0x59: {  	_ =	shalt  }
0x5a: {  	_ =	shalt  }
0x5b: {  	_ =	shalt  }
0x5c: {  	_ =	shalt  }
0x5d: {  	_ =	shalt  }
0x5e: {  	_ =	shalt  }
0x5f: {  	_ =	shalt  }
0x60: {  	_ =	shalt  }
0x61: {  	_ =	shalt  }
0x62: {  	_ =	shalt  }
0x63: {  	_ =	shalt  }
0x64: {  	_ =	shalt  }
0x65: {  	_ =	shalt  }
0x66: {  	_ =	shalt  }
0x67: {  	_ =	shalt  }
0x68: {  	_ =	shalt  }
0x69: {  	_ =	shalt  }
0x6a: {  	_ =	shalt  }
0x6b: {  	_ =	shalt  }
0x6c: {  	_ =	shalt  }
0x6d: {  	_ =	shalt  }
0x6e: {  	_ =	shalt  }
0x6f: {  	_ =	shalt  }
0x70: {  	_ =	shalt  }
0x71: {  	_ =	shalt  }
0x72: {  	_ =	shalt  }
0x73: {  	_ =	shalt  }
0x74: {  	_ =	shalt  }
0x75: {  	_ =	shalt  }
0x76: {  	_ =	shalt  }
0x77: {  	_ =	shalt  }
0x78: {  	_ =	shalt  }
0x79: {  	_ =	shalt  }
0x7a: {  	_ =	shalt  }
0x7b: {  	_ =	shalt  }
0x7c: {  	_ =	shalt  }
0x7d: {  	_ =	shalt  }
0x7e: {  	_ =	shalt  }
0x7f: {  	_ =	shalt  }
0x80: {  	_ =	shalt  }
0x81: {  	_ =	shalt  }
0x82: {  	_ =	shalt  }
0x83: {  	_ =	shalt  }
0x84: {  	_ =	shalt  }
0x85: {  	_ =	shalt  }
0x86: {  	_ =	shalt  }
0x87: {  	_ =	shalt  }
.Lfunc_end0:
.L_simem_size_0:
called_computation.1_lowered:
.L_overlay_start_0:
0x88: {  	s2 =	sld [smem:$0x3FD9]  }
0x89: {  	s3 =	sld [smem:$0x3FFE];
	_ =	sdelay $0x1  }
0x8a: {  	s1 =	srdreg.scid  }
0x8b: {  	s0 =	sand.u32 $0x1, s1  }
0x8c: {  	s17 =	sshll.u32 s0, $0xA;
	s2 =	sadd.s32 s3, s2  }
0x8d: {  	s2 =	sadd.s32 s2, s17  }
0x8e: {  	[smem:$0x3FBF] =	sst s2  }
0x8f: {  	_ = 	snop  }
0x90: {  	s2 =	sld [smem:$0x3FD0];
	(tm) =	ssettm $0x1  }
0x91: {  	s18 =	sld [smem:$0x3FFB];
	_ =	sdelay $0x3  }
0x92: {  	_ =	strace s18  }
0x93: {  	s3 =	sld [smem:$0x3FFC];
	_ =	sdelay $0x3  }
0x94: {  	_ =	strace s3  }
0x95: {  	s3 =	sld [smem:$0x3FFD];
	_ =	sdelay $0x3  }
0x96: {  	_ =	strace s3  }
0x97: {  	_ =	strace $0x8FFFFFFF  }
0x98: {  	s19 =	sld [smem:$0x3FDB];
	_ =	sdelay $0x1  }
0x99: {  	s4 =	simm.s32 $_scs_section_size  }
0x9a: {  	s5 =	simm.s32 $_size__tile_overlayer_lowered;
	s6 =	simm.s32 $_tile_overlayer_lowered  }
0x9b: {  	s22 =	simm.s32 $0x1BFF;
	s21 =	sshll.u32 s6, $0x1;
	s3 =	sadd.s32 s4, s19  }
0x9c: {  	s7 =	simm.s32 $0x0;
	s20 =	sshll.u32 s5, $0x1;
	s5 =	sadd.s32 s21, s3  }
0x9d: {  	[timem:s7], [sflag:s22] =	dma.local [hbm:s5], s20  }
0x9e: {  	_ =	swait.ge [sflag:s22], s20  }
0x9f: {  	s4 =	ssub.s32 $0x0, s20;
	[sflag:s22] =	ssyncset.done $0x0  }
0xa0: {  	[sflag:s22] =	ssyncadd.s32 s4;
	_ =	sdelay $0x1  }
0xa1: {  	s23 =	simm.s32 $0x1B8B  }
0xa2: {  	_ =	swait.ge [sflag:s23], $0x1  }
0xa3: {  	[sflag:s23] =	ssyncset.done $0x0  }
0xa4: {  	s25 =	simm.s32 $0x1B8E;
	s24 =	sld [smem:$0x3FFE];
	[sflag:s23] =	ssyncadd.s32 $0xFFFFFFFF  }
0xa5: {  	s26 =	simm.s32 $execute0_lowered;
	[smem:$0x3FD2] =	sst s25  }
0xa6: {  	s5 =	sshll.u32 s26, $0x1;
	_ =	strace $0x80000049;
	[dreg:$0x1] =	wrdreg $0xFFFFFFFF  }
0xa7: {  	s28 =	simm.s32 $_size_execute0_lowered;
	s3 =	sadd.s32 s3, s5;
	[dreg:$0x0] =	wrdreg $0x0  }
0xa8: {  	s5 =	sshll.u32 s28, $0x1;
	[dreg:$0x2] =	wrdreg s3  }
0xa9: {  	[dreg:$0x3] =	wrdreg s5  }
0xaa: {  	[dreg:$0x4] =	wrdreg $0xC0  }
0xab: {  	_ =	task [dreg:s7], $0x5FFFF  }
0xac: {  	[dreg:$0x1] =	wrdreg $0xFFFFFFFF  }
0xad: {  	[dreg:$0x0] =	wrdreg $0x60  }
0xae: {  	[dreg:$0x2] =	wrdreg s24  }
0xaf: {  	[dreg:$0x3] =	wrdreg s2  }
0xb0: {  	[dreg:$0x4] =	wrdreg $0x9  }
0xb1: {  	_ =	task.clear_ibuf [dreg:s7], $0x5FFFF;
	_ =	strace $0x90000049  }
0xb2: {  	s29 =	simm.s32 $0x9;
	_ =	strace $0x8000004B  }
0xb3: {  	_ =	swait.ge [sflag:s29], $0x1  }
0xb4: {  	[sflag:s29] =	ssyncadd.s32 $0xFFFFFFFF  }
0xb5: {  	_ =	strace $0x9000004B  }
0xb6: {  	_ =	sfence  }
0xb7: {  	s30 =	sld [smem:$0x0];
	_ =	sdelay $0x2  }
0xb8: {  	s31 =	sshll.u32 s1, $0xD;
	s1 =	sshrl.u32 s1, $0x2  }
0xb9: {  	s3 =	sand.u32 $0x4000, s31;
	s1 =	sadd.s32 s1, s30  }
0xba: {  	s0 =	sor.u32 s3, s0;
	s1 =	sshll.u32 s1, $0x11  }
0xbb: {  	s0 =	sor.u32 s1, s0  }
0xbc: {  	s0 =	sadd.s32 $0x8F2B, s0  }
0xbd: {  	[sflag:s0] =	ssyncadd.remote.s32 $0x1  }
0xbe: {  	_ =	sfence.sel $0xFFFF  }
0xbf: {  	[dreg:$0x0] =	wrdreg $0xFFFFFFFF;
	(pc) =	sbr.abs _section_cstart, $3  }
0xc0: {  	[dreg:$0x1] =	wrdreg $0xFFFFFFFF  }
0xc1: {  	_ =	task.clear_ibuf [dreg:s7], $0x2FFFF;
	_ =	strace $0x9FFFFFFF  }
0xc2: {  	(tm) =	ssettm $0x7FFFFFFF  }
0xc3: {  	_ =	shalt  }
tec
execute0_lowered:
.L_overlay_start_1:
0x0: {  	(tag) =	ssettag $0x1  }
0x1: {  	s4 =	rddreg [dreg:$0x0]  }
0x2: {  	s30 =	rddreg [dreg:$0x1];
	s0 =	srdreg.scid;
	s2 =	simm.s32 $0x0  }
0x3: {  	s1 =	stileid.u32;
	s3 =	sand.u32 $0x1, s0;
	[smem:$0x7FF] =	sst s2  }
0x4: {  	s5 =	sshll.u32 s1, $0xE;
	[dreg:$0xb] =	wrdreg s3;
	s6 =	sshll.u32 s3, $0xD  }
0x5: {  	s0 =	sadd.s32 $0x286000, s4;
	s1 =	sor.u32 s6, s5;
	_ =	strace $0x8000004A  }
0x6: {  	[dreg:$0xc] =	wrdreg s0;
	s7 =	sshrl.u32 s1, $0x3;
	s5 =	sshll.u32 s1, $0x4  }
0x7: {  	s9 =	sor.u32 $0x200, s1;
	s6 =	sor.u32 $0x400, s1;
	s3 =	sadd.s32 s30, s7  }
0x8: {  	s8 =	sadd.s32 s0, s5;
	s10 =	sshrl.u32 s9, $0x3;
	[dreg:$0x3] =	wrdreg s3  }
0x9: {  	s5 =	sshll.u32 s9, $0x4;
	[dreg:$0x4] =	wrdreg s8;
	s3 =	sadd.s32 s30, s10  }
0xa: {  	s12 =	sshrl.u32 s6, $0x3;
	s11 =	sadd.s32 s0, s5;
	[dreg:$0x5] =	wrdreg s3  }
0xb: {  	s14 =	sshll.u32 s6, $0x4;
	s13 =	sadd.s32 s30, s12;
	[dreg:$0x6] =	wrdreg s11  }
0xc: {  	s16 =	sor.u32 $0x600, s1;
	s15 =	sadd.s32 s0, s14;
	[dreg:$0x7] =	wrdreg s13  }
0xd: {  	s17 =	sshrl.u32 s16, $0x3;
	[dreg:$0x8] =	wrdreg s15  }
0xe: {  	s5 =	sshll.u32 s16, $0x4;
	s3 =	sadd.s32 s30, s17;
	s18 =	rddreg [dreg:$0x3]  }
0xf: {  	s19 =	sadd.s32 s0, s5;
	[dreg:$0x9] =	wrdreg s3  }
0x10: {  	[dreg:$0xa] =	wrdreg s19;
	s3 =	simm.s32 $0x2  }
0x11: {  	[tilespmem:s2], [sflag:$0x2] =	stream.linear.gather [hbm4b:s18+s2], $0x200, $0x38;
	[tilespmem:$0x10200] =	vst v63  }
0x12: {  	_ =	swait.ge [sflag:s3], $0x200  }
0x13: {  	s4 =	sadd.s32 $0x206000, s4;
	[sflag:s3] =	ssyncset.done $0x0  }
0x14: {  	s6 =	simm.s32 $0x1;
	s5 =	simm.s32 $0x200;
	[sflag:s3] =	ssyncadd.s32 $0xFFFFFE00  }
0x15: {  	[tilespmem:s5], [sflag:$0x1] =	stream.indirect.gather [hbm4b:s4+s5], $0x80, s2, s5, $0xb8;
	[tilespmem:$0x10200] =	vst v63  }
0x16: {  	_ =	swait.ge [sflag:s6], $0x10000  }
0x17: {  	[sflag:s6] =	ssyncset.done $0x0  }
0x18: {  	s7 =	rddreg [dreg:$0x4];
	[sflag:s6] =	ssyncadd.s32 $0xFFFF0000  }
0x19: {  	[hbm4b:s7+s2] =	stream.linear.scatter [tilespmem:s5], [sflag:$0x2], $0x10000, $0x38;
	[tilespmem:$0x10200] =	vst v63  }
0x1a: {  	_ =	swait.ge [sflag:s3], $0x10000  }
0x1b: {  	[sflag:s3] =	ssyncset.done $0x0  }
0x1c: {  	s20 =	rddreg [dreg:$0x5];
	[sflag:s3] =	ssyncadd.s32 $0xFFFF0000  }
0x1d: {  	[tilespmem:s2], [sflag:$0x2] =	stream.linear.gather [hbm4b:s20+s2], $0x200, $0x38;
	[tilespmem:$0x10200] =	vst v63  }
0x1e: {  	_ =	swait.ge [sflag:s3], $0x200  }
0x1f: {  	[sflag:s3] =	ssyncset.done $0x0  }
0x20: {  	[sflag:s3] =	ssyncadd.s32 $0xFFFFFE00  }
0x21: {  	[tilespmem:s5], [sflag:$0x1] =	stream.indirect.gather [hbm4b:s4+s5], $0x80, s2, s5, $0xb8;
	[tilespmem:$0x10200] =	vst v63  }
0x22: {  	_ =	swait.ge [sflag:s6], $0x10000  }
0x23: {  	[sflag:s6] =	ssyncset.done $0x0  }
0x24: {  	s21 =	rddreg [dreg:$0x6];
	[sflag:s6] =	ssyncadd.s32 $0xFFFF0000  }
0x25: {  	[hbm4b:s21+s2] =	stream.linear.scatter [tilespmem:s5], [sflag:$0x2], $0x10000, $0x38;
	[tilespmem:$0x10200] =	vst v63  }
0x26: {  	_ =	swait.ge [sflag:s3], $0x10000  }
0x27: {  	[sflag:s3] =	ssyncset.done $0x0  }
0x28: {  	s22 =	rddreg [dreg:$0x7];
	[sflag:s3] =	ssyncadd.s32 $0xFFFF0000  }
0x29: {  	[tilespmem:s2], [sflag:$0x2] =	stream.linear.gather [hbm4b:s22+s2], $0x200, $0x38;
	[tilespmem:$0x10200] =	vst v63  }
0x2a: {  	_ =	swait.ge [sflag:s3], $0x200  }
0x2b: {  	[sflag:s3] =	ssyncset.done $0x0  }
0x2c: {  	[sflag:s3] =	ssyncadd.s32 $0xFFFFFE00  }
0x2d: {  	[tilespmem:s5], [sflag:$0x1] =	stream.indirect.gather [hbm4b:s4+s5], $0x80, s2, s5, $0xb8;
	[tilespmem:$0x10200] =	vst v63  }
0x2e: {  	_ =	swait.ge [sflag:s6], $0x10000  }
0x2f: {  	[sflag:s6] =	ssyncset.done $0x0  }
0x30: {  	s23 =	rddreg [dreg:$0x8];
	[sflag:s6] =	ssyncadd.s32 $0xFFFF0000  }
0x31: {  	[hbm4b:s23+s2] =	stream.linear.scatter [tilespmem:s5], [sflag:$0x2], $0x10000, $0x38;
	[tilespmem:$0x10200] =	vst v63  }
0x32: {  	_ =	swait.ge [sflag:s3], $0x10000  }
0x33: {  	[sflag:s3] =	ssyncset.done $0x0  }
0x34: {  	s24 =	rddreg [dreg:$0x9];
	[sflag:s3] =	ssyncadd.s32 $0xFFFF0000  }
0x35: {  	[tilespmem:s2], [sflag:$0x2] =	stream.linear.gather [hbm4b:s24+s2], $0x200, $0x38;
	[tilespmem:$0x10200] =	vst v63  }
0x36: {  	_ =	swait.ge [sflag:s3], $0x200  }
0x37: {  	[sflag:s3] =	ssyncset.done $0x0  }
0x38: {  	[sflag:s3] =	ssyncadd.s32 $0xFFFFFE00  }
0x39: {  	[tilespmem:s5], [sflag:$0x1] =	stream.indirect.gather [hbm4b:s4+s5], $0x80, s2, s5, $0xb8;
	[tilespmem:$0x10200] =	vst v63  }
0x3a: {  	_ =	swait.ge [sflag:s6], $0x10000  }
0x3b: {  	[sflag:s6] =	ssyncset.done $0x0  }
0x3c: {  	s25 =	rddreg [dreg:$0xa];
	[sflag:s6] =	ssyncadd.s32 $0xFFFF0000  }
0x3d: {  	[hbm4b:s25+s2] =	stream.linear.scatter [tilespmem:s5], [sflag:$0x2], $0x10000, $0x38;
	[tilespmem:$0x10200] =	vst v63  }
0x3e: {  	s8 =	sor.u32 $0x800, s1;
	_ =	swait.ge [sflag:s3], $0x10000  }
0x3f: {  	s26 =	sshrl.u32 s8, $0x3;
	[sflag:s3] =	ssyncset.done $0x0  }
0x40: {  	s7 =	sadd.s32 s30, s26;
	[sflag:s3] =	ssyncadd.s32 $0xFFFF0000  }
0x41: {  	[tilespmem:s2], [sflag:$0x2] =	stream.linear.gather [hbm4b:s7+s2], $0x200, $0x38;
	[tilespmem:$0x10200] =	vst v63  }
0x42: {  	_ =	swait.ge [sflag:s3], $0x200  }
0x43: {  	[sflag:s3] =	ssyncset.done $0x0  }
0x44: {  	[sflag:s3] =	ssyncadd.s32 $0xFFFFFE00  }
0x45: {  	[tilespmem:s5], [sflag:$0x1] =	stream.indirect.gather [hbm4b:s4+s5], $0x80, s2, s5, $0xb8;
	[tilespmem:$0x10200] =	vst v63  }
0x46: {  	_ =	swait.ge [sflag:s6], $0x10000  }
0x47: {  	s8 =	sshll.u32 s8, $0x4;
	[sflag:s6] =	ssyncset.done $0x0  }
0x48: {  	s8 =	sadd.s32 s0, s8;
	[sflag:s6] =	ssyncadd.s32 $0xFFFF0000  }
0x49: {  	[hbm4b:s8+s2] =	stream.linear.scatter [tilespmem:s5], [sflag:$0x2], $0x10000, $0x38;
	[tilespmem:$0x10200] =	vst v63  }
0x4a: {  	s10 =	sor.u32 $0xA00, s1;
	_ =	swait.ge [sflag:s3], $0x10000  }
0x4b: {  	s9 =	sshrl.u32 s10, $0x3;
	[sflag:s3] =	ssyncset.done $0x0  }
0x4c: {  	s9 =	sadd.s32 s30, s9;
	[sflag:s3] =	ssyncadd.s32 $0xFFFF0000  }
0x4d: {  	[tilespmem:s2], [sflag:$0x2] =	stream.linear.gather [hbm4b:s9+s2], $0x200, $0x38;
	[tilespmem:$0x10200] =	vst v63  }
0x4e: {  	_ =	swait.ge [sflag:s3], $0x200  }
0x4f: {  	[sflag:s3] =	ssyncset.done $0x0  }
0x50: {  	[sflag:s3] =	ssyncadd.s32 $0xFFFFFE00  }
0x51: {  	[tilespmem:s5], [sflag:$0x1] =	stream.indirect.gather [hbm4b:s4+s5], $0x80, s2, s5, $0xb8;
	[tilespmem:$0x10200] =	vst v63  }
0x52: {  	_ =	swait.ge [sflag:s6], $0x10000  }
0x53: {  	s10 =	sshll.u32 s10, $0x4;
	[sflag:s6] =	ssyncset.done $0x0  }
0x54: {  	s10 =	sadd.s32 s0, s10;
	[sflag:s6] =	ssyncadd.s32 $0xFFFF0000  }
0x55: {  	[hbm4b:s10+s2] =	stream.linear.scatter [tilespmem:s5], [sflag:$0x2], $0x10000, $0x38;
	[tilespmem:$0x10200] =	vst v63  }
0x56: {  	s12 =	sor.u32 $0xC00, s1;
	_ =	swait.ge [sflag:s3], $0x10000  }
0x57: {  	s11 =	sshrl.u32 s12, $0x3;
	[sflag:s3] =	ssyncset.done $0x0  }
0x58: {  	s11 =	sadd.s32 s30, s11;
	[sflag:s3] =	ssyncadd.s32 $0xFFFF0000  }
0x59: {  	[tilespmem:s2], [sflag:$0x2] =	stream.linear.gather [hbm4b:s11+s2], $0x200, $0x38;
	[tilespmem:$0x10200] =	vst v63  }
0x5a: {  	_ =	swait.ge [sflag:s3], $0x200  }
0x5b: {  	[sflag:s3] =	ssyncset.done $0x0  }
0x5c: {  	[sflag:s3] =	ssyncadd.s32 $0xFFFFFE00  }
0x5d: {  	[tilespmem:s5], [sflag:$0x1] =	stream.indirect.gather [hbm4b:s4+s5], $0x80, s2, s5, $0xb8;
	[tilespmem:$0x10200] =	vst v63  }
0x5e: {  	_ =	swait.ge [sflag:s6], $0x10000  }
0x5f: {  	s12 =	sshll.u32 s12, $0x4;
	[sflag:s6] =	ssyncset.done $0x0  }
0x60: {  	s12 =	sadd.s32 s0, s12;
	[sflag:s6] =	ssyncadd.s32 $0xFFFF0000  }
0x61: {  	[hbm4b:s12+s2] =	stream.linear.scatter [tilespmem:s5], [sflag:$0x2], $0x10000, $0x38;
	[tilespmem:$0x10200] =	vst v63  }
0x62: {  	s14 =	sor.u32 $0xE00, s1;
	_ =	swait.ge [sflag:s3], $0x10000  }
0x63: {  	s13 =	sshrl.u32 s14, $0x3;
	[sflag:s3] =	ssyncset.done $0x0  }
0x64: {  	s13 =	sadd.s32 s30, s13;
	[sflag:s3] =	ssyncadd.s32 $0xFFFF0000  }
0x65: {  	[tilespmem:s2], [sflag:$0x2] =	stream.linear.gather [hbm4b:s13+s2], $0x200, $0x38;
	[tilespmem:$0x10200] =	vst v63  }
0x66: {  	_ =	swait.ge [sflag:s3], $0x200  }
0x67: {  	[sflag:s3] =	ssyncset.done $0x0  }
0x68: {  	[sflag:s3] =	ssyncadd.s32 $0xFFFFFE00  }
0x69: {  	[tilespmem:s5], [sflag:$0x1] =	stream.indirect.gather [hbm4b:s4+s5], $0x80, s2, s5, $0xb8;
	[tilespmem:$0x10200] =	vst v63  }
0x6a: {  	_ =	swait.ge [sflag:s6], $0x10000  }
0x6b: {  	s14 =	sshll.u32 s14, $0x4;
	[sflag:s6] =	ssyncset.done $0x0  }
0x6c: {  	s14 =	sadd.s32 s0, s14;
	[sflag:s6] =	ssyncadd.s32 $0xFFFF0000  }
0x6d: {  	[hbm4b:s14+s2] =	stream.linear.scatter [tilespmem:s5], [sflag:$0x2], $0x10000, $0x38;
	[tilespmem:$0x10200] =	vst v63  }
0x6e: {  	s16 =	sor.u32 $0x1000, s1;
	_ =	swait.ge [sflag:s3], $0x10000  }
0x6f: {  	s15 =	sshrl.u32 s16, $0x3;
	[sflag:s3] =	ssyncset.done $0x0  }
0x70: {  	s15 =	sadd.s32 s30, s15;
	[sflag:s3] =	ssyncadd.s32 $0xFFFF0000  }
0x71: {  	[tilespmem:s2], [sflag:$0x2] =	stream.linear.gather [hbm4b:s15+s2], $0x200, $0x38;
	[tilespmem:$0x10200] =	vst v63  }
0x72: {  	_ =	swait.ge [sflag:s3], $0x200  }
0x73: {  	[sflag:s3] =	ssyncset.done $0x0  }
0x74: {  	[sflag:s3] =	ssyncadd.s32 $0xFFFFFE00  }
0x75: {  	[tilespmem:s5], [sflag:$0x1] =	stream.indirect.gather [hbm4b:s4+s5], $0x80, s2, s5, $0xb8;
	[tilespmem:$0x10200] =	vst v63  }
0x76: {  	_ =	swait.ge [sflag:s6], $0x10000  }
0x77: {  	s16 =	sshll.u32 s16, $0x4;
	[sflag:s6] =	ssyncset.done $0x0  }
0x78: {  	s16 =	sadd.s32 s0, s16;
	[sflag:s6] =	ssyncadd.s32 $0xFFFF0000  }
0x79: {  	[hbm4b:s16+s2] =	stream.linear.scatter [tilespmem:s5], [sflag:$0x2], $0x10000, $0x38;
	[tilespmem:$0x10200] =	vst v63  }
0x7a: {  	s18 =	sor.u32 $0x1200, s1;
	_ =	swait.ge [sflag:s3], $0x10000  }
0x7b: {  	s17 =	sshrl.u32 s18, $0x3;
	[sflag:s3] =	ssyncset.done $0x0  }
0x7c: {  	s17 =	sadd.s32 s30, s17;
	[sflag:s3] =	ssyncadd.s32 $0xFFFF0000  }
0x7d: {  	[tilespmem:s2], [sflag:$0x2] =	stream.linear.gather [hbm4b:s17+s2], $0x200, $0x38;
	[tilespmem:$0x10200] =	vst v63  }
0x7e: {  	_ =	swait.ge [sflag:s3], $0x200  }
0x7f: {  	[sflag:s3] =	ssyncset.done $0x0  }
0x80: {  	[sflag:s3] =	ssyncadd.s32 $0xFFFFFE00  }
0x81: {  	[tilespmem:s5], [sflag:$0x1] =	stream.indirect.gather [hbm4b:s4+s5], $0x80, s2, s5, $0xb8;
	[tilespmem:$0x10200] =	vst v63  }
0x82: {  	_ =	swait.ge [sflag:s6], $0x10000  }
0x83: {  	s18 =	sshll.u32 s18, $0x4;
	[sflag:s6] =	ssyncset.done $0x0  }
0x84: {  	s18 =	sadd.s32 s0, s18;
	[sflag:s6] =	ssyncadd.s32 $0xFFFF0000  }
0x85: {  	[hbm4b:s18+s2] =	stream.linear.scatter [tilespmem:s5], [sflag:$0x2], $0x10000, $0x38;
	[tilespmem:$0x10200] =	vst v63  }
0x86: {  	s20 =	sor.u32 $0x1400, s1;
	_ =	swait.ge [sflag:s3], $0x10000  }
0x87: {  	s19 =	sshrl.u32 s20, $0x3;
	[sflag:s3] =	ssyncset.done $0x0  }
0x88: {  	s19 =	sadd.s32 s30, s19;
	[sflag:s3] =	ssyncadd.s32 $0xFFFF0000  }
0x89: {  	[tilespmem:s2], [sflag:$0x2] =	stream.linear.gather [hbm4b:s19+s2], $0x200, $0x38;
	[tilespmem:$0x10200] =	vst v63  }
0x8a: {  	_ =	swait.ge [sflag:s3], $0x200  }
0x8b: {  	[sflag:s3] =	ssyncset.done $0x0  }
0x8c: {  	[sflag:s3] =	ssyncadd.s32 $0xFFFFFE00  }
0x8d: {  	[tilespmem:s5], [sflag:$0x1] =	stream.indirect.gather [hbm4b:s4+s5], $0x80, s2, s5, $0xb8;
	[tilespmem:$0x10200] =	vst v63  }
0x8e: {  	_ =	swait.ge [sflag:s6], $0x10000  }
0x8f: {  	s20 =	sshll.u32 s20, $0x4;
	[sflag:s6] =	ssyncset.done $0x0  }
0x90: {  	s20 =	sadd.s32 s0, s20;
	[sflag:s6] =	ssyncadd.s32 $0xFFFF0000  }
0x91: {  	[hbm4b:s20+s2] =	stream.linear.scatter [tilespmem:s5], [sflag:$0x2], $0x10000, $0x38;
	[tilespmem:$0x10200] =	vst v63  }
0x92: {  	s22 =	sor.u32 $0x1600, s1;
	_ =	swait.ge [sflag:s3], $0x10000  }
0x93: {  	s21 =	sshrl.u32 s22, $0x3;
	[sflag:s3] =	ssyncset.done $0x0  }
0x94: {  	s21 =	sadd.s32 s30, s21;
	[sflag:s3] =	ssyncadd.s32 $0xFFFF0000  }
0x95: {  	[tilespmem:s2], [sflag:$0x2] =	stream.linear.gather [hbm4b:s21+s2], $0x200, $0x38;
	[tilespmem:$0x10200] =	vst v63  }
0x96: {  	_ =	swait.ge [sflag:s3], $0x200  }
0x97: {  	[sflag:s3] =	ssyncset.done $0x0  }
0x98: {  	[sflag:s3] =	ssyncadd.s32 $0xFFFFFE00  }
0x99: {  	[tilespmem:s5], [sflag:$0x1] =	stream.indirect.gather [hbm4b:s4+s5], $0x80, s2, s5, $0xb8;
	[tilespmem:$0x10200] =	vst v63  }
0x9a: {  	_ =	swait.ge [sflag:s6], $0x10000  }
0x9b: {  	s22 =	sshll.u32 s22, $0x4;
	[sflag:s6] =	ssyncset.done $0x0  }
0x9c: {  	s22 =	sadd.s32 s0, s22;
	[sflag:s6] =	ssyncadd.s32 $0xFFFF0000  }
0x9d: {  	[hbm4b:s22+s2] =	stream.linear.scatter [tilespmem:s5], [sflag:$0x2], $0x10000, $0x38;
	[tilespmem:$0x10200] =	vst v63  }
0x9e: {  	s24 =	sor.u32 $0x1800, s1;
	_ =	swait.ge [sflag:s3], $0x10000  }
0x9f: {  	s23 =	sshrl.u32 s24, $0x3;
	[sflag:s3] =	ssyncset.done $0x0  }
0xa0: {  	s23 =	sadd.s32 s30, s23;
	[sflag:s3] =	ssyncadd.s32 $0xFFFF0000  }
0xa1: {  	[tilespmem:s2], [sflag:$0x2] =	stream.linear.gather [hbm4b:s23+s2], $0x200, $0x38;
	[tilespmem:$0x10200] =	vst v63  }
0xa2: {  	_ =	swait.ge [sflag:s3], $0x200  }
0xa3: {  	[sflag:s3] =	ssyncset.done $0x0  }
0xa4: {  	[sflag:s3] =	ssyncadd.s32 $0xFFFFFE00  }
0xa5: {  	[tilespmem:s5], [sflag:$0x1] =	stream.indirect.gather [hbm4b:s4+s5], $0x80, s2, s5, $0xb8;
	[tilespmem:$0x10200] =	vst v63  }
0xa6: {  	_ =	swait.ge [sflag:s6], $0x10000  }
0xa7: {  	s24 =	sshll.u32 s24, $0x4;
	[sflag:s6] =	ssyncset.done $0x0  }
0xa8: {  	s24 =	sadd.s32 s0, s24;
	[sflag:s6] =	ssyncadd.s32 $0xFFFF0000  }
0xa9: {  	[hbm4b:s24+s2] =	stream.linear.scatter [tilespmem:s5], [sflag:$0x2], $0x10000, $0x38;
	[tilespmem:$0x10200] =	vst v63  }
0xaa: {  	s26 =	sor.u32 $0x1A00, s1;
	_ =	swait.ge [sflag:s3], $0x10000  }
0xab: {  	s25 =	sshrl.u32 s26, $0x3;
	[sflag:s3] =	ssyncset.done $0x0  }
0xac: {  	s25 =	sadd.s32 s30, s25;
	[sflag:s3] =	ssyncadd.s32 $0xFFFF0000  }
0xad: {  	[tilespmem:s2], [sflag:$0x2] =	stream.linear.gather [hbm4b:s25+s2], $0x200, $0x38;
	[tilespmem:$0x10200] =	vst v63  }
0xae: {  	_ =	swait.ge [sflag:s3], $0x200  }
0xaf: {  	[sflag:s3] =	ssyncset.done $0x0  }
0xb0: {  	[sflag:s3] =	ssyncadd.s32 $0xFFFFFE00  }
0xb1: {  	[tilespmem:s5], [sflag:$0x1] =	stream.indirect.gather [hbm4b:s4+s5], $0x80, s2, s5, $0xb8;
	[tilespmem:$0x10200] =	vst v63  }
0xb2: {  	_ =	swait.ge [sflag:s6], $0x10000  }
0xb3: {  	s26 =	sshll.u32 s26, $0x4;
	[sflag:s6] =	ssyncset.done $0x0  }
0xb4: {  	s26 =	sadd.s32 s0, s26;
	[sflag:s6] =	ssyncadd.s32 $0xFFFF0000  }
0xb5: {  	[hbm4b:s26+s2] =	stream.linear.scatter [tilespmem:s5], [sflag:$0x2], $0x10000, $0x38;
	[tilespmem:$0x10200] =	vst v63  }
0xb6: {  	s29 =	sor.u32 $0x1C00, s1;
	_ =	swait.ge [sflag:s3], $0x10000  }
0xb7: {  	s28 =	sshrl.u32 s29, $0x3;
	[sflag:s3] =	ssyncset.done $0x0  }
0xb8: {  	s28 =	sadd.s32 s30, s28;
	[sflag:s3] =	ssyncadd.s32 $0xFFFF0000  }
0xb9: {  	[tilespmem:s2], [sflag:$0x2] =	stream.linear.gather [hbm4b:s28+s2], $0x200, $0x38;
	[tilespmem:$0x10200] =	vst v63  }
0xba: {  	_ =	swait.ge [sflag:s3], $0x200  }
0xbb: {  	[sflag:s3] =	ssyncset.done $0x0  }
0xbc: {  	[sflag:s3] =	ssyncadd.s32 $0xFFFFFE00  }
0xbd: {  	[tilespmem:s5], [sflag:$0x1] =	stream.indirect.gather [hbm4b:s4+s5], $0x80, s2, s5, $0xb8;
	[tilespmem:$0x10200] =	vst v63  }
0xbe: {  	_ =	swait.ge [sflag:s6], $0x10000  }
0xbf: {  	s29 =	sshll.u32 s29, $0x4;
	[sflag:s6] =	ssyncset.done $0x0  }
0xc0: {  	s29 =	sadd.s32 s0, s29;
	[sflag:s6] =	ssyncadd.s32 $0xFFFF0000  }
0xc1: {  	[hbm4b:s29+s2] =	stream.linear.scatter [tilespmem:s5], [sflag:$0x2], $0x10000, $0x38;
	[tilespmem:$0x10200] =	vst v63  }
0xc2: {  	s1 =	sor.u32 $0x1E00, s1;
	_ =	swait.ge [sflag:s3], $0x10000  }
0xc3: {  	s31 =	sshrl.u32 s1, $0x3;
	[sflag:s3] =	ssyncset.done $0x0  }
0xc4: {  	s30 =	sadd.s32 s30, s31;
	[sflag:s3] =	ssyncadd.s32 $0xFFFF0000  }
0xc5: {  	[tilespmem:s2], [sflag:$0x2] =	stream.linear.gather [hbm4b:s30+s2], $0x200, $0x38;
	[tilespmem:$0x10200] =	vst v63  }
0xc6: {  	_ =	swait.ge [sflag:s3], $0x200  }
0xc7: {  	[sflag:s3] =	ssyncset.done $0x0;
	s0 =	rddreg [dreg:$0xb]  }
0xc8: {  	s31 =	ssub.s32 $0x2, s0;
	[sflag:s3] =	ssyncadd.s32 $0xFFFFFE00  }
0xc9: {  	[tilespmem:s5], [sflag:$0x1] =	stream.indirect.gather [hbm4b:s4+s5], $0x80, s2, s5, $0xb8;
	[tilespmem:$0x10200] =	vst v63  }
0xca: {  	s0 =	sshrl.u32 s31, $0x1  }
0xcb: {  	s0 =	ssub.s32 s31, s0  }
0xcc: {  	s0 =	smax.u32 s0, $0x1  }
0xcd: {  	p0 =	sne.s32 s0, $0x1  }
.Ltmp0:
0xce: {  	_ =	swait.ge [sflag:s6], $0x10000;
	(pc) =	sbr.rel @!p0 .LBB2_2-.Ltmp0, $4  }
0xcf: {  	s1 =	sshll.u32 s1, $0x4;
	[sflag:s6] =	ssyncset.done $0x0;
	s31 =	rddreg [dreg:$0xc]  }
0xd0: {  	s31 =	sadd.s32 s31, s1;
	[sflag:s6] =	ssyncadd.s32 $0xFFFF0000  }
0xd1: {  	[hbm4b:s31+s2] =	stream.linear.scatter [tilespmem:s5], [sflag:$0x2], $0x10000, $0x38;
	[tilespmem:$0x10200] =	vst v63  }
0xd2: {  	s0 =	sadd.s32 $0xFFFFFFFF, s0;
	_ =	swait.ge [sflag:s3], $0x10000  }
.LBB2_1:
0xd3: {  	[sflag:s3] =	ssyncset.done $0x0  }
0xd4: {  	s1 =	rddreg [dreg:$0x3];
	[sflag:s3] =	ssyncadd.s32 $0xFFFF0000  }
0xd5: {  	[tilespmem:s2], [sflag:$0x2] =	stream.linear.gather [hbm4b:s1+s2], $0x200, $0x38;
	[tilespmem:$0x10200] =	vst v63  }
0xd6: {  	_ =	swait.ge [sflag:s3], $0x200  }
0xd7: {  	[sflag:s3] =	ssyncset.done $0x0  }
0xd8: {  	[sflag:s3] =	ssyncadd.s32 $0xFFFFFE00  }
0xd9: {  	[tilespmem:s5], [sflag:$0x1] =	stream.indirect.gather [hbm4b:s4+s5], $0x80, s2, s5, $0xb8;
	[tilespmem:$0x10200] =	vst v63  }
0xda: {  	_ =	swait.ge [sflag:s6], $0x10000  }
0xdb: {  	[sflag:s6] =	ssyncset.done $0x0  }
0xdc: {  	s1 =	rddreg [dreg:$0x4];
	[sflag:s6] =	ssyncadd.s32 $0xFFFF0000  }
0xdd: {  	[hbm4b:s1+s2] =	stream.linear.scatter [tilespmem:s5], [sflag:$0x2], $0x10000, $0x38;
	[tilespmem:$0x10200] =	vst v63  }
0xde: {  	_ =	swait.ge [sflag:s3], $0x10000  }
0xdf: {  	[sflag:s3] =	ssyncset.done $0x0  }
0xe0: {  	s1 =	rddreg [dreg:$0x5];
	[sflag:s3] =	ssyncadd.s32 $0xFFFF0000  }
0xe1: {  	[tilespmem:s2], [sflag:$0x2] =	stream.linear.gather [hbm4b:s1+s2], $0x200, $0x38;
	[tilespmem:$0x10200] =	vst v63  }
0xe2: {  	_ =	swait.ge [sflag:s3], $0x200  }
0xe3: {  	[sflag:s3] =	ssyncset.done $0x0  }
0xe4: {  	[sflag:s3] =	ssyncadd.s32 $0xFFFFFE00  }
0xe5: {  	[tilespmem:s5], [sflag:$0x1] =	stream.indirect.gather [hbm4b:s4+s5], $0x80, s2, s5, $0xb8;
	[tilespmem:$0x10200] =	vst v63  }
0xe6: {  	_ =	swait.ge [sflag:s6], $0x10000  }
0xe7: {  	[sflag:s6] =	ssyncset.done $0x0  }
0xe8: {  	s1 =	rddreg [dreg:$0x6];
	[sflag:s6] =	ssyncadd.s32 $0xFFFF0000  }
0xe9: {  	[hbm4b:s1+s2] =	stream.linear.scatter [tilespmem:s5], [sflag:$0x2], $0x10000, $0x38;
	[tilespmem:$0x10200] =	vst v63  }
0xea: {  	_ =	swait.ge [sflag:s3], $0x10000  }
0xeb: {  	[sflag:s3] =	ssyncset.done $0x0  }
0xec: {  	s1 =	rddreg [dreg:$0x7];
	[sflag:s3] =	ssyncadd.s32 $0xFFFF0000  }
0xed: {  	[tilespmem:s2], [sflag:$0x2] =	stream.linear.gather [hbm4b:s1+s2], $0x200, $0x38;
	[tilespmem:$0x10200] =	vst v63  }
0xee: {  	_ =	swait.ge [sflag:s3], $0x200  }
0xef: {  	[sflag:s3] =	ssyncset.done $0x0  }
0xf0: {  	[sflag:s3] =	ssyncadd.s32 $0xFFFFFE00  }
0xf1: {  	[tilespmem:s5], [sflag:$0x1] =	stream.indirect.gather [hbm4b:s4+s5], $0x80, s2, s5, $0xb8;
	[tilespmem:$0x10200] =	vst v63  }
0xf2: {  	_ =	swait.ge [sflag:s6], $0x10000  }
0xf3: {  	[sflag:s6] =	ssyncset.done $0x0  }
0xf4: {  	s1 =	rddreg [dreg:$0x8];
	[sflag:s6] =	ssyncadd.s32 $0xFFFF0000  }
0xf5: {  	[hbm4b:s1+s2] =	stream.linear.scatter [tilespmem:s5], [sflag:$0x2], $0x10000, $0x38;
	[tilespmem:$0x10200] =	vst v63  }
0xf6: {  	_ =	swait.ge [sflag:s3], $0x10000  }
0xf7: {  	[sflag:s3] =	ssyncset.done $0x0  }
0xf8: {  	s1 =	rddreg [dreg:$0x9];
	[sflag:s3] =	ssyncadd.s32 $0xFFFF0000  }
0xf9: {  	[tilespmem:s2], [sflag:$0x2] =	stream.linear.gather [hbm4b:s1+s2], $0x200, $0x38;
	[tilespmem:$0x10200] =	vst v63  }
0xfa: {  	_ =	swait.ge [sflag:s3], $0x200  }
0xfb: {  	[sflag:s3] =	ssyncset.done $0x0  }
0xfc: {  	[sflag:s3] =	ssyncadd.s32 $0xFFFFFE00  }
0xfd: {  	[tilespmem:s5], [sflag:$0x1] =	stream.indirect.gather [hbm4b:s4+s5], $0x80, s2, s5, $0xb8;
	[tilespmem:$0x10200] =	vst v63  }
0xfe: {  	_ =	swait.ge [sflag:s6], $0x10000  }
0xff: {  	[sflag:s6] =	ssyncset.done $0x0  }
0x100: {  	s1 =	rddreg [dreg:$0xa];
	[sflag:s6] =	ssyncadd.s32 $0xFFFF0000  }
0x101: {  	[hbm4b:s1+s2] =	stream.linear.scatter [tilespmem:s5], [sflag:$0x2], $0x10000, $0x38;
	[tilespmem:$0x10200] =	vst v63  }
0x102: {  	_ =	swait.ge [sflag:s3], $0x10000  }
0x103: {  	[sflag:s3] =	ssyncset.done $0x0  }
0x104: {  	[sflag:s3] =	ssyncadd.s32 $0xFFFF0000  }
0x105: {  	[tilespmem:s2], [sflag:$0x2] =	stream.linear.gather [hbm4b:s7+s2], $0x200, $0x38;
	[tilespmem:$0x10200] =	vst v63  }
0x106: {  	_ =	swait.ge [sflag:s3], $0x200  }
0x107: {  	[sflag:s3] =	ssyncset.done $0x0  }
0x108: {  	[sflag:s3] =	ssyncadd.s32 $0xFFFFFE00  }
0x109: {  	[tilespmem:s5], [sflag:$0x1] =	stream.indirect.gather [hbm4b:s4+s5], $0x80, s2, s5, $0xb8;
	[tilespmem:$0x10200] =	vst v63  }
0x10a: {  	_ =	swait.ge [sflag:s6], $0x10000  }
0x10b: {  	[sflag:s6] =	ssyncset.done $0x0  }
0x10c: {  	[sflag:s6] =	ssyncadd.s32 $0xFFFF0000  }
0x10d: {  	[hbm4b:s8+s2] =	stream.linear.scatter [tilespmem:s5], [sflag:$0x2], $0x10000, $0x38;
	[tilespmem:$0x10200] =	vst v63  }
0x10e: {  	_ =	swait.ge [sflag:s3], $0x10000  }
0x10f: {  	[sflag:s3] =	ssyncset.done $0x0  }
0x110: {  	[sflag:s3] =	ssyncadd.s32 $0xFFFF0000  }
0x111: {  	[tilespmem:s2], [sflag:$0x2] =	stream.linear.gather [hbm4b:s9+s2], $0x200, $0x38;
	[tilespmem:$0x10200] =	vst v63  }
0x112: {  	_ =	swait.ge [sflag:s3], $0x200  }
0x113: {  	[sflag:s3] =	ssyncset.done $0x0  }
0x114: {  	[sflag:s3] =	ssyncadd.s32 $0xFFFFFE00  }
0x115: {  	[tilespmem:s5], [sflag:$0x1] =	stream.indirect.gather [hbm4b:s4+s5], $0x80, s2, s5, $0xb8;
	[tilespmem:$0x10200] =	vst v63  }
0x116: {  	_ =	swait.ge [sflag:s6], $0x10000  }
0x117: {  	[sflag:s6] =	ssyncset.done $0x0  }
0x118: {  	[sflag:s6] =	ssyncadd.s32 $0xFFFF0000  }
0x119: {  	[hbm4b:s10+s2] =	stream.linear.scatter [tilespmem:s5], [sflag:$0x2], $0x10000, $0x38;
	[tilespmem:$0x10200] =	vst v63  }
0x11a: {  	_ =	swait.ge [sflag:s3], $0x10000  }
0x11b: {  	[sflag:s3] =	ssyncset.done $0x0  }
0x11c: {  	[sflag:s3] =	ssyncadd.s32 $0xFFFF0000  }
0x11d: {  	[tilespmem:s2], [sflag:$0x2] =	stream.linear.gather [hbm4b:s11+s2], $0x200, $0x38;
	[tilespmem:$0x10200] =	vst v63  }
0x11e: {  	_ =	swait.ge [sflag:s3], $0x200  }
0x11f: {  	[sflag:s3] =	ssyncset.done $0x0  }
0x120: {  	[sflag:s3] =	ssyncadd.s32 $0xFFFFFE00  }
0x121: {  	[tilespmem:s5], [sflag:$0x1] =	stream.indirect.gather [hbm4b:s4+s5], $0x80, s2, s5, $0xb8;
	[tilespmem:$0x10200] =	vst v63  }
0x122: {  	_ =	swait.ge [sflag:s6], $0x10000  }
0x123: {  	[sflag:s6] =	ssyncset.done $0x0  }
0x124: {  	[sflag:s6] =	ssyncadd.s32 $0xFFFF0000  }
0x125: {  	[hbm4b:s12+s2] =	stream.linear.scatter [tilespmem:s5], [sflag:$0x2], $0x10000, $0x38;
	[tilespmem:$0x10200] =	vst v63  }
0x126: {  	_ =	swait.ge [sflag:s3], $0x10000  }
0x127: {  	[sflag:s3] =	ssyncset.done $0x0  }
0x128: {  	[sflag:s3] =	ssyncadd.s32 $0xFFFF0000  }
0x129: {  	[tilespmem:s2], [sflag:$0x2] =	stream.linear.gather [hbm4b:s13+s2], $0x200, $0x38;
	[tilespmem:$0x10200] =	vst v63  }
0x12a: {  	_ =	swait.ge [sflag:s3], $0x200  }
0x12b: {  	[sflag:s3] =	ssyncset.done $0x0  }
0x12c: {  	[sflag:s3] =	ssyncadd.s32 $0xFFFFFE00  }
0x12d: {  	[tilespmem:s5], [sflag:$0x1] =	stream.indirect.gather [hbm4b:s4+s5], $0x80, s2, s5, $0xb8;
	[tilespmem:$0x10200] =	vst v63  }
0x12e: {  	_ =	swait.ge [sflag:s6], $0x10000  }
0x12f: {  	[sflag:s6] =	ssyncset.done $0x0  }
0x130: {  	[sflag:s6] =	ssyncadd.s32 $0xFFFF0000  }
0x131: {  	[hbm4b:s14+s2] =	stream.linear.scatter [tilespmem:s5], [sflag:$0x2], $0x10000, $0x38;
	[tilespmem:$0x10200] =	vst v63  }
0x132: {  	_ =	swait.ge [sflag:s3], $0x10000  }
0x133: {  	[sflag:s3] =	ssyncset.done $0x0  }
0x134: {  	[sflag:s3] =	ssyncadd.s32 $0xFFFF0000  }
0x135: {  	[tilespmem:s2], [sflag:$0x2] =	stream.linear.gather [hbm4b:s15+s2], $0x200, $0x38;
	[tilespmem:$0x10200] =	vst v63  }
0x136: {  	_ =	swait.ge [sflag:s3], $0x200  }
0x137: {  	[sflag:s3] =	ssyncset.done $0x0  }
0x138: {  	[sflag:s3] =	ssyncadd.s32 $0xFFFFFE00  }
0x139: {  	[tilespmem:s5], [sflag:$0x1] =	stream.indirect.gather [hbm4b:s4+s5], $0x80, s2, s5, $0xb8;
	[tilespmem:$0x10200] =	vst v63  }
0x13a: {  	_ =	swait.ge [sflag:s6], $0x10000  }
0x13b: {  	[sflag:s6] =	ssyncset.done $0x0  }
0x13c: {  	[sflag:s6] =	ssyncadd.s32 $0xFFFF0000  }
0x13d: {  	[hbm4b:s16+s2] =	stream.linear.scatter [tilespmem:s5], [sflag:$0x2], $0x10000, $0x38;
	[tilespmem:$0x10200] =	vst v63  }
0x13e: {  	_ =	swait.ge [sflag:s3], $0x10000  }
0x13f: {  	[sflag:s3] =	ssyncset.done $0x0  }
0x140: {  	[sflag:s3] =	ssyncadd.s32 $0xFFFF0000  }
0x141: {  	[tilespmem:s2], [sflag:$0x2] =	stream.linear.gather [hbm4b:s17+s2], $0x200, $0x38;
	[tilespmem:$0x10200] =	vst v63  }
0x142: {  	_ =	swait.ge [sflag:s3], $0x200  }
0x143: {  	[sflag:s3] =	ssyncset.done $0x0  }
0x144: {  	[sflag:s3] =	ssyncadd.s32 $0xFFFFFE00  }
0x145: {  	[tilespmem:s5], [sflag:$0x1] =	stream.indirect.gather [hbm4b:s4+s5], $0x80, s2, s5, $0xb8;
	[tilespmem:$0x10200] =	vst v63  }
0x146: {  	_ =	swait.ge [sflag:s6], $0x10000  }
0x147: {  	[sflag:s6] =	ssyncset.done $0x0  }
0x148: {  	[sflag:s6] =	ssyncadd.s32 $0xFFFF0000  }
0x149: {  	[hbm4b:s18+s2] =	stream.linear.scatter [tilespmem:s5], [sflag:$0x2], $0x10000, $0x38;
	[tilespmem:$0x10200] =	vst v63  }
0x14a: {  	_ =	swait.ge [sflag:s3], $0x10000  }
0x14b: {  	[sflag:s3] =	ssyncset.done $0x0  }
0x14c: {  	[sflag:s3] =	ssyncadd.s32 $0xFFFF0000  }
0x14d: {  	[tilespmem:s2], [sflag:$0x2] =	stream.linear.gather [hbm4b:s19+s2], $0x200, $0x38;
	[tilespmem:$0x10200] =	vst v63  }
0x14e: {  	_ =	swait.ge [sflag:s3], $0x200  }
0x14f: {  	[sflag:s3] =	ssyncset.done $0x0  }
0x150: {  	[sflag:s3] =	ssyncadd.s32 $0xFFFFFE00  }
0x151: {  	[tilespmem:s5], [sflag:$0x1] =	stream.indirect.gather [hbm4b:s4+s5], $0x80, s2, s5, $0xb8;
	[tilespmem:$0x10200] =	vst v63  }
0x152: {  	_ =	swait.ge [sflag:s6], $0x10000  }
0x153: {  	[sflag:s6] =	ssyncset.done $0x0  }
0x154: {  	[sflag:s6] =	ssyncadd.s32 $0xFFFF0000  }
0x155: {  	[hbm4b:s20+s2] =	stream.linear.scatter [tilespmem:s5], [sflag:$0x2], $0x10000, $0x38;
	[tilespmem:$0x10200] =	vst v63  }
0x156: {  	_ =	swait.ge [sflag:s3], $0x10000  }
0x157: {  	[sflag:s3] =	ssyncset.done $0x0  }
0x158: {  	[sflag:s3] =	ssyncadd.s32 $0xFFFF0000  }
0x159: {  	[tilespmem:s2], [sflag:$0x2] =	stream.linear.gather [hbm4b:s21+s2], $0x200, $0x38;
	[tilespmem:$0x10200] =	vst v63  }
0x15a: {  	_ =	swait.ge [sflag:s3], $0x200  }
0x15b: {  	[sflag:s3] =	ssyncset.done $0x0  }
0x15c: {  	[sflag:s3] =	ssyncadd.s32 $0xFFFFFE00  }
0x15d: {  	[tilespmem:s5], [sflag:$0x1] =	stream.indirect.gather [hbm4b:s4+s5], $0x80, s2, s5, $0xb8;
	[tilespmem:$0x10200] =	vst v63  }
0x15e: {  	_ =	swait.ge [sflag:s6], $0x10000  }
0x15f: {  	[sflag:s6] =	ssyncset.done $0x0  }
0x160: {  	[sflag:s6] =	ssyncadd.s32 $0xFFFF0000  }
0x161: {  	[hbm4b:s22+s2] =	stream.linear.scatter [tilespmem:s5], [sflag:$0x2], $0x10000, $0x38;
	[tilespmem:$0x10200] =	vst v63  }
0x162: {  	_ =	swait.ge [sflag:s3], $0x10000  }
0x163: {  	[sflag:s3] =	ssyncset.done $0x0  }
0x164: {  	[sflag:s3] =	ssyncadd.s32 $0xFFFF0000  }
0x165: {  	[tilespmem:s2], [sflag:$0x2] =	stream.linear.gather [hbm4b:s23+s2], $0x200, $0x38;
	[tilespmem:$0x10200] =	vst v63  }
0x166: {  	_ =	swait.ge [sflag:s3], $0x200  }
0x167: {  	[sflag:s3] =	ssyncset.done $0x0  }
0x168: {  	[sflag:s3] =	ssyncadd.s32 $0xFFFFFE00  }
0x169: {  	[tilespmem:s5], [sflag:$0x1] =	stream.indirect.gather [hbm4b:s4+s5], $0x80, s2, s5, $0xb8;
	[tilespmem:$0x10200] =	vst v63  }
0x16a: {  	_ =	swait.ge [sflag:s6], $0x10000  }
0x16b: {  	[sflag:s6] =	ssyncset.done $0x0  }
0x16c: {  	[sflag:s6] =	ssyncadd.s32 $0xFFFF0000  }
0x16d: {  	[hbm4b:s24+s2] =	stream.linear.scatter [tilespmem:s5], [sflag:$0x2], $0x10000, $0x38;
	[tilespmem:$0x10200] =	vst v63  }
0x16e: {  	_ =	swait.ge [sflag:s3], $0x10000  }
0x16f: {  	[sflag:s3] =	ssyncset.done $0x0  }
0x170: {  	[sflag:s3] =	ssyncadd.s32 $0xFFFF0000  }
0x171: {  	[tilespmem:s2], [sflag:$0x2] =	stream.linear.gather [hbm4b:s25+s2], $0x200, $0x38;
	[tilespmem:$0x10200] =	vst v63  }
0x172: {  	_ =	swait.ge [sflag:s3], $0x200  }
0x173: {  	[sflag:s3] =	ssyncset.done $0x0  }
0x174: {  	[sflag:s3] =	ssyncadd.s32 $0xFFFFFE00  }
0x175: {  	[tilespmem:s5], [sflag:$0x1] =	stream.indirect.gather [hbm4b:s4+s5], $0x80, s2, s5, $0xb8;
	[tilespmem:$0x10200] =	vst v63  }
0x176: {  	_ =	swait.ge [sflag:s6], $0x10000  }
0x177: {  	[sflag:s6] =	ssyncset.done $0x0  }
0x178: {  	[sflag:s6] =	ssyncadd.s32 $0xFFFF0000  }
0x179: {  	[hbm4b:s26+s2] =	stream.linear.scatter [tilespmem:s5], [sflag:$0x2], $0x10000, $0x38;
	[tilespmem:$0x10200] =	vst v63  }
0x17a: {  	_ =	swait.ge [sflag:s3], $0x10000  }
0x17b: {  	[sflag:s3] =	ssyncset.done $0x0  }
0x17c: {  	[sflag:s3] =	ssyncadd.s32 $0xFFFF0000  }
0x17d: {  	[tilespmem:s2], [sflag:$0x2] =	stream.linear.gather [hbm4b:s28+s2], $0x200, $0x38;
	[tilespmem:$0x10200] =	vst v63  }
0x17e: {  	_ =	swait.ge [sflag:s3], $0x200  }
0x17f: {  	[sflag:s3] =	ssyncset.done $0x0  }
0x180: {  	[sflag:s3] =	ssyncadd.s32 $0xFFFFFE00  }
0x181: {  	[tilespmem:s5], [sflag:$0x1] =	stream.indirect.gather [hbm4b:s4+s5], $0x80, s2, s5, $0xb8;
	[tilespmem:$0x10200] =	vst v63  }
0x182: {  	_ =	swait.ge [sflag:s6], $0x10000  }
0x183: {  	[sflag:s6] =	ssyncset.done $0x0  }
0x184: {  	[sflag:s6] =	ssyncadd.s32 $0xFFFF0000  }
0x185: {  	[hbm4b:s29+s2] =	stream.linear.scatter [tilespmem:s5], [sflag:$0x2], $0x10000, $0x38;
	[tilespmem:$0x10200] =	vst v63  }
0x186: {  	_ =	swait.ge [sflag:s3], $0x10000  }
0x187: {  	[sflag:s3] =	ssyncset.done $0x0  }
0x188: {  	[sflag:s3] =	ssyncadd.s32 $0xFFFF0000  }
0x189: {  	[tilespmem:s2], [sflag:$0x2] =	stream.linear.gather [hbm4b:s30+s2], $0x200, $0x38;
	[tilespmem:$0x10200] =	vst v63  }
0x18a: {  	_ =	swait.ge [sflag:s3], $0x200  }
0x18b: {  	[sflag:s3] =	ssyncset.done $0x0  }
0x18c: {  	p0 =	sne.s32 s0, $0x1;
	[sflag:s3] =	ssyncadd.s32 $0xFFFFFE00  }
0x18d: {  	[tilespmem:s5], [sflag:$0x1] =	stream.indirect.gather [hbm4b:s4+s5], $0x80, s2, s5, $0xb8;
	[tilespmem:$0x10200] =	vst v63  }
.Ltmp1:
0x18e: {  	_ =	swait.ge [sflag:s6], $0x10000;
	(pc) =	sbr.rel @p0 .LBB2_1-.Ltmp1, $4  }
0x18f: {  	[sflag:s6] =	ssyncset.done $0x0  }
0x190: {  	[sflag:s6] =	ssyncadd.s32 $0xFFFF0000  }
0x191: {  	[hbm4b:s31+s2] =	stream.linear.scatter [tilespmem:s5], [sflag:$0x2], $0x10000, $0x38;
	[tilespmem:$0x10200] =	vst v63  }
0x192: {  	s0 =	sadd.s32 $0xFFFFFFFF, s0;
	_ =	swait.ge [sflag:s3], $0x10000  }
.LBB2_2:
0x193: {  	[sflag:s3] =	ssyncset.done $0x0  }
0x194: {  	[sflag:s3] =	ssyncadd.s32 $0xFFFF0000  }
0x195: {  	_ =	sfence.sel $0x180000  }
0x196: {  	[bflag:$0x0] =	sbarrier.arrive $0xFFFF  }
0x197: {  	_ =	strace $0x9000004A  }
0x198: {  	s0 =	stileid.u32;
	[bflag:$0x2] =	sbarrier.arrive $0xFFFF  }
0x199: {  	p0 =	sne.s32 s0, $0x0;
	s0 =	rddreg [dreg:$0x2]  }
0x19a: {  	s0 =	sadd.s32 @!p0 $0x100000, s0  }
0x19b: {  	[sflag:s0] =	ssyncadd.tile.s32 @!p0 $0x1;
	_ =	shalt  }
.Lfunc_end2:
_tile_overlayer_lowered:
.L_overlay_start_2:
0x19c: {  	(tag) =	ssettag $0x2  }
0x19d: {  	s0 =	rddreg [dreg:$0x0];
	s2 =	stileid.u32  }
0x19e: {  	s1 =	rddreg [dreg:$0x1];
	p0 =	sne.s32 s2, $0x0  }
0x19f: {  	s3 =	rddreg [dreg:$0x2];
	[bflag:$0x3] =	sbarrier.arrive $0xFFFF;
	s2 =	simm.s32 @!p0 $0x1C02  }
0x1a0: {  	[timem:s3], [sflag:s2] =	dma.local @!p0 [hbm:s0], s1  }
0x1a1: {  	s0 =	simm.s32 @!p0 $0x2  }
0x1a2: {  	_ =	swait.ge @!p0 [sflag:s0], s1  }
0x1a3: {  	s1 =	ssub.s32 @!p0 $0x0, s1;
	[sflag:s0] =	ssyncset.done @!p0 $0x0  }
0x1a4: {  	[sflag:s0] =	ssyncadd.s32 @!p0 s1  }
0x1a5: {  	[bflag:$0x3] =	sbarrier.arrive $0xFFFF  }
0x1a6: {  	_ =	shalt  }

// kernel: kernel.7.cloned.1.call-start
scs
__scs_entry_jumppad:
0x0: {  	(pc) =	sbr.rel $0x88, $3  }
0x1: {  	(tag) =	ssettag $0x0;
	lr =	simm.s32 $0x1  }
0x2: {  	[smem:$0x3F98] =	sst lr;
	_ =	strace $0xD0000000  }
0x3: {  	_ = 	snop  }
0x4: {  	_ = 	snop  }
0x5: {  	_ = 	snop  }
0x6: {  	_ = 	snop  }
0x7: {  	_ = 	snop  }
__scs_overlays_trampoline_lowered:
0x8: {  	[smem:$0x3FA7] =	sst s0  }
0x9: {  	[smem:$0x3FA8] =	sst s1  }
0xa: {  	[smem:$0x3FA9] =	sst s2  }
0xb: {  	[smem:$0x3FAA] =	sst s3  }
0xc: {  	[smem:$0x3FAB] =	sst s4  }
0xd: {  	[smem:$0x3FAC] =	sst s5  }
0xe: {  	[smem:$0x3FAD] =	sst s6  }
0xf: {  	[smem:$0x3FAE] =	sst s7  }
0x10: {  	[smem:$0x3FAF] =	sst s8  }
0x11: {  	[smem:$0x3FB0] =	sst s9;
	s0 =	simm.s32 @!p0 $0x0  }
0x12: {  	s1 =	sld [smem:$0x3F96];
	s0 =	simm.s32 @p0 $0x1  }
0x13: {  	[smem:$0x3FB1] =	sst s0;
	s0 =	simm.s32 @!p1 $0x0  }
0x14: {  	s2 =	sld [smem:$0x3F95];
	s0 =	simm.s32 @p1 $0x1  }
0x15: {  	[smem:$0x3FB2] =	sst s0;
	s0 =	simm.s32 @!p2 $0x0  }
0x16: {  	s3 =	sld [smem:$0x3FDB];
	s0 =	simm.s32 @p2 $0x1  }
0x17: {  	s4 =	simm.s32 $0x1BF5;
	[smem:$0x3FB4] =	sst s0  }
0x18: {  	s0 =	sld [smem:$0x3F97];
	_ =	swait.ge [sflag:s4], $0x0  }
0x19: {  	s7 =	sld [smem:$0x3F98]  }
0x1a: {  	s8 =	sadd.s32 $0xFFFFE003, lr  }
0x1b: {  	s9 =	sadd.s32 $0xFFFFFEF7, lr;
	s5 =	simm.s32 $0xFFFFFFFF;
	p2 =	slt.u32 s8, $0xFFFFF086  }
0x1c: {  	p1 =	slt.u32 s9, $0xF7A;
	s5 =	simm.s32 @!p2 $0x0  }
0x1d: {  	s5 =	simm.s32 @p1 $0x1;
	p0 =	seq.s32 s7, s2  }
0x1e: {  	s7 =	smul.u32 @!p0 $0xF7A, s2;
	p2 =	seq.s32 @!p0 s5, $0x0  }
0x1f: {  	s9 =	smul.u32 $0xF7A, s1;
	s8 =	simm.s32 @!p0 $0x1BF5;
	p2 =	por !p2, p0  }
0x20: {  	[sflag:s8] =	ssyncset.s32 @!p0 $0xFFFFF086;
	s6 =	sadd.s32 @!p0 s3, s7;
	s7 =	simm.s32 @!p0 $0x108  }
0x21: {  	s3 =	sadd.s32 s3, s9;
	s6 =	sadd.s32 @!p0 $0x88, s6;
	s7 =	simm.s32 @p2 $0x1082  }
0x22: {  	[simem:s7], [sflag:s8] =	dma.local @!p0 [hbm:s6], $0xF7A  }
0x23: {  	s9 =	sor.u32 $0xD0000000, s2;
	s6 =	simm.s32 $0x108;
	_ =	swait.ge @!p0 [sflag:s8], $0x0  }
0x24: {  	s3 =	sadd.s32 $0x88, s3;
	s6 =	simm.s32 @!p1 $0x1082;
	[sflag:s4] =	ssyncset.s32 $0xFFFFF086  }
0x25: {  	[simem:s6], [sflag:s4] =	dma.local [hbm:s3], $0xF7A  }
0x26: {  	[smem:$0x3F98] =	sst s1;
	(tag) =	ssettag s2;
	_ =	strace s9  }
0x27: {  	s1 =	sld [smem:$0x3FA8]  }
0x28: {  	s2 =	sld [smem:$0x3FA9]  }
0x29: {  	s4 =	sld [smem:$0x3FAB]  }
0x2a: {  	p0 =	seq.s32 s5, $0x0;
	s5 =	sld [smem:$0x3FAC]  }
0x2b: {  	s6 =	sld [smem:$0x3FAD]  }
0x2c: {  	s7 =	sld [smem:$0x3FAE]  }
0x2d: {  	s3 =	simm.s32 $0x108;
	s8 =	sld [smem:$0x3FAF]  }
0x2e: {  	s3 =	simm.s32 @!p0 $0x1082;
	s9 =	sld [smem:$0x3FB0]  }
0x2f: {  	lr =	sadd.s32 s0, s3;
	s0 =	sld [smem:$0x3FA7]  }
0x30: {  	s3 =	sld [smem:$0x3FAA]  }
0x31: {  	[smem:$0x3FB3] =	sst s10  }
0x32: {  	s10 =	sld [smem:$0x3FB1];
	_ =	sdelay $0x3  }
0x33: {  	p0 =	seq.s32 s10, $0x1;
	s10 =	sld [smem:$0x3FB3];
	_ =	sdelay $0x3  }
0x34: {  	[smem:$0x3FB3] =	sst s10  }
0x35: {  	s10 =	sld [smem:$0x3FB2];
	_ =	sdelay $0x3  }
0x36: {  	p1 =	seq.s32 s10, $0x1;
	s10 =	sld [smem:$0x3FB3];
	_ =	sdelay $0x3  }
0x37: {  	[smem:$0x3FB3] =	sst s10  }
0x38: {  	s10 =	sld [smem:$0x3FB4]  }
0x39: {  	_ = 	snop;
	(pc) =	sbr.ind lr, $3  }
0x3a: {  	_ = 	snop  }
0x3b: {  	_ = 	snop  }
0x3c: {  	p2 =	seq.s32 s10, $0x1;
	s10 =	sld [smem:$0x3FB3]  }
0x3d: {  	_ =	shalt  }
0x3e: {  	_ =	shalt  }
0x3f: {  	_ =	shalt  }
0x40: {  	_ =	shalt  }
0x41: {  	_ =	shalt  }
0x42: {  	_ =	shalt  }
0x43: {  	_ =	shalt  }
0x44: {  	_ =	shalt  }
0x45: {  	_ =	shalt  }
0x46: {  	_ =	shalt  }
0x47: {  	_ =	shalt  }
0x48: {  	_ =	shalt  }
0x49: {  	_ =	shalt  }
0x4a: {  	_ =	shalt  }
0x4b: {  	_ =	shalt  }
0x4c: {  	_ =	shalt  }
0x4d: {  	_ =	shalt  }
0x4e: {  	_ =	shalt  }
0x4f: {  	_ =	shalt  }
0x50: {  	_ =	shalt  }
0x51: {  	_ =	shalt  }
0x52: {  	_ =	shalt  }
0x53: {  	_ =	shalt  }
0x54: {  	_ =	shalt  }
0x55: {  	_ =	shalt  }
0x56: {  	_ =	shalt  }
0x57: {  	_ =	shalt  }
0x58: {  	_ =	shalt  }
0x59: {  	_ =	shalt  }
0x5a: {  	_ =	shalt  }
0x5b: {  	_ =	shalt  }
0x5c: {  	_ =	shalt  }
0x5d: {  	_ =	shalt  }
0x5e: {  	_ =	shalt  }
0x5f: {  	_ =	shalt  }
0x60: {  	_ =	shalt  }
0x61: {  	_ =	shalt  }
0x62: {  	_ =	shalt  }
0x63: {  	_ =	shalt  }
0x64: {  	_ =	shalt  }
0x65: {  	_ =	shalt  }
0x66: {  	_ =	shalt  }
0x67: {  	_ =	shalt  }
0x68: {  	_ =	shalt  }
0x69: {  	_ =	shalt  }
0x6a: {  	_ =	shalt  }
0x6b: {  	_ =	shalt  }
0x6c: {  	_ =	shalt  }
0x6d: {  	_ =	shalt  }
0x6e: {  	_ =	shalt  }
0x6f: {  	_ =	shalt  }
0x70: {  	_ =	shalt  }
0x71: {  	_ =	shalt  }
0x72: {  	_ =	shalt  }
0x73: {  	_ =	shalt  }
0x74: {  	_ =	shalt  }
0x75: {  	_ =	shalt  }
0x76: {  	_ =	shalt  }
0x77: {  	_ =	shalt  }
0x78: {  	_ =	shalt  }
0x79: {  	_ =	shalt  }
0x7a: {  	_ =	shalt  }
0x7b: {  	_ =	shalt  }
0x7c: {  	_ =	shalt  }
0x7d: {  	_ =	shalt  }
0x7e: {  	_ =	shalt  }
0x7f: {  	_ =	shalt  }
0x80: {  	_ =	shalt  }
0x81: {  	_ =	shalt  }
0x82: {  	_ =	shalt  }
0x83: {  	_ =	shalt  }
0x84: {  	_ =	shalt  }
0x85: {  	_ =	shalt  }
0x86: {  	_ =	shalt  }
0x87: {  	_ =	shalt  }
.Lfunc_end0:
.L_simem_size_0:
called_computation_lowered:
.L_overlay_start_0:
0x88: {  	s2 =	sld [smem:$0x3FD9]  }
0x89: {  	s3 =	sld [smem:$0x3FFE];
	_ =	sdelay $0x1  }
0x8a: {  	s1 =	srdreg.scid  }
0x8b: {  	s0 =	sand.u32 $0x1, s1  }
0x8c: {  	s16 =	sshll.u32 s0, $0xA;
	s2 =	sadd.s32 s3, s2  }
0x8d: {  	s2 =	sadd.s32 s2, s16  }
0x8e: {  	[smem:$0x3FBF] =	sst s2  }
0x8f: {  	_ = 	snop  }
0x90: {  	(tm) =	ssettm $0x1  }
0x91: {  	s17 =	sld [smem:$0x3FFB];
	_ =	sdelay $0x3  }
0x92: {  	_ =	strace s17  }
0x93: {  	s2 =	sld [smem:$0x3FFC];
	_ =	sdelay $0x3  }
0x94: {  	_ =	strace s2  }
0x95: {  	s2 =	sld [smem:$0x3FFD];
	_ =	sdelay $0x3  }
0x96: {  	_ =	strace s2  }
0x97: {  	_ =	strace $0x8FFFFFFF  }
0x98: {  	s18 =	sld [smem:$0x3FDB];
	_ =	sdelay $0x1  }
0x99: {  	s19 =	simm.s32 $_scs_section_size  }
0x9a: {  	s4 =	simm.s32 $_size__tile_overlayer_lowered;
	s5 =	simm.s32 $_tile_overlayer_lowered  }
0x9b: {  	s22 =	simm.s32 $0x1BFF;
	s21 =	sshll.u32 s5, $0x1;
	s2 =	sadd.s32 s19, s18  }
0x9c: {  	s6 =	simm.s32 $0x0;
	s20 =	sshll.u32 s4, $0x1;
	s4 =	sadd.s32 s21, s2  }
0x9d: {  	[timem:s6], [sflag:s22] =	dma.local [hbm:s4], s20  }
0x9e: {  	_ =	swait.ge [sflag:s22], s20  }
0x9f: {  	s3 =	ssub.s32 $0x0, s20;
	[sflag:s22] =	ssyncset.done $0x0  }
0xa0: {  	[sflag:s22] =	ssyncadd.s32 s3;
	_ =	sdelay $0x1  }
0xa1: {  	s23 =	simm.s32 $0x1B8B  }
0xa2: {  	_ =	swait.ge [sflag:s23], $0x1  }
0xa3: {  	[sflag:s23] =	ssyncset.done $0x0  }
0xa4: {  	s25 =	simm.s32 $0x1B8E;
	s24 =	sld [smem:$0x3FFE];
	[sflag:s23] =	ssyncadd.s32 $0xFFFFFFFF  }
0xa5: {  	s26 =	simm.s32 $execute0_lowered;
	[smem:$0x3FD2] =	sst s25  }
0xa6: {  	s4 =	sshll.u32 s26, $0x1;
	_ =	strace $0x80000046;
	[dreg:$0x1] =	wrdreg $0xFFFFFFFF  }
0xa7: {  	s28 =	simm.s32 $_size_execute0_lowered;
	s2 =	sadd.s32 s2, s4;
	[dreg:$0x0] =	wrdreg $0x0  }
0xa8: {  	s4 =	sshll.u32 s28, $0x1;
	[dreg:$0x2] =	wrdreg s2  }
0xa9: {  	[dreg:$0x3] =	wrdreg s4  }
0xaa: {  	[dreg:$0x4] =	wrdreg $0xC0  }
0xab: {  	_ =	task [dreg:s6], $0x5FFFF  }
0xac: {  	[dreg:$0x1] =	wrdreg $0xFFFFFFFF  }
0xad: {  	[dreg:$0x0] =	wrdreg $0x60  }
0xae: {  	[dreg:$0x2] =	wrdreg s24  }
0xaf: {  	[dreg:$0x3] =	wrdreg $0x9  }
0xb0: {  	_ =	task.clear_ibuf [dreg:s6], $0x4FFFF;
	_ =	strace $0x90000046  }
0xb1: {  	s29 =	simm.s32 $0x9;
	_ =	strace $0x80000048  }
0xb2: {  	_ =	swait.ge [sflag:s29], $0x1  }
0xb3: {  	[sflag:s29] =	ssyncadd.s32 $0xFFFFFFFF  }
0xb4: {  	_ =	strace $0x90000048  }
0xb5: {  	_ =	sfence  }
0xb6: {  	s30 =	sld [smem:$0x0];
	_ =	sdelay $0x2  }
0xb7: {  	s31 =	sshll.u32 s1, $0xD;
	s1 =	sshrl.u32 s1, $0x2  }
0xb8: {  	s3 =	sand.u32 $0x4000, s31;
	s1 =	sadd.s32 s1, s30  }
0xb9: {  	s0 =	sor.u32 s3, s0;
	s1 =	sshll.u32 s1, $0x11  }
0xba: {  	s0 =	sor.u32 s1, s0  }
0xbb: {  	s0 =	sadd.s32 $0x8F2B, s0  }
0xbc: {  	[sflag:s0] =	ssyncadd.remote.s32 $0x1  }
0xbd: {  	_ =	sfence.sel $0xFFFF  }
0xbe: {  	[dreg:$0x0] =	wrdreg $0xFFFFFFFF;
	(pc) =	sbr.abs _section_cstart, $3  }
0xbf: {  	[dreg:$0x1] =	wrdreg $0xFFFFFFFF  }
0xc0: {  	_ =	task.clear_ibuf [dreg:s6], $0x2FFFF;
	_ =	strace $0x9FFFFFFF  }
0xc1: {  	(tm) =	ssettm $0x7FFFFFFF  }
tec
execute0_lowered:
.L_overlay_start_1:
0x0: {  	(tag) =	ssettag $0x1  }
0x1: {  	s1 =	srdreg.scid  }
0x2: {  	s0 =	stileid.u32;
	s14 =	sand.u32 $0x1, s1  }
0x3: {  	s8 =	rddreg [dreg:$0x0];
	s3 =	sshll.u32 s0, $0xC;
	s4 =	sshll.u32 s14, $0xB  }
0x4: {  	s2 =	simm.s32 $0x0;
	s1 =	rddreg [dreg:$0x1];
	s13 =	sor.u32 s4, s3  }
0x5: {  	[smem:$0x7FF] =	sst s2;
	s15 =	sadd.s32 $0x64000, s8;
	s3 =	sshrl.u32 s13, $0x3  }
0x6: {  	_ =	strace $0x80000047;
	s4 =	sadd.s32 s15, s3;
	s3 =	simm.s32 $0x2  }
0x7: {  	[tilespmem:s2], [sflag:$0x2] =	stream.linear.gather [hbm4b:s4+s2], $0x200, $0x38;
	[tilespmem:$0x10200] =	vst v63  }
0x8: {  	_ =	swait.ge [sflag:s3], $0x200  }
0x9: {  	s6 =	simm.s32 $0x200;
	[sflag:s3] =	ssyncset.done $0x0  }
0xa: {  	s7 =	simm.s32 $0x1;
	s5 =	sadd.s32 $0x66000, s8;
	[sflag:s3] =	ssyncadd.s32 $0xFFFFFE00  }
0xb: {  	[tilespmem:s6], [sflag:$0x1] =	stream.indirect.gather [hbm4b:s5+s6], $0x80, s2, s6, $0xb8;
	[tilespmem:$0x10200] =	vst v63  }
0xc: {  	_ =	swait.ge [sflag:s7], $0x10000  }
0xd: {  	s16 =	sadd.s32 $0x86000, s8;
	s29 =	sshll.u32 s13, $0x4;
	[sflag:s7] =	ssyncset.done $0x0  }
0xe: {  	s8 =	sadd.s32 s16, s29;
	[sflag:s7] =	ssyncadd.s32 $0xFFFF0000  }
0xf: {  	[hbm4b:s8+s2] =	stream.linear.scatter [tilespmem:s6], [sflag:$0x2], $0x10000, $0x38;
	[tilespmem:$0x10200] =	vst v63  }
0x10: {  	s10 =	sor.u32 $0x200, s13;
	_ =	swait.ge [sflag:s3], $0x10000  }
0x11: {  	s9 =	sshrl.u32 s10, $0x3;
	[sflag:s3] =	ssyncset.done $0x0  }
0x12: {  	s9 =	sadd.s32 s15, s9;
	[sflag:s3] =	ssyncadd.s32 $0xFFFF0000  }
0x13: {  	[tilespmem:s2], [sflag:$0x2] =	stream.linear.gather [hbm4b:s9+s2], $0x200, $0x38;
	[tilespmem:$0x10200] =	vst v63  }
0x14: {  	_ =	swait.ge [sflag:s3], $0x200  }
0x15: {  	[sflag:s3] =	ssyncset.done $0x0  }
0x16: {  	[sflag:s3] =	ssyncadd.s32 $0xFFFFFE00  }
0x17: {  	[tilespmem:s6], [sflag:$0x1] =	stream.indirect.gather [hbm4b:s5+s6], $0x80, s2, s6, $0xb8;
	[tilespmem:$0x10200] =	vst v63  }
0x18: {  	_ =	swait.ge [sflag:s7], $0x10000  }
0x19: {  	s10 =	sshll.u32 s10, $0x4;
	[sflag:s7] =	ssyncset.done $0x0  }
0x1a: {  	s10 =	sadd.s32 s16, s10;
	[sflag:s7] =	ssyncadd.s32 $0xFFFF0000  }
0x1b: {  	[hbm4b:s10+s2] =	stream.linear.scatter [tilespmem:s6], [sflag:$0x2], $0x10000, $0x38;
	[tilespmem:$0x10200] =	vst v63  }
0x1c: {  	s12 =	sor.u32 $0x400, s13;
	_ =	swait.ge [sflag:s3], $0x10000  }
0x1d: {  	s11 =	sshrl.u32 s12, $0x3;
	[sflag:s3] =	ssyncset.done $0x0  }
0x1e: {  	s11 =	sadd.s32 s15, s11;
	[sflag:s3] =	ssyncadd.s32 $0xFFFF0000  }
0x1f: {  	[tilespmem:s2], [sflag:$0x2] =	stream.linear.gather [hbm4b:s11+s2], $0x200, $0x38;
	[tilespmem:$0x10200] =	vst v63  }
0x20: {  	_ =	swait.ge [sflag:s3], $0x200  }
0x21: {  	[sflag:s3] =	ssyncset.done $0x0  }
0x22: {  	[sflag:s3] =	ssyncadd.s32 $0xFFFFFE00  }
0x23: {  	[tilespmem:s6], [sflag:$0x1] =	stream.indirect.gather [hbm4b:s5+s6], $0x80, s2, s6, $0xb8;
	[tilespmem:$0x10200] =	vst v63  }
0x24: {  	_ =	swait.ge [sflag:s7], $0x10000  }
0x25: {  	s12 =	sshll.u32 s12, $0x4;
	[sflag:s7] =	ssyncset.done $0x0  }
0x26: {  	s12 =	sadd.s32 s16, s12;
	[sflag:s7] =	ssyncadd.s32 $0xFFFF0000  }
0x27: {  	[hbm4b:s12+s2] =	stream.linear.scatter [tilespmem:s6], [sflag:$0x2], $0x10000, $0x38;
	[tilespmem:$0x10200] =	vst v63  }
0x28: {  	s17 =	sor.u32 $0x600, s13;
	_ =	swait.ge [sflag:s3], $0x10000  }
0x29: {  	s13 =	sshrl.u32 s17, $0x3;
	[sflag:s3] =	ssyncset.done $0x0  }
0x2a: {  	s14 =	ssub.s32 $0x2, s14;
	s13 =	sadd.s32 s15, s13;
	[sflag:s3] =	ssyncadd.s32 $0xFFFF0000  }
0x2b: {  	[tilespmem:s2], [sflag:$0x2] =	stream.linear.gather [hbm4b:s13+s2], $0x200, $0x38;
	[tilespmem:$0x10200] =	vst v63  }
0x2c: {  	s30 =	sshrl.u32 s14, $0x1;
	_ =	swait.ge [sflag:s3], $0x200  }
0x2d: {  	s15 =	ssub.s32 s14, s30;
	[sflag:s3] =	ssyncset.done $0x0  }
0x2e: {  	s15 =	smax.u32 s15, $0x1;
	[sflag:s3] =	ssyncadd.s32 $0xFFFFFE00  }
0x2f: {  	[tilespmem:s6], [sflag:$0x1] =	stream.indirect.gather [hbm4b:s5+s6], $0x80, s2, s6, $0xb8;
	[tilespmem:$0x10200] =	vst v63  }
0x30: {  	p0 =	sne.s32 s15, $0x1;
	_ =	swait.ge [sflag:s7], $0x10000  }
.Ltmp0:
0x31: {  	s31 =	sshll.u32 s17, $0x4;
	[sflag:s7] =	ssyncset.done $0x0;
	(pc) =	sbr.rel @!p0 .LBB2_2-.Ltmp0, $4  }
0x32: {  	s14 =	sadd.s32 s16, s31;
	[sflag:s7] =	ssyncadd.s32 $0xFFFF0000  }
0x33: {  	[hbm4b:s14+s2] =	stream.linear.scatter [tilespmem:s6], [sflag:$0x2], $0x10000, $0x38;
	[tilespmem:$0x10200] =	vst v63  }
0x34: {  	_ =	swait.ge [sflag:s3], $0x10000  }
0x35: {  	s15 =	sadd.s32 $0xFFFFFFFF, s15;
	[sflag:s3] =	ssyncset.done $0x0  }
.LBB2_1:
0x36: {  	p0 =	sne.s32 s15, $0x1;
	s15 =	sadd.s32 $0xFFFFFFFF, s15;
	[sflag:s3] =	ssyncadd.s32 $0xFFFF0000  }
0x37: {  	[tilespmem:s2], [sflag:$0x2] =	stream.linear.gather [hbm4b:s4+s2], $0x200, $0x38;
	[tilespmem:$0x10200] =	vst v63  }
0x38: {  	_ =	swait.ge [sflag:s3], $0x200  }
0x39: {  	[sflag:s3] =	ssyncset.done $0x0  }
0x3a: {  	[sflag:s3] =	ssyncadd.s32 $0xFFFFFE00  }
0x3b: {  	[tilespmem:s6], [sflag:$0x1] =	stream.indirect.gather [hbm4b:s5+s6], $0x80, s2, s6, $0xb8;
	[tilespmem:$0x10200] =	vst v63  }
0x3c: {  	_ =	swait.ge [sflag:s7], $0x10000  }
0x3d: {  	[sflag:s7] =	ssyncset.done $0x0  }
0x3e: {  	[sflag:s7] =	ssyncadd.s32 $0xFFFF0000  }
0x3f: {  	[hbm4b:s8+s2] =	stream.linear.scatter [tilespmem:s6], [sflag:$0x2], $0x10000, $0x38;
	[tilespmem:$0x10200] =	vst v63  }
0x40: {  	_ =	swait.ge [sflag:s3], $0x10000  }
0x41: {  	[sflag:s3] =	ssyncset.done $0x0  }
0x42: {  	[sflag:s3] =	ssyncadd.s32 $0xFFFF0000  }
0x43: {  	[tilespmem:s2], [sflag:$0x2] =	stream.linear.gather [hbm4b:s9+s2], $0x200, $0x38;
	[tilespmem:$0x10200] =	vst v63  }
0x44: {  	_ =	swait.ge [sflag:s3], $0x200  }
0x45: {  	[sflag:s3] =	ssyncset.done $0x0  }
0x46: {  	[sflag:s3] =	ssyncadd.s32 $0xFFFFFE00  }
0x47: {  	[tilespmem:s6], [sflag:$0x1] =	stream.indirect.gather [hbm4b:s5+s6], $0x80, s2, s6, $0xb8;
	[tilespmem:$0x10200] =	vst v63  }
0x48: {  	_ =	swait.ge [sflag:s7], $0x10000  }
0x49: {  	[sflag:s7] =	ssyncset.done $0x0  }
0x4a: {  	[sflag:s7] =	ssyncadd.s32 $0xFFFF0000  }
0x4b: {  	[hbm4b:s10+s2] =	stream.linear.scatter [tilespmem:s6], [sflag:$0x2], $0x10000, $0x38;
	[tilespmem:$0x10200] =	vst v63  }
0x4c: {  	_ =	swait.ge [sflag:s3], $0x10000  }
0x4d: {  	[sflag:s3] =	ssyncset.done $0x0  }
0x4e: {  	[sflag:s3] =	ssyncadd.s32 $0xFFFF0000  }
0x4f: {  	[tilespmem:s2], [sflag:$0x2] =	stream.linear.gather [hbm4b:s11+s2], $0x200, $0x38;
	[tilespmem:$0x10200] =	vst v63  }
0x50: {  	_ =	swait.ge [sflag:s3], $0x200  }
0x51: {  	[sflag:s3] =	ssyncset.done $0x0  }
0x52: {  	[sflag:s3] =	ssyncadd.s32 $0xFFFFFE00  }
0x53: {  	[tilespmem:s6], [sflag:$0x1] =	stream.indirect.gather [hbm4b:s5+s6], $0x80, s2, s6, $0xb8;
	[tilespmem:$0x10200] =	vst v63  }
0x54: {  	_ =	swait.ge [sflag:s7], $0x10000  }
0x55: {  	[sflag:s7] =	ssyncset.done $0x0  }
0x56: {  	[sflag:s7] =	ssyncadd.s32 $0xFFFF0000  }
0x57: {  	[hbm4b:s12+s2] =	stream.linear.scatter [tilespmem:s6], [sflag:$0x2], $0x10000, $0x38;
	[tilespmem:$0x10200] =	vst v63  }
0x58: {  	_ =	swait.ge [sflag:s3], $0x10000  }
0x59: {  	[sflag:s3] =	ssyncset.done $0x0  }
0x5a: {  	[sflag:s3] =	ssyncadd.s32 $0xFFFF0000  }
0x5b: {  	[tilespmem:s2], [sflag:$0x2] =	stream.linear.gather [hbm4b:s13+s2], $0x200, $0x38;
	[tilespmem:$0x10200] =	vst v63  }
0x5c: {  	_ =	swait.ge [sflag:s3], $0x200  }
0x5d: {  	[sflag:s3] =	ssyncset.done $0x0  }
0x5e: {  	[sflag:s3] =	ssyncadd.s32 $0xFFFFFE00  }
0x5f: {  	[tilespmem:s6], [sflag:$0x1] =	stream.indirect.gather [hbm4b:s5+s6], $0x80, s2, s6, $0xb8;
	[tilespmem:$0x10200] =	vst v63  }
0x60: {  	_ =	swait.ge [sflag:s7], $0x10000  }
.Ltmp1:
0x61: {  	[sflag:s7] =	ssyncset.done $0x0;
	(pc) =	sbr.rel @p0 .LBB2_1-.Ltmp1, $4  }
0x62: {  	[sflag:s7] =	ssyncadd.s32 $0xFFFF0000  }
0x63: {  	[hbm4b:s14+s2] =	stream.linear.scatter [tilespmem:s6], [sflag:$0x2], $0x10000, $0x38;
	[tilespmem:$0x10200] =	vst v63  }
0x64: {  	_ =	swait.ge [sflag:s3], $0x10000  }
0x65: {  	[sflag:s3] =	ssyncset.done $0x0  }
.LBB2_2:
0x66: {  	[sflag:s3] =	ssyncadd.s32 $0xFFFF0000  }
0x67: {  	_ =	sfence.sel $0x180000  }
0x68: {  	[bflag:$0x0] =	sbarrier.arrive $0xFFFF  }
0x69: {  	p0 =	sne.s32 s0, $0x0;
	_ =	strace $0x90000047  }
0x6a: {  	s0 =	sadd.s32 @!p0 $0x100000, s1;
	[bflag:$0x2] =	sbarrier.arrive $0xFFFF  }
0x6b: {  	[sflag:s0] =	ssyncadd.tile.s32 @!p0 $0x1;
	_ =	shalt  }
.Lfunc_end2:
_tile_overlayer_lowered:
.L_overlay_start_2:
0x6c: {  	(tag) =	ssettag $0x2  }
0x6d: {  	s0 =	rddreg [dreg:$0x0];
	s2 =	stileid.u32  }
0x6e: {  	s1 =	rddreg [dreg:$0x1];
	p0 =	sne.s32 s2, $0x0  }
0x6f: {  	s3 =	rddreg [dreg:$0x2];
	[bflag:$0x3] =	sbarrier.arrive $0xFFFF;
	s2 =	simm.s32 @!p0 $0x1C02  }
0x70: {  	[timem:s3], [sflag:s2] =	dma.local @!p0 [hbm:s0], s1  }
0x71: {  	s0 =	simm.s32 @!p0 $0x2  }
0x72: {  	_ =	swait.ge @!p0 [sflag:s0], s1  }
0x73: {  	s1 =	ssub.s32 @!p0 $0x0, s1;
	[sflag:s0] =	ssyncset.done @!p0 $0x0  }
0x74: {  	[sflag:s0] =	ssyncadd.s32 @!p0 s1  }
0x75: {  	[bflag:$0x3] =	sbarrier.arrive $0xFFFF  }
0x76: {  	_ =	shalt  }

</sc_bundles>
